<compile_context>
chip_gen: v7x
topology: tpu7x:2x2x1
jax: 0.10.2.dev20260603
libtpu: 0.0.44.dev20260713+nightly
codegen_flags: <defaults>
</compile_context>

<pallas_src>
import functools

import jax
import jax.numpy as jnp
from jax import lax
from jax.experimental import pallas as pl
from jax.experimental.pallas import tpu as pltpu
from jax.experimental.pallas import tpu_sc as plsc

_NT = 64
_NB = 16
_EMB = 32

_BE = 64_000

_NC, _NS = 2, 16
_NW = _NC * _NS
_C = 1280


def _dg(vals, idx):
    return lax.gather(
        vals, idx[:, None],
        dimension_numbers=lax.GatherDimensionNumbers(
            offset_dims=(), collapsed_slice_dims=(0,), start_index_map=(0,)),
        slice_sizes=(1,),
        mode=lax.GatherScatterMode.PROMISE_IN_BOUNDS)


def _tc_basis_body(radialt_ref, W_ref, b_ref, out_ref):
    out_ref[...] = (
        jax.lax.dot_general(
            W_ref[...], radialt_ref[...],
            dimension_numbers=(((0,), (0,)), ((), ())),
            preferred_element_type=jnp.float32)
        + b_ref[...]
    )


def _tc_basis_t(radial_t, W, b):
    E = radial_t.shape[1]
    nblk = E // _BE
    return pl.pallas_call(
        _tc_basis_body,
        grid=(nblk,),
        in_specs=[
            pl.BlockSpec((_NB, _BE), lambda i: (0, i)),
            pl.BlockSpec((_NB, _EMB), lambda i: (0, 0)),
            pl.BlockSpec((_EMB, 1), lambda i: (0, 0)),
        ],
        out_specs=pl.BlockSpec((_EMB, _BE), lambda i: (0, i)),
        out_shape=jax.ShapeDtypeStruct((_EMB, E), jnp.float32),
    )(radial_t, W, b.reshape(_EMB, 1))


def _sc_stage(basis_t, et, ctt_flat, ntt_flat):
    E = et.shape[1]
    nchunk = E // _C
    iters = (nchunk + _NW - 1) // _NW
    mesh = plsc.VectorSubcoreMesh(core_axis_name="c", subcore_axis_name="s")

    @functools.partial(
        pl.kernel,
        out_type=jax.ShapeDtypeStruct((_EMB, E), jnp.float32),
        mesh=mesh,
        scratch_types=[
            pltpu.VMEM((2, 2, _C), jnp.int32),
            pltpu.VMEM((_NB * _NT,), jnp.float32),
            pltpu.VMEM((_NB * _NT,), jnp.float32),
            pltpu.VMEM((2, _EMB, _C), jnp.float32),
            pltpu.SemaphoreType.DMA,
            pltpu.SemaphoreType.DMA,
            pltpu.SemaphoreType.DMA,
            pltpu.SemaphoreType.DMA,
        ],
    )
    def sc(basis_hbm, et_hbm, ct_hbm, nt_hbm, out_hbm,
           et_v, ct_v, nt_v, bo_v, sem_i0, sem_i1, sem_o0, sem_o1):
        wid = lax.axis_index("s") * _NC + lax.axis_index("c")
        sem_i = (sem_i0, sem_i1)
        sem_o = (sem_o0, sem_o1)
        pltpu.sync_copy(ct_hbm, ct_v)
        pltpu.sync_copy(nt_hbm, nt_v)

        def issue_in(k, p):
            base = (wid + k * _NW) * _C
            pltpu.async_copy(
                et_hbm.at[:, pl.ds(base, _C)], et_v.at[p], sem_i[p])
            pltpu.async_copy(
                basis_hbm.at[:, pl.ds(base, _C)], bo_v.at[p], sem_i[p])

        def wait_in(p):
            pltpu.make_async_copy(
                et_hbm.at[:, pl.ds(0, _C)], et_v.at[p], sem_i[p]).wait()
            pltpu.make_async_copy(
                basis_hbm.at[:, pl.ds(0, _C)], bo_v.at[p], sem_i[p]).wait()

        def issue_out(k, p):
            base = (wid + k * _NW) * _C
            pltpu.async_copy(
                bo_v.at[p], out_hbm.at[:, pl.ds(base, _C)], sem_o[p])

        def wait_out(p):
            pltpu.make_async_copy(
                bo_v.at[p], out_hbm.at[:, pl.ds(0, _C)], sem_o[p]).wait()

        def compute(p):
            for jt in range(_EMB // 8):
                tref = ct_v if jt < 2 else nt_v
                irow = 0 if jt < 2 else 1
                banks = []
                for u in range(8):
                    jj = (jt * 8 + u) % _NB
                    banks.append(tuple(
                        tref[pl.ds(jj * _NT + 16 * kk, 16)]
                        for kk in range(4)))

                def group_body(g, c, jt=jt, banks=banks, irow=irow):
                    e0 = g * 16
                    iv = et_v[p, irow, pl.ds(e0, 16)]
                    hi = iv >> 4
                    lo = iv & 15
                    m1 = hi == 1
                    m2 = hi == 2
                    m3 = hi == 3
                    for u in range(8):
                        j = jt * 8 + u
                        b0, b1, b2, b3 = banks[u]
                        te = jnp.where(
                            m3, _dg(b3, lo),
                            jnp.where(m2, _dg(b2, lo),
                                      jnp.where(m1, _dg(b1, lo),
                                                _dg(b0, lo))))
                        bo_v[p, j, pl.ds(e0, 16)] = (
                            te * bo_v[p, j, pl.ds(e0, 16)])
                    return c

                lax.fori_loop(0, _C // 16, group_body, 0)

        @pl.when(wid < nchunk)
        def _():
            issue_in(0, 0)

        def pair_body(m, carry):
            for p in range(2):
                k = 2 * m + p
                cid = wid + k * _NW

                @pl.when(cid < nchunk)
                def _(k=k, p=p, m=m):
                    wait_in(p)
                    if p == 1:
                        wait_out(1 - p)
                    else:
                        @pl.when(m >= 1)
                        def _():
                            wait_out(1 - p)

                    @pl.when(wid + (k + 1) * _NW < nchunk)
                    def _(k=k, p=p):
                        issue_in(k + 1, 1 - p)

                    compute(p)
                    issue_out(k, p)

            return carry

        lax.fori_loop(0, (iters + 1) // 2, pair_body, 0)

        km = (nchunk - 1 - wid) // _NW
        for p in range(2):
            @pl.when((km & 1) == p)
            def _(p=p):
                wait_out(p)

    return sc(basis_t, et, ctt_flat, ntt_flat)


def kernel(edge_types, radial, center_table, neighbor_table, W, b):
    basis_t = _tc_basis_t(radial.T, W, b)
    et = edge_types.astype(jnp.int32)
    out_t = _sc_stage(basis_t, et,
                      center_table.T.reshape(-1), neighbor_table.T.reshape(-1))
    return out_t.T

# --- scband reference (transcript-rebuilt; emitter-appended) ---
"""Pipeline reference for scband-product-type-embedding-51067161149570 (READ-ONLY COPY).

The authoritative reference and input builder live on the scoring server;
editing this copy changes nothing except your own understanding.
"""

import jax, jax.numpy as jnp
import numpy as np

E = 1600000
NUM_TYPES = 64
EMB = 32
NB = 16


def setup_inputs(seed: int = 0) -> dict:
    key = jax.random.key(seed)
    k1, k2, k3, k4, k5 = jax.random.split(key, 5)
    edge_types = jax.random.randint(k1, (2, E), 0, NUM_TYPES, dtype=jnp.int64 if jax.config.jax_enable_x64 else jnp.int32)
    radial = jax.random.normal(k2, (E, NB), dtype=jnp.float32)
    center_table = jax.random.normal(k3, (NUM_TYPES, EMB // 2), dtype=jnp.float32)
    neighbor_table = jax.random.normal(k4, (NUM_TYPES, EMB // 2), dtype=jnp.float32)
    W = jax.random.normal(k5, (NB, EMB), dtype=jnp.float32) / jnp.sqrt(NB)
    b = jnp.zeros((EMB,), dtype=jnp.float32)
    return {"edge_types": edge_types, "radial": radial, "center_table": center_table, "neighbor_table": neighbor_table, "W": W, "b": b}


def reference(edge_types, radial, center_table, neighbor_table, W, b):
    # center_embed(edge_types[0]) and neighbor_embed(edge_types[1]) -> embedding gathers
    ce = jnp.take(center_table, edge_types[0], axis=0)
    ne = jnp.take(neighbor_table, edge_types[1], axis=0)
    type_embed = jnp.concatenate((ce, ne), axis=-1)
    # ScalarMLPFunction with no nonlinearity == single linear layer
    basis = radial @ W + b
    # elementwise product in embedding space
    return type_embed * basis

if __name__ == "__main__":
    import jax
    _d = setup_inputs()
    print(jax.jit(kernel)(*tuple(_d.values())))

</pallas_src>

<mosaic_0001>
#map = affine_map<(d0, d1) -> (0, 0)>
#map1 = affine_map<(d0, d1) -> (0)>
module attributes {stable_mosaic.version = 14 : i64} {
  func.func @sc(%arg0: i32, %arg1: i32, %arg2: memref<32x1600000xf32, #tpu.memory_space<hbm>>, %arg3: memref<2x1600000xi32, #tpu.memory_space<hbm>>, %arg4: memref<1024xf32, #tpu.memory_space<hbm>>, %arg5: memref<1024xf32, #tpu.memory_space<hbm>>, %arg6: memref<32x1600000xf32, #tpu.memory_space<hbm>>, %arg7: memref<2x2x1280xi32, #tpu.memory_space<vmem>>, %arg8: memref<1024xf32, #tpu.memory_space<vmem>>, %arg9: memref<1024xf32, #tpu.memory_space<vmem>>, %arg10: memref<2x32x1280xf32, #tpu.memory_space<vmem>>, %arg11: memref<!tpu.dma_semaphore, #tpu.memory_space<semaphore_mem>>, %arg12: memref<!tpu.dma_semaphore, #tpu.memory_space<semaphore_mem>>, %arg13: memref<!tpu.dma_semaphore, #tpu.memory_space<semaphore_mem>>, %arg14: memref<!tpu.dma_semaphore, #tpu.memory_space<semaphore_mem>>) attributes {dimension_semantics = [#tpu.dimension_semantics<core_parallel>, #tpu.dimension_semantics<subcore_parallel>], iteration_bounds = array<i64: 2, 16>, scalar_prefetch = 0 : i64, scratch_operands = 8 : i64, tpu.core_type = #tpu.core_type<sc_vector_subcore>, window_params = [{transform_indices = #map}, {transform_indices = #map}, {transform_indices = #map1}, {transform_indices = #map1}, {transform_indices = #map}]} {
    %mul3A = arith.constant 2 : i32
    %mul3A_0 = arith.muli %arg1, %mul3A : i32
    %add3A = arith.addi %mul3A_0, %arg0 : i32
    "tpu.region"() ({
      %run_scoped3A = tpu.sem_alloc : memref<!tpu.dma_semaphore, #tpu.memory_space<semaphore_mem>>
      tpu.enqueue_dma source(%arg4 : memref<1024xf32, #tpu.memory_space<hbm>>) target(%arg8 : memref<1024xf32, #tpu.memory_space<vmem>>) target_semaphore(%run_scoped3A : memref<!tpu.dma_semaphore, #tpu.memory_space<semaphore_mem>>)
      tpu.wait_dma2 semaphore(%run_scoped3A : memref<!tpu.dma_semaphore, #tpu.memory_space<semaphore_mem>>) src(%arg4 : memref<1024xf32, #tpu.memory_space<hbm>>) dst(%arg8 : memref<1024xf32, #tpu.memory_space<vmem>>)
      tpu.yield
    }) : () -> ()
    "tpu.region"() ({
      %run_scoped3A = tpu.sem_alloc : memref<!tpu.dma_semaphore, #tpu.memory_space<semaphore_mem>>
      tpu.enqueue_dma source(%arg5 : memref<1024xf32, #tpu.memory_space<hbm>>) target(%arg9 : memref<1024xf32, #tpu.memory_space<vmem>>) target_semaphore(%run_scoped3A : memref<!tpu.dma_semaphore, #tpu.memory_space<semaphore_mem>>)
      tpu.wait_dma2 semaphore(%run_scoped3A : memref<!tpu.dma_semaphore, #tpu.memory_space<semaphore_mem>>) src(%arg5 : memref<1024xf32, #tpu.memory_space<hbm>>) dst(%arg9 : memref<1024xf32, #tpu.memory_space<vmem>>)
      tpu.yield
    }) : () -> ()
    %lt3A = arith.constant 1250 : i32
    %lt3A_1 = arith.cmpi slt, %add3A, %lt3A : i32
    %convert_element_type3A = arith.extui %lt3A_1 : i1 to i32
    %cond3A = arith.constant 0 : i32
    %cond3A_2 = arith.cmpi ne, %convert_element_type3A, %cond3A : i32
    scf.if %cond3A_2 {
      %add3A_39 = arith.constant 0 : i32
      %add3A_40 = arith.addi %add3A, %add3A_39 : i32
      %mul3A_41 = arith.constant 1280 : i32
      %mul3A_42 = arith.muli %add3A_40, %mul3A_41 : i32
      %dma_start3A = arith.constant 0 : i32
      %dma_start3A_43 = arith.constant 0 : i32
      %dma_start3A_44 = arith.constant 0 : i32
      %dma_start3A_45 = tpu.memref_slice %arg7[%dma_start3A, %dma_start3A_43, %dma_start3A_44] : memref<2x2x1280xi32, #tpu.memory_space<vmem>> -> memref<1x2x1280xi32, #tpu.memory_space<vmem>>
      %dma_start3A_46 = tpu.memref_squeeze %dma_start3A_45 : memref<1x2x1280xi32, #tpu.memory_space<vmem>> -> memref<2x1280xi32, #tpu.memory_space<vmem>>
      %dma_start3A_47 = arith.constant 0 : i32
      %dma_start3A_48 = tpu.memref_slice %arg3[%dma_start3A_47, %mul3A_42] : memref<2x1600000xi32, #tpu.memory_space<hbm>> -> memref<2x1280xi32, #tpu.memory_space<hbm>>
      %dma_start3A_49 = arith.constant 0 : i32
      %dma_start3A_50 = arith.constant 0 : i32
      %dma_start3A_51 = tpu.memref_slice %arg7[%dma_start3A, %dma_start3A_49, %dma_start3A_50] : memref<2x2x1280xi32, #tpu.memory_space<vmem>> -> memref<1x2x1280xi32, #tpu.memory_space<vmem>>
      %dma_start3A_52 = tpu.memref_squeeze %dma_start3A_51 : memref<1x2x1280xi32, #tpu.memory_space<vmem>> -> memref<2x1280xi32, #tpu.memory_space<vmem>>
      %dma_start3A_53 = arith.constant 0 : i32
      %dma_start3A_54 = tpu.memref_slice %arg3[%dma_start3A_53, %mul3A_42] : memref<2x1600000xi32, #tpu.memory_space<hbm>> -> memref<2x1280xi32, #tpu.memory_space<hbm>>
      tpu.enqueue_dma source(%dma_start3A_54 : memref<2x1280xi32, #tpu.memory_space<hbm>>) target(%dma_start3A_52 : memref<2x1280xi32, #tpu.memory_space<vmem>>) target_semaphore(%arg11 : memref<!tpu.dma_semaphore, #tpu.memory_space<semaphore_mem>>)
      %dma_start3A_55 = arith.constant 0 : i32
      %dma_start3A_56 = arith.constant 0 : i32
      %dma_start3A_57 = arith.constant 0 : i32
      %dma_start3A_58 = tpu.memref_slice %arg10[%dma_start3A_55, %dma_start3A_56, %dma_start3A_57] : memref<2x32x1280xf32, #tpu.memory_space<vmem>> -> memref<1x32x1280xf32, #tpu.memory_space<vmem>>
      %dma_start3A_59 = tpu.memref_squeeze %dma_start3A_58 : memref<1x32x1280xf32, #tpu.memory_space<vmem>> -> memref<32x1280xf32, #tpu.memory_space<vmem>>
      %dma_start3A_60 = arith.constant 0 : i32
      %dma_start3A_61 = tpu.memref_slice %arg2[%dma_start3A_60, %mul3A_42] : memref<32x1600000xf32, #tpu.memory_space<hbm>> -> memref<32x1280xf32, #tpu.memory_space<hbm>>
      %dma_start3A_62 = arith.constant 0 : i32
      %dma_start3A_63 = arith.constant 0 : i32
      %dma_start3A_64 = tpu.memref_slice %arg10[%dma_start3A_55, %dma_start3A_62, %dma_start3A_63] : memref<2x32x1280xf32, #tpu.memory_space<vmem>> -> memref<1x32x1280xf32, #tpu.memory_space<vmem>>
      %dma_start3A_65 = tpu.memref_squeeze %dma_start3A_64 : memref<1x32x1280xf32, #tpu.memory_space<vmem>> -> memref<32x1280xf32, #tpu.memory_space<vmem>>
      %dma_start3A_66 = arith.constant 0 : i32
      %dma_start3A_67 = tpu.memref_slice %arg2[%dma_start3A_66, %mul3A_42] : memref<32x1600000xf32, #tpu.memory_space<hbm>> -> memref<32x1280xf32, #tpu.memory_space<hbm>>
      tpu.enqueue_dma source(%dma_start3A_67 : memref<32x1280xf32, #tpu.memory_space<hbm>>) target(%dma_start3A_65 : memref<32x1280xf32, #tpu.memory_space<vmem>>) target_semaphore(%arg11 : memref<!tpu.dma_semaphore, #tpu.memory_space<semaphore_mem>>)
    } else {
    }
    %scan3A = arith.constant 0 : i32
    %scan3A_3 = arith.constant 0 : i32
    %scan3A_4 = arith.constant 20 : i32
    %scan3A_5 = arith.addi %scan3A_3, %scan3A_4 : i32
    %scan3A_6 = arith.constant 1 : i32
    scf.for %scan3A_39 = %scan3A_3 to %scan3A_5 step %scan3A_6  : i32 {
      %mul3A_40 = arith.constant 2 : i32
      %mul3A_41 = arith.muli %mul3A_40, %scan3A_39 : i32
      %add3A_42 = arith.constant 0 : i32
      %add3A_43 = arith.addi %mul3A_41, %add3A_42 : i32
      %mul3A_44 = arith.constant 32 : i32
      %mul3A_45 = arith.muli %add3A_43, %mul3A_44 : i32
      %add3A_46 = arith.addi %add3A, %mul3A_45 : i32
      %lt3A_47 = arith.constant 1250 : i32
      %lt3A_48 = arith.cmpi slt, %add3A_46, %lt3A_47 : i32
      %convert_element_type3A_49 = arith.extui %lt3A_48 : i1 to i32
      %cond3A_50 = arith.constant 0 : i32
      %cond3A_51 = arith.cmpi ne, %convert_element_type3A_49, %cond3A_50 : i32
      scf.if %cond3A_51 {
        %dma_wait3A = arith.constant 0 : i32
        %dma_wait3A_64 = arith.constant 0 : i32
        %dma_wait3A_65 = arith.constant 0 : i32
        %dma_wait3A_66 = tpu.memref_slice %arg7[%dma_wait3A, %dma_wait3A_64, %dma_wait3A_65] : memref<2x2x1280xi32, #tpu.memory_space<vmem>> -> memref<1x2x1280xi32, #tpu.memory_space<vmem>>
        %dma_wait3A_67 = tpu.memref_squeeze %dma_wait3A_66 : memref<1x2x1280xi32, #tpu.memory_space<vmem>> -> memref<2x1280xi32, #tpu.memory_space<vmem>>
        %dma_wait3A_68 = arith.constant 0 : i32
        %dma_wait3A_69 = arith.constant 0 : i32
        %dma_wait3A_70 = tpu.memref_slice %arg3[%dma_wait3A_68, %dma_wait3A_69] : memref<2x1600000xi32, #tpu.memory_space<hbm>> -> memref<2x1280xi32, #tpu.memory_space<hbm>>
        %dma_wait3A_71 = arith.constant 0 : i32
        %dma_wait3A_72 = arith.constant 0 : i32
        %dma_wait3A_73 = tpu.memref_slice %arg7[%dma_wait3A, %dma_wait3A_71, %dma_wait3A_72] : memref<2x2x1280xi32, #tpu.memory_space<vmem>> -> memref<1x2x1280xi32, #tpu.memory_space<vmem>>
        %dma_wait3A_74 = tpu.memref_squeeze %dma_wait3A_73 : memref<1x2x1280xi32, #tpu.memory_space<vmem>> -> memref<2x1280xi32, #tpu.memory_space<vmem>>
        %dma_wait3A_75 = arith.constant 0 : i32
        %dma_wait3A_76 = arith.constant 0 : i32
        %dma_wait3A_77 = tpu.memref_slice %arg3[%dma_wait3A_75, %dma_wait3A_76] : memref<2x1600000xi32, #tpu.memory_space<hbm>> -> memref<2x1280xi32, #tpu.memory_space<hbm>>
        tpu.wait_dma2 semaphore(%arg11 : memref<!tpu.dma_semaphore, #tpu.memory_space<semaphore_mem>>) src(%dma_wait3A_77 : memref<2x1280xi32, #tpu.memory_space<hbm>>) dst(%dma_wait3A_74 : memref<2x1280xi32, #tpu.memory_space<vmem>>)
        %dma_wait3A_78 = arith.constant 0 : i32
        %dma_wait3A_79 = arith.constant 0 : i32
        %dma_wait3A_80 = arith.constant 0 : i32
        %dma_wait3A_81 = tpu.memref_slice %arg10[%dma_wait3A_78, %dma_wait3A_79, %dma_wait3A_80] : memref<2x32x1280xf32, #tpu.memory_space<vmem>> -> memref<1x32x1280xf32, #tpu.memory_space<vmem>>
        %dma_wait3A_82 = tpu.memref_squeeze %dma_wait3A_81 : memref<1x32x1280xf32, #tpu.memory_space<vmem>> -> memref<32x1280xf32, #tpu.memory_space<vmem>>
        %dma_wait3A_83 = arith.constant 0 : i32
        %dma_wait3A_84 = arith.constant 0 : i32
        %dma_wait3A_85 = tpu.memref_slice %arg2[%dma_wait3A_83, %dma_wait3A_84] : memref<32x1600000xf32, #tpu.memory_space<hbm>> -> memref<32x1280xf32, #tpu.memory_space<hbm>>
        %dma_wait3A_86 = arith.constant 0 : i32
        %dma_wait3A_87 = arith.constant 0 : i32
        %dma_wait3A_88 = tpu.memref_slice %arg10[%dma_wait3A_78, %dma_wait3A_86, %dma_wait3A_87] : memref<2x32x1280xf32, #tpu.memory_space<vmem>> -> memref<1x32x1280xf32, #tpu.memory_space<vmem>>
        %dma_wait3A_89 = tpu.memref_squeeze %dma_wait3A_88 : memref<1x32x1280xf32, #tpu.memory_space<vmem>> -> memref<32x1280xf32, #tpu.memory_space<vmem>>
        %dma_wait3A_90 = arith.constant 0 : i32
        %dma_wait3A_91 = arith.constant 0 : i32
        %dma_wait3A_92 = tpu.memref_slice %arg2[%dma_wait3A_90, %dma_wait3A_91] : memref<32x1600000xf32, #tpu.memory_space<hbm>> -> memref<32x1280xf32, #tpu.memory_space<hbm>>
        tpu.wait_dma2 semaphore(%arg11 : memref<!tpu.dma_semaphore, #tpu.memory_space<semaphore_mem>>) src(%dma_wait3A_92 : memref<32x1280xf32, #tpu.memory_space<hbm>>) dst(%dma_wait3A_89 : memref<32x1280xf32, #tpu.memory_space<vmem>>)
        %ge3A = arith.constant 1 : i32
        %ge3A_93 = arith.cmpi sge, %scan3A_39, %ge3A : i32
        %convert_element_type3A_94 = arith.extui %ge3A_93 : i1 to i32
        %cond3A_95 = arith.constant 0 : i32
        %cond3A_96 = arith.cmpi ne, %convert_element_type3A_94, %cond3A_95 : i32
        scf.if %cond3A_96 {
          %dma_wait3A_531 = arith.constant 1 : i32
          %dma_wait3A_532 = arith.constant 0 : i32
          %dma_wait3A_533 = arith.constant 0 : i32
          %dma_wait3A_534 = tpu.memref_slice %arg10[%dma_wait3A_531, %dma_wait3A_532, %dma_wait3A_533] : memref<2x32x1280xf32, #tpu.memory_space<vmem>> -> memref<1x32x1280xf32, #tpu.memory_space<vmem>>
          %dma_wait3A_535 = tpu.memref_squeeze %dma_wait3A_534 : memref<1x32x1280xf32, #tpu.memory_space<vmem>> -> memref<32x1280xf32, #tpu.memory_space<vmem>>
          %dma_wait3A_536 = arith.constant 0 : i32
          %dma_wait3A_537 = arith.constant 0 : i32
          %dma_wait3A_538 = tpu.memref_slice %arg6[%dma_wait3A_536, %dma_wait3A_537] : memref<32x1600000xf32, #tpu.memory_space<hbm>> -> memref<32x1280xf32, #tpu.memory_space<hbm>>
          %dma_wait3A_539 = arith.constant 0 : i32
          %dma_wait3A_540 = arith.constant 0 : i32
          %dma_wait3A_541 = tpu.memref_slice %arg6[%dma_wait3A_539, %dma_wait3A_540] : memref<32x1600000xf32, #tpu.memory_space<hbm>> -> memref<32x1280xf32, #tpu.memory_space<hbm>>
          %dma_wait3A_542 = arith.constant 0 : i32
          %dma_wait3A_543 = arith.constant 0 : i32
          %dma_wait3A_544 = tpu.memref_slice %arg10[%dma_wait3A_531, %dma_wait3A_542, %dma_wait3A_543] : memref<2x32x1280xf32, #tpu.memory_space<vmem>> -> memref<1x32x1280xf32, #tpu.memory_space<vmem>>
          %dma_wait3A_545 = tpu.memref_squeeze %dma_wait3A_544 : memref<1x32x1280xf32, #tpu.memory_space<vmem>> -> memref<32x1280xf32, #tpu.memory_space<vmem>>
          tpu.wait_dma2 semaphore(%arg14 : memref<!tpu.dma_semaphore, #tpu.memory_space<semaphore_mem>>) src(%dma_wait3A_545 : memref<32x1280xf32, #tpu.memory_space<vmem>>) dst(%dma_wait3A_541 : memref<32x1280xf32, #tpu.memory_space<hbm>>)
        } else {
        }
        %add3A_97 = arith.constant 1 : i32
        %add3A_98 = arith.addi %add3A_43, %add3A_97 : i32
        %mul3A_99 = arith.constant 32 : i32
        %mul3A_100 = arith.muli %add3A_98, %mul3A_99 : i32
        %add3A_101 = arith.addi %add3A, %mul3A_100 : i32
        %lt3A_102 = arith.constant 1250 : i32
        %lt3A_103 = arith.cmpi slt, %add3A_101, %lt3A_102 : i32
        %convert_element_type3A_104 = arith.extui %lt3A_103 : i1 to i32
        %cond3A_105 = arith.constant 0 : i32
        %cond3A_106 = arith.cmpi ne, %convert_element_type3A_104, %cond3A_105 : i32
        scf.if %cond3A_106 {
          %add3A_531 = arith.constant 1 : i32
          %add3A_532 = arith.addi %add3A_43, %add3A_531 : i32
          %mul3A_533 = arith.constant 32 : i32
          %mul3A_534 = arith.muli %add3A_532, %mul3A_533 : i32
          %add3A_535 = arith.addi %add3A, %mul3A_534 : i32
          %mul3A_536 = arith.constant 1280 : i32
          %mul3A_537 = arith.muli %add3A_535, %mul3A_536 : i32
          %dma_start3A_538 = arith.constant 1 : i32
          %dma_start3A_539 = arith.constant 0 : i32
          %dma_start3A_540 = arith.constant 0 : i32
          %dma_start3A_541 = tpu.memref_slice %arg7[%dma_start3A_538, %dma_start3A_539, %dma_start3A_540] : memref<2x2x1280xi32, #tpu.memory_space<vmem>> -> memref<1x2x1280xi32, #tpu.memory_space<vmem>>
          %dma_start3A_542 = tpu.memref_squeeze %dma_start3A_541 : memref<1x2x1280xi32, #tpu.memory_space<vmem>> -> memref<2x1280xi32, #tpu.memory_space<vmem>>
          %dma_start3A_543 = arith.constant 0 : i32
          %dma_start3A_544 = tpu.memref_slice %arg3[%dma_start3A_543, %mul3A_537] : memref<2x1600000xi32, #tpu.memory_space<hbm>> -> memref<2x1280xi32, #tpu.memory_space<hbm>>
          %dma_start3A_545 = arith.constant 0 : i32
          %dma_start3A_546 = arith.constant 0 : i32
          %dma_start3A_547 = tpu.memref_slice %arg7[%dma_start3A_538, %dma_start3A_545, %dma_start3A_546] : memref<2x2x1280xi32, #tpu.memory_space<vmem>> -> memref<1x2x1280xi32, #tpu.memory_space<vmem>>
          %dma_start3A_548 = tpu.memref_squeeze %dma_start3A_547 : memref<1x2x1280xi32, #tpu.memory_space<vmem>> -> memref<2x1280xi32, #tpu.memory_space<vmem>>
          %dma_start3A_549 = arith.constant 0 : i32
          %dma_start3A_550 = tpu.memref_slice %arg3[%dma_start3A_549, %mul3A_537] : memref<2x1600000xi32, #tpu.memory_space<hbm>> -> memref<2x1280xi32, #tpu.memory_space<hbm>>
          tpu.enqueue_dma source(%dma_start3A_550 : memref<2x1280xi32, #tpu.memory_space<hbm>>) target(%dma_start3A_548 : memref<2x1280xi32, #tpu.memory_space<vmem>>) target_semaphore(%arg12 : memref<!tpu.dma_semaphore, #tpu.memory_space<semaphore_mem>>)
          %dma_start3A_551 = arith.constant 1 : i32
          %dma_start3A_552 = arith.constant 0 : i32
          %dma_start3A_553 = arith.constant 0 : i32
          %dma_start3A_554 = tpu.memref_slice %arg10[%dma_start3A_551, %dma_start3A_552, %dma_start3A_553] : memref<2x32x1280xf32, #tpu.memory_space<vmem>> -> memref<1x32x1280xf32, #tpu.memory_space<vmem>>
          %dma_start3A_555 = tpu.memref_squeeze %dma_start3A_554 : memref<1x32x1280xf32, #tpu.memory_space<vmem>> -> memref<32x1280xf32, #tpu.memory_space<vmem>>
          %dma_start3A_556 = arith.constant 0 : i32
          %dma_start3A_557 = tpu.memref_slice %arg2[%dma_start3A_556, %mul3A_537] : memref<32x1600000xf32, #tpu.memory_space<hbm>> -> memref<32x1280xf32, #tpu.memory_space<hbm>>
          %dma_start3A_558 = arith.constant 0 : i32
          %dma_start3A_559 = arith.constant 0 : i32
          %dma_start3A_560 = tpu.memref_slice %arg10[%dma_start3A_551, %dma_start3A_558, %dma_start3A_559] : memref<2x32x1280xf32, #tpu.memory_space<vmem>> -> memref<1x32x1280xf32, #tpu.memory_space<vmem>>
          %dma_start3A_561 = tpu.memref_squeeze %dma_start3A_560 : memref<1x32x1280xf32, #tpu.memory_space<vmem>> -> memref<32x1280xf32, #tpu.memory_space<vmem>>
          %dma_start3A_562 = arith.constant 0 : i32
          %dma_start3A_563 = tpu.memref_slice %arg2[%dma_start3A_562, %mul3A_537] : memref<32x1600000xf32, #tpu.memory_space<hbm>> -> memref<32x1280xf32, #tpu.memory_space<hbm>>
          tpu.enqueue_dma source(%dma_start3A_563 : memref<32x1280xf32, #tpu.memory_space<hbm>>) target(%dma_start3A_561 : memref<32x1280xf32, #tpu.memory_space<vmem>>) target_semaphore(%arg12 : memref<!tpu.dma_semaphore, #tpu.memory_space<semaphore_mem>>)
        } else {
        }
        %get3A = arith.constant 0 : index
        %get3A_107 = tpu.vector_load %arg8[%get3A] {strides = array<i32>} : memref<1024xf32, #tpu.memory_space<vmem>>, vector<16xf32>,
        %get3A_108 = vector.shape_cast %get3A_107 : vector<16xf32> to vector<16xf32>
        %get3A_109 = arith.constant 16 : index
        %get3A_110 = tpu.vector_load %arg8[%get3A_109] {strides = array<i32>} : memref<1024xf32, #tpu.memory_space<vmem>>, vector<16xf32>,
        %get3A_111 = vector.shape_cast %get3A_110 : vector<16xf32> to vector<16xf32>
        %get3A_112 = arith.constant 32 : index
        %get3A_113 = tpu.vector_load %arg8[%get3A_112] {strides = array<i32>} : memref<1024xf32, #tpu.memory_space<vmem>>, vector<16xf32>,
        %get3A_114 = vector.shape_cast %get3A_113 : vector<16xf32> to vector<16xf32>
        %get3A_115 = arith.constant 48 : index
        %get3A_116 = tpu.vector_load %arg8[%get3A_115] {strides = array<i32>} : memref<1024xf32, #tpu.memory_space<vmem>>, vector<16xf32>,
        %get3A_117 = vector.shape_cast %get3A_116 : vector<16xf32> to vector<16xf32>
        %get3A_118 = arith.constant 64 : index
        %get3A_119 = tpu.vector_load %arg8[%get3A_118] {strides = array<i32>} : memref<1024xf32, #tpu.memory_space<vmem>>, vector<16xf32>,
        %get3A_120 = vector.shape_cast %get3A_119 : vector<16xf32> to vector<16xf32>
        %get3A_121 = arith.constant 80 : index
        %get3A_122 = tpu.vector_load %arg8[%get3A_121] {strides = array<i32>} : memref<1024xf32, #tpu.memory_space<vmem>>, vector<16xf32>,
        %get3A_123 = vector.shape_cast %get3A_122 : vector<16xf32> to vector<16xf32>
        %get3A_124 = arith.constant 96 : index
        %get3A_125 = tpu.vector_load %arg8[%get3A_124] {strides = array<i32>} : memref<1024xf32, #tpu.memory_space<vmem>>, vector<16xf32>,
        %get3A_126 = vector.shape_cast %get3A_125 : vector<16xf32> to vector<16xf32>
        %get3A_127 = arith.constant 112 : index
        %get3A_128 = tpu.vector_load %arg8[%get3A_127] {strides = array<i32>} : memref<1024xf32, #tpu.memory_space<vmem>>, vector<16xf32>,
        %get3A_129 = vector.shape_cast %get3A_128 : vector<16xf32> to vector<16xf32>
        %get3A_130 = arith.constant 128 : index
        %get3A_131 = tpu.vector_load %arg8[%get3A_130] {strides = array<i32>} : memref<1024xf32, #tpu.memory_space<vmem>>, vector<16xf32>,
        %get3A_132 = vector.shape_cast %get3A_131 : vector<16xf32> to vector<16xf32>
        %get3A_133 = arith.constant 144 : index
        %get3A_134 = tpu.vector_load %arg8[%get3A_133] {strides = array<i32>} : memref<1024xf32, #tpu.memory_space<vmem>>, vector<16xf32>,
        %get3A_135 = vector.shape_cast %get3A_134 : vector<16xf32> to vector<16xf32>
        %get3A_136 = arith.constant 160 : index
        %get3A_137 = tpu.vector_load %arg8[%get3A_136] {strides = array<i32>} : memref<1024xf32, #tpu.memory_space<vmem>>, vector<16xf32>,
        %get3A_138 = vector.shape_cast %get3A_137 : vector<16xf32> to vector<16xf32>
        %get3A_139 = arith.constant 176 : index
        %get3A_140 = tpu.vector_load %arg8[%get3A_139] {strides = array<i32>} : memref<1024xf32, #tpu.memory_space<vmem>>, vector<16xf32>,
        %get3A_141 = vector.shape_cast %get3A_140 : vector<16xf32> to vector<16xf32>
        %get3A_142 = arith.constant 192 : index
        %get3A_143 = tpu.vector_load %arg8[%get3A_142] {strides = array<i32>} : memref<1024xf32, #tpu.memory_space<vmem>>, vector<16xf32>,
        %get3A_144 = vector.shape_cast %get3A_143 : vector<16xf32> to vector<16xf32>
        %get3A_145 = arith.constant 208 : index
        %get3A_146 = tpu.vector_load %arg8[%get3A_145] {strides = array<i32>} : memref<1024xf32, #tpu.memory_space<vmem>>, vector<16xf32>,
        %get3A_147 = vector.shape_cast %get3A_146 : vector<16xf32> to vector<16xf32>
        %get3A_148 = arith.constant 224 : index
        %get3A_149 = tpu.vector_load %arg8[%get3A_148] {strides = array<i32>} : memref<1024xf32, #tpu.memory_space<vmem>>, vector<16xf32>,
        %get3A_150 = vector.shape_cast %get3A_149 : vector<16xf32> to vector<16xf32>
        %get3A_151 = arith.constant 240 : index
        %get3A_152 = tpu.vector_load %arg8[%get3A_151] {strides = array<i32>} : memref<1024xf32, #tpu.memory_space<vmem>>, vector<16xf32>,
        %get3A_153 = vector.shape_cast %get3A_152 : vector<16xf32> to vector<16xf32>
        %get3A_154 = arith.constant 256 : index
        %get3A_155 = tpu.vector_load %arg8[%get3A_154] {strides = array<i32>} : memref<1024xf32, #tpu.memory_space<vmem>>, vector<16xf32>,
        %get3A_156 = vector.shape_cast %get3A_155 : vector<16xf32> to vector<16xf32>
        %get3A_157 = arith.constant 272 : index
        %get3A_158 = tpu.vector_load %arg8[%get3A_157] {strides = array<i32>} : memref<1024xf32, #tpu.memory_space<vmem>>, vector<16xf32>,
        %get3A_159 = vector.shape_cast %get3A_158 : vector<16xf32> to vector<16xf32>
        %get3A_160 = arith.constant 288 : index
        %get3A_161 = tpu.vector_load %arg8[%get3A_160] {strides = array<i32>} : memref<1024xf32, #tpu.memory_space<vmem>>, vector<16xf32>,
        %get3A_162 = vector.shape_cast %get3A_161 : vector<16xf32> to vector<16xf32>
        %get3A_163 = arith.constant 304 : index
        %get3A_164 = tpu.vector_load %arg8[%get3A_163] {strides = array<i32>} : memref<1024xf32, #tpu.memory_space<vmem>>, vector<16xf32>,
        %get3A_165 = vector.shape_cast %get3A_164 : vector<16xf32> to vector<16xf32>
        %get3A_166 = arith.constant 320 : index
        %get3A_167 = tpu.vector_load %arg8[%get3A_166] {strides = array<i32>} : memref<1024xf32, #tpu.memory_space<vmem>>, vector<16xf32>,
        %get3A_168 = vector.shape_cast %get3A_167 : vector<16xf32> to vector<16xf32>
        %get3A_169 = arith.constant 336 : index
        %get3A_170 = tpu.vector_load %arg8[%get3A_169] {strides = array<i32>} : memref<1024xf32, #tpu.memory_space<vmem>>, vector<16xf32>,
        %get3A_171 = vector.shape_cast %get3A_170 : vector<16xf32> to vector<16xf32>
        %get3A_172 = arith.constant 352 : index
        %get3A_173 = tpu.vector_load %arg8[%get3A_172] {strides = array<i32>} : memref<1024xf32, #tpu.memory_space<vmem>>, vector<16xf32>,
        %get3A_174 = vector.shape_cast %get3A_173 : vector<16xf32> to vector<16xf32>
        %get3A_175 = arith.constant 368 : index
        %get3A_176 = tpu.vector_load %arg8[%get3A_175] {strides = array<i32>} : memref<1024xf32, #tpu.memory_space<vmem>>, vector<16xf32>,
        %get3A_177 = vector.shape_cast %get3A_176 : vector<16xf32> to vector<16xf32>
        %get3A_178 = arith.constant 384 : index
        %get3A_179 = tpu.vector_load %arg8[%get3A_178] {strides = array<i32>} : memref<1024xf32, #tpu.memory_space<vmem>>, vector<16xf32>,
        %get3A_180 = vector.shape_cast %get3A_179 : vector<16xf32> to vector<16xf32>
        %get3A_181 = arith.constant 400 : index
        %get3A_182 = tpu.vector_load %arg8[%get3A_181] {strides = array<i32>} : memref<1024xf32, #tpu.memory_space<vmem>>, vector<16xf32>,
        %get3A_183 = vector.shape_cast %get3A_182 : vector<16xf32> to vector<16xf32>
        %get3A_184 = arith.constant 416 : index
        %get3A_185 = tpu.vector_load %arg8[%get3A_184] {strides = array<i32>} : memref<1024xf32, #tpu.memory_space<vmem>>, vector<16xf32>,
        %get3A_186 = vector.shape_cast %get3A_185 : vector<16xf32> to vector<16xf32>
        %get3A_187 = arith.constant 432 : index
        %get3A_188 = tpu.vector_load %arg8[%get3A_187] {strides = array<i32>} : memref<1024xf32, #tpu.memory_space<vmem>>, vector<16xf32>,
        %get3A_189 = vector.shape_cast %get3A_188 : vector<16xf32> to vector<16xf32>
        %get3A_190 = arith.constant 448 : index
        %get3A_191 = tpu.vector_load %arg8[%get3A_190] {strides = array<i32>} : memref<1024xf32, #tpu.memory_space<vmem>>, vector<16xf32>,
        %get3A_192 = vector.shape_cast %get3A_191 : vector<16xf32> to vector<16xf32>
        %get3A_193 = arith.constant 464 : index
        %get3A_194 = tpu.vector_load %arg8[%get3A_193] {strides = array<i32>} : memref<1024xf32, #tpu.memory_space<vmem>>, vector<16xf32>,
        %get3A_195 = vector.shape_cast %get3A_194 : vector<16xf32> to vector<16xf32>
        %get3A_196 = arith.constant 480 : index
        %get3A_197 = tpu.vector_load %arg8[%get3A_196] {strides = array<i32>} : memref<1024xf32, #tpu.memory_space<vmem>>, vector<16xf32>,
        %get3A_198 = vector.shape_cast %get3A_197 : vector<16xf32> to vector<16xf32>
        %get3A_199 = arith.constant 496 : index
        %get3A_200 = tpu.vector_load %arg8[%get3A_199] {strides = array<i32>} : memref<1024xf32, #tpu.memory_space<vmem>>, vector<16xf32>,
        %get3A_201 = vector.shape_cast %get3A_200 : vector<16xf32> to vector<16xf32>
        %scan3A_202 = arith.constant 0 : i32
        %scan3A_203 = arith.constant 0 : i32
        %scan3A_204 = arith.constant 80 : i32
        %scan3A_205 = arith.addi %scan3A_203, %scan3A_204 : i32
        %scan3A_206 = arith.constant 1 : i32
        scf.for %scan3A_531 = %scan3A_203 to %scan3A_205 step %scan3A_206  : i32 {
          %mul3A_532 = arith.constant 16 : i32
          %mul3A_533 = arith.muli %scan3A_531, %mul3A_532 : i32
          %get3A_534 = arith.constant 0 : i32
          %get3A_535 = arith.constant 0 : i32
          %get3A_536 = arith.index_cast %get3A_534 : i32 to index
          %get3A_537 = arith.index_cast %get3A_535 : i32 to index
          %get3A_538 = arith.index_cast %mul3A_533 : i32 to index
          %get3A_539 = tpu.vector_load %arg7[%get3A_536, %get3A_537, %get3A_538] {strides = array<i32>} : memref<2x2x1280xi32, #tpu.memory_space<vmem>>, vector<1x1x16xi32>,
          %get3A_540 = vector.shape_cast %get3A_539 : vector<1x1x16xi32> to vector<16xi32>
          %shift_right_arithmetic3A = arith.constant 4 : i32
          %shift_right_arithmetic3A_541 = vector.broadcast %shift_right_arithmetic3A : i32 to vector<16xi32>
          %shift_right_arithmetic3A_542 = arith.shrsi %get3A_540, %shift_right_arithmetic3A_541 : vector<16xi32>
          %and3A_543 = arith.constant 15 : i32
          %and3A_544 = vector.broadcast %and3A_543 : i32 to vector<16xi32>
          %and3A_545 = arith.andi %get3A_540, %and3A_544 : vector<16xi32>
          %eq3A_546 = arith.constant 1 : i32
          %eq3A_547 = vector.broadcast %eq3A_546 : i32 to vector<16xi32>
          %eq3A_548 = arith.cmpi eq, %shift_right_arithmetic3A_542, %eq3A_547 : vector<16xi32>
          %eq3A_549 = arith.constant 2 : i32
          %eq3A_550 = vector.broadcast %eq3A_549 : i32 to vector<16xi32>
          %eq3A_551 = arith.cmpi eq, %shift_right_arithmetic3A_542, %eq3A_550 : vector<16xi32>
          %eq3A_552 = arith.constant 3 : i32
          %eq3A_553 = vector.broadcast %eq3A_552 : i32 to vector<16xi32>
          %eq3A_554 = arith.cmpi eq, %shift_right_arithmetic3A_542, %eq3A_553 : vector<16xi32>
          %broadcast_in_dim3A = vector.shape_cast %and3A_545 : vector<16xi32> to vector<16x1xi32>
          %gather3A = vector.shape_cast %broadcast_in_dim3A : vector<16x1xi32> to vector<16xi32>
          %gather3A_555 = tpu.dynamic_gather %get3A_117[%gather3A] in [0] : vector<16xf32>, vector<16xi32> -> vector<16xf32>
          %broadcast_in_dim3A_556 = vector.shape_cast %and3A_545 : vector<16xi32> to vector<16x1xi32>
          %gather3A_557 = vector.shape_cast %broadcast_in_dim3A_556 : vector<16x1xi32> to vector<16xi32>
          %gather3A_558 = tpu.dynamic_gather %get3A_114[%gather3A_557] in [0] : vector<16xf32>, vector<16xi32> -> vector<16xf32>
          %broadcast_in_dim3A_559 = vector.shape_cast %and3A_545 : vector<16xi32> to vector<16x1xi32>
          %gather3A_560 = vector.shape_cast %broadcast_in_dim3A_559 : vector<16x1xi32> to vector<16xi32>
          %gather3A_561 = tpu.dynamic_gather %get3A_111[%gather3A_560] in [0] : vector<16xf32>, vector<16xi32> -> vector<16xf32>
          %broadcast_in_dim3A_562 = vector.shape_cast %and3A_545 : vector<16xi32> to vector<16x1xi32>
          %gather3A_563 = vector.shape_cast %broadcast_in_dim3A_562 : vector<16x1xi32> to vector<16xi32>
          %gather3A_564 = tpu.dynamic_gather %get3A_108[%gather3A_563] in [0] : vector<16xf32>, vector<16xi32> -> vector<16xf32>
          %select_n3A_565 = arith.select %eq3A_548, %gather3A_561, %gather3A_564 : vector<16xi1>, vector<16xf32>
          %select_n3A_566 = arith.select %eq3A_551, %gather3A_558, %select_n3A_565 : vector<16xi1>, vector<16xf32>
          %select_n3A_567 = arith.select %eq3A_554, %gather3A_555, %select_n3A_566 : vector<16xi1>, vector<16xf32>
          %get3A_568 = arith.constant 0 : i32
          %get3A_569 = arith.constant 0 : i32
          %get3A_570 = arith.index_cast %get3A_568 : i32 to index
          %get3A_571 = arith.index_cast %get3A_569 : i32 to index
          %get3A_572 = arith.index_cast %mul3A_533 : i32 to index
          %get3A_573 = tpu.vector_load %arg10[%get3A_570, %get3A_571, %get3A_572] {strides = array<i32>} : memref<2x32x1280xf32, #tpu.memory_space<vmem>>, vector<1x1x16xf32>,
          %get3A_574 = vector.shape_cast %get3A_573 : vector<1x1x16xf32> to vector<16xf32>
          %mul3A_575 = arith.mulf %select_n3A_567, %get3A_574 : vector<16xf32>
          %swap3A = arith.constant 0 : i32
          %swap3A_576 = arith.constant 0 : i32
          %swap3A_577 = arith.index_cast %swap3A : i32 to index
          %swap3A_578 = arith.index_cast %swap3A_576 : i32 to index
          %swap3A_579 = arith.index_cast %mul3A_533 : i32 to index
          %swap3A_580 = tpu.vector_load %arg10[%swap3A_577, %swap3A_578, %swap3A_579] {strides = array<i32>} : memref<2x32x1280xf32, #tpu.memory_space<vmem>>, vector<1x1x16xf32>,
          %swap3A_581 = vector.shape_cast %swap3A_580 : vector<1x1x16xf32> to vector<16xf32>
          %swap3A_582 = vector.shape_cast %mul3A_575 : vector<16xf32> to vector<1x1x16xf32>
          tpu.vector_store %arg10[%swap3A_577, %swap3A_578, %swap3A_579], %swap3A_582 {strides = array<i32>} : memref<2x32x1280xf32, #tpu.memory_space<vmem>>, vector<1x1x16xf32>,
          %broadcast_in_dim3A_583 = vector.shape_cast %and3A_545 : vector<16xi32> to vector<16x1xi32>
          %gather3A_584 = vector.shape_cast %broadcast_in_dim3A_583 : vector<16x1xi32> to vector<16xi32>
          %gather3A_585 = tpu.dynamic_gather %get3A_129[%gather3A_584] in [0] : vector<16xf32>, vector<16xi32> -> vector<16xf32>
          %broadcast_in_dim3A_586 = vector.shape_cast %and3A_545 : vector<16xi32> to vector<16x1xi32>
          %gather3A_587 = vector.shape_cast %broadcast_in_dim3A_586 : vector<16x1xi32> to vector<16xi32>
          %gather3A_588 = tpu.dynamic_gather %get3A_126[%gather3A_587] in [0] : vector<16xf32>, vector<16xi32> -> vector<16xf32>
          %broadcast_in_dim3A_589 = vector.shape_cast %and3A_545 : vector<16xi32> to vector<16x1xi32>
          %gather3A_590 = vector.shape_cast %broadcast_in_dim3A_589 : vector<16x1xi32> to vector<16xi32>
          %gather3A_591 = tpu.dynamic_gather %get3A_123[%gather3A_590] in [0] : vector<16xf32>, vector<16xi32> -> vector<16xf32>
          %broadcast_in_dim3A_592 = vector.shape_cast %and3A_545 : vector<16xi32> to vector<16x1xi32>
          %gather3A_593 = vector.shape_cast %broadcast_in_dim3A_592 : vector<16x1xi32> to vector<16xi32>
          %gather3A_594 = tpu.dynamic_gather %get3A_120[%gather3A_593] in [0] : vector<16xf32>, vector<16xi32> -> vector<16xf32>
          %select_n3A_595 = arith.select %eq3A_548, %gather3A_591, %gather3A_594 : vector<16xi1>, vector<16xf32>
          %select_n3A_596 = arith.select %eq3A_551, %gather3A_588, %select_n3A_595 : vector<16xi1>, vector<16xf32>
          %select_n3A_597 = arith.select %eq3A_554, %gather3A_585, %select_n3A_596 : vector<16xi1>, vector<16xf32>
          %get3A_598 = arith.constant 0 : i32
          %get3A_599 = arith.constant 1 : i32
          %get3A_600 = arith.index_cast %get3A_598 : i32 to index
          %get3A_601 = arith.index_cast %get3A_599 : i32 to index
          %get3A_602 = arith.index_cast %mul3A_533 : i32 to index
          %get3A_603 = tpu.vector_load %arg10[%get3A_600, %get3A_601, %get3A_602] {strides = array<i32>} : memref<2x32x1280xf32, #tpu.memory_space<vmem>>, vector<1x1x16xf32>,
          %get3A_604 = vector.shape_cast %get3A_603 : vector<1x1x16xf32> to vector<16xf32>
          %mul3A_605 = arith.mulf %select_n3A_597, %get3A_604 : vector<16xf32>
          %swap3A_606 = arith.constant 0 : i32
          %swap3A_607 = arith.constant 1 : i32
          %swap3A_608 = arith.index_cast %swap3A_606 : i32 to index
          %swap3A_609 = arith.index_cast %swap3A_607 : i32 to index
          %swap3A_610 = arith.index_cast %mul3A_533 : i32 to index
          %swap3A_611 = tpu.vector_load %arg10[%swap3A_608, %swap3A_609, %swap3A_610] {strides = array<i32>} : memref<2x32x1280xf32, #tpu.memory_space<vmem>>, vector<1x1x16xf32>,
          %swap3A_612 = vector.shape_cast %swap3A_611 : vector<1x1x16xf32> to vector<16xf32>
          %swap3A_613 = vector.shape_cast %mul3A_605 : vector<16xf32> to vector<1x1x16xf32>
          tpu.vector_store %arg10[%swap3A_608, %swap3A_609, %swap3A_610], %swap3A_613 {strides = array<i32>} : memref<2x32x1280xf32, #tpu.memory_space<vmem>>, vector<1x1x16xf32>,
          %broadcast_in_dim3A_614 = vector.shape_cast %and3A_545 : vector<16xi32> to vector<16x1xi32>
          %gather3A_615 = vector.shape_cast %broadcast_in_dim3A_614 : vector<16x1xi32> to vector<16xi32>
          %gather3A_616 = tpu.dynamic_gather %get3A_141[%gather3A_615] in [0] : vector<16xf32>, vector<16xi32> -> vector<16xf32>
          %broadcast_in_dim3A_617 = vector.shape_cast %and3A_545 : vector<16xi32> to vector<16x1xi32>
          %gather3A_618 = vector.shape_cast %broadcast_in_dim3A_617 : vector<16x1xi32> to vector<16xi32>
          %gather3A_619 = tpu.dynamic_gather %get3A_138[%gather3A_618] in [0] : vector<16xf32>, vector<16xi32> -> vector<16xf32>
          %broadcast_in_dim3A_620 = vector.shape_cast %and3A_545 : vector<16xi32> to vector<16x1xi32>
          %gather3A_621 = vector.shape_cast %broadcast_in_dim3A_620 : vector<16x1xi32> to vector<16xi32>
          %gather3A_622 = tpu.dynamic_gather %get3A_135[%gather3A_621] in [0] : vector<16xf32>, vector<16xi32> -> vector<16xf32>
          %broadcast_in_dim3A_623 = vector.shape_cast %and3A_545 : vector<16xi32> to vector<16x1xi32>
          %gather3A_624 = vector.shape_cast %broadcast_in_dim3A_623 : vector<16x1xi32> to vector<16xi32>
          %gather3A_625 = tpu.dynamic_gather %get3A_132[%gather3A_624] in [0] : vector<16xf32>, vector<16xi32> -> vector<16xf32>
          %select_n3A_626 = arith.select %eq3A_548, %gather3A_622, %gather3A_625 : vector<16xi1>, vector<16xf32>
          %select_n3A_627 = arith.select %eq3A_551, %gather3A_619, %select_n3A_626 : vector<16xi1>, vector<16xf32>
          %select_n3A_628 = arith.select %eq3A_554, %gather3A_616, %select_n3A_627 : vector<16xi1>, vector<16xf32>
          %get3A_629 = arith.constant 0 : i32
          %get3A_630 = arith.constant 2 : i32
          %get3A_631 = arith.index_cast %get3A_629 : i32 to index
          %get3A_632 = arith.index_cast %get3A_630 : i32 to index
          %get3A_633 = arith.index_cast %mul3A_533 : i32 to index
          %get3A_634 = tpu.vector_load %arg10[%get3A_631, %get3A_632, %get3A_633] {strides = array<i32>} : memref<2x32x1280xf32, #tpu.memory_space<vmem>>, vector<1x1x16xf32>,
          %get3A_635 = vector.shape_cast %get3A_634 : vector<1x1x16xf32> to vector<16xf32>
          %mul3A_636 = arith.mulf %select_n3A_628, %get3A_635 : vector<16xf32>
          %swap3A_637 = arith.constant 0 : i32
          %swap3A_638 = arith.constant 2 : i32
          %swap3A_639 = arith.index_cast %swap3A_637 : i32 to index
          %swap3A_640 = arith.index_cast %swap3A_638 : i32 to index
          %swap3A_641 = arith.index_cast %mul3A_533 : i32 to index
          %swap3A_642 = tpu.vector_load %arg10[%swap3A_639, %swap3A_640, %swap3A_641] {strides = array<i32>} : memref<2x32x1280xf32, #tpu.memory_space<vmem>>, vector<1x1x16xf32>,
          %swap3A_643 = vector.shape_cast %swap3A_642 : vector<1x1x16xf32> to vector<16xf32>
          %swap3A_644 = vector.shape_cast %mul3A_636 : vector<16xf32> to vector<1x1x16xf32>
          tpu.vector_store %arg10[%swap3A_639, %swap3A_640, %swap3A_641], %swap3A_644 {strides = array<i32>} : memref<2x32x1280xf32, #tpu.memory_space<vmem>>, vector<1x1x16xf32>,
          %broadcast_in_dim3A_645 = vector.shape_cast %and3A_545 : vector<16xi32> to vector<16x1xi32>
          %gather3A_646 = vector.shape_cast %broadcast_in_dim3A_645 : vector<16x1xi32> to vector<16xi32>
          %gather3A_647 = tpu.dynamic_gather %get3A_153[%gather3A_646] in [0] : vector<16xf32>, vector<16xi32> -> vector<16xf32>
          %broadcast_in_dim3A_648 = vector.shape_cast %and3A_545 : vector<16xi32> to vector<16x1xi32>
          %gather3A_649 = vector.shape_cast %broadcast_in_dim3A_648 : vector<16x1xi32> to vector<16xi32>
          %gather3A_650 = tpu.dynamic_gather %get3A_150[%gather3A_649] in [0] : vector<16xf32>, vector<16xi32> -> vector<16xf32>
          %broadcast_in_dim3A_651 = vector.shape_cast %and3A_545 : vector<16xi32> to vector<16x1xi32>
          %gather3A_652 = vector.shape_cast %broadcast_in_dim3A_651 : vector<16x1xi32> to vector<16xi32>
          %gather3A_653 = tpu.dynamic_gather %get3A_147[%gather3A_652] in [0] : vector<16xf32>, vector<16xi32> -> vector<16xf32>
          %broadcast_in_dim3A_654 = vector.shape_cast %and3A_545 : vector<16xi32> to vector<16x1xi32>
          %gather3A_655 = vector.shape_cast %broadcast_in_dim3A_654 : vector<16x1xi32> to vector<16xi32>
          %gather3A_656 = tpu.dynamic_gather %get3A_144[%gather3A_655] in [0] : vector<16xf32>, vector<16xi32> -> vector<16xf32>
          %select_n3A_657 = arith.select %eq3A_548, %gather3A_653, %gather3A_656 : vector<16xi1>, vector<16xf32>
          %select_n3A_658 = arith.select %eq3A_551, %gather3A_650, %select_n3A_657 : vector<16xi1>, vector<16xf32>
          %select_n3A_659 = arith.select %eq3A_554, %gather3A_647, %select_n3A_658 : vector<16xi1>, vector<16xf32>
          %get3A_660 = arith.constant 0 : i32
          %get3A_661 = arith.constant 3 : i32
          %get3A_662 = arith.index_cast %get3A_660 : i32 to index
          %get3A_663 = arith.index_cast %get3A_661 : i32 to index
          %get3A_664 = arith.index_cast %mul3A_533 : i32 to index
          %get3A_665 = tpu.vector_load %arg10[%get3A_662, %get3A_663, %get3A_664] {strides = array<i32>} : memref<2x32x1280xf32, #tpu.memory_space<vmem>>, vector<1x1x16xf32>,
          %get3A_666 = vector.shape_cast %get3A_665 : vector<1x1x16xf32> to vector<16xf32>
          %mul3A_667 = arith.mulf %select_n3A_659, %get3A_666 : vector<16xf32>
          %swap3A_668 = arith.constant 0 : i32
          %swap3A_669 = arith.constant 3 : i32
          %swap3A_670 = arith.index_cast %swap3A_668 : i32 to index
          %swap3A_671 = arith.index_cast %swap3A_669 : i32 to index
          %swap3A_672 = arith.index_cast %mul3A_533 : i32 to index
          %swap3A_673 = tpu.vector_load %arg10[%swap3A_670, %swap3A_671, %swap3A_672] {strides = array<i32>} : memref<2x32x1280xf32, #tpu.memory_space<vmem>>, vector<1x1x16xf32>,
          %swap3A_674 = vector.shape_cast %swap3A_673 : vector<1x1x16xf32> to vector<16xf32>
          %swap3A_675 = vector.shape_cast %mul3A_667 : vector<16xf32> to vector<1x1x16xf32>
          tpu.vector_store %arg10[%swap3A_670, %swap3A_671, %swap3A_672], %swap3A_675 {strides = array<i32>} : memref<2x32x1280xf32, #tpu.memory_space<vmem>>, vector<1x1x16xf32>,
          %broadcast_in_dim3A_676 = vector.shape_cast %and3A_545 : vector<16xi32> to vector<16x1xi32>
          %gather3A_677 = vector.shape_cast %broadcast_in_dim3A_676 : vector<16x1xi32> to vector<16xi32>
          %gather3A_678 = tpu.dynamic_gather %get3A_165[%gather3A_677] in [0] : vector<16xf32>, vector<16xi32> -> vector<16xf32>
          %broadcast_in_dim3A_679 = vector.shape_cast %and3A_545 : vector<16xi32> to vector<16x1xi32>
          %gather3A_680 = vector.shape_cast %broadcast_in_dim3A_679 : vector<16x1xi32> to vector<16xi32>
          %gather3A_681 = tpu.dynamic_gather %get3A_162[%gather3A_680] in [0] : vector<16xf32>, vector<16xi32> -> vector<16xf32>
          %broadcast_in_dim3A_682 = vector.shape_cast %and3A_545 : vector<16xi32> to vector<16x1xi32>
          %gather3A_683 = vector.shape_cast %broadcast_in_dim3A_682 : vector<16x1xi32> to vector<16xi32>
          %gather3A_684 = tpu.dynamic_gather %get3A_159[%gather3A_683] in [0] : vector<16xf32>, vector<16xi32> -> vector<16xf32>
          %broadcast_in_dim3A_685 = vector.shape_cast %and3A_545 : vector<16xi32> to vector<16x1xi32>
          %gather3A_686 = vector.shape_cast %broadcast_in_dim3A_685 : vector<16x1xi32> to vector<16xi32>
          %gather3A_687 = tpu.dynamic_gather %get3A_156[%gather3A_686] in [0] : vector<16xf32>, vector<16xi32> -> vector<16xf32>
          %select_n3A_688 = arith.select %eq3A_548, %gather3A_684, %gather3A_687 : vector<16xi1>, vector<16xf32>
          %select_n3A_689 = arith.select %eq3A_551, %gather3A_681, %select_n3A_688 : vector<16xi1>, vector<16xf32>
          %select_n3A_690 = arith.select %eq3A_554, %gather3A_678, %select_n3A_689 : vector<16xi1>, vector<16xf32>
          %get3A_691 = arith.constant 0 : i32
          %get3A_692 = arith.constant 4 : i32
          %get3A_693 = arith.index_cast %get3A_691 : i32 to index
          %get3A_694 = arith.index_cast %get3A_692 : i32 to index
          %get3A_695 = arith.index_cast %mul3A_533 : i32 to index
          %get3A_696 = tpu.vector_load %arg10[%get3A_693, %get3A_694, %get3A_695] {strides = array<i32>} : memref<2x32x1280xf32, #tpu.memory_space<vmem>>, vector<1x1x16xf32>,
          %get3A_697 = vector.shape_cast %get3A_696 : vector<1x1x16xf32> to vector<16xf32>
          %mul3A_698 = arith.mulf %select_n3A_690, %get3A_697 : vector<16xf32>
          %swap3A_699 = arith.constant 0 : i32
          %swap3A_700 = arith.constant 4 : i32
          %swap3A_701 = arith.index_cast %swap3A_699 : i32 to index
          %swap3A_702 = arith.index_cast %swap3A_700 : i32 to index
          %swap3A_703 = arith.index_cast %mul3A_533 : i32 to index
          %swap3A_704 = tpu.vector_load %arg10[%swap3A_701, %swap3A_702, %swap3A_703] {strides = array<i32>} : memref<2x32x1280xf32, #tpu.memory_space<vmem>>, vector<1x1x16xf32>,
          %swap3A_705 = vector.shape_cast %swap3A_704 : vector<1x1x16xf32> to vector<16xf32>
          %swap3A_706 = vector.shape_cast %mul3A_698 : vector<16xf32> to vector<1x1x16xf32>
          tpu.vector_store %arg10[%swap3A_701, %swap3A_702, %swap3A_703], %swap3A_706 {strides = array<i32>} : memref<2x32x1280xf32, #tpu.memory_space<vmem>>, vector<1x1x16xf32>,
          %broadcast_in_dim3A_707 = vector.shape_cast %and3A_545 : vector<16xi32> to vector<16x1xi32>
          %gather3A_708 = vector.shape_cast %broadcast_in_dim3A_707 : vector<16x1xi32> to vector<16xi32>
          %gather3A_709 = tpu.dynamic_gather %get3A_177[%gather3A_708] in [0] : vector<16xf32>, vector<16xi32> -> vector<16xf32>
          %broadcast_in_dim3A_710 = vector.shape_cast %and3A_545 : vector<16xi32> to vector<16x1xi32>
          %gather3A_711 = vector.shape_cast %broadcast_in_dim3A_710 : vector<16x1xi32> to vector<16xi32>
          %gather3A_712 = tpu.dynamic_gather %get3A_174[%gather3A_711] in [0] : vector<16xf32>, vector<16xi32> -> vector<16xf32>
          %broadcast_in_dim3A_713 = vector.shape_cast %and3A_545 : vector<16xi32> to vector<16x1xi32>
          %gather3A_714 = vector.shape_cast %broadcast_in_dim3A_713 : vector<16x1xi32> to vector<16xi32>
          %gather3A_715 = tpu.dynamic_gather %get3A_171[%gather3A_714] in [0] : vector<16xf32>, vector<16xi32> -> vector<16xf32>
          %broadcast_in_dim3A_716 = vector.shape_cast %and3A_545 : vector<16xi32> to vector<16x1xi32>
          %gather3A_717 = vector.shape_cast %broadcast_in_dim3A_716 : vector<16x1xi32> to vector<16xi32>
          %gather3A_718 = tpu.dynamic_gather %get3A_168[%gather3A_717] in [0] : vector<16xf32>, vector<16xi32> -> vector<16xf32>
          %select_n3A_719 = arith.select %eq3A_548, %gather3A_715, %gather3A_718 : vector<16xi1>, vector<16xf32>
          %select_n3A_720 = arith.select %eq3A_551, %gather3A_712, %select_n3A_719 : vector<16xi1>, vector<16xf32>
          %select_n3A_721 = arith.select %eq3A_554, %gather3A_709, %select_n3A_720 : vector<16xi1>, vector<16xf32>
          %get3A_722 = arith.constant 0 : i32
          %get3A_723 = arith.constant 5 : i32
          %get3A_724 = arith.index_cast %get3A_722 : i32 to index
          %get3A_725 = arith.index_cast %get3A_723 : i32 to index
          %get3A_726 = arith.index_cast %mul3A_533 : i32 to index
          %get3A_727 = tpu.vector_load %arg10[%get3A_724, %get3A_725, %get3A_726] {strides = array<i32>} : memref<2x32x1280xf32, #tpu.memory_space<vmem>>, vector<1x1x16xf32>,
          %get3A_728 = vector.shape_cast %get3A_727 : vector<1x1x16xf32> to vector<16xf32>
          %mul3A_729 = arith.mulf %select_n3A_721, %get3A_728 : vector<16xf32>
          %swap3A_730 = arith.constant 0 : i32
          %swap3A_731 = arith.constant 5 : i32
          %swap3A_732 = arith.index_cast %swap3A_730 : i32 to index
          %swap3A_733 = arith.index_cast %swap3A_731 : i32 to index
          %swap3A_734 = arith.index_cast %mul3A_533 : i32 to index
          %swap3A_735 = tpu.vector_load %arg10[%swap3A_732, %swap3A_733, %swap3A_734] {strides = array<i32>} : memref<2x32x1280xf32, #tpu.memory_space<vmem>>, vector<1x1x16xf32>,
          %swap3A_736 = vector.shape_cast %swap3A_735 : vector<1x1x16xf32> to vector<16xf32>
          %swap3A_737 = vector.shape_cast %mul3A_729 : vector<16xf32> to vector<1x1x16xf32>
          tpu.vector_store %arg10[%swap3A_732, %swap3A_733, %swap3A_734], %swap3A_737 {strides = array<i32>} : memref<2x32x1280xf32, #tpu.memory_space<vmem>>, vector<1x1x16xf32>,
          %broadcast_in_dim3A_738 = vector.shape_cast %and3A_545 : vector<16xi32> to vector<16x1xi32>
          %gather3A_739 = vector.shape_cast %broadcast_in_dim3A_738 : vector<16x1xi32> to vector<16xi32>
          %gather3A_740 = tpu.dynamic_gather %get3A_189[%gather3A_739] in [0] : vector<16xf32>, vector<16xi32> -> vector<16xf32>
          %broadcast_in_dim3A_741 = vector.shape_cast %and3A_545 : vector<16xi32> to vector<16x1xi32>
          %gather3A_742 = vector.shape_cast %broadcast_in_dim3A_741 : vector<16x1xi32> to vector<16xi32>
          %gather3A_743 = tpu.dynamic_gather %get3A_186[%gather3A_742] in [0] : vector<16xf32>, vector<16xi32> -> vector<16xf32>
          %broadcast_in_dim3A_744 = vector.shape_cast %and3A_545 : vector<16xi32> to vector<16x1xi32>
          %gather3A_745 = vector.shape_cast %broadcast_in_dim3A_744 : vector<16x1xi32> to vector<16xi32>
          %gather3A_746 = tpu.dynamic_gather %get3A_183[%gather3A_745] in [0] : vector<16xf32>, vector<16xi32> -> vector<16xf32>
          %broadcast_in_dim3A_747 = vector.shape_cast %and3A_545 : vector<16xi32> to vector<16x1xi32>
          %gather3A_748 = vector.shape_cast %broadcast_in_dim3A_747 : vector<16x1xi32> to vector<16xi32>
          %gather3A_749 = tpu.dynamic_gather %get3A_180[%gather3A_748] in [0] : vector<16xf32>, vector<16xi32> -> vector<16xf32>
          %select_n3A_750 = arith.select %eq3A_548, %gather3A_746, %gather3A_749 : vector<16xi1>, vector<16xf32>
          %select_n3A_751 = arith.select %eq3A_551, %gather3A_743, %select_n3A_750 : vector<16xi1>, vector<16xf32>
          %select_n3A_752 = arith.select %eq3A_554, %gather3A_740, %select_n3A_751 : vector<16xi1>, vector<16xf32>
          %get3A_753 = arith.constant 0 : i32
          %get3A_754 = arith.constant 6 : i32
          %get3A_755 = arith.index_cast %get3A_753 : i32 to index
          %get3A_756 = arith.index_cast %get3A_754 : i32 to index
          %get3A_757 = arith.index_cast %mul3A_533 : i32 to index
          %get3A_758 = tpu.vector_load %arg10[%get3A_755, %get3A_756, %get3A_757] {strides = array<i32>} : memref<2x32x1280xf32, #tpu.memory_space<vmem>>, vector<1x1x16xf32>,
          %get3A_759 = vector.shape_cast %get3A_758 : vector<1x1x16xf32> to vector<16xf32>
          %mul3A_760 = arith.mulf %select_n3A_752, %get3A_759 : vector<16xf32>
          %swap3A_761 = arith.constant 0 : i32
          %swap3A_762 = arith.constant 6 : i32
          %swap3A_763 = arith.index_cast %swap3A_761 : i32 to index
          %swap3A_764 = arith.index_cast %swap3A_762 : i32 to index
          %swap3A_765 = arith.index_cast %mul3A_533 : i32 to index
          %swap3A_766 = tpu.vector_load %arg10[%swap3A_763, %swap3A_764, %swap3A_765] {strides = array<i32>} : memref<2x32x1280xf32, #tpu.memory_space<vmem>>, vector<1x1x16xf32>,
          %swap3A_767 = vector.shape_cast %swap3A_766 : vector<1x1x16xf32> to vector<16xf32>
          %swap3A_768 = vector.shape_cast %mul3A_760 : vector<16xf32> to vector<1x1x16xf32>
          tpu.vector_store %arg10[%swap3A_763, %swap3A_764, %swap3A_765], %swap3A_768 {strides = array<i32>} : memref<2x32x1280xf32, #tpu.memory_space<vmem>>, vector<1x1x16xf32>,
          %broadcast_in_dim3A_769 = vector.shape_cast %and3A_545 : vector<16xi32> to vector<16x1xi32>
          %gather3A_770 = vector.shape_cast %broadcast_in_dim3A_769 : vector<16x1xi32> to vector<16xi32>
          %gather3A_771 = tpu.dynamic_gather %get3A_201[%gather3A_770] in [0] : vector<16xf32>, vector<16xi32> -> vector<16xf32>
          %broadcast_in_dim3A_772 = vector.shape_cast %and3A_545 : vector<16xi32> to vector<16x1xi32>
          %gather3A_773 = vector.shape_cast %broadcast_in_dim3A_772 : vector<16x1xi32> to vector<16xi32>
          %gather3A_774 = tpu.dynamic_gather %get3A_198[%gather3A_773] in [0] : vector<16xf32>, vector<16xi32> -> vector<16xf32>
          %broadcast_in_dim3A_775 = vector.shape_cast %and3A_545 : vector<16xi32> to vector<16x1xi32>
          %gather3A_776 = vector.shape_cast %broadcast_in_dim3A_775 : vector<16x1xi32> to vector<16xi32>
          %gather3A_777 = tpu.dynamic_gather %get3A_195[%gather3A_776] in [0] : vector<16xf32>, vector<16xi32> -> vector<16xf32>
          %broadcast_in_dim3A_778 = vector.shape_cast %and3A_545 : vector<16xi32> to vector<16x1xi32>
          %gather3A_779 = vector.shape_cast %broadcast_in_dim3A_778 : vector<16x1xi32> to vector<16xi32>
          %gather3A_780 = tpu.dynamic_gather %get3A_192[%gather3A_779] in [0] : vector<16xf32>, vector<16xi32> -> vector<16xf32>
          %select_n3A_781 = arith.select %eq3A_548, %gather3A_777, %gather3A_780 : vector<16xi1>, vector<16xf32>
          %select_n3A_782 = arith.select %eq3A_551, %gather3A_774, %select_n3A_781 : vector<16xi1>, vector<16xf32>
          %select_n3A_783 = arith.select %eq3A_554, %gather3A_771, %select_n3A_782 : vector<16xi1>, vector<16xf32>
          %get3A_784 = arith.constant 0 : i32
          %get3A_785 = arith.constant 7 : i32
          %get3A_786 = arith.index_cast %get3A_784 : i32 to index
          %get3A_787 = arith.index_cast %get3A_785 : i32 to index
          %get3A_788 = arith.index_cast %mul3A_533 : i32 to index
          %get3A_789 = tpu.vector_load %arg10[%get3A_786, %get3A_787, %get3A_788] {strides = array<i32>} : memref<2x32x1280xf32, #tpu.memory_space<vmem>>, vector<1x1x16xf32>,
          %get3A_790 = vector.shape_cast %get3A_789 : vector<1x1x16xf32> to vector<16xf32>
          %mul3A_791 = arith.mulf %select_n3A_783, %get3A_790 : vector<16xf32>
          %swap3A_792 = arith.constant 0 : i32
          %swap3A_793 = arith.constant 7 : i32
          %swap3A_794 = arith.index_cast %swap3A_792 : i32 to index
          %swap3A_795 = arith.index_cast %swap3A_793 : i32 to index
          %swap3A_796 = arith.index_cast %mul3A_533 : i32 to index
          %swap3A_797 = tpu.vector_load %arg10[%swap3A_794, %swap3A_795, %swap3A_796] {strides = array<i32>} : memref<2x32x1280xf32, #tpu.memory_space<vmem>>, vector<1x1x16xf32>,
          %swap3A_798 = vector.shape_cast %swap3A_797 : vector<1x1x16xf32> to vector<16xf32>
          %swap3A_799 = vector.shape_cast %mul3A_791 : vector<16xf32> to vector<1x1x16xf32>
          tpu.vector_store %arg10[%swap3A_794, %swap3A_795, %swap3A_796], %swap3A_799 {strides = array<i32>} : memref<2x32x1280xf32, #tpu.memory_space<vmem>>, vector<1x1x16xf32>,
        }
        %scan3A_207 = arith.constant 80 : i32
        %get3A_208 = arith.constant 512 : index
        %get3A_209 = tpu.vector_load %arg8[%get3A_208] {strides = array<i32>} : memref<1024xf32, #tpu.memory_space<vmem>>, vector<16xf32>,
        %get3A_210 = vector.shape_cast %get3A_209 : vector<16xf32> to vector<16xf32>
        %get3A_211 = arith.constant 528 : index
        %get3A_212 = tpu.vector_load %arg8[%get3A_211] {strides = array<i32>} : memref<1024xf32, #tpu.memory_space<vmem>>, vector<16xf32>,
        %get3A_213 = vector.shape_cast %get3A_212 : vector<16xf32> to vector<16xf32>
        %get3A_214 = arith.constant 544 : index
        %get3A_215 = tpu.vector_load %arg8[%get3A_214] {strides = array<i32>} : memref<1024xf32, #tpu.memory_space<vmem>>, vector<16xf32>,
        %get3A_216 = vector.shape_cast %get3A_215 : vector<16xf32> to vector<16xf32>
        %get3A_217 = arith.constant 560 : index
        %get3A_218 = tpu.vector_load %arg8[%get3A_217] {strides = array<i32>} : memref<1024xf32, #tpu.memory_space<vmem>>, vector<16xf32>,
        %get3A_219 = vector.shape_cast %get3A_218 : vector<16xf32> to vector<16xf32>
        %get3A_220 = arith.constant 576 : index
        %get3A_221 = tpu.vector_load %arg8[%get3A_220] {strides = array<i32>} : memref<1024xf32, #tpu.memory_space<vmem>>, vector<16xf32>,
        %get3A_222 = vector.shape_cast %get3A_221 : vector<16xf32> to vector<16xf32>
        %get3A_223 = arith.constant 592 : index
        %get3A_224 = tpu.vector_load %arg8[%get3A_223] {strides = array<i32>} : memref<1024xf32, #tpu.memory_space<vmem>>, vector<16xf32>,
        %get3A_225 = vector.shape_cast %get3A_224 : vector<16xf32> to vector<16xf32>
        %get3A_226 = arith.constant 608 : index
        %get3A_227 = tpu.vector_load %arg8[%get3A_226] {strides = array<i32>} : memref<1024xf32, #tpu.memory_space<vmem>>, vector<16xf32>,
        %get3A_228 = vector.shape_cast %get3A_227 : vector<16xf32> to vector<16xf32>
        %get3A_229 = arith.constant 624 : index
        %get3A_230 = tpu.vector_load %arg8[%get3A_229] {strides = array<i32>} : memref<1024xf32, #tpu.memory_space<vmem>>, vector<16xf32>,
        %get3A_231 = vector.shape_cast %get3A_230 : vector<16xf32> to vector<16xf32>
        %get3A_232 = arith.constant 640 : index
        %get3A_233 = tpu.vector_load %arg8[%get3A_232] {strides = array<i32>} : memref<1024xf32, #tpu.memory_space<vmem>>, vector<16xf32>,
        %get3A_234 = vector.shape_cast %get3A_233 : vector<16xf32> to vector<16xf32>
        %get3A_235 = arith.constant 656 : index
        %get3A_236 = tpu.vector_load %arg8[%get3A_235] {strides = array<i32>} : memref<1024xf32, #tpu.memory_space<vmem>>, vector<16xf32>,
        %get3A_237 = vector.shape_cast %get3A_236 : vector<16xf32> to vector<16xf32>
        %get3A_238 = arith.constant 672 : index
        %get3A_239 = tpu.vector_load %arg8[%get3A_238] {strides = array<i32>} : memref<1024xf32, #tpu.memory_space<vmem>>, vector<16xf32>,
        %get3A_240 = vector.shape_cast %get3A_239 : vector<16xf32> to vector<16xf32>
        %get3A_241 = arith.constant 688 : index
        %get3A_242 = tpu.vector_load %arg8[%get3A_241] {strides = array<i32>} : memref<1024xf32, #tpu.memory_space<vmem>>, vector<16xf32>,
        %get3A_243 = vector.shape_cast %get3A_242 : vector<16xf32> to vector<16xf32>
        %get3A_244 = arith.constant 704 : index
        %get3A_245 = tpu.vector_load %arg8[%get3A_244] {strides = array<i32>} : memref<1024xf32, #tpu.memory_space<vmem>>, vector<16xf32>,
        %get3A_246 = vector.shape_cast %get3A_245 : vector<16xf32> to vector<16xf32>
        %get3A_247 = arith.constant 720 : index
        %get3A_248 = tpu.vector_load %arg8[%get3A_247] {strides = array<i32>} : memref<1024xf32, #tpu.memory_space<vmem>>, vector<16xf32>,
        %get3A_249 = vector.shape_cast %get3A_248 : vector<16xf32> to vector<16xf32>
        %get3A_250 = arith.constant 736 : index
        %get3A_251 = tpu.vector_load %arg8[%get3A_250] {strides = array<i32>} : memref<1024xf32, #tpu.memory_space<vmem>>, vector<16xf32>,
        %get3A_252 = vector.shape_cast %get3A_251 : vector<16xf32> to vector<16xf32>
        %get3A_253 = arith.constant 752 : index
        %get3A_254 = tpu.vector_load %arg8[%get3A_253] {strides = array<i32>} : memref<1024xf32, #tpu.memory_space<vmem>>, vector<16xf32>,
        %get3A_255 = vector.shape_cast %get3A_254 : vector<16xf32> to vector<16xf32>
        %get3A_256 = arith.constant 768 : index
        %get3A_257 = tpu.vector_load %arg8[%get3A_256] {strides = array<i32>} : memref<1024xf32, #tpu.memory_space<vmem>>, vector<16xf32>,
        %get3A_258 = vector.shape_cast %get3A_257 : vector<16xf32> to vector<16xf32>
        %get3A_259 = arith.constant 784 : index
        %get3A_260 = tpu.vector_load %arg8[%get3A_259] {strides = array<i32>} : memref<1024xf32, #tpu.memory_space<vmem>>, vector<16xf32>,
        %get3A_261 = vector.shape_cast %get3A_260 : vector<16xf32> to vector<16xf32>
        %get3A_262 = arith.constant 800 : index
        %get3A_263 = tpu.vector_load %arg8[%get3A_262] {strides = array<i32>} : memref<1024xf32, #tpu.memory_space<vmem>>, vector<16xf32>,
        %get3A_264 = vector.shape_cast %get3A_263 : vector<16xf32> to vector<16xf32>
        %get3A_265 = arith.constant 816 : index
        %get3A_266 = tpu.vector_load %arg8[%get3A_265] {strides = array<i32>} : memref<1024xf32, #tpu.memory_space<vmem>>, vector<16xf32>,
        %get3A_267 = vector.shape_cast %get3A_266 : vector<16xf32> to vector<16xf32>
        %get3A_268 = arith.constant 832 : index
        %get3A_269 = tpu.vector_load %arg8[%get3A_268] {strides = array<i32>} : memref<1024xf32, #tpu.memory_space<vmem>>, vector<16xf32>,
        %get3A_270 = vector.shape_cast %get3A_269 : vector<16xf32> to vector<16xf32>
        %get3A_271 = arith.constant 848 : index
        %get3A_272 = tpu.vector_load %arg8[%get3A_271] {strides = array<i32>} : memref<1024xf32, #tpu.memory_space<vmem>>, vector<16xf32>,
        %get3A_273 = vector.shape_cast %get3A_272 : vector<16xf32> to vector<16xf32>
        %get3A_274 = arith.constant 864 : index
        %get3A_275 = tpu.vector_load %arg8[%get3A_274] {strides = array<i32>} : memref<1024xf32, #tpu.memory_space<vmem>>, vector<16xf32>,
        %get3A_276 = vector.shape_cast %get3A_275 : vector<16xf32> to vector<16xf32>
        %get3A_277 = arith.constant 880 : index
        %get3A_278 = tpu.vector_load %arg8[%get3A_277] {strides = array<i32>} : memref<1024xf32, #tpu.memory_space<vmem>>, vector<16xf32>,
        %get3A_279 = vector.shape_cast %get3A_278 : vector<16xf32> to vector<16xf32>
        %get3A_280 = arith.constant 896 : index
        %get3A_281 = tpu.vector_load %arg8[%get3A_280] {strides = array<i32>} : memref<1024xf32, #tpu.memory_space<vmem>>, vector<16xf32>,
        %get3A_282 = vector.shape_cast %get3A_281 : vector<16xf32> to vector<16xf32>
        %get3A_283 = arith.constant 912 : index
        %get3A_284 = tpu.vector_load %arg8[%get3A_283] {strides = array<i32>} : memref<1024xf32, #tpu.memory_space<vmem>>, vector<16xf32>,
        %get3A_285 = vector.shape_cast %get3A_284 : vector<16xf32> to vector<16xf32>
        %get3A_286 = arith.constant 928 : index
        %get3A_287 = tpu.vector_load %arg8[%get3A_286] {strides = array<i32>} : memref<1024xf32, #tpu.memory_space<vmem>>, vector<16xf32>,
        %get3A_288 = vector.shape_cast %get3A_287 : vector<16xf32> to vector<16xf32>
        %get3A_289 = arith.constant 944 : index
        %get3A_290 = tpu.vector_load %arg8[%get3A_289] {strides = array<i32>} : memref<1024xf32, #tpu.memory_space<vmem>>, vector<16xf32>,
        %get3A_291 = vector.shape_cast %get3A_290 : vector<16xf32> to vector<16xf32>
        %get3A_292 = arith.constant 960 : index
        %get3A_293 = tpu.vector_load %arg8[%get3A_292] {strides = array<i32>} : memref<1024xf32, #tpu.memory_space<vmem>>, vector<16xf32>,
        %get3A_294 = vector.shape_cast %get3A_293 : vector<16xf32> to vector<16xf32>
        %get3A_295 = arith.constant 976 : index
        %get3A_296 = tpu.vector_load %arg8[%get3A_295] {strides = array<i32>} : memref<1024xf32, #tpu.memory_space<vmem>>, vector<16xf32>,
        %get3A_297 = vector.shape_cast %get3A_296 : vector<16xf32> to vector<16xf32>
        %get3A_298 = arith.constant 992 : index
        %get3A_299 = tpu.vector_load %arg8[%get3A_298] {strides = array<i32>} : memref<1024xf32, #tpu.memory_space<vmem>>, vector<16xf32>,
        %get3A_300 = vector.shape_cast %get3A_299 : vector<16xf32> to vector<16xf32>
        %get3A_301 = arith.constant 1008 : index
        %get3A_302 = tpu.vector_load %arg8[%get3A_301] {strides = array<i32>} : memref<1024xf32, #tpu.memory_space<vmem>>, vector<16xf32>,
        %get3A_303 = vector.shape_cast %get3A_302 : vector<16xf32> to vector<16xf32>
        %scan3A_304 = arith.constant 0 : i32
        %scan3A_305 = arith.constant 0 : i32
        %scan3A_306 = arith.constant 80 : i32
        %scan3A_307 = arith.addi %scan3A_305, %scan3A_306 : i32
        %scan3A_308 = arith.constant 1 : i32
        scf.for %scan3A_531 = %scan3A_305 to %scan3A_307 step %scan3A_308  : i32 {
          %mul3A_532 = arith.constant 16 : i32
          %mul3A_533 = arith.muli %scan3A_531, %mul3A_532 : i32
          %get3A_534 = arith.constant 0 : i32
          %get3A_535 = arith.constant 0 : i32
          %get3A_536 = arith.index_cast %get3A_534 : i32 to index
          %get3A_537 = arith.index_cast %get3A_535 : i32 to index
          %get3A_538 = arith.index_cast %mul3A_533 : i32 to index
          %get3A_539 = tpu.vector_load %arg7[%get3A_536, %get3A_537, %get3A_538] {strides = array<i32>} : memref<2x2x1280xi32, #tpu.memory_space<vmem>>, vector<1x1x16xi32>,
          %get3A_540 = vector.shape_cast %get3A_539 : vector<1x1x16xi32> to vector<16xi32>
          %shift_right_arithmetic3A = arith.constant 4 : i32
          %shift_right_arithmetic3A_541 = vector.broadcast %shift_right_arithmetic3A : i32 to vector<16xi32>
          %shift_right_arithmetic3A_542 = arith.shrsi %get3A_540, %shift_right_arithmetic3A_541 : vector<16xi32>
          %and3A_543 = arith.constant 15 : i32
          %and3A_544 = vector.broadcast %and3A_543 : i32 to vector<16xi32>
          %and3A_545 = arith.andi %get3A_540, %and3A_544 : vector<16xi32>
          %eq3A_546 = arith.constant 1 : i32
          %eq3A_547 = vector.broadcast %eq3A_546 : i32 to vector<16xi32>
          %eq3A_548 = arith.cmpi eq, %shift_right_arithmetic3A_542, %eq3A_547 : vector<16xi32>
          %eq3A_549 = arith.constant 2 : i32
          %eq3A_550 = vector.broadcast %eq3A_549 : i32 to vector<16xi32>
          %eq3A_551 = arith.cmpi eq, %shift_right_arithmetic3A_542, %eq3A_550 : vector<16xi32>
          %eq3A_552 = arith.constant 3 : i32
          %eq3A_553 = vector.broadcast %eq3A_552 : i32 to vector<16xi32>
          %eq3A_554 = arith.cmpi eq, %shift_right_arithmetic3A_542, %eq3A_553 : vector<16xi32>
          %broadcast_in_dim3A = vector.shape_cast %and3A_545 : vector<16xi32> to vector<16x1xi32>
          %gather3A = vector.shape_cast %broadcast_in_dim3A : vector<16x1xi32> to vector<16xi32>
          %gather3A_555 = tpu.dynamic_gather %get3A_219[%gather3A] in [0] : vector<16xf32>, vector<16xi32> -> vector<16xf32>
          %broadcast_in_dim3A_556 = vector.shape_cast %and3A_545 : vector<16xi32> to vector<16x1xi32>
          %gather3A_557 = vector.shape_cast %broadcast_in_dim3A_556 : vector<16x1xi32> to vector<16xi32>
          %gather3A_558 = tpu.dynamic_gather %get3A_216[%gather3A_557] in [0] : vector<16xf32>, vector<16xi32> -> vector<16xf32>
          %broadcast_in_dim3A_559 = vector.shape_cast %and3A_545 : vector<16xi32> to vector<16x1xi32>
          %gather3A_560 = vector.shape_cast %broadcast_in_dim3A_559 : vector<16x1xi32> to vector<16xi32>
          %gather3A_561 = tpu.dynamic_gather %get3A_213[%gather3A_560] in [0] : vector<16xf32>, vector<16xi32> -> vector<16xf32>
          %broadcast_in_dim3A_562 = vector.shape_cast %and3A_545 : vector<16xi32> to vector<16x1xi32>
          %gather3A_563 = vector.shape_cast %broadcast_in_dim3A_562 : vector<16x1xi32> to vector<16xi32>
          %gather3A_564 = tpu.dynamic_gather %get3A_210[%gather3A_563] in [0] : vector<16xf32>, vector<16xi32> -> vector<16xf32>
          %select_n3A_565 = arith.select %eq3A_548, %gather3A_561, %gather3A_564 : vector<16xi1>, vector<16xf32>
          %select_n3A_566 = arith.select %eq3A_551, %gather3A_558, %select_n3A_565 : vector<16xi1>, vector<16xf32>
          %select_n3A_567 = arith.select %eq3A_554, %gather3A_555, %select_n3A_566 : vector<16xi1>, vector<16xf32>
          %get3A_568 = arith.constant 0 : i32
          %get3A_569 = arith.constant 8 : i32
          %get3A_570 = arith.index_cast %get3A_568 : i32 to index
          %get3A_571 = arith.index_cast %get3A_569 : i32 to index
          %get3A_572 = arith.index_cast %mul3A_533 : i32 to index
          %get3A_573 = tpu.vector_load %arg10[%get3A_570, %get3A_571, %get3A_572] {strides = array<i32>} : memref<2x32x1280xf32, #tpu.memory_space<vmem>>, vector<1x1x16xf32>,
          %get3A_574 = vector.shape_cast %get3A_573 : vector<1x1x16xf32> to vector<16xf32>
          %mul3A_575 = arith.mulf %select_n3A_567, %get3A_574 : vector<16xf32>
          %swap3A = arith.constant 0 : i32
          %swap3A_576 = arith.constant 8 : i32
          %swap3A_577 = arith.index_cast %swap3A : i32 to index
          %swap3A_578 = arith.index_cast %swap3A_576 : i32 to index
          %swap3A_579 = arith.index_cast %mul3A_533 : i32 to index
          %swap3A_580 = tpu.vector_load %arg10[%swap3A_577, %swap3A_578, %swap3A_579] {strides = array<i32>} : memref<2x32x1280xf32, #tpu.memory_space<vmem>>, vector<1x1x16xf32>,
          %swap3A_581 = vector.shape_cast %swap3A_580 : vector<1x1x16xf32> to vector<16xf32>
          %swap3A_582 = vector.shape_cast %mul3A_575 : vector<16xf32> to vector<1x1x16xf32>
          tpu.vector_store %arg10[%swap3A_577, %swap3A_578, %swap3A_579], %swap3A_582 {strides = array<i32>} : memref<2x32x1280xf32, #tpu.memory_space<vmem>>, vector<1x1x16xf32>,
          %broadcast_in_dim3A_583 = vector.shape_cast %and3A_545 : vector<16xi32> to vector<16x1xi32>
          %gather3A_584 = vector.shape_cast %broadcast_in_dim3A_583 : vector<16x1xi32> to vector<16xi32>
          %gather3A_585 = tpu.dynamic_gather %get3A_231[%gather3A_584] in [0] : vector<16xf32>, vector<16xi32> -> vector<16xf32>
          %broadcast_in_dim3A_586 = vector.shape_cast %and3A_545 : vector<16xi32> to vector<16x1xi32>
          %gather3A_587 = vector.shape_cast %broadcast_in_dim3A_586 : vector<16x1xi32> to vector<16xi32>
          %gather3A_588 = tpu.dynamic_gather %get3A_228[%gather3A_587] in [0] : vector<16xf32>, vector<16xi32> -> vector<16xf32>
          %broadcast_in_dim3A_589 = vector.shape_cast %and3A_545 : vector<16xi32> to vector<16x1xi32>
          %gather3A_590 = vector.shape_cast %broadcast_in_dim3A_589 : vector<16x1xi32> to vector<16xi32>
          %gather3A_591 = tpu.dynamic_gather %get3A_225[%gather3A_590] in [0] : vector<16xf32>, vector<16xi32> -> vector<16xf32>
          %broadcast_in_dim3A_592 = vector.shape_cast %and3A_545 : vector<16xi32> to vector<16x1xi32>
          %gather3A_593 = vector.shape_cast %broadcast_in_dim3A_592 : vector<16x1xi32> to vector<16xi32>
          %gather3A_594 = tpu.dynamic_gather %get3A_222[%gather3A_593] in [0] : vector<16xf32>, vector<16xi32> -> vector<16xf32>
          %select_n3A_595 = arith.select %eq3A_548, %gather3A_591, %gather3A_594 : vector<16xi1>, vector<16xf32>
          %select_n3A_596 = arith.select %eq3A_551, %gather3A_588, %select_n3A_595 : vector<16xi1>, vector<16xf32>
          %select_n3A_597 = arith.select %eq3A_554, %gather3A_585, %select_n3A_596 : vector<16xi1>, vector<16xf32>
          %get3A_598 = arith.constant 0 : i32
          %get3A_599 = arith.constant 9 : i32
          %get3A_600 = arith.index_cast %get3A_598 : i32 to index
          %get3A_601 = arith.index_cast %get3A_599 : i32 to index
          %get3A_602 = arith.index_cast %mul3A_533 : i32 to index
          %get3A_603 = tpu.vector_load %arg10[%get3A_600, %get3A_601, %get3A_602] {strides = array<i32>} : memref<2x32x1280xf32, #tpu.memory_space<vmem>>, vector<1x1x16xf32>,
          %get3A_604 = vector.shape_cast %get3A_603 : vector<1x1x16xf32> to vector<16xf32>
          %mul3A_605 = arith.mulf %select_n3A_597, %get3A_604 : vector<16xf32>
          %swap3A_606 = arith.constant 0 : i32
          %swap3A_607 = arith.constant 9 : i32
          %swap3A_608 = arith.index_cast %swap3A_606 : i32 to index
          %swap3A_609 = arith.index_cast %swap3A_607 : i32 to index
          %swap3A_610 = arith.index_cast %mul3A_533 : i32 to index
          %swap3A_611 = tpu.vector_load %arg10[%swap3A_608, %swap3A_609, %swap3A_610] {strides = array<i32>} : memref<2x32x1280xf32, #tpu.memory_space<vmem>>, vector<1x1x16xf32>,
          %swap3A_612 = vector.shape_cast %swap3A_611 : vector<1x1x16xf32> to vector<16xf32>
          %swap3A_613 = vector.shape_cast %mul3A_605 : vector<16xf32> to vector<1x1x16xf32>
          tpu.vector_store %arg10[%swap3A_608, %swap3A_609, %swap3A_610], %swap3A_613 {strides = array<i32>} : memref<2x32x1280xf32, #tpu.memory_space<vmem>>, vector<1x1x16xf32>,
          %broadcast_in_dim3A_614 = vector.shape_cast %and3A_545 : vector<16xi32> to vector<16x1xi32>
          %gather3A_615 = vector.shape_cast %broadcast_in_dim3A_614 : vector<16x1xi32> to vector<16xi32>
          %gather3A_616 = tpu.dynamic_gather %get3A_243[%gather3A_615] in [0] : vector<16xf32>, vector<16xi32> -> vector<16xf32>
          %broadcast_in_dim3A_617 = vector.shape_cast %and3A_545 : vector<16xi32> to vector<16x1xi32>
          %gather3A_618 = vector.shape_cast %broadcast_in_dim3A_617 : vector<16x1xi32> to vector<16xi32>
          %gather3A_619 = tpu.dynamic_gather %get3A_240[%gather3A_618] in [0] : vector<16xf32>, vector<16xi32> -> vector<16xf32>
          %broadcast_in_dim3A_620 = vector.shape_cast %and3A_545 : vector<16xi32> to vector<16x1xi32>
          %gather3A_621 = vector.shape_cast %broadcast_in_dim3A_620 : vector<16x1xi32> to vector<16xi32>
          %gather3A_622 = tpu.dynamic_gather %get3A_237[%gather3A_621] in [0] : vector<16xf32>, vector<16xi32> -> vector<16xf32>
          %broadcast_in_dim3A_623 = vector.shape_cast %and3A_545 : vector<16xi32> to vector<16x1xi32>
          %gather3A_624 = vector.shape_cast %broadcast_in_dim3A_623 : vector<16x1xi32> to vector<16xi32>
          %gather3A_625 = tpu.dynamic_gather %get3A_234[%gather3A_624] in [0] : vector<16xf32>, vector<16xi32> -> vector<16xf32>
          %select_n3A_626 = arith.select %eq3A_548, %gather3A_622, %gather3A_625 : vector<16xi1>, vector<16xf32>
          %select_n3A_627 = arith.select %eq3A_551, %gather3A_619, %select_n3A_626 : vector<16xi1>, vector<16xf32>
          %select_n3A_628 = arith.select %eq3A_554, %gather3A_616, %select_n3A_627 : vector<16xi1>, vector<16xf32>
          %get3A_629 = arith.constant 0 : i32
          %get3A_630 = arith.constant 10 : i32
          %get3A_631 = arith.index_cast %get3A_629 : i32 to index
          %get3A_632 = arith.index_cast %get3A_630 : i32 to index
          %get3A_633 = arith.index_cast %mul3A_533 : i32 to index
          %get3A_634 = tpu.vector_load %arg10[%get3A_631, %get3A_632, %get3A_633] {strides = array<i32>} : memref<2x32x1280xf32, #tpu.memory_space<vmem>>, vector<1x1x16xf32>,
          %get3A_635 = vector.shape_cast %get3A_634 : vector<1x1x16xf32> to vector<16xf32>
          %mul3A_636 = arith.mulf %select_n3A_628, %get3A_635 : vector<16xf32>
          %swap3A_637 = arith.constant 0 : i32
          %swap3A_638 = arith.constant 10 : i32
          %swap3A_639 = arith.index_cast %swap3A_637 : i32 to index
          %swap3A_640 = arith.index_cast %swap3A_638 : i32 to index
          %swap3A_641 = arith.index_cast %mul3A_533 : i32 to index
          %swap3A_642 = tpu.vector_load %arg10[%swap3A_639, %swap3A_640, %swap3A_641] {strides = array<i32>} : memref<2x32x1280xf32, #tpu.memory_space<vmem>>, vector<1x1x16xf32>,
          %swap3A_643 = vector.shape_cast %swap3A_642 : vector<1x1x16xf32> to vector<16xf32>
          %swap3A_644 = vector.shape_cast %mul3A_636 : vector<16xf32> to vector<1x1x16xf32>
          tpu.vector_store %arg10[%swap3A_639, %swap3A_640, %swap3A_641], %swap3A_644 {strides = array<i32>} : memref<2x32x1280xf32, #tpu.memory_space<vmem>>, vector<1x1x16xf32>,
          %broadcast_in_dim3A_645 = vector.shape_cast %and3A_545 : vector<16xi32> to vector<16x1xi32>
          %gather3A_646 = vector.shape_cast %broadcast_in_dim3A_645 : vector<16x1xi32> to vector<16xi32>
          %gather3A_647 = tpu.dynamic_gather %get3A_255[%gather3A_646] in [0] : vector<16xf32>, vector<16xi32> -> vector<16xf32>
          %broadcast_in_dim3A_648 = vector.shape_cast %and3A_545 : vector<16xi32> to vector<16x1xi32>
          %gather3A_649 = vector.shape_cast %broadcast_in_dim3A_648 : vector<16x1xi32> to vector<16xi32>
          %gather3A_650 = tpu.dynamic_gather %get3A_252[%gather3A_649] in [0] : vector<16xf32>, vector<16xi32> -> vector<16xf32>
          %broadcast_in_dim3A_651 = vector.shape_cast %and3A_545 : vector<16xi32> to vector<16x1xi32>
          %gather3A_652 = vector.shape_cast %broadcast_in_dim3A_651 : vector<16x1xi32> to vector<16xi32>
          %gather3A_653 = tpu.dynamic_gather %get3A_249[%gather3A_652] in [0] : vector<16xf32>, vector<16xi32> -> vector<16xf32>
          %broadcast_in_dim3A_654 = vector.shape_cast %and3A_545 : vector<16xi32> to vector<16x1xi32>
          %gather3A_655 = vector.shape_cast %broadcast_in_dim3A_654 : vector<16x1xi32> to vector<16xi32>
          %gather3A_656 = tpu.dynamic_gather %get3A_246[%gather3A_655] in [0] : vector<16xf32>, vector<16xi32> -> vector<16xf32>
          %select_n3A_657 = arith.select %eq3A_548, %gather3A_653, %gather3A_656 : vector<16xi1>, vector<16xf32>
          %select_n3A_658 = arith.select %eq3A_551, %gather3A_650, %select_n3A_657 : vector<16xi1>, vector<16xf32>
          %select_n3A_659 = arith.select %eq3A_554, %gather3A_647, %select_n3A_658 : vector<16xi1>, vector<16xf32>
          %get3A_660 = arith.constant 0 : i32
          %get3A_661 = arith.constant 11 : i32
          %get3A_662 = arith.index_cast %get3A_660 : i32 to index
          %get3A_663 = arith.index_cast %get3A_661 : i32 to index
          %get3A_664 = arith.index_cast %mul3A_533 : i32 to index
          %get3A_665 = tpu.vector_load %arg10[%get3A_662, %get3A_663, %get3A_664] {strides = array<i32>} : memref<2x32x1280xf32, #tpu.memory_space<vmem>>, vector<1x1x16xf32>,
          %get3A_666 = vector.shape_cast %get3A_665 : vector<1x1x16xf32> to vector<16xf32>
          %mul3A_667 = arith.mulf %select_n3A_659, %get3A_666 : vector<16xf32>
          %swap3A_668 = arith.constant 0 : i32
          %swap3A_669 = arith.constant 11 : i32
          %swap3A_670 = arith.index_cast %swap3A_668 : i32 to index
          %swap3A_671 = arith.index_cast %swap3A_669 : i32 to index
          %swap3A_672 = arith.index_cast %mul3A_533 : i32 to index
          %swap3A_673 = tpu.vector_load %arg10[%swap3A_670, %swap3A_671, %swap3A_672] {strides = array<i32>} : memref<2x32x1280xf32, #tpu.memory_space<vmem>>, vector<1x1x16xf32>,
          %swap3A_674 = vector.shape_cast %swap3A_673 : vector<1x1x16xf32> to vector<16xf32>
          %swap3A_675 = vector.shape_cast %mul3A_667 : vector<16xf32> to vector<1x1x16xf32>
          tpu.vector_store %arg10[%swap3A_670, %swap3A_671, %swap3A_672], %swap3A_675 {strides = array<i32>} : memref<2x32x1280xf32, #tpu.memory_space<vmem>>, vector<1x1x16xf32>,
          %broadcast_in_dim3A_676 = vector.shape_cast %and3A_545 : vector<16xi32> to vector<16x1xi32>
          %gather3A_677 = vector.shape_cast %broadcast_in_dim3A_676 : vector<16x1xi32> to vector<16xi32>
          %gather3A_678 = tpu.dynamic_gather %get3A_267[%gather3A_677] in [0] : vector<16xf32>, vector<16xi32> -> vector<16xf32>
          %broadcast_in_dim3A_679 = vector.shape_cast %and3A_545 : vector<16xi32> to vector<16x1xi32>
          %gather3A_680 = vector.shape_cast %broadcast_in_dim3A_679 : vector<16x1xi32> to vector<16xi32>
          %gather3A_681 = tpu.dynamic_gather %get3A_264[%gather3A_680] in [0] : vector<16xf32>, vector<16xi32> -> vector<16xf32>
          %broadcast_in_dim3A_682 = vector.shape_cast %and3A_545 : vector<16xi32> to vector<16x1xi32>
          %gather3A_683 = vector.shape_cast %broadcast_in_dim3A_682 : vector<16x1xi32> to vector<16xi32>
          %gather3A_684 = tpu.dynamic_gather %get3A_261[%gather3A_683] in [0] : vector<16xf32>, vector<16xi32> -> vector<16xf32>
          %broadcast_in_dim3A_685 = vector.shape_cast %and3A_545 : vector<16xi32> to vector<16x1xi32>
          %gather3A_686 = vector.shape_cast %broadcast_in_dim3A_685 : vector<16x1xi32> to vector<16xi32>
          %gather3A_687 = tpu.dynamic_gather %get3A_258[%gather3A_686] in [0] : vector<16xf32>, vector<16xi32> -> vector<16xf32>
          %select_n3A_688 = arith.select %eq3A_548, %gather3A_684, %gather3A_687 : vector<16xi1>, vector<16xf32>
          %select_n3A_689 = arith.select %eq3A_551, %gather3A_681, %select_n3A_688 : vector<16xi1>, vector<16xf32>
          %select_n3A_690 = arith.select %eq3A_554, %gather3A_678, %select_n3A_689 : vector<16xi1>, vector<16xf32>
          %get3A_691 = arith.constant 0 : i32
          %get3A_692 = arith.constant 12 : i32
          %get3A_693 = arith.index_cast %get3A_691 : i32 to index
          %get3A_694 = arith.index_cast %get3A_692 : i32 to index
          %get3A_695 = arith.index_cast %mul3A_533 : i32 to index
          %get3A_696 = tpu.vector_load %arg10[%get3A_693, %get3A_694, %get3A_695] {strides = array<i32>} : memref<2x32x1280xf32, #tpu.memory_space<vmem>>, vector<1x1x16xf32>,
          %get3A_697 = vector.shape_cast %get3A_696 : vector<1x1x16xf32> to vector<16xf32>
          %mul3A_698 = arith.mulf %select_n3A_690, %get3A_697 : vector<16xf32>
          %swap3A_699 = arith.constant 0 : i32
          %swap3A_700 = arith.constant 12 : i32
          %swap3A_701 = arith.index_cast %swap3A_699 : i32 to index
          %swap3A_702 = arith.index_cast %swap3A_700 : i32 to index
          %swap3A_703 = arith.index_cast %mul3A_533 : i32 to index
          %swap3A_704 = tpu.vector_load %arg10[%swap3A_701, %swap3A_702, %swap3A_703] {strides = array<i32>} : memref<2x32x1280xf32, #tpu.memory_space<vmem>>, vector<1x1x16xf32>,
          %swap3A_705 = vector.shape_cast %swap3A_704 : vector<1x1x16xf32> to vector<16xf32>
          %swap3A_706 = vector.shape_cast %mul3A_698 : vector<16xf32> to vector<1x1x16xf32>
          tpu.vector_store %arg10[%swap3A_701, %swap3A_702, %swap3A_703], %swap3A_706 {strides = array<i32>} : memref<2x32x1280xf32, #tpu.memory_space<vmem>>, vector<1x1x16xf32>,
          %broadcast_in_dim3A_707 = vector.shape_cast %and3A_545 : vector<16xi32> to vector<16x1xi32>
          %gather3A_708 = vector.shape_cast %broadcast_in_dim3A_707 : vector<16x1xi32> to vector<16xi32>
          %gather3A_709 = tpu.dynamic_gather %get3A_279[%gather3A_708] in [0] : vector<16xf32>, vector<16xi32> -> vector<16xf32>
          %broadcast_in_dim3A_710 = vector.shape_cast %and3A_545 : vector<16xi32> to vector<16x1xi32>
          %gather3A_711 = vector.shape_cast %broadcast_in_dim3A_710 : vector<16x1xi32> to vector<16xi32>
          %gather3A_712 = tpu.dynamic_gather %get3A_276[%gather3A_711] in [0] : vector<16xf32>, vector<16xi32> -> vector<16xf32>
          %broadcast_in_dim3A_713 = vector.shape_cast %and3A_545 : vector<16xi32> to vector<16x1xi32>
          %gather3A_714 = vector.shape_cast %broadcast_in_dim3A_713 : vector<16x1xi32> to vector<16xi32>
          %gather3A_715 = tpu.dynamic_gather %get3A_273[%gather3A_714] in [0] : vector<16xf32>, vector<16xi32> -> vector<16xf32>
          %broadcast_in_dim3A_716 = vector.shape_cast %and3A_545 : vector<16xi32> to vector<16x1xi32>
          %gather3A_717 = vector.shape_cast %broadcast_in_dim3A_716 : vector<16x1xi32> to vector<16xi32>
          %gather3A_718 = tpu.dynamic_gather %get3A_270[%gather3A_717] in [0] : vector<16xf32>, vector<16xi32> -> vector<16xf32>
          %select_n3A_719 = arith.select %eq3A_548, %gather3A_715, %gather3A_718 : vector<16xi1>, vector<16xf32>
          %select_n3A_720 = arith.select %eq3A_551, %gather3A_712, %select_n3A_719 : vector<16xi1>, vector<16xf32>
          %select_n3A_721 = arith.select %eq3A_554, %gather3A_709, %select_n3A_720 : vector<16xi1>, vector<16xf32>
          %get3A_722 = arith.constant 0 : i32
          %get3A_723 = arith.constant 13 : i32
          %get3A_724 = arith.index_cast %get3A_722 : i32 to index
          %get3A_725 = arith.index_cast %get3A_723 : i32 to index
          %get3A_726 = arith.index_cast %mul3A_533 : i32 to index
          %get3A_727 = tpu.vector_load %arg10[%get3A_724, %get3A_725, %get3A_726] {strides = array<i32>} : memref<2x32x1280xf32, #tpu.memory_space<vmem>>, vector<1x1x16xf32>,
          %get3A_728 = vector.shape_cast %get3A_727 : vector<1x1x16xf32> to vector<16xf32>
          %mul3A_729 = arith.mulf %select_n3A_721, %get3A_728 : vector<16xf32>
          %swap3A_730 = arith.constant 0 : i32
          %swap3A_731 = arith.constant 13 : i32
          %swap3A_732 = arith.index_cast %swap3A_730 : i32 to index
          %swap3A_733 = arith.index_cast %swap3A_731 : i32 to index
          %swap3A_734 = arith.index_cast %mul3A_533 : i32 to index
          %swap3A_735 = tpu.vector_load %arg10[%swap3A_732, %swap3A_733, %swap3A_734] {strides = array<i32>} : memref<2x32x1280xf32, #tpu.memory_space<vmem>>, vector<1x1x16xf32>,
          %swap3A_736 = vector.shape_cast %swap3A_735 : vector<1x1x16xf32> to vector<16xf32>
          %swap3A_737 = vector.shape_cast %mul3A_729 : vector<16xf32> to vector<1x1x16xf32>
          tpu.vector_store %arg10[%swap3A_732, %swap3A_733, %swap3A_734], %swap3A_737 {strides = array<i32>} : memref<2x32x1280xf32, #tpu.memory_space<vmem>>, vector<1x1x16xf32>,
          %broadcast_in_dim3A_738 = vector.shape_cast %and3A_545 : vector<16xi32> to vector<16x1xi32>
          %gather3A_739 = vector.shape_cast %broadcast_in_dim3A_738 : vector<16x1xi32> to vector<16xi32>
          %gather3A_740 = tpu.dynamic_gather %get3A_291[%gather3A_739] in [0] : vector<16xf32>, vector<16xi32> -> vector<16xf32>
          %broadcast_in_dim3A_741 = vector.shape_cast %and3A_545 : vector<16xi32> to vector<16x1xi32>
          %gather3A_742 = vector.shape_cast %broadcast_in_dim3A_741 : vector<16x1xi32> to vector<16xi32>
          %gather3A_743 = tpu.dynamic_gather %get3A_288[%gather3A_742] in [0] : vector<16xf32>, vector<16xi32> -> vector<16xf32>
          %broadcast_in_dim3A_744 = vector.shape_cast %and3A_545 : vector<16xi32> to vector<16x1xi32>
          %gather3A_745 = vector.shape_cast %broadcast_in_dim3A_744 : vector<16x1xi32> to vector<16xi32>
          %gather3A_746 = tpu.dynamic_gather %get3A_285[%gather3A_745] in [0] : vector<16xf32>, vector<16xi32> -> vector<16xf32>
          %broadcast_in_dim3A_747 = vector.shape_cast %and3A_545 : vector<16xi32> to vector<16x1xi32>
          %gather3A_748 = vector.shape_cast %broadcast_in_dim3A_747 : vector<16x1xi32> to vector<16xi32>
          %gather3A_749 = tpu.dynamic_gather %get3A_282[%gather3A_748] in [0] : vector<16xf32>, vector<16xi32> -> vector<16xf32>
          %select_n3A_750 = arith.select %eq3A_548, %gather3A_746, %gather3A_749 : vector<16xi1>, vector<16xf32>
          %select_n3A_751 = arith.select %eq3A_551, %gather3A_743, %select_n3A_750 : vector<16xi1>, vector<16xf32>
          %select_n3A_752 = arith.select %eq3A_554, %gather3A_740, %select_n3A_751 : vector<16xi1>, vector<16xf32>
          %get3A_753 = arith.constant 0 : i32
          %get3A_754 = arith.constant 14 : i32
          %get3A_755 = arith.index_cast %get3A_753 : i32 to index
          %get3A_756 = arith.index_cast %get3A_754 : i32 to index
          %get3A_757 = arith.index_cast %mul3A_533 : i32 to index
          %get3A_758 = tpu.vector_load %arg10[%get3A_755, %get3A_756, %get3A_757] {strides = array<i32>} : memref<2x32x1280xf32, #tpu.memory_space<vmem>>, vector<1x1x16xf32>,
          %get3A_759 = vector.shape_cast %get3A_758 : vector<1x1x16xf32> to vector<16xf32>
          %mul3A_760 = arith.mulf %select_n3A_752, %get3A_759 : vector<16xf32>
          %swap3A_761 = arith.constant 0 : i32
          %swap3A_762 = arith.constant 14 : i32
          %swap3A_763 = arith.index_cast %swap3A_761 : i32 to index
          %swap3A_764 = arith.index_cast %swap3A_762 : i32 to index
          %swap3A_765 = arith.index_cast %mul3A_533 : i32 to index
          %swap3A_766 = tpu.vector_load %arg10[%swap3A_763, %swap3A_764, %swap3A_765] {strides = array<i32>} : memref<2x32x1280xf32, #tpu.memory_space<vmem>>, vector<1x1x16xf32>,
          %swap3A_767 = vector.shape_cast %swap3A_766 : vector<1x1x16xf32> to vector<16xf32>
          %swap3A_768 = vector.shape_cast %mul3A_760 : vector<16xf32> to vector<1x1x16xf32>
          tpu.vector_store %arg10[%swap3A_763, %swap3A_764, %swap3A_765], %swap3A_768 {strides = array<i32>} : memref<2x32x1280xf32, #tpu.memory_space<vmem>>, vector<1x1x16xf32>,
          %broadcast_in_dim3A_769 = vector.shape_cast %and3A_545 : vector<16xi32> to vector<16x1xi32>
          %gather3A_770 = vector.shape_cast %broadcast_in_dim3A_769 : vector<16x1xi32> to vector<16xi32>
          %gather3A_771 = tpu.dynamic_gather %get3A_303[%gather3A_770] in [0] : vector<16xf32>, vector<16xi32> -> vector<16xf32>
          %broadcast_in_dim3A_772 = vector.shape_cast %and3A_545 : vector<16xi32> to vector<16x1xi32>
          %gather3A_773 = vector.shape_cast %broadcast_in_dim3A_772 : vector<16x1xi32> to vector<16xi32>
          %gather3A_774 = tpu.dynamic_gather %get3A_300[%gather3A_773] in [0] : vector<16xf32>, vector<16xi32> -> vector<16xf32>
          %broadcast_in_dim3A_775 = vector.shape_cast %and3A_545 : vector<16xi32> to vector<16x1xi32>
          %gather3A_776 = vector.shape_cast %broadcast_in_dim3A_775 : vector<16x1xi32> to vector<16xi32>
          %gather3A_777 = tpu.dynamic_gather %get3A_297[%gather3A_776] in [0] : vector<16xf32>, vector<16xi32> -> vector<16xf32>
          %broadcast_in_dim3A_778 = vector.shape_cast %and3A_545 : vector<16xi32> to vector<16x1xi32>
          %gather3A_779 = vector.shape_cast %broadcast_in_dim3A_778 : vector<16x1xi32> to vector<16xi32>
          %gather3A_780 = tpu.dynamic_gather %get3A_294[%gather3A_779] in [0] : vector<16xf32>, vector<16xi32> -> vector<16xf32>
          %select_n3A_781 = arith.select %eq3A_548, %gather3A_777, %gather3A_780 : vector<16xi1>, vector<16xf32>
          %select_n3A_782 = arith.select %eq3A_551, %gather3A_774, %select_n3A_781 : vector<16xi1>, vector<16xf32>
          %select_n3A_783 = arith.select %eq3A_554, %gather3A_771, %select_n3A_782 : vector<16xi1>, vector<16xf32>
          %get3A_784 = arith.constant 0 : i32
          %get3A_785 = arith.constant 15 : i32
          %get3A_786 = arith.index_cast %get3A_784 : i32 to index
          %get3A_787 = arith.index_cast %get3A_785 : i32 to index
          %get3A_788 = arith.index_cast %mul3A_533 : i32 to index
          %get3A_789 = tpu.vector_load %arg10[%get3A_786, %get3A_787, %get3A_788] {strides = array<i32>} : memref<2x32x1280xf32, #tpu.memory_space<vmem>>, vector<1x1x16xf32>,
          %get3A_790 = vector.shape_cast %get3A_789 : vector<1x1x16xf32> to vector<16xf32>
          %mul3A_791 = arith.mulf %select_n3A_783, %get3A_790 : vector<16xf32>
          %swap3A_792 = arith.constant 0 : i32
          %swap3A_793 = arith.constant 15 : i32
          %swap3A_794 = arith.index_cast %swap3A_792 : i32 to index
          %swap3A_795 = arith.index_cast %swap3A_793 : i32 to index
          %swap3A_796 = arith.index_cast %mul3A_533 : i32 to index
          %swap3A_797 = tpu.vector_load %arg10[%swap3A_794, %swap3A_795, %swap3A_796] {strides = array<i32>} : memref<2x32x1280xf32, #tpu.memory_space<vmem>>, vector<1x1x16xf32>,
          %swap3A_798 = vector.shape_cast %swap3A_797 : vector<1x1x16xf32> to vector<16xf32>
          %swap3A_799 = vector.shape_cast %mul3A_791 : vector<16xf32> to vector<1x1x16xf32>
          tpu.vector_store %arg10[%swap3A_794, %swap3A_795, %swap3A_796], %swap3A_799 {strides = array<i32>} : memref<2x32x1280xf32, #tpu.memory_space<vmem>>, vector<1x1x16xf32>,
        }
        %scan3A_309 = arith.constant 80 : i32
        %get3A_310 = arith.constant 0 : index
        %get3A_311 = tpu.vector_load %arg9[%get3A_310] {strides = array<i32>} : memref<1024xf32, #tpu.memory_space<vmem>>, vector<16xf32>,
        %get3A_312 = vector.shape_cast %get3A_311 : vector<16xf32> to vector<16xf32>
        %get3A_313 = arith.constant 16 : index
        %get3A_314 = tpu.vector_load %arg9[%get3A_313] {strides = array<i32>} : memref<1024xf32, #tpu.memory_space<vmem>>, vector<16xf32>,
        %get3A_315 = vector.shape_cast %get3A_314 : vector<16xf32> to vector<16xf32>
        %get3A_316 = arith.constant 32 : index
        %get3A_317 = tpu.vector_load %arg9[%get3A_316] {strides = array<i32>} : memref<1024xf32, #tpu.memory_space<vmem>>, vector<16xf32>,
        %get3A_318 = vector.shape_cast %get3A_317 : vector<16xf32> to vector<16xf32>
        %get3A_319 = arith.constant 48 : index
        %get3A_320 = tpu.vector_load %arg9[%get3A_319] {strides = array<i32>} : memref<1024xf32, #tpu.memory_space<vmem>>, vector<16xf32>,
        %get3A_321 = vector.shape_cast %get3A_320 : vector<16xf32> to vector<16xf32>
        %get3A_322 = arith.constant 64 : index
        %get3A_323 = tpu.vector_load %arg9[%get3A_322] {strides = array<i32>} : memref<1024xf32, #tpu.memory_space<vmem>>, vector<16xf32>,
        %get3A_324 = vector.shape_cast %get3A_323 : vector<16xf32> to vector<16xf32>
        %get3A_325 = arith.constant 80 : index
        %get3A_326 = tpu.vector_load %arg9[%get3A_325] {strides = array<i32>} : memref<1024xf32, #tpu.memory_space<vmem>>, vector<16xf32>,
        %get3A_327 = vector.shape_cast %get3A_326 : vector<16xf32> to vector<16xf32>
        %get3A_328 = arith.constant 96 : index
        %get3A_329 = tpu.vector_load %arg9[%get3A_328] {strides = array<i32>} : memref<1024xf32, #tpu.memory_space<vmem>>, vector<16xf32>,
        %get3A_330 = vector.shape_cast %get3A_329 : vector<16xf32> to vector<16xf32>
        %get3A_331 = arith.constant 112 : index
        %get3A_332 = tpu.vector_load %arg9[%get3A_331] {strides = array<i32>} : memref<1024xf32, #tpu.memory_space<vmem>>, vector<16xf32>,
        %get3A_333 = vector.shape_cast %get3A_332 : vector<16xf32> to vector<16xf32>
        %get3A_334 = arith.constant 128 : index
        %get3A_335 = tpu.vector_load %arg9[%get3A_334] {strides = array<i32>} : memref<1024xf32, #tpu.memory_space<vmem>>, vector<16xf32>,
        %get3A_336 = vector.shape_cast %get3A_335 : vector<16xf32> to vector<16xf32>
        %get3A_337 = arith.constant 144 : index
        %get3A_338 = tpu.vector_load %arg9[%get3A_337] {strides = array<i32>} : memref<1024xf32, #tpu.memory_space<vmem>>, vector<16xf32>,
        %get3A_339 = vector.shape_cast %get3A_338 : vector<16xf32> to vector<16xf32>
        %get3A_340 = arith.constant 160 : index
        %get3A_341 = tpu.vector_load %arg9[%get3A_340] {strides = array<i32>} : memref<1024xf32, #tpu.memory_space<vmem>>, vector<16xf32>,
        %get3A_342 = vector.shape_cast %get3A_341 : vector<16xf32> to vector<16xf32>
        %get3A_343 = arith.constant 176 : index
        %get3A_344 = tpu.vector_load %arg9[%get3A_343] {strides = array<i32>} : memref<1024xf32, #tpu.memory_space<vmem>>, vector<16xf32>,
        %get3A_345 = vector.shape_cast %get3A_344 : vector<16xf32> to vector<16xf32>
        %get3A_346 = arith.constant 192 : index
        %get3A_347 = tpu.vector_load %arg9[%get3A_346] {strides = array<i32>} : memref<1024xf32, #tpu.memory_space<vmem>>, vector<16xf32>,
        %get3A_348 = vector.shape_cast %get3A_347 : vector<16xf32> to vector<16xf32>
        %get3A_349 = arith.constant 208 : index
        %get3A_350 = tpu.vector_load %arg9[%get3A_349] {strides = array<i32>} : memref<1024xf32, #tpu.memory_space<vmem>>, vector<16xf32>,
        %get3A_351 = vector.shape_cast %get3A_350 : vector<16xf32> to vector<16xf32>
        %get3A_352 = arith.constant 224 : index
        %get3A_353 = tpu.vector_load %arg9[%get3A_352] {strides = array<i32>} : memref<1024xf32, #tpu.memory_space<vmem>>, vector<16xf32>,
        %get3A_354 = vector.shape_cast %get3A_353 : vector<16xf32> to vector<16xf32>
        %get3A_355 = arith.constant 240 : index
        %get3A_356 = tpu.vector_load %arg9[%get3A_355] {strides = array<i32>} : memref<1024xf32, #tpu.memory_space<vmem>>, vector<16xf32>,
        %get3A_357 = vector.shape_cast %get3A_356 : vector<16xf32> to vector<16xf32>
        %get3A_358 = arith.constant 256 : index
        %get3A_359 = tpu.vector_load %arg9[%get3A_358] {strides = array<i32>} : memref<1024xf32, #tpu.memory_space<vmem>>, vector<16xf32>,
        %get3A_360 = vector.shape_cast %get3A_359 : vector<16xf32> to vector<16xf32>
        %get3A_361 = arith.constant 272 : index
        %get3A_362 = tpu.vector_load %arg9[%get3A_361] {strides = array<i32>} : memref<1024xf32, #tpu.memory_space<vmem>>, vector<16xf32>,
        %get3A_363 = vector.shape_cast %get3A_362 : vector<16xf32> to vector<16xf32>
        %get3A_364 = arith.constant 288 : index
        %get3A_365 = tpu.vector_load %arg9[%get3A_364] {strides = array<i32>} : memref<1024xf32, #tpu.memory_space<vmem>>, vector<16xf32>,
        %get3A_366 = vector.shape_cast %get3A_365 : vector<16xf32> to vector<16xf32>
        %get3A_367 = arith.constant 304 : index
        %get3A_368 = tpu.vector_load %arg9[%get3A_367] {strides = array<i32>} : memref<1024xf32, #tpu.memory_space<vmem>>, vector<16xf32>,
        %get3A_369 = vector.shape_cast %get3A_368 : vector<16xf32> to vector<16xf32>
        %get3A_370 = arith.constant 320 : index
        %get3A_371 = tpu.vector_load %arg9[%get3A_370] {strides = array<i32>} : memref<1024xf32, #tpu.memory_space<vmem>>, vector<16xf32>,
        %get3A_372 = vector.shape_cast %get3A_371 : vector<16xf32> to vector<16xf32>
        %get3A_373 = arith.constant 336 : index
        %get3A_374 = tpu.vector_load %arg9[%get3A_373] {strides = array<i32>} : memref<1024xf32, #tpu.memory_space<vmem>>, vector<16xf32>,
        %get3A_375 = vector.shape_cast %get3A_374 : vector<16xf32> to vector<16xf32>
        %get3A_376 = arith.constant 352 : index
        %get3A_377 = tpu.vector_load %arg9[%get3A_376] {strides = array<i32>} : memref<1024xf32, #tpu.memory_space<vmem>>, vector<16xf32>,
        %get3A_378 = vector.shape_cast %get3A_377 : vector<16xf32> to vector<16xf32>
        %get3A_379 = arith.constant 368 : index
        %get3A_380 = tpu.vector_load %arg9[%get3A_379] {strides = array<i32>} : memref<1024xf32, #tpu.memory_space<vmem>>, vector<16xf32>,
        %get3A_381 = vector.shape_cast %get3A_380 : vector<16xf32> to vector<16xf32>
        %get3A_382 = arith.constant 384 : index
        %get3A_383 = tpu.vector_load %arg9[%get3A_382] {strides = array<i32>} : memref<1024xf32, #tpu.memory_space<vmem>>, vector<16xf32>,
        %get3A_384 = vector.shape_cast %get3A_383 : vector<16xf32> to vector<16xf32>
        %get3A_385 = arith.constant 400 : index
        %get3A_386 = tpu.vector_load %arg9[%get3A_385] {strides = array<i32>} : memref<1024xf32, #tpu.memory_space<vmem>>, vector<16xf32>,
        %get3A_387 = vector.shape_cast %get3A_386 : vector<16xf32> to vector<16xf32>
        %get3A_388 = arith.constant 416 : index
        %get3A_389 = tpu.vector_load %arg9[%get3A_388] {strides = array<i32>} : memref<1024xf32, #tpu.memory_space<vmem>>, vector<16xf32>,
        %get3A_390 = vector.shape_cast %get3A_389 : vector<16xf32> to vector<16xf32>
        %get3A_391 = arith.constant 432 : index
        %get3A_392 = tpu.vector_load %arg9[%get3A_391] {strides = array<i32>} : memref<1024xf32, #tpu.memory_space<vmem>>, vector<16xf32>,
        %get3A_393 = vector.shape_cast %get3A_392 : vector<16xf32> to vector<16xf32>
        %get3A_394 = arith.constant 448 : index
        %get3A_395 = tpu.vector_load %arg9[%get3A_394] {strides = array<i32>} : memref<1024xf32, #tpu.memory_space<vmem>>, vector<16xf32>,
        %get3A_396 = vector.shape_cast %get3A_395 : vector<16xf32> to vector<16xf32>
        %get3A_397 = arith.constant 464 : index
        %get3A_398 = tpu.vector_load %arg9[%get3A_397] {strides = array<i32>} : memref<1024xf32, #tpu.memory_space<vmem>>, vector<16xf32>,
        %get3A_399 = vector.shape_cast %get3A_398 : vector<16xf32> to vector<16xf32>
        %get3A_400 = arith.constant 480 : index
        %get3A_401 = tpu.vector_load %arg9[%get3A_400] {strides = array<i32>} : memref<1024xf32, #tpu.memory_space<vmem>>, vector<16xf32>,
        %get3A_402 = vector.shape_cast %get3A_401 : vector<16xf32> to vector<16xf32>
        %get3A_403 = arith.constant 496 : index
        %get3A_404 = tpu.vector_load %arg9[%get3A_403] {strides = array<i32>} : memref<1024xf32, #tpu.memory_space<vmem>>, vector<16xf32>,
        %get3A_405 = vector.shape_cast %get3A_404 : vector<16xf32> to vector<16xf32>
        %scan3A_406 = arith.constant 0 : i32
        %scan3A_407 = arith.constant 0 : i32
        %scan3A_408 = arith.constant 80 : i32
        %scan3A_409 = arith.addi %scan3A_407, %scan3A_408 : i32
        %scan3A_410 = arith.constant 1 : i32
        scf.for %scan3A_531 = %scan3A_407 to %scan3A_409 step %scan3A_410  : i32 {
          %mul3A_532 = arith.constant 16 : i32
          %mul3A_533 = arith.muli %scan3A_531, %mul3A_532 : i32
          %get3A_534 = arith.constant 0 : i32
          %get3A_535 = arith.constant 1 : i32
          %get3A_536 = arith.index_cast %get3A_534 : i32 to index
          %get3A_537 = arith.index_cast %get3A_535 : i32 to index
          %get3A_538 = arith.index_cast %mul3A_533 : i32 to index
          %get3A_539 = tpu.vector_load %arg7[%get3A_536, %get3A_537, %get3A_538] {strides = array<i32>} : memref<2x2x1280xi32, #tpu.memory_space<vmem>>, vector<1x1x16xi32>,
          %get3A_540 = vector.shape_cast %get3A_539 : vector<1x1x16xi32> to vector<16xi32>
          %shift_right_arithmetic3A = arith.constant 4 : i32
          %shift_right_arithmetic3A_541 = vector.broadcast %shift_right_arithmetic3A : i32 to vector<16xi32>
          %shift_right_arithmetic3A_542 = arith.shrsi %get3A_540, %shift_right_arithmetic3A_541 : vector<16xi32>
          %and3A_543 = arith.constant 15 : i32
          %and3A_544 = vector.broadcast %and3A_543 : i32 to vector<16xi32>
          %and3A_545 = arith.andi %get3A_540, %and3A_544 : vector<16xi32>
          %eq3A_546 = arith.constant 1 : i32
          %eq3A_547 = vector.broadcast %eq3A_546 : i32 to vector<16xi32>
          %eq3A_548 = arith.cmpi eq, %shift_right_arithmetic3A_542, %eq3A_547 : vector<16xi32>
          %eq3A_549 = arith.constant 2 : i32
          %eq3A_550 = vector.broadcast %eq3A_549 : i32 to vector<16xi32>
          %eq3A_551 = arith.cmpi eq, %shift_right_arithmetic3A_542, %eq3A_550 : vector<16xi32>
          %eq3A_552 = arith.constant 3 : i32
          %eq3A_553 = vector.broadcast %eq3A_552 : i32 to vector<16xi32>
          %eq3A_554 = arith.cmpi eq, %shift_right_arithmetic3A_542, %eq3A_553 : vector<16xi32>
          %broadcast_in_dim3A = vector.shape_cast %and3A_545 : vector<16xi32> to vector<16x1xi32>
          %gather3A = vector.shape_cast %broadcast_in_dim3A : vector<16x1xi32> to vector<16xi32>
          %gather3A_555 = tpu.dynamic_gather %get3A_321[%gather3A] in [0] : vector<16xf32>, vector<16xi32> -> vector<16xf32>
          %broadcast_in_dim3A_556 = vector.shape_cast %and3A_545 : vector<16xi32> to vector<16x1xi32>
          %gather3A_557 = vector.shape_cast %broadcast_in_dim3A_556 : vector<16x1xi32> to vector<16xi32>
          %gather3A_558 = tpu.dynamic_gather %get3A_318[%gather3A_557] in [0] : vector<16xf32>, vector<16xi32> -> vector<16xf32>
          %broadcast_in_dim3A_559 = vector.shape_cast %and3A_545 : vector<16xi32> to vector<16x1xi32>
          %gather3A_560 = vector.shape_cast %broadcast_in_dim3A_559 : vector<16x1xi32> to vector<16xi32>
          %gather3A_561 = tpu.dynamic_gather %get3A_315[%gather3A_560] in [0] : vector<16xf32>, vector<16xi32> -> vector<16xf32>
          %broadcast_in_dim3A_562 = vector.shape_cast %and3A_545 : vector<16xi32> to vector<16x1xi32>
          %gather3A_563 = vector.shape_cast %broadcast_in_dim3A_562 : vector<16x1xi32> to vector<16xi32>
          %gather3A_564 = tpu.dynamic_gather %get3A_312[%gather3A_563] in [0] : vector<16xf32>, vector<16xi32> -> vector<16xf32>
          %select_n3A_565 = arith.select %eq3A_548, %gather3A_561, %gather3A_564 : vector<16xi1>, vector<16xf32>
          %select_n3A_566 = arith.select %eq3A_551, %gather3A_558, %select_n3A_565 : vector<16xi1>, vector<16xf32>
          %select_n3A_567 = arith.select %eq3A_554, %gather3A_555, %select_n3A_566 : vector<16xi1>, vector<16xf32>
          %get3A_568 = arith.constant 0 : i32
          %get3A_569 = arith.constant 16 : i32
          %get3A_570 = arith.index_cast %get3A_568 : i32 to index
          %get3A_571 = arith.index_cast %get3A_569 : i32 to index
          %get3A_572 = arith.index_cast %mul3A_533 : i32 to index
          %get3A_573 = tpu.vector_load %arg10[%get3A_570, %get3A_571, %get3A_572] {strides = array<i32>} : memref<2x32x1280xf32, #tpu.memory_space<vmem>>, vector<1x1x16xf32>,
          %get3A_574 = vector.shape_cast %get3A_573 : vector<1x1x16xf32> to vector<16xf32>
          %mul3A_575 = arith.mulf %select_n3A_567, %get3A_574 : vector<16xf32>
          %swap3A = arith.constant 0 : i32
          %swap3A_576 = arith.constant 16 : i32
          %swap3A_577 = arith.index_cast %swap3A : i32 to index
          %swap3A_578 = arith.index_cast %swap3A_576 : i32 to index
          %swap3A_579 = arith.index_cast %mul3A_533 : i32 to index
          %swap3A_580 = tpu.vector_load %arg10[%swap3A_577, %swap3A_578, %swap3A_579] {strides = array<i32>} : memref<2x32x1280xf32, #tpu.memory_space<vmem>>, vector<1x1x16xf32>,
          %swap3A_581 = vector.shape_cast %swap3A_580 : vector<1x1x16xf32> to vector<16xf32>
          %swap3A_582 = vector.shape_cast %mul3A_575 : vector<16xf32> to vector<1x1x16xf32>
          tpu.vector_store %arg10[%swap3A_577, %swap3A_578, %swap3A_579], %swap3A_582 {strides = array<i32>} : memref<2x32x1280xf32, #tpu.memory_space<vmem>>, vector<1x1x16xf32>,
          %broadcast_in_dim3A_583 = vector.shape_cast %and3A_545 : vector<16xi32> to vector<16x1xi32>
          %gather3A_584 = vector.shape_cast %broadcast_in_dim3A_583 : vector<16x1xi32> to vector<16xi32>
          %gather3A_585 = tpu.dynamic_gather %get3A_333[%gather3A_584] in [0] : vector<16xf32>, vector<16xi32> -> vector<16xf32>
          %broadcast_in_dim3A_586 = vector.shape_cast %and3A_545 : vector<16xi32> to vector<16x1xi32>
          %gather3A_587 = vector.shape_cast %broadcast_in_dim3A_586 : vector<16x1xi32> to vector<16xi32>
          %gather3A_588 = tpu.dynamic_gather %get3A_330[%gather3A_587] in [0] : vector<16xf32>, vector<16xi32> -> vector<16xf32>
          %broadcast_in_dim3A_589 = vector.shape_cast %and3A_545 : vector<16xi32> to vector<16x1xi32>
          %gather3A_590 = vector.shape_cast %broadcast_in_dim3A_589 : vector<16x1xi32> to vector<16xi32>
          %gather3A_591 = tpu.dynamic_gather %get3A_327[%gather3A_590] in [0] : vector<16xf32>, vector<16xi32> -> vector<16xf32>
          %broadcast_in_dim3A_592 = vector.shape_cast %and3A_545 : vector<16xi32> to vector<16x1xi32>
          %gather3A_593 = vector.shape_cast %broadcast_in_dim3A_592 : vector<16x1xi32> to vector<16xi32>
          %gather3A_594 = tpu.dynamic_gather %get3A_324[%gather3A_593] in [0] : vector<16xf32>, vector<16xi32> -> vector<16xf32>
          %select_n3A_595 = arith.select %eq3A_548, %gather3A_591, %gather3A_594 : vector<16xi1>, vector<16xf32>
          %select_n3A_596 = arith.select %eq3A_551, %gather3A_588, %select_n3A_595 : vector<16xi1>, vector<16xf32>
          %select_n3A_597 = arith.select %eq3A_554, %gather3A_585, %select_n3A_596 : vector<16xi1>, vector<16xf32>
          %get3A_598 = arith.constant 0 : i32
          %get3A_599 = arith.constant 17 : i32
          %get3A_600 = arith.index_cast %get3A_598 : i32 to index
          %get3A_601 = arith.index_cast %get3A_599 : i32 to index
          %get3A_602 = arith.index_cast %mul3A_533 : i32 to index
          %get3A_603 = tpu.vector_load %arg10[%get3A_600, %get3A_601, %get3A_602] {strides = array<i32>} : memref<2x32x1280xf32, #tpu.memory_space<vmem>>, vector<1x1x16xf32>,
          %get3A_604 = vector.shape_cast %get3A_603 : vector<1x1x16xf32> to vector<16xf32>
          %mul3A_605 = arith.mulf %select_n3A_597, %get3A_604 : vector<16xf32>
          %swap3A_606 = arith.constant 0 : i32
          %swap3A_607 = arith.constant 17 : i32
          %swap3A_608 = arith.index_cast %swap3A_606 : i32 to index
          %swap3A_609 = arith.index_cast %swap3A_607 : i32 to index
          %swap3A_610 = arith.index_cast %mul3A_533 : i32 to index
          %swap3A_611 = tpu.vector_load %arg10[%swap3A_608, %swap3A_609, %swap3A_610] {strides = array<i32>} : memref<2x32x1280xf32, #tpu.memory_space<vmem>>, vector<1x1x16xf32>,
          %swap3A_612 = vector.shape_cast %swap3A_611 : vector<1x1x16xf32> to vector<16xf32>
          %swap3A_613 = vector.shape_cast %mul3A_605 : vector<16xf32> to vector<1x1x16xf32>
          tpu.vector_store %arg10[%swap3A_608, %swap3A_609, %swap3A_610], %swap3A_613 {strides = array<i32>} : memref<2x32x1280xf32, #tpu.memory_space<vmem>>, vector<1x1x16xf32>,
          %broadcast_in_dim3A_614 = vector.shape_cast %and3A_545 : vector<16xi32> to vector<16x1xi32>
          %gather3A_615 = vector.shape_cast %broadcast_in_dim3A_614 : vector<16x1xi32> to vector<16xi32>
          %gather3A_616 = tpu.dynamic_gather %get3A_345[%gather3A_615] in [0] : vector<16xf32>, vector<16xi32> -> vector<16xf32>
          %broadcast_in_dim3A_617 = vector.shape_cast %and3A_545 : vector<16xi32> to vector<16x1xi32>
          %gather3A_618 = vector.shape_cast %broadcast_in_dim3A_617 : vector<16x1xi32> to vector<16xi32>
          %gather3A_619 = tpu.dynamic_gather %get3A_342[%gather3A_618] in [0] : vector<16xf32>, vector<16xi32> -> vector<16xf32>
          %broadcast_in_dim3A_620 = vector.shape_cast %and3A_545 : vector<16xi32> to vector<16x1xi32>
          %gather3A_621 = vector.shape_cast %broadcast_in_dim3A_620 : vector<16x1xi32> to vector<16xi32>
          %gather3A_622 = tpu.dynamic_gather %get3A_339[%gather3A_621] in [0] : vector<16xf32>, vector<16xi32> -> vector<16xf32>
          %broadcast_in_dim3A_623 = vector.shape_cast %and3A_545 : vector<16xi32> to vector<16x1xi32>
          %gather3A_624 = vector.shape_cast %broadcast_in_dim3A_623 : vector<16x1xi32> to vector<16xi32>
          %gather3A_625 = tpu.dynamic_gather %get3A_336[%gather3A_624] in [0] : vector<16xf32>, vector<16xi32> -> vector<16xf32>
          %select_n3A_626 = arith.select %eq3A_548, %gather3A_622, %gather3A_625 : vector<16xi1>, vector<16xf32>
          %select_n3A_627 = arith.select %eq3A_551, %gather3A_619, %select_n3A_626 : vector<16xi1>, vector<16xf32>
          %select_n3A_628 = arith.select %eq3A_554, %gather3A_616, %select_n3A_627 : vector<16xi1>, vector<16xf32>
          %get3A_629 = arith.constant 0 : i32
          %get3A_630 = arith.constant 18 : i32
          %get3A_631 = arith.index_cast %get3A_629 : i32 to index
          %get3A_632 = arith.index_cast %get3A_630 : i32 to index
          %get3A_633 = arith.index_cast %mul3A_533 : i32 to index
          %get3A_634 = tpu.vector_load %arg10[%get3A_631, %get3A_632, %get3A_633] {strides = array<i32>} : memref<2x32x1280xf32, #tpu.memory_space<vmem>>, vector<1x1x16xf32>,
          %get3A_635 = vector.shape_cast %get3A_634 : vector<1x1x16xf32> to vector<16xf32>
          %mul3A_636 = arith.mulf %select_n3A_628, %get3A_635 : vector<16xf32>
          %swap3A_637 = arith.constant 0 : i32
          %swap3A_638 = arith.constant 18 : i32
          %swap3A_639 = arith.index_cast %swap3A_637 : i32 to index
          %swap3A_640 = arith.index_cast %swap3A_638 : i32 to index
          %swap3A_641 = arith.index_cast %mul3A_533 : i32 to index
          %swap3A_642 = tpu.vector_load %arg10[%swap3A_639, %swap3A_640, %swap3A_641] {strides = array<i32>} : memref<2x32x1280xf32, #tpu.memory_space<vmem>>, vector<1x1x16xf32>,
          %swap3A_643 = vector.shape_cast %swap3A_642 : vector<1x1x16xf32> to vector<16xf32>
          %swap3A_644 = vector.shape_cast %mul3A_636 : vector<16xf32> to vector<1x1x16xf32>
          tpu.vector_store %arg10[%swap3A_639, %swap3A_640, %swap3A_641], %swap3A_644 {strides = array<i32>} : memref<2x32x1280xf32, #tpu.memory_space<vmem>>, vector<1x1x16xf32>,
          %broadcast_in_dim3A_645 = vector.shape_cast %and3A_545 : vector<16xi32> to vector<16x1xi32>
          %gather3A_646 = vector.shape_cast %broadcast_in_dim3A_645 : vector<16x1xi32> to vector<16xi32>
          %gather3A_647 = tpu.dynamic_gather %get3A_357[%gather3A_646] in [0] : vector<16xf32>, vector<16xi32> -> vector<16xf32>
          %broadcast_in_dim3A_648 = vector.shape_cast %and3A_545 : vector<16xi32> to vector<16x1xi32>
          %gather3A_649 = vector.shape_cast %broadcast_in_dim3A_648 : vector<16x1xi32> to vector<16xi32>
          %gather3A_650 = tpu.dynamic_gather %get3A_354[%gather3A_649] in [0] : vector<16xf32>, vector<16xi32> -> vector<16xf32>
          %broadcast_in_dim3A_651 = vector.shape_cast %and3A_545 : vector<16xi32> to vector<16x1xi32>
          %gather3A_652 = vector.shape_cast %broadcast_in_dim3A_651 : vector<16x1xi32> to vector<16xi32>
          %gather3A_653 = tpu.dynamic_gather %get3A_351[%gather3A_652] in [0] : vector<16xf32>, vector<16xi32> -> vector<16xf32>
          %broadcast_in_dim3A_654 = vector.shape_cast %and3A_545 : vector<16xi32> to vector<16x1xi32>
          %gather3A_655 = vector.shape_cast %broadcast_in_dim3A_654 : vector<16x1xi32> to vector<16xi32>
          %gather3A_656 = tpu.dynamic_gather %get3A_348[%gather3A_655] in [0] : vector<16xf32>, vector<16xi32> -> vector<16xf32>
          %select_n3A_657 = arith.select %eq3A_548, %gather3A_653, %gather3A_656 : vector<16xi1>, vector<16xf32>
          %select_n3A_658 = arith.select %eq3A_551, %gather3A_650, %select_n3A_657 : vector<16xi1>, vector<16xf32>
          %select_n3A_659 = arith.select %eq3A_554, %gather3A_647, %select_n3A_658 : vector<16xi1>, vector<16xf32>
          %get3A_660 = arith.constant 0 : i32
          %get3A_661 = arith.constant 19 : i32
          %get3A_662 = arith.index_cast %get3A_660 : i32 to index
          %get3A_663 = arith.index_cast %get3A_661 : i32 to index
          %get3A_664 = arith.index_cast %mul3A_533 : i32 to index
          %get3A_665 = tpu.vector_load %arg10[%get3A_662, %get3A_663, %get3A_664] {strides = array<i32>} : memref<2x32x1280xf32, #tpu.memory_space<vmem>>, vector<1x1x16xf32>,
          %get3A_666 = vector.shape_cast %get3A_665 : vector<1x1x16xf32> to vector<16xf32>
          %mul3A_667 = arith.mulf %select_n3A_659, %get3A_666 : vector<16xf32>
          %swap3A_668 = arith.constant 0 : i32
          %swap3A_669 = arith.constant 19 : i32
          %swap3A_670 = arith.index_cast %swap3A_668 : i32 to index
          %swap3A_671 = arith.index_cast %swap3A_669 : i32 to index
          %swap3A_672 = arith.index_cast %mul3A_533 : i32 to index
          %swap3A_673 = tpu.vector_load %arg10[%swap3A_670, %swap3A_671, %swap3A_672] {strides = array<i32>} : memref<2x32x1280xf32, #tpu.memory_space<vmem>>, vector<1x1x16xf32>,
          %swap3A_674 = vector.shape_cast %swap3A_673 : vector<1x1x16xf32> to vector<16xf32>
          %swap3A_675 = vector.shape_cast %mul3A_667 : vector<16xf32> to vector<1x1x16xf32>
          tpu.vector_store %arg10[%swap3A_670, %swap3A_671, %swap3A_672], %swap3A_675 {strides = array<i32>} : memref<2x32x1280xf32, #tpu.memory_space<vmem>>, vector<1x1x16xf32>,
          %broadcast_in_dim3A_676 = vector.shape_cast %and3A_545 : vector<16xi32> to vector<16x1xi32>
          %gather3A_677 = vector.shape_cast %broadcast_in_dim3A_676 : vector<16x1xi32> to vector<16xi32>
          %gather3A_678 = tpu.dynamic_gather %get3A_369[%gather3A_677] in [0] : vector<16xf32>, vector<16xi32> -> vector<16xf32>
          %broadcast_in_dim3A_679 = vector.shape_cast %and3A_545 : vector<16xi32> to vector<16x1xi32>
          %gather3A_680 = vector.shape_cast %broadcast_in_dim3A_679 : vector<16x1xi32> to vector<16xi32>
          %gather3A_681 = tpu.dynamic_gather %get3A_366[%gather3A_680] in [0] : vector<16xf32>, vector<16xi32> -> vector<16xf32>
          %broadcast_in_dim3A_682 = vector.shape_cast %and3A_545 : vector<16xi32> to vector<16x1xi32>
          %gather3A_683 = vector.shape_cast %broadcast_in_dim3A_682 : vector<16x1xi32> to vector<16xi32>
          %gather3A_684 = tpu.dynamic_gather %get3A_363[%gather3A_683] in [0] : vector<16xf32>, vector<16xi32> -> vector<16xf32>
          %broadcast_in_dim3A_685 = vector.shape_cast %and3A_545 : vector<16xi32> to vector<16x1xi32>
          %gather3A_686 = vector.shape_cast %broadcast_in_dim3A_685 : vector<16x1xi32> to vector<16xi32>
          %gather3A_687 = tpu.dynamic_gather %get3A_360[%gather3A_686] in [0] : vector<16xf32>, vector<16xi32> -> vector<16xf32>
          %select_n3A_688 = arith.select %eq3A_548, %gather3A_684, %gather3A_687 : vector<16xi1>, vector<16xf32>
          %select_n3A_689 = arith.select %eq3A_551, %gather3A_681, %select_n3A_688 : vector<16xi1>, vector<16xf32>
          %select_n3A_690 = arith.select %eq3A_554, %gather3A_678, %select_n3A_689 : vector<16xi1>, vector<16xf32>
          %get3A_691 = arith.constant 0 : i32
          %get3A_692 = arith.constant 20 : i32
          %get3A_693 = arith.index_cast %get3A_691 : i32 to index
          %get3A_694 = arith.index_cast %get3A_692 : i32 to index
          %get3A_695 = arith.index_cast %mul3A_533 : i32 to index
          %get3A_696 = tpu.vector_load %arg10[%get3A_693, %get3A_694, %get3A_695] {strides = array<i32>} : memref<2x32x1280xf32, #tpu.memory_space<vmem>>, vector<1x1x16xf32>,
          %get3A_697 = vector.shape_cast %get3A_696 : vector<1x1x16xf32> to vector<16xf32>
          %mul3A_698 = arith.mulf %select_n3A_690, %get3A_697 : vector<16xf32>
          %swap3A_699 = arith.constant 0 : i32
          %swap3A_700 = arith.constant 20 : i32
          %swap3A_701 = arith.index_cast %swap3A_699 : i32 to index
          %swap3A_702 = arith.index_cast %swap3A_700 : i32 to index
          %swap3A_703 = arith.index_cast %mul3A_533 : i32 to index
          %swap3A_704 = tpu.vector_load %arg10[%swap3A_701, %swap3A_702, %swap3A_703] {strides = array<i32>} : memref<2x32x1280xf32, #tpu.memory_space<vmem>>, vector<1x1x16xf32>,
          %swap3A_705 = vector.shape_cast %swap3A_704 : vector<1x1x16xf32> to vector<16xf32>
          %swap3A_706 = vector.shape_cast %mul3A_698 : vector<16xf32> to vector<1x1x16xf32>
          tpu.vector_store %arg10[%swap3A_701, %swap3A_702, %swap3A_703], %swap3A_706 {strides = array<i32>} : memref<2x32x1280xf32, #tpu.memory_space<vmem>>, vector<1x1x16xf32>,
          %broadcast_in_dim3A_707 = vector.shape_cast %and3A_545 : vector<16xi32> to vector<16x1xi32>
          %gather3A_708 = vector.shape_cast %broadcast_in_dim3A_707 : vector<16x1xi32> to vector<16xi32>
          %gather3A_709 = tpu.dynamic_gather %get3A_381[%gather3A_708] in [0] : vector<16xf32>, vector<16xi32> -> vector<16xf32>
          %broadcast_in_dim3A_710 = vector.shape_cast %and3A_545 : vector<16xi32> to vector<16x1xi32>
          %gather3A_711 = vector.shape_cast %broadcast_in_dim3A_710 : vector<16x1xi32> to vector<16xi32>
          %gather3A_712 = tpu.dynamic_gather %get3A_378[%gather3A_711] in [0] : vector<16xf32>, vector<16xi32> -> vector<16xf32>
          %broadcast_in_dim3A_713 = vector.shape_cast %and3A_545 : vector<16xi32> to vector<16x1xi32>
          %gather3A_714 = vector.shape_cast %broadcast_in_dim3A_713 : vector<16x1xi32> to vector<16xi32>
          %gather3A_715 = tpu.dynamic_gather %get3A_375[%gather3A_714] in [0] : vector<16xf32>, vector<16xi32> -> vector<16xf32>
          %broadcast_in_dim3A_716 = vector.shape_cast %and3A_545 : vector<16xi32> to vector<16x1xi32>
          %gather3A_717 = vector.shape_cast %broadcast_in_dim3A_716 : vector<16x1xi32> to vector<16xi32>
          %gather3A_718 = tpu.dynamic_gather %get3A_372[%gather3A_717] in [0] : vector<16xf32>, vector<16xi32> -> vector<16xf32>
          %select_n3A_719 = arith.select %eq3A_548, %gather3A_715, %gather3A_718 : vector<16xi1>, vector<16xf32>
          %select_n3A_720 = arith.select %eq3A_551, %gather3A_712, %select_n3A_719 : vector<16xi1>, vector<16xf32>
          %select_n3A_721 = arith.select %eq3A_554, %gather3A_709, %select_n3A_720 : vector<16xi1>, vector<16xf32>
          %get3A_722 = arith.constant 0 : i32
          %get3A_723 = arith.constant 21 : i32
          %get3A_724 = arith.index_cast %get3A_722 : i32 to index
          %get3A_725 = arith.index_cast %get3A_723 : i32 to index
          %get3A_726 = arith.index_cast %mul3A_533 : i32 to index
          %get3A_727 = tpu.vector_load %arg10[%get3A_724, %get3A_725, %get3A_726] {strides = array<i32>} : memref<2x32x1280xf32, #tpu.memory_space<vmem>>, vector<1x1x16xf32>,
          %get3A_728 = vector.shape_cast %get3A_727 : vector<1x1x16xf32> to vector<16xf32>
          %mul3A_729 = arith.mulf %select_n3A_721, %get3A_728 : vector<16xf32>
          %swap3A_730 = arith.constant 0 : i32
          %swap3A_731 = arith.constant 21 : i32
          %swap3A_732 = arith.index_cast %swap3A_730 : i32 to index
          %swap3A_733 = arith.index_cast %swap3A_731 : i32 to index
          %swap3A_734 = arith.index_cast %mul3A_533 : i32 to index
          %swap3A_735 = tpu.vector_load %arg10[%swap3A_732, %swap3A_733, %swap3A_734] {strides = array<i32>} : memref<2x32x1280xf32, #tpu.memory_space<vmem>>, vector<1x1x16xf32>,
          %swap3A_736 = vector.shape_cast %swap3A_735 : vector<1x1x16xf32> to vector<16xf32>
          %swap3A_737 = vector.shape_cast %mul3A_729 : vector<16xf32> to vector<1x1x16xf32>
          tpu.vector_store %arg10[%swap3A_732, %swap3A_733, %swap3A_734], %swap3A_737 {strides = array<i32>} : memref<2x32x1280xf32, #tpu.memory_space<vmem>>, vector<1x1x16xf32>,
          %broadcast_in_dim3A_738 = vector.shape_cast %and3A_545 : vector<16xi32> to vector<16x1xi32>
          %gather3A_739 = vector.shape_cast %broadcast_in_dim3A_738 : vector<16x1xi32> to vector<16xi32>
          %gather3A_740 = tpu.dynamic_gather %get3A_393[%gather3A_739] in [0] : vector<16xf32>, vector<16xi32> -> vector<16xf32>
          %broadcast_in_dim3A_741 = vector.shape_cast %and3A_545 : vector<16xi32> to vector<16x1xi32>
          %gather3A_742 = vector.shape_cast %broadcast_in_dim3A_741 : vector<16x1xi32> to vector<16xi32>
          %gather3A_743 = tpu.dynamic_gather %get3A_390[%gather3A_742] in [0] : vector<16xf32>, vector<16xi32> -> vector<16xf32>
          %broadcast_in_dim3A_744 = vector.shape_cast %and3A_545 : vector<16xi32> to vector<16x1xi32>
          %gather3A_745 = vector.shape_cast %broadcast_in_dim3A_744 : vector<16x1xi32> to vector<16xi32>
          %gather3A_746 = tpu.dynamic_gather %get3A_387[%gather3A_745] in [0] : vector<16xf32>, vector<16xi32> -> vector<16xf32>
          %broadcast_in_dim3A_747 = vector.shape_cast %and3A_545 : vector<16xi32> to vector<16x1xi32>
          %gather3A_748 = vector.shape_cast %broadcast_in_dim3A_747 : vector<16x1xi32> to vector<16xi32>
          %gather3A_749 = tpu.dynamic_gather %get3A_384[%gather3A_748] in [0] : vector<16xf32>, vector<16xi32> -> vector<16xf32>
          %select_n3A_750 = arith.select %eq3A_548, %gather3A_746, %gather3A_749 : vector<16xi1>, vector<16xf32>
          %select_n3A_751 = arith.select %eq3A_551, %gather3A_743, %select_n3A_750 : vector<16xi1>, vector<16xf32>
          %select_n3A_752 = arith.select %eq3A_554, %gather3A_740, %select_n3A_751 : vector<16xi1>, vector<16xf32>
          %get3A_753 = arith.constant 0 : i32
          %get3A_754 = arith.constant 22 : i32
          %get3A_755 = arith.index_cast %get3A_753 : i32 to index
          %get3A_756 = arith.index_cast %get3A_754 : i32 to index
          %get3A_757 = arith.index_cast %mul3A_533 : i32 to index
          %get3A_758 = tpu.vector_load %arg10[%get3A_755, %get3A_756, %get3A_757] {strides = array<i32>} : memref<2x32x1280xf32, #tpu.memory_space<vmem>>, vector<1x1x16xf32>,
          %get3A_759 = vector.shape_cast %get3A_758 : vector<1x1x16xf32> to vector<16xf32>
          %mul3A_760 = arith.mulf %select_n3A_752, %get3A_759 : vector<16xf32>
          %swap3A_761 = arith.constant 0 : i32
          %swap3A_762 = arith.constant 22 : i32
          %swap3A_763 = arith.index_cast %swap3A_761 : i32 to index
          %swap3A_764 = arith.index_cast %swap3A_762 : i32 to index
          %swap3A_765 = arith.index_cast %mul3A_533 : i32 to index
          %swap3A_766 = tpu.vector_load %arg10[%swap3A_763, %swap3A_764, %swap3A_765] {strides = array<i32>} : memref<2x32x1280xf32, #tpu.memory_space<vmem>>, vector<1x1x16xf32>,
          %swap3A_767 = vector.shape_cast %swap3A_766 : vector<1x1x16xf32> to vector<16xf32>
          %swap3A_768 = vector.shape_cast %mul3A_760 : vector<16xf32> to vector<1x1x16xf32>
          tpu.vector_store %arg10[%swap3A_763, %swap3A_764, %swap3A_765], %swap3A_768 {strides = array<i32>} : memref<2x32x1280xf32, #tpu.memory_space<vmem>>, vector<1x1x16xf32>,
          %broadcast_in_dim3A_769 = vector.shape_cast %and3A_545 : vector<16xi32> to vector<16x1xi32>
          %gather3A_770 = vector.shape_cast %broadcast_in_dim3A_769 : vector<16x1xi32> to vector<16xi32>
          %gather3A_771 = tpu.dynamic_gather %get3A_405[%gather3A_770] in [0] : vector<16xf32>, vector<16xi32> -> vector<16xf32>
          %broadcast_in_dim3A_772 = vector.shape_cast %and3A_545 : vector<16xi32> to vector<16x1xi32>
          %gather3A_773 = vector.shape_cast %broadcast_in_dim3A_772 : vector<16x1xi32> to vector<16xi32>
          %gather3A_774 = tpu.dynamic_gather %get3A_402[%gather3A_773] in [0] : vector<16xf32>, vector<16xi32> -> vector<16xf32>
          %broadcast_in_dim3A_775 = vector.shape_cast %and3A_545 : vector<16xi32> to vector<16x1xi32>
          %gather3A_776 = vector.shape_cast %broadcast_in_dim3A_775 : vector<16x1xi32> to vector<16xi32>
          %gather3A_777 = tpu.dynamic_gather %get3A_399[%gather3A_776] in [0] : vector<16xf32>, vector<16xi32> -> vector<16xf32>
          %broadcast_in_dim3A_778 = vector.shape_cast %and3A_545 : vector<16xi32> to vector<16x1xi32>
          %gather3A_779 = vector.shape_cast %broadcast_in_dim3A_778 : vector<16x1xi32> to vector<16xi32>
          %gather3A_780 = tpu.dynamic_gather %get3A_396[%gather3A_779] in [0] : vector<16xf32>, vector<16xi32> -> vector<16xf32>
          %select_n3A_781 = arith.select %eq3A_548, %gather3A_777, %gather3A_780 : vector<16xi1>, vector<16xf32>
          %select_n3A_782 = arith.select %eq3A_551, %gather3A_774, %select_n3A_781 : vector<16xi1>, vector<16xf32>
          %select_n3A_783 = arith.select %eq3A_554, %gather3A_771, %select_n3A_782 : vector<16xi1>, vector<16xf32>
          %get3A_784 = arith.constant 0 : i32
          %get3A_785 = arith.constant 23 : i32
          %get3A_786 = arith.index_cast %get3A_784 : i32 to index
          %get3A_787 = arith.index_cast %get3A_785 : i32 to index
          %get3A_788 = arith.index_cast %mul3A_533 : i32 to index
          %get3A_789 = tpu.vector_load %arg10[%get3A_786, %get3A_787, %get3A_788] {strides = array<i32>} : memref<2x32x1280xf32, #tpu.memory_space<vmem>>, vector<1x1x16xf32>,
          %get3A_790 = vector.shape_cast %get3A_789 : vector<1x1x16xf32> to vector<16xf32>
          %mul3A_791 = arith.mulf %select_n3A_783, %get3A_790 : vector<16xf32>
          %swap3A_792 = arith.constant 0 : i32
          %swap3A_793 = arith.constant 23 : i32
          %swap3A_794 = arith.index_cast %swap3A_792 : i32 to index
          %swap3A_795 = arith.index_cast %swap3A_793 : i32 to index
          %swap3A_796 = arith.index_cast %mul3A_533 : i32 to index
          %swap3A_797 = tpu.vector_load %arg10[%swap3A_794, %swap3A_795, %swap3A_796] {strides = array<i32>} : memref<2x32x1280xf32, #tpu.memory_space<vmem>>, vector<1x1x16xf32>,
          %swap3A_798 = vector.shape_cast %swap3A_797 : vector<1x1x16xf32> to vector<16xf32>
          %swap3A_799 = vector.shape_cast %mul3A_791 : vector<16xf32> to vector<1x1x16xf32>
          tpu.vector_store %arg10[%swap3A_794, %swap3A_795, %swap3A_796], %swap3A_799 {strides = array<i32>} : memref<2x32x1280xf32, #tpu.memory_space<vmem>>, vector<1x1x16xf32>,
        }
        %scan3A_411 = arith.constant 80 : i32
        %get3A_412 = arith.constant 512 : index
        %get3A_413 = tpu.vector_load %arg9[%get3A_412] {strides = array<i32>} : memref<1024xf32, #tpu.memory_space<vmem>>, vector<16xf32>,
        %get3A_414 = vector.shape_cast %get3A_413 : vector<16xf32> to vector<16xf32>
        %get3A_415 = arith.constant 528 : index
        %get3A_416 = tpu.vector_load %arg9[%get3A_415] {strides = array<i32>} : memref<1024xf32, #tpu.memory_space<vmem>>, vector<16xf32>,
        %get3A_417 = vector.shape_cast %get3A_416 : vector<16xf32> to vector<16xf32>
        %get3A_418 = arith.constant 544 : index
        %get3A_419 = tpu.vector_load %arg9[%get3A_418] {strides = array<i32>} : memref<1024xf32, #tpu.memory_space<vmem>>, vector<16xf32>,
        %get3A_420 = vector.shape_cast %get3A_419 : vector<16xf32> to vector<16xf32>
        %get3A_421 = arith.constant 560 : index
        %get3A_422 = tpu.vector_load %arg9[%get3A_421] {strides = array<i32>} : memref<1024xf32, #tpu.memory_space<vmem>>, vector<16xf32>,
        %get3A_423 = vector.shape_cast %get3A_422 : vector<16xf32> to vector<16xf32>
        %get3A_424 = arith.constant 576 : index
        %get3A_425 = tpu.vector_load %arg9[%get3A_424] {strides = array<i32>} : memref<1024xf32, #tpu.memory_space<vmem>>, vector<16xf32>,
        %get3A_426 = vector.shape_cast %get3A_425 : vector<16xf32> to vector<16xf32>
        %get3A_427 = arith.constant 592 : index
        %get3A_428 = tpu.vector_load %arg9[%get3A_427] {strides = array<i32>} : memref<1024xf32, #tpu.memory_space<vmem>>, vector<16xf32>,
        %get3A_429 = vector.shape_cast %get3A_428 : vector<16xf32> to vector<16xf32>
        %get3A_430 = arith.constant 608 : index
        %get3A_431 = tpu.vector_load %arg9[%get3A_430] {strides = array<i32>} : memref<1024xf32, #tpu.memory_space<vmem>>, vector<16xf32>,
        %get3A_432 = vector.shape_cast %get3A_431 : vector<16xf32> to vector<16xf32>
        %get3A_433 = arith.constant 624 : index
        %get3A_434 = tpu.vector_load %arg9[%get3A_433] {strides = array<i32>} : memref<1024xf32, #tpu.memory_space<vmem>>, vector<16xf32>,
        %get3A_435 = vector.shape_cast %get3A_434 : vector<16xf32> to vector<16xf32>
        %get3A_436 = arith.constant 640 : index
        %get3A_437 = tpu.vector_load %arg9[%get3A_436] {strides = array<i32>} : memref<1024xf32, #tpu.memory_space<vmem>>, vector<16xf32>,
        %get3A_438 = vector.shape_cast %get3A_437 : vector<16xf32> to vector<16xf32>
        %get3A_439 = arith.constant 656 : index
        %get3A_440 = tpu.vector_load %arg9[%get3A_439] {strides = array<i32>} : memref<1024xf32, #tpu.memory_space<vmem>>, vector<16xf32>,
        %get3A_441 = vector.shape_cast %get3A_440 : vector<16xf32> to vector<16xf32>
        %get3A_442 = arith.constant 672 : index
        %get3A_443 = tpu.vector_load %arg9[%get3A_442] {strides = array<i32>} : memref<1024xf32, #tpu.memory_space<vmem>>, vector<16xf32>,
        %get3A_444 = vector.shape_cast %get3A_443 : vector<16xf32> to vector<16xf32>
        %get3A_445 = arith.constant 688 : index
        %get3A_446 = tpu.vector_load %arg9[%get3A_445] {strides = array<i32>} : memref<1024xf32, #tpu.memory_space<vmem>>, vector<16xf32>,
        %get3A_447 = vector.shape_cast %get3A_446 : vector<16xf32> to vector<16xf32>
        %get3A_448 = arith.constant 704 : index
        %get3A_449 = tpu.vector_load %arg9[%get3A_448] {strides = array<i32>} : memref<1024xf32, #tpu.memory_space<vmem>>, vector<16xf32>,
        %get3A_450 = vector.shape_cast %get3A_449 : vector<16xf32> to vector<16xf32>
        %get3A_451 = arith.constant 720 : index
        %get3A_452 = tpu.vector_load %arg9[%get3A_451] {strides = array<i32>} : memref<1024xf32, #tpu.memory_space<vmem>>, vector<16xf32>,
        %get3A_453 = vector.shape_cast %get3A_452 : vector<16xf32> to vector<16xf32>
        %get3A_454 = arith.constant 736 : index
        %get3A_455 = tpu.vector_load %arg9[%get3A_454] {strides = array<i32>} : memref<1024xf32, #tpu.memory_space<vmem>>, vector<16xf32>,
        %get3A_456 = vector.shape_cast %get3A_455 : vector<16xf32> to vector<16xf32>
        %get3A_457 = arith.constant 752 : index
        %get3A_458 = tpu.vector_load %arg9[%get3A_457] {strides = array<i32>} : memref<1024xf32, #tpu.memory_space<vmem>>, vector<16xf32>,
        %get3A_459 = vector.shape_cast %get3A_458 : vector<16xf32> to vector<16xf32>
        %get3A_460 = arith.constant 768 : index
        %get3A_461 = tpu.vector_load %arg9[%get3A_460] {strides = array<i32>} : memref<1024xf32, #tpu.memory_space<vmem>>, vector<16xf32>,
        %get3A_462 = vector.shape_cast %get3A_461 : vector<16xf32> to vector<16xf32>
        %get3A_463 = arith.constant 784 : index
        %get3A_464 = tpu.vector_load %arg9[%get3A_463] {strides = array<i32>} : memref<1024xf32, #tpu.memory_space<vmem>>, vector<16xf32>,
        %get3A_465 = vector.shape_cast %get3A_464 : vector<16xf32> to vector<16xf32>
        %get3A_466 = arith.constant 800 : index
        %get3A_467 = tpu.vector_load %arg9[%get3A_466] {strides = array<i32>} : memref<1024xf32, #tpu.memory_space<vmem>>, vector<16xf32>,
        %get3A_468 = vector.shape_cast %get3A_467 : vector<16xf32> to vector<16xf32>
        %get3A_469 = arith.constant 816 : index
        %get3A_470 = tpu.vector_load %arg9[%get3A_469] {strides = array<i32>} : memref<1024xf32, #tpu.memory_space<vmem>>, vector<16xf32>,
        %get3A_471 = vector.shape_cast %get3A_470 : vector<16xf32> to vector<16xf32>
        %get3A_472 = arith.constant 832 : index
        %get3A_473 = tpu.vector_load %arg9[%get3A_472] {strides = array<i32>} : memref<1024xf32, #tpu.memory_space<vmem>>, vector<16xf32>,
        %get3A_474 = vector.shape_cast %get3A_473 : vector<16xf32> to vector<16xf32>
        %get3A_475 = arith.constant 848 : index
        %get3A_476 = tpu.vector_load %arg9[%get3A_475] {strides = array<i32>} : memref<1024xf32, #tpu.memory_space<vmem>>, vector<16xf32>,
        %get3A_477 = vector.shape_cast %get3A_476 : vector<16xf32> to vector<16xf32>
        %get3A_478 = arith.constant 864 : index
        %get3A_479 = tpu.vector_load %arg9[%get3A_478] {strides = array<i32>} : memref<1024xf32, #tpu.memory_space<vmem>>, vector<16xf32>,
        %get3A_480 = vector.shape_cast %get3A_479 : vector<16xf32> to vector<16xf32>
        %get3A_481 = arith.constant 880 : index
        %get3A_482 = tpu.vector_load %arg9[%get3A_481] {strides = array<i32>} : memref<1024xf32, #tpu.memory_space<vmem>>, vector<16xf32>,
        %get3A_483 = vector.shape_cast %get3A_482 : vector<16xf32> to vector<16xf32>
        %get3A_484 = arith.constant 896 : index
        %get3A_485 = tpu.vector_load %arg9[%get3A_484] {strides = array<i32>} : memref<1024xf32, #tpu.memory_space<vmem>>, vector<16xf32>,
        %get3A_486 = vector.shape_cast %get3A_485 : vector<16xf32> to vector<16xf32>
        %get3A_487 = arith.constant 912 : index
        %get3A_488 = tpu.vector_load %arg9[%get3A_487] {strides = array<i32>} : memref<1024xf32, #tpu.memory_space<vmem>>, vector<16xf32>,
        %get3A_489 = vector.shape_cast %get3A_488 : vector<16xf32> to vector<16xf32>
        %get3A_490 = arith.constant 928 : index
        %get3A_491 = tpu.vector_load %arg9[%get3A_490] {strides = array<i32>} : memref<1024xf32, #tpu.memory_space<vmem>>, vector<16xf32>,
        %get3A_492 = vector.shape_cast %get3A_491 : vector<16xf32> to vector<16xf32>
        %get3A_493 = arith.constant 944 : index
        %get3A_494 = tpu.vector_load %arg9[%get3A_493] {strides = array<i32>} : memref<1024xf32, #tpu.memory_space<vmem>>, vector<16xf32>,
        %get3A_495 = vector.shape_cast %get3A_494 : vector<16xf32> to vector<16xf32>
        %get3A_496 = arith.constant 960 : index
        %get3A_497 = tpu.vector_load %arg9[%get3A_496] {strides = array<i32>} : memref<1024xf32, #tpu.memory_space<vmem>>, vector<16xf32>,
        %get3A_498 = vector.shape_cast %get3A_497 : vector<16xf32> to vector<16xf32>
        %get3A_499 = arith.constant 976 : index
        %get3A_500 = tpu.vector_load %arg9[%get3A_499] {strides = array<i32>} : memref<1024xf32, #tpu.memory_space<vmem>>, vector<16xf32>,
        %get3A_501 = vector.shape_cast %get3A_500 : vector<16xf32> to vector<16xf32>
        %get3A_502 = arith.constant 992 : index
        %get3A_503 = tpu.vector_load %arg9[%get3A_502] {strides = array<i32>} : memref<1024xf32, #tpu.memory_space<vmem>>, vector<16xf32>,
        %get3A_504 = vector.shape_cast %get3A_503 : vector<16xf32> to vector<16xf32>
        %get3A_505 = arith.constant 1008 : index
        %get3A_506 = tpu.vector_load %arg9[%get3A_505] {strides = array<i32>} : memref<1024xf32, #tpu.memory_space<vmem>>, vector<16xf32>,
        %get3A_507 = vector.shape_cast %get3A_506 : vector<16xf32> to vector<16xf32>
        %scan3A_508 = arith.constant 0 : i32
        %scan3A_509 = arith.constant 0 : i32
        %scan3A_510 = arith.constant 80 : i32
        %scan3A_511 = arith.addi %scan3A_509, %scan3A_510 : i32
        %scan3A_512 = arith.constant 1 : i32
        scf.for %scan3A_531 = %scan3A_509 to %scan3A_511 step %scan3A_512  : i32 {
          %mul3A_532 = arith.constant 16 : i32
          %mul3A_533 = arith.muli %scan3A_531, %mul3A_532 : i32
          %get3A_534 = arith.constant 0 : i32
          %get3A_535 = arith.constant 1 : i32
          %get3A_536 = arith.index_cast %get3A_534 : i32 to index
          %get3A_537 = arith.index_cast %get3A_535 : i32 to index
          %get3A_538 = arith.index_cast %mul3A_533 : i32 to index
          %get3A_539 = tpu.vector_load %arg7[%get3A_536, %get3A_537, %get3A_538] {strides = array<i32>} : memref<2x2x1280xi32, #tpu.memory_space<vmem>>, vector<1x1x16xi32>,
          %get3A_540 = vector.shape_cast %get3A_539 : vector<1x1x16xi32> to vector<16xi32>
          %shift_right_arithmetic3A = arith.constant 4 : i32
          %shift_right_arithmetic3A_541 = vector.broadcast %shift_right_arithmetic3A : i32 to vector<16xi32>
          %shift_right_arithmetic3A_542 = arith.shrsi %get3A_540, %shift_right_arithmetic3A_541 : vector<16xi32>
          %and3A_543 = arith.constant 15 : i32
          %and3A_544 = vector.broadcast %and3A_543 : i32 to vector<16xi32>
          %and3A_545 = arith.andi %get3A_540, %and3A_544 : vector<16xi32>
          %eq3A_546 = arith.constant 1 : i32
          %eq3A_547 = vector.broadcast %eq3A_546 : i32 to vector<16xi32>
          %eq3A_548 = arith.cmpi eq, %shift_right_arithmetic3A_542, %eq3A_547 : vector<16xi32>
          %eq3A_549 = arith.constant 2 : i32
          %eq3A_550 = vector.broadcast %eq3A_549 : i32 to vector<16xi32>
          %eq3A_551 = arith.cmpi eq, %shift_right_arithmetic3A_542, %eq3A_550 : vector<16xi32>
          %eq3A_552 = arith.constant 3 : i32
          %eq3A_553 = vector.broadcast %eq3A_552 : i32 to vector<16xi32>
          %eq3A_554 = arith.cmpi eq, %shift_right_arithmetic3A_542, %eq3A_553 : vector<16xi32>
          %broadcast_in_dim3A = vector.shape_cast %and3A_545 : vector<16xi32> to vector<16x1xi32>
          %gather3A = vector.shape_cast %broadcast_in_dim3A : vector<16x1xi32> to vector<16xi32>
          %gather3A_555 = tpu.dynamic_gather %get3A_423[%gather3A] in [0] : vector<16xf32>, vector<16xi32> -> vector<16xf32>
          %broadcast_in_dim3A_556 = vector.shape_cast %and3A_545 : vector<16xi32> to vector<16x1xi32>
          %gather3A_557 = vector.shape_cast %broadcast_in_dim3A_556 : vector<16x1xi32> to vector<16xi32>
          %gather3A_558 = tpu.dynamic_gather %get3A_420[%gather3A_557] in [0] : vector<16xf32>, vector<16xi32> -> vector<16xf32>
          %broadcast_in_dim3A_559 = vector.shape_cast %and3A_545 : vector<16xi32> to vector<16x1xi32>
          %gather3A_560 = vector.shape_cast %broadcast_in_dim3A_559 : vector<16x1xi32> to vector<16xi32>
          %gather3A_561 = tpu.dynamic_gather %get3A_417[%gather3A_560] in [0] : vector<16xf32>, vector<16xi32> -> vector<16xf32>
          %broadcast_in_dim3A_562 = vector.shape_cast %and3A_545 : vector<16xi32> to vector<16x1xi32>
          %gather3A_563 = vector.shape_cast %broadcast_in_dim3A_562 : vector<16x1xi32> to vector<16xi32>
          %gather3A_564 = tpu.dynamic_gather %get3A_414[%gather3A_563] in [0] : vector<16xf32>, vector<16xi32> -> vector<16xf32>
          %select_n3A_565 = arith.select %eq3A_548, %gather3A_561, %gather3A_564 : vector<16xi1>, vector<16xf32>
          %select_n3A_566 = arith.select %eq3A_551, %gather3A_558, %select_n3A_565 : vector<16xi1>, vector<16xf32>
          %select_n3A_567 = arith.select %eq3A_554, %gather3A_555, %select_n3A_566 : vector<16xi1>, vector<16xf32>
          %get3A_568 = arith.constant 0 : i32
          %get3A_569 = arith.constant 24 : i32
          %get3A_570 = arith.index_cast %get3A_568 : i32 to index
          %get3A_571 = arith.index_cast %get3A_569 : i32 to index
          %get3A_572 = arith.index_cast %mul3A_533 : i32 to index
          %get3A_573 = tpu.vector_load %arg10[%get3A_570, %get3A_571, %get3A_572] {strides = array<i32>} : memref<2x32x1280xf32, #tpu.memory_space<vmem>>, vector<1x1x16xf32>,
          %get3A_574 = vector.shape_cast %get3A_573 : vector<1x1x16xf32> to vector<16xf32>
          %mul3A_575 = arith.mulf %select_n3A_567, %get3A_574 : vector<16xf32>
          %swap3A = arith.constant 0 : i32
          %swap3A_576 = arith.constant 24 : i32
          %swap3A_577 = arith.index_cast %swap3A : i32 to index
          %swap3A_578 = arith.index_cast %swap3A_576 : i32 to index
          %swap3A_579 = arith.index_cast %mul3A_533 : i32 to index
          %swap3A_580 = tpu.vector_load %arg10[%swap3A_577, %swap3A_578, %swap3A_579] {strides = array<i32>} : memref<2x32x1280xf32, #tpu.memory_space<vmem>>, vector<1x1x16xf32>,
          %swap3A_581 = vector.shape_cast %swap3A_580 : vector<1x1x16xf32> to vector<16xf32>
          %swap3A_582 = vector.shape_cast %mul3A_575 : vector<16xf32> to vector<1x1x16xf32>
          tpu.vector_store %arg10[%swap3A_577, %swap3A_578, %swap3A_579], %swap3A_582 {strides = array<i32>} : memref<2x32x1280xf32, #tpu.memory_space<vmem>>, vector<1x1x16xf32>,
          %broadcast_in_dim3A_583 = vector.shape_cast %and3A_545 : vector<16xi32> to vector<16x1xi32>
          %gather3A_584 = vector.shape_cast %broadcast_in_dim3A_583 : vector<16x1xi32> to vector<16xi32>
          %gather3A_585 = tpu.dynamic_gather %get3A_435[%gather3A_584] in [0] : vector<16xf32>, vector<16xi32> -> vector<16xf32>
          %broadcast_in_dim3A_586 = vector.shape_cast %and3A_545 : vector<16xi32> to vector<16x1xi32>
          %gather3A_587 = vector.shape_cast %broadcast_in_dim3A_586 : vector<16x1xi32> to vector<16xi32>
          %gather3A_588 = tpu.dynamic_gather %get3A_432[%gather3A_587] in [0] : vector<16xf32>, vector<16xi32> -> vector<16xf32>
          %broadcast_in_dim3A_589 = vector.shape_cast %and3A_545 : vector<16xi32> to vector<16x1xi32>
          %gather3A_590 = vector.shape_cast %broadcast_in_dim3A_589 : vector<16x1xi32> to vector<16xi32>
          %gather3A_591 = tpu.dynamic_gather %get3A_429[%gather3A_590] in [0] : vector<16xf32>, vector<16xi32> -> vector<16xf32>
          %broadcast_in_dim3A_592 = vector.shape_cast %and3A_545 : vector<16xi32> to vector<16x1xi32>
          %gather3A_593 = vector.shape_cast %broadcast_in_dim3A_592 : vector<16x1xi32> to vector<16xi32>
          %gather3A_594 = tpu.dynamic_gather %get3A_426[%gather3A_593] in [0] : vector<16xf32>, vector<16xi32> -> vector<16xf32>
          %select_n3A_595 = arith.select %eq3A_548, %gather3A_591, %gather3A_594 : vector<16xi1>, vector<16xf32>
          %select_n3A_596 = arith.select %eq3A_551, %gather3A_588, %select_n3A_595 : vector<16xi1>, vector<16xf32>
          %select_n3A_597 = arith.select %eq3A_554, %gather3A_585, %select_n3A_596 : vector<16xi1>, vector<16xf32>
          %get3A_598 = arith.constant 0 : i32
          %get3A_599 = arith.constant 25 : i32
          %get3A_600 = arith.index_cast %get3A_598 : i32 to index
          %get3A_601 = arith.index_cast %get3A_599 : i32 to index
          %get3A_602 = arith.index_cast %mul3A_533 : i32 to index
          %get3A_603 = tpu.vector_load %arg10[%get3A_600, %get3A_601, %get3A_602] {strides = array<i32>} : memref<2x32x1280xf32, #tpu.memory_space<vmem>>, vector<1x1x16xf32>,
          %get3A_604 = vector.shape_cast %get3A_603 : vector<1x1x16xf32> to vector<16xf32>
          %mul3A_605 = arith.mulf %select_n3A_597, %get3A_604 : vector<16xf32>
          %swap3A_606 = arith.constant 0 : i32
          %swap3A_607 = arith.constant 25 : i32
          %swap3A_608 = arith.index_cast %swap3A_606 : i32 to index
          %swap3A_609 = arith.index_cast %swap3A_607 : i32 to index
          %swap3A_610 = arith.index_cast %mul3A_533 : i32 to index
          %swap3A_611 = tpu.vector_load %arg10[%swap3A_608, %swap3A_609, %swap3A_610] {strides = array<i32>} : memref<2x32x1280xf32, #tpu.memory_space<vmem>>, vector<1x1x16xf32>,
          %swap3A_612 = vector.shape_cast %swap3A_611 : vector<1x1x16xf32> to vector<16xf32>
          %swap3A_613 = vector.shape_cast %mul3A_605 : vector<16xf32> to vector<1x1x16xf32>
          tpu.vector_store %arg10[%swap3A_608, %swap3A_609, %swap3A_610], %swap3A_613 {strides = array<i32>} : memref<2x32x1280xf32, #tpu.memory_space<vmem>>, vector<1x1x16xf32>,
          %broadcast_in_dim3A_614 = vector.shape_cast %and3A_545 : vector<16xi32> to vector<16x1xi32>
          %gather3A_615 = vector.shape_cast %broadcast_in_dim3A_614 : vector<16x1xi32> to vector<16xi32>
          %gather3A_616 = tpu.dynamic_gather %get3A_447[%gather3A_615] in [0] : vector<16xf32>, vector<16xi32> -> vector<16xf32>
          %broadcast_in_dim3A_617 = vector.shape_cast %and3A_545 : vector<16xi32> to vector<16x1xi32>
          %gather3A_618 = vector.shape_cast %broadcast_in_dim3A_617 : vector<16x1xi32> to vector<16xi32>
          %gather3A_619 = tpu.dynamic_gather %get3A_444[%gather3A_618] in [0] : vector<16xf32>, vector<16xi32> -> vector<16xf32>
          %broadcast_in_dim3A_620 = vector.shape_cast %and3A_545 : vector<16xi32> to vector<16x1xi32>
          %gather3A_621 = vector.shape_cast %broadcast_in_dim3A_620 : vector<16x1xi32> to vector<16xi32>
          %gather3A_622 = tpu.dynamic_gather %get3A_441[%gather3A_621] in [0] : vector<16xf32>, vector<16xi32> -> vector<16xf32>
          %broadcast_in_dim3A_623 = vector.shape_cast %and3A_545 : vector<16xi32> to vector<16x1xi32>
          %gather3A_624 = vector.shape_cast %broadcast_in_dim3A_623 : vector<16x1xi32> to vector<16xi32>
          %gather3A_625 = tpu.dynamic_gather %get3A_438[%gather3A_624] in [0] : vector<16xf32>, vector<16xi32> -> vector<16xf32>
          %select_n3A_626 = arith.select %eq3A_548, %gather3A_622, %gather3A_625 : vector<16xi1>, vector<16xf32>
          %select_n3A_627 = arith.select %eq3A_551, %gather3A_619, %select_n3A_626 : vector<16xi1>, vector<16xf32>
          %select_n3A_628 = arith.select %eq3A_554, %gather3A_616, %select_n3A_627 : vector<16xi1>, vector<16xf32>
          %get3A_629 = arith.constant 0 : i32
          %get3A_630 = arith.constant 26 : i32
          %get3A_631 = arith.index_cast %get3A_629 : i32 to index
          %get3A_632 = arith.index_cast %get3A_630 : i32 to index
          %get3A_633 = arith.index_cast %mul3A_533 : i32 to index
          %get3A_634 = tpu.vector_load %arg10[%get3A_631, %get3A_632, %get3A_633] {strides = array<i32>} : memref<2x32x1280xf32, #tpu.memory_space<vmem>>, vector<1x1x16xf32>,
          %get3A_635 = vector.shape_cast %get3A_634 : vector<1x1x16xf32> to vector<16xf32>
          %mul3A_636 = arith.mulf %select_n3A_628, %get3A_635 : vector<16xf32>
          %swap3A_637 = arith.constant 0 : i32
          %swap3A_638 = arith.constant 26 : i32
          %swap3A_639 = arith.index_cast %swap3A_637 : i32 to index
          %swap3A_640 = arith.index_cast %swap3A_638 : i32 to index
          %swap3A_641 = arith.index_cast %mul3A_533 : i32 to index
          %swap3A_642 = tpu.vector_load %arg10[%swap3A_639, %swap3A_640, %swap3A_641] {strides = array<i32>} : memref<2x32x1280xf32, #tpu.memory_space<vmem>>, vector<1x1x16xf32>,
          %swap3A_643 = vector.shape_cast %swap3A_642 : vector<1x1x16xf32> to vector<16xf32>
          %swap3A_644 = vector.shape_cast %mul3A_636 : vector<16xf32> to vector<1x1x16xf32>
          tpu.vector_store %arg10[%swap3A_639, %swap3A_640, %swap3A_641], %swap3A_644 {strides = array<i32>} : memref<2x32x1280xf32, #tpu.memory_space<vmem>>, vector<1x1x16xf32>,
          %broadcast_in_dim3A_645 = vector.shape_cast %and3A_545 : vector<16xi32> to vector<16x1xi32>
          %gather3A_646 = vector.shape_cast %broadcast_in_dim3A_645 : vector<16x1xi32> to vector<16xi32>
          %gather3A_647 = tpu.dynamic_gather %get3A_459[%gather3A_646] in [0] : vector<16xf32>, vector<16xi32> -> vector<16xf32>
          %broadcast_in_dim3A_648 = vector.shape_cast %and3A_545 : vector<16xi32> to vector<16x1xi32>
          %gather3A_649 = vector.shape_cast %broadcast_in_dim3A_648 : vector<16x1xi32> to vector<16xi32>
          %gather3A_650 = tpu.dynamic_gather %get3A_456[%gather3A_649] in [0] : vector<16xf32>, vector<16xi32> -> vector<16xf32>
          %broadcast_in_dim3A_651 = vector.shape_cast %and3A_545 : vector<16xi32> to vector<16x1xi32>
          %gather3A_652 = vector.shape_cast %broadcast_in_dim3A_651 : vector<16x1xi32> to vector<16xi32>
          %gather3A_653 = tpu.dynamic_gather %get3A_453[%gather3A_652] in [0] : vector<16xf32>, vector<16xi32> -> vector<16xf32>
          %broadcast_in_dim3A_654 = vector.shape_cast %and3A_545 : vector<16xi32> to vector<16x1xi32>
          %gather3A_655 = vector.shape_cast %broadcast_in_dim3A_654 : vector<16x1xi32> to vector<16xi32>
          %gather3A_656 = tpu.dynamic_gather %get3A_450[%gather3A_655] in [0] : vector<16xf32>, vector<16xi32> -> vector<16xf32>
          %select_n3A_657 = arith.select %eq3A_548, %gather3A_653, %gather3A_656 : vector<16xi1>, vector<16xf32>
          %select_n3A_658 = arith.select %eq3A_551, %gather3A_650, %select_n3A_657 : vector<16xi1>, vector<16xf32>
          %select_n3A_659 = arith.select %eq3A_554, %gather3A_647, %select_n3A_658 : vector<16xi1>, vector<16xf32>
          %get3A_660 = arith.constant 0 : i32
          %get3A_661 = arith.constant 27 : i32
          %get3A_662 = arith.index_cast %get3A_660 : i32 to index
          %get3A_663 = arith.index_cast %get3A_661 : i32 to index
          %get3A_664 = arith.index_cast %mul3A_533 : i32 to index
          %get3A_665 = tpu.vector_load %arg10[%get3A_662, %get3A_663, %get3A_664] {strides = array<i32>} : memref<2x32x1280xf32, #tpu.memory_space<vmem>>, vector<1x1x16xf32>,
          %get3A_666 = vector.shape_cast %get3A_665 : vector<1x1x16xf32> to vector<16xf32>
          %mul3A_667 = arith.mulf %select_n3A_659, %get3A_666 : vector<16xf32>
          %swap3A_668 = arith.constant 0 : i32
          %swap3A_669 = arith.constant 27 : i32
          %swap3A_670 = arith.index_cast %swap3A_668 : i32 to index
          %swap3A_671 = arith.index_cast %swap3A_669 : i32 to index
          %swap3A_672 = arith.index_cast %mul3A_533 : i32 to index
          %swap3A_673 = tpu.vector_load %arg10[%swap3A_670, %swap3A_671, %swap3A_672] {strides = array<i32>} : memref<2x32x1280xf32, #tpu.memory_space<vmem>>, vector<1x1x16xf32>,
          %swap3A_674 = vector.shape_cast %swap3A_673 : vector<1x1x16xf32> to vector<16xf32>
          %swap3A_675 = vector.shape_cast %mul3A_667 : vector<16xf32> to vector<1x1x16xf32>
          tpu.vector_store %arg10[%swap3A_670, %swap3A_671, %swap3A_672], %swap3A_675 {strides = array<i32>} : memref<2x32x1280xf32, #tpu.memory_space<vmem>>, vector<1x1x16xf32>,
          %broadcast_in_dim3A_676 = vector.shape_cast %and3A_545 : vector<16xi32> to vector<16x1xi32>
          %gather3A_677 = vector.shape_cast %broadcast_in_dim3A_676 : vector<16x1xi32> to vector<16xi32>
          %gather3A_678 = tpu.dynamic_gather %get3A_471[%gather3A_677] in [0] : vector<16xf32>, vector<16xi32> -> vector<16xf32>
          %broadcast_in_dim3A_679 = vector.shape_cast %and3A_545 : vector<16xi32> to vector<16x1xi32>
          %gather3A_680 = vector.shape_cast %broadcast_in_dim3A_679 : vector<16x1xi32> to vector<16xi32>
          %gather3A_681 = tpu.dynamic_gather %get3A_468[%gather3A_680] in [0] : vector<16xf32>, vector<16xi32> -> vector<16xf32>
          %broadcast_in_dim3A_682 = vector.shape_cast %and3A_545 : vector<16xi32> to vector<16x1xi32>
          %gather3A_683 = vector.shape_cast %broadcast_in_dim3A_682 : vector<16x1xi32> to vector<16xi32>
          %gather3A_684 = tpu.dynamic_gather %get3A_465[%gather3A_683] in [0] : vector<16xf32>, vector<16xi32> -> vector<16xf32>
          %broadcast_in_dim3A_685 = vector.shape_cast %and3A_545 : vector<16xi32> to vector<16x1xi32>
          %gather3A_686 = vector.shape_cast %broadcast_in_dim3A_685 : vector<16x1xi32> to vector<16xi32>
          %gather3A_687 = tpu.dynamic_gather %get3A_462[%gather3A_686] in [0] : vector<16xf32>, vector<16xi32> -> vector<16xf32>
          %select_n3A_688 = arith.select %eq3A_548, %gather3A_684, %gather3A_687 : vector<16xi1>, vector<16xf32>
          %select_n3A_689 = arith.select %eq3A_551, %gather3A_681, %select_n3A_688 : vector<16xi1>, vector<16xf32>
          %select_n3A_690 = arith.select %eq3A_554, %gather3A_678, %select_n3A_689 : vector<16xi1>, vector<16xf32>
          %get3A_691 = arith.constant 0 : i32
          %get3A_692 = arith.constant 28 : i32
          %get3A_693 = arith.index_cast %get3A_691 : i32 to index
          %get3A_694 = arith.index_cast %get3A_692 : i32 to index
          %get3A_695 = arith.index_cast %mul3A_533 : i32 to index
          %get3A_696 = tpu.vector_load %arg10[%get3A_693, %get3A_694, %get3A_695] {strides = array<i32>} : memref<2x32x1280xf32, #tpu.memory_space<vmem>>, vector<1x1x16xf32>,
          %get3A_697 = vector.shape_cast %get3A_696 : vector<1x1x16xf32> to vector<16xf32>
          %mul3A_698 = arith.mulf %select_n3A_690, %get3A_697 : vector<16xf32>
          %swap3A_699 = arith.constant 0 : i32
          %swap3A_700 = arith.constant 28 : i32
          %swap3A_701 = arith.index_cast %swap3A_699 : i32 to index
          %swap3A_702 = arith.index_cast %swap3A_700 : i32 to index
          %swap3A_703 = arith.index_cast %mul3A_533 : i32 to index
          %swap3A_704 = tpu.vector_load %arg10[%swap3A_701, %swap3A_702, %swap3A_703] {strides = array<i32>} : memref<2x32x1280xf32, #tpu.memory_space<vmem>>, vector<1x1x16xf32>,
          %swap3A_705 = vector.shape_cast %swap3A_704 : vector<1x1x16xf32> to vector<16xf32>
          %swap3A_706 = vector.shape_cast %mul3A_698 : vector<16xf32> to vector<1x1x16xf32>
          tpu.vector_store %arg10[%swap3A_701, %swap3A_702, %swap3A_703], %swap3A_706 {strides = array<i32>} : memref<2x32x1280xf32, #tpu.memory_space<vmem>>, vector<1x1x16xf32>,
          %broadcast_in_dim3A_707 = vector.shape_cast %and3A_545 : vector<16xi32> to vector<16x1xi32>
          %gather3A_708 = vector.shape_cast %broadcast_in_dim3A_707 : vector<16x1xi32> to vector<16xi32>
          %gather3A_709 = tpu.dynamic_gather %get3A_483[%gather3A_708] in [0] : vector<16xf32>, vector<16xi32> -> vector<16xf32>
          %broadcast_in_dim3A_710 = vector.shape_cast %and3A_545 : vector<16xi32> to vector<16x1xi32>
          %gather3A_711 = vector.shape_cast %broadcast_in_dim3A_710 : vector<16x1xi32> to vector<16xi32>
          %gather3A_712 = tpu.dynamic_gather %get3A_480[%gather3A_711] in [0] : vector<16xf32>, vector<16xi32> -> vector<16xf32>
          %broadcast_in_dim3A_713 = vector.shape_cast %and3A_545 : vector<16xi32> to vector<16x1xi32>
          %gather3A_714 = vector.shape_cast %broadcast_in_dim3A_713 : vector<16x1xi32> to vector<16xi32>
          %gather3A_715 = tpu.dynamic_gather %get3A_477[%gather3A_714] in [0] : vector<16xf32>, vector<16xi32> -> vector<16xf32>
          %broadcast_in_dim3A_716 = vector.shape_cast %and3A_545 : vector<16xi32> to vector<16x1xi32>
          %gather3A_717 = vector.shape_cast %broadcast_in_dim3A_716 : vector<16x1xi32> to vector<16xi32>
          %gather3A_718 = tpu.dynamic_gather %get3A_474[%gather3A_717] in [0] : vector<16xf32>, vector<16xi32> -> vector<16xf32>
          %select_n3A_719 = arith.select %eq3A_548, %gather3A_715, %gather3A_718 : vector<16xi1>, vector<16xf32>
          %select_n3A_720 = arith.select %eq3A_551, %gather3A_712, %select_n3A_719 : vector<16xi1>, vector<16xf32>
          %select_n3A_721 = arith.select %eq3A_554, %gather3A_709, %select_n3A_720 : vector<16xi1>, vector<16xf32>
          %get3A_722 = arith.constant 0 : i32
          %get3A_723 = arith.constant 29 : i32
          %get3A_724 = arith.index_cast %get3A_722 : i32 to index
          %get3A_725 = arith.index_cast %get3A_723 : i32 to index
          %get3A_726 = arith.index_cast %mul3A_533 : i32 to index
          %get3A_727 = tpu.vector_load %arg10[%get3A_724, %get3A_725, %get3A_726] {strides = array<i32>} : memref<2x32x1280xf32, #tpu.memory_space<vmem>>, vector<1x1x16xf32>,
          %get3A_728 = vector.shape_cast %get3A_727 : vector<1x1x16xf32> to vector<16xf32>
          %mul3A_729 = arith.mulf %select_n3A_721, %get3A_728 : vector<16xf32>
          %swap3A_730 = arith.constant 0 : i32
          %swap3A_731 = arith.constant 29 : i32
          %swap3A_732 = arith.index_cast %swap3A_730 : i32 to index
          %swap3A_733 = arith.index_cast %swap3A_731 : i32 to index
          %swap3A_734 = arith.index_cast %mul3A_533 : i32 to index
          %swap3A_735 = tpu.vector_load %arg10[%swap3A_732, %swap3A_733, %swap3A_734] {strides = array<i32>} : memref<2x32x1280xf32, #tpu.memory_space<vmem>>, vector<1x1x16xf32>,
          %swap3A_736 = vector.shape_cast %swap3A_735 : vector<1x1x16xf32> to vector<16xf32>
          %swap3A_737 = vector.shape_cast %mul3A_729 : vector<16xf32> to vector<1x1x16xf32>
          tpu.vector_store %arg10[%swap3A_732, %swap3A_733, %swap3A_734], %swap3A_737 {strides = array<i32>} : memref<2x32x1280xf32, #tpu.memory_space<vmem>>, vector<1x1x16xf32>,
          %broadcast_in_dim3A_738 = vector.shape_cast %and3A_545 : vector<16xi32> to vector<16x1xi32>
          %gather3A_739 = vector.shape_cast %broadcast_in_dim3A_738 : vector<16x1xi32> to vector<16xi32>
          %gather3A_740 = tpu.dynamic_gather %get3A_495[%gather3A_739] in [0] : vector<16xf32>, vector<16xi32> -> vector<16xf32>
          %broadcast_in_dim3A_741 = vector.shape_cast %and3A_545 : vector<16xi32> to vector<16x1xi32>
          %gather3A_742 = vector.shape_cast %broadcast_in_dim3A_741 : vector<16x1xi32> to vector<16xi32>
          %gather3A_743 = tpu.dynamic_gather %get3A_492[%gather3A_742] in [0] : vector<16xf32>, vector<16xi32> -> vector<16xf32>
          %broadcast_in_dim3A_744 = vector.shape_cast %and3A_545 : vector<16xi32> to vector<16x1xi32>
          %gather3A_745 = vector.shape_cast %broadcast_in_dim3A_744 : vector<16x1xi32> to vector<16xi32>
          %gather3A_746 = tpu.dynamic_gather %get3A_489[%gather3A_745] in [0] : vector<16xf32>, vector<16xi32> -> vector<16xf32>
          %broadcast_in_dim3A_747 = vector.shape_cast %and3A_545 : vector<16xi32> to vector<16x1xi32>
          %gather3A_748 = vector.shape_cast %broadcast_in_dim3A_747 : vector<16x1xi32> to vector<16xi32>
          %gather3A_749 = tpu.dynamic_gather %get3A_486[%gather3A_748] in [0] : vector<16xf32>, vector<16xi32> -> vector<16xf32>
          %select_n3A_750 = arith.select %eq3A_548, %gather3A_746, %gather3A_749 : vector<16xi1>, vector<16xf32>
          %select_n3A_751 = arith.select %eq3A_551, %gather3A_743, %select_n3A_750 : vector<16xi1>, vector<16xf32>
          %select_n3A_752 = arith.select %eq3A_554, %gather3A_740, %select_n3A_751 : vector<16xi1>, vector<16xf32>
          %get3A_753 = arith.constant 0 : i32
          %get3A_754 = arith.constant 30 : i32
          %get3A_755 = arith.index_cast %get3A_753 : i32 to index
          %get3A_756 = arith.index_cast %get3A_754 : i32 to index
          %get3A_757 = arith.index_cast %mul3A_533 : i32 to index
          %get3A_758 = tpu.vector_load %arg10[%get3A_755, %get3A_756, %get3A_757] {strides = array<i32>} : memref<2x32x1280xf32, #tpu.memory_space<vmem>>, vector<1x1x16xf32>,
          %get3A_759 = vector.shape_cast %get3A_758 : vector<1x1x16xf32> to vector<16xf32>
          %mul3A_760 = arith.mulf %select_n3A_752, %get3A_759 : vector<16xf32>
          %swap3A_761 = arith.constant 0 : i32
          %swap3A_762 = arith.constant 30 : i32
          %swap3A_763 = arith.index_cast %swap3A_761 : i32 to index
          %swap3A_764 = arith.index_cast %swap3A_762 : i32 to index
          %swap3A_765 = arith.index_cast %mul3A_533 : i32 to index
          %swap3A_766 = tpu.vector_load %arg10[%swap3A_763, %swap3A_764, %swap3A_765] {strides = array<i32>} : memref<2x32x1280xf32, #tpu.memory_space<vmem>>, vector<1x1x16xf32>,
          %swap3A_767 = vector.shape_cast %swap3A_766 : vector<1x1x16xf32> to vector<16xf32>
          %swap3A_768 = vector.shape_cast %mul3A_760 : vector<16xf32> to vector<1x1x16xf32>
          tpu.vector_store %arg10[%swap3A_763, %swap3A_764, %swap3A_765], %swap3A_768 {strides = array<i32>} : memref<2x32x1280xf32, #tpu.memory_space<vmem>>, vector<1x1x16xf32>,
          %broadcast_in_dim3A_769 = vector.shape_cast %and3A_545 : vector<16xi32> to vector<16x1xi32>
          %gather3A_770 = vector.shape_cast %broadcast_in_dim3A_769 : vector<16x1xi32> to vector<16xi32>
          %gather3A_771 = tpu.dynamic_gather %get3A_507[%gather3A_770] in [0] : vector<16xf32>, vector<16xi32> -> vector<16xf32>
          %broadcast_in_dim3A_772 = vector.shape_cast %and3A_545 : vector<16xi32> to vector<16x1xi32>
          %gather3A_773 = vector.shape_cast %broadcast_in_dim3A_772 : vector<16x1xi32> to vector<16xi32>
          %gather3A_774 = tpu.dynamic_gather %get3A_504[%gather3A_773] in [0] : vector<16xf32>, vector<16xi32> -> vector<16xf32>
          %broadcast_in_dim3A_775 = vector.shape_cast %and3A_545 : vector<16xi32> to vector<16x1xi32>
          %gather3A_776 = vector.shape_cast %broadcast_in_dim3A_775 : vector<16x1xi32> to vector<16xi32>
          %gather3A_777 = tpu.dynamic_gather %get3A_501[%gather3A_776] in [0] : vector<16xf32>, vector<16xi32> -> vector<16xf32>
          %broadcast_in_dim3A_778 = vector.shape_cast %and3A_545 : vector<16xi32> to vector<16x1xi32>
          %gather3A_779 = vector.shape_cast %broadcast_in_dim3A_778 : vector<16x1xi32> to vector<16xi32>
          %gather3A_780 = tpu.dynamic_gather %get3A_498[%gather3A_779] in [0] : vector<16xf32>, vector<16xi32> -> vector<16xf32>
          %select_n3A_781 = arith.select %eq3A_548, %gather3A_777, %gather3A_780 : vector<16xi1>, vector<16xf32>
          %select_n3A_782 = arith.select %eq3A_551, %gather3A_774, %select_n3A_781 : vector<16xi1>, vector<16xf32>
          %select_n3A_783 = arith.select %eq3A_554, %gather3A_771, %select_n3A_782 : vector<16xi1>, vector<16xf32>
          %get3A_784 = arith.constant 0 : i32
          %get3A_785 = arith.constant 31 : i32
          %get3A_786 = arith.index_cast %get3A_784 : i32 to index
          %get3A_787 = arith.index_cast %get3A_785 : i32 to index
          %get3A_788 = arith.index_cast %mul3A_533 : i32 to index
          %get3A_789 = tpu.vector_load %arg10[%get3A_786, %get3A_787, %get3A_788] {strides = array<i32>} : memref<2x32x1280xf32, #tpu.memory_space<vmem>>, vector<1x1x16xf32>,
          %get3A_790 = vector.shape_cast %get3A_789 : vector<1x1x16xf32> to vector<16xf32>
          %mul3A_791 = arith.mulf %select_n3A_783, %get3A_790 : vector<16xf32>
          %swap3A_792 = arith.constant 0 : i32
          %swap3A_793 = arith.constant 31 : i32
          %swap3A_794 = arith.index_cast %swap3A_792 : i32 to index
          %swap3A_795 = arith.index_cast %swap3A_793 : i32 to index
          %swap3A_796 = arith.index_cast %mul3A_533 : i32 to index
          %swap3A_797 = tpu.vector_load %arg10[%swap3A_794, %swap3A_795, %swap3A_796] {strides = array<i32>} : memref<2x32x1280xf32, #tpu.memory_space<vmem>>, vector<1x1x16xf32>,
          %swap3A_798 = vector.shape_cast %swap3A_797 : vector<1x1x16xf32> to vector<16xf32>
          %swap3A_799 = vector.shape_cast %mul3A_791 : vector<16xf32> to vector<1x1x16xf32>
          tpu.vector_store %arg10[%swap3A_794, %swap3A_795, %swap3A_796], %swap3A_799 {strides = array<i32>} : memref<2x32x1280xf32, #tpu.memory_space<vmem>>, vector<1x1x16xf32>,
        }
        %scan3A_513 = arith.constant 80 : i32
        %mul3A_514 = arith.constant 32 : i32
        %mul3A_515 = arith.muli %add3A_43, %mul3A_514 : i32
        %add3A_516 = arith.addi %add3A, %mul3A_515 : i32
        %mul3A_517 = arith.constant 1280 : i32
        %mul3A_518 = arith.muli %add3A_516, %mul3A_517 : i32
        %dma_start3A = arith.constant 0 : i32
        %dma_start3A_519 = arith.constant 0 : i32
        %dma_start3A_520 = arith.constant 0 : i32
        %dma_start3A_521 = tpu.memref_slice %arg10[%dma_start3A, %dma_start3A_519, %dma_start3A_520] : memref<2x32x1280xf32, #tpu.memory_space<vmem>> -> memref<1x32x1280xf32, #tpu.memory_space<vmem>>
        %dma_start3A_522 = tpu.memref_squeeze %dma_start3A_521 : memref<1x32x1280xf32, #tpu.memory_space<vmem>> -> memref<32x1280xf32, #tpu.memory_space<vmem>>
        %dma_start3A_523 = arith.constant 0 : i32
        %dma_start3A_524 = tpu.memref_slice %arg6[%dma_start3A_523, %mul3A_518] : memref<32x1600000xf32, #tpu.memory_space<hbm>> -> memref<32x1280xf32, #tpu.memory_space<hbm>>
        %dma_start3A_525 = arith.constant 0 : i32
        %dma_start3A_526 = tpu.memref_slice %arg6[%dma_start3A_525, %mul3A_518] : memref<32x1600000xf32, #tpu.memory_space<hbm>> -> memref<32x1280xf32, #tpu.memory_space<hbm>>
        %dma_start3A_527 = arith.constant 0 : i32
        %dma_start3A_528 = arith.constant 0 : i32
        %dma_start3A_529 = tpu.memref_slice %arg10[%dma_start3A, %dma_start3A_527, %dma_start3A_528] : memref<2x32x1280xf32, #tpu.memory_space<vmem>> -> memref<1x32x1280xf32, #tpu.memory_space<vmem>>
        %dma_start3A_530 = tpu.memref_squeeze %dma_start3A_529 : memref<1x32x1280xf32, #tpu.memory_space<vmem>> -> memref<32x1280xf32, #tpu.memory_space<vmem>>
        tpu.enqueue_dma source(%dma_start3A_530 : memref<32x1280xf32, #tpu.memory_space<vmem>>) target(%dma_start3A_526 : memref<32x1280xf32, #tpu.memory_space<hbm>>) target_semaphore(%arg13 : memref<!tpu.dma_semaphore, #tpu.memory_space<semaphore_mem>>)
      } else {
      }
      %mul3A_52 = arith.constant 2 : i32
      %mul3A_53 = arith.muli %mul3A_52, %scan3A_39 : i32
      %add3A_54 = arith.constant 1 : i32
      %add3A_55 = arith.addi %mul3A_53, %add3A_54 : i32
      %mul3A_56 = arith.constant 32 : i32
      %mul3A_57 = arith.muli %add3A_55, %mul3A_56 : i32
      %add3A_58 = arith.addi %add3A, %mul3A_57 : i32
      %lt3A_59 = arith.constant 1250 : i32
      %lt3A_60 = arith.cmpi slt, %add3A_58, %lt3A_59 : i32
      %convert_element_type3A_61 = arith.extui %lt3A_60 : i1 to i32
      %cond3A_62 = arith.constant 0 : i32
      %cond3A_63 = arith.cmpi ne, %convert_element_type3A_61, %cond3A_62 : i32
      scf.if %cond3A_63 {
        %dma_wait3A = arith.constant 1 : i32
        %dma_wait3A_64 = arith.constant 0 : i32
        %dma_wait3A_65 = arith.constant 0 : i32
        %dma_wait3A_66 = tpu.memref_slice %arg7[%dma_wait3A, %dma_wait3A_64, %dma_wait3A_65] : memref<2x2x1280xi32, #tpu.memory_space<vmem>> -> memref<1x2x1280xi32, #tpu.memory_space<vmem>>
        %dma_wait3A_67 = tpu.memref_squeeze %dma_wait3A_66 : memref<1x2x1280xi32, #tpu.memory_space<vmem>> -> memref<2x1280xi32, #tpu.memory_space<vmem>>
        %dma_wait3A_68 = arith.constant 0 : i32
        %dma_wait3A_69 = arith.constant 0 : i32
        %dma_wait3A_70 = tpu.memref_slice %arg3[%dma_wait3A_68, %dma_wait3A_69] : memref<2x1600000xi32, #tpu.memory_space<hbm>> -> memref<2x1280xi32, #tpu.memory_space<hbm>>
        %dma_wait3A_71 = arith.constant 0 : i32
        %dma_wait3A_72 = arith.constant 0 : i32
        %dma_wait3A_73 = tpu.memref_slice %arg7[%dma_wait3A, %dma_wait3A_71, %dma_wait3A_72] : memref<2x2x1280xi32, #tpu.memory_space<vmem>> -> memref<1x2x1280xi32, #tpu.memory_space<vmem>>
        %dma_wait3A_74 = tpu.memref_squeeze %dma_wait3A_73 : memref<1x2x1280xi32, #tpu.memory_space<vmem>> -> memref<2x1280xi32, #tpu.memory_space<vmem>>
        %dma_wait3A_75 = arith.constant 0 : i32
        %dma_wait3A_76 = arith.constant 0 : i32
        %dma_wait3A_77 = tpu.memref_slice %arg3[%dma_wait3A_75, %dma_wait3A_76] : memref<2x1600000xi32, #tpu.memory_space<hbm>> -> memref<2x1280xi32, #tpu.memory_space<hbm>>
        tpu.wait_dma2 semaphore(%arg12 : memref<!tpu.dma_semaphore, #tpu.memory_space<semaphore_mem>>) src(%dma_wait3A_77 : memref<2x1280xi32, #tpu.memory_space<hbm>>) dst(%dma_wait3A_74 : memref<2x1280xi32, #tpu.memory_space<vmem>>)
        %dma_wait3A_78 = arith.constant 1 : i32
        %dma_wait3A_79 = arith.constant 0 : i32
        %dma_wait3A_80 = arith.constant 0 : i32
        %dma_wait3A_81 = tpu.memref_slice %arg10[%dma_wait3A_78, %dma_wait3A_79, %dma_wait3A_80] : memref<2x32x1280xf32, #tpu.memory_space<vmem>> -> memref<1x32x1280xf32, #tpu.memory_space<vmem>>
        %dma_wait3A_82 = tpu.memref_squeeze %dma_wait3A_81 : memref<1x32x1280xf32, #tpu.memory_space<vmem>> -> memref<32x1280xf32, #tpu.memory_space<vmem>>
        %dma_wait3A_83 = arith.constant 0 : i32
        %dma_wait3A_84 = arith.constant 0 : i32
        %dma_wait3A_85 = tpu.memref_slice %arg2[%dma_wait3A_83, %dma_wait3A_84] : memref<32x1600000xf32, #tpu.memory_space<hbm>> -> memref<32x1280xf32, #tpu.memory_space<hbm>>
        %dma_wait3A_86 = arith.constant 0 : i32
        %dma_wait3A_87 = arith.constant 0 : i32
        %dma_wait3A_88 = tpu.memref_slice %arg10[%dma_wait3A_78, %dma_wait3A_86, %dma_wait3A_87] : memref<2x32x1280xf32, #tpu.memory_space<vmem>> -> memref<1x32x1280xf32, #tpu.memory_space<vmem>>
        %dma_wait3A_89 = tpu.memref_squeeze %dma_wait3A_88 : memref<1x32x1280xf32, #tpu.memory_space<vmem>> -> memref<32x1280xf32, #tpu.memory_space<vmem>>
        %dma_wait3A_90 = arith.constant 0 : i32
        %dma_wait3A_91 = arith.constant 0 : i32
        %dma_wait3A_92 = tpu.memref_slice %arg2[%dma_wait3A_90, %dma_wait3A_91] : memref<32x1600000xf32, #tpu.memory_space<hbm>> -> memref<32x1280xf32, #tpu.memory_space<hbm>>
        tpu.wait_dma2 semaphore(%arg12 : memref<!tpu.dma_semaphore, #tpu.memory_space<semaphore_mem>>) src(%dma_wait3A_92 : memref<32x1280xf32, #tpu.memory_space<hbm>>) dst(%dma_wait3A_89 : memref<32x1280xf32, #tpu.memory_space<vmem>>)
        %dma_wait3A_93 = arith.constant 0 : i32
        %dma_wait3A_94 = arith.constant 0 : i32
        %dma_wait3A_95 = arith.constant 0 : i32
        %dma_wait3A_96 = tpu.memref_slice %arg10[%dma_wait3A_93, %dma_wait3A_94, %dma_wait3A_95] : memref<2x32x1280xf32, #tpu.memory_space<vmem>> -> memref<1x32x1280xf32, #tpu.memory_space<vmem>>
        %dma_wait3A_97 = tpu.memref_squeeze %dma_wait3A_96 : memref<1x32x1280xf32, #tpu.memory_space<vmem>> -> memref<32x1280xf32, #tpu.memory_space<vmem>>
        %dma_wait3A_98 = arith.constant 0 : i32
        %dma_wait3A_99 = arith.constant 0 : i32
        %dma_wait3A_100 = tpu.memref_slice %arg6[%dma_wait3A_98, %dma_wait3A_99] : memref<32x1600000xf32, #tpu.memory_space<hbm>> -> memref<32x1280xf32, #tpu.memory_space<hbm>>
        %dma_wait3A_101 = arith.constant 0 : i32
        %dma_wait3A_102 = arith.constant 0 : i32
        %dma_wait3A_103 = tpu.memref_slice %arg6[%dma_wait3A_101, %dma_wait3A_102] : memref<32x1600000xf32, #tpu.memory_space<hbm>> -> memref<32x1280xf32, #tpu.memory_space<hbm>>
        %dma_wait3A_104 = arith.constant 0 : i32
        %dma_wait3A_105 = arith.constant 0 : i32
        %dma_wait3A_106 = tpu.memref_slice %arg10[%dma_wait3A_93, %dma_wait3A_104, %dma_wait3A_105] : memref<2x32x1280xf32, #tpu.memory_space<vmem>> -> memref<1x32x1280xf32, #tpu.memory_space<vmem>>
        %dma_wait3A_107 = tpu.memref_squeeze %dma_wait3A_106 : memref<1x32x1280xf32, #tpu.memory_space<vmem>> -> memref<32x1280xf32, #tpu.memory_space<vmem>>
        tpu.wait_dma2 semaphore(%arg13 : memref<!tpu.dma_semaphore, #tpu.memory_space<semaphore_mem>>) src(%dma_wait3A_107 : memref<32x1280xf32, #tpu.memory_space<vmem>>) dst(%dma_wait3A_103 : memref<32x1280xf32, #tpu.memory_space<hbm>>)
        %add3A_108 = arith.constant 1 : i32
        %add3A_109 = arith.addi %add3A_55, %add3A_108 : i32
        %mul3A_110 = arith.constant 32 : i32
        %mul3A_111 = arith.muli %add3A_109, %mul3A_110 : i32
        %add3A_112 = arith.addi %add3A, %mul3A_111 : i32
        %lt3A_113 = arith.constant 1250 : i32
        %lt3A_114 = arith.cmpi slt, %add3A_112, %lt3A_113 : i32
        %convert_element_type3A_115 = arith.extui %lt3A_114 : i1 to i32
        %cond3A_116 = arith.constant 0 : i32
        %cond3A_117 = arith.cmpi ne, %convert_element_type3A_115, %cond3A_116 : i32
        scf.if %cond3A_117 {
          %add3A_542 = arith.constant 1 : i32
          %add3A_543 = arith.addi %add3A_55, %add3A_542 : i32
          %mul3A_544 = arith.constant 32 : i32
          %mul3A_545 = arith.muli %add3A_543, %mul3A_544 : i32
          %add3A_546 = arith.addi %add3A, %mul3A_545 : i32
          %mul3A_547 = arith.constant 1280 : i32
          %mul3A_548 = arith.muli %add3A_546, %mul3A_547 : i32
          %dma_start3A_549 = arith.constant 0 : i32
          %dma_start3A_550 = arith.constant 0 : i32
          %dma_start3A_551 = arith.constant 0 : i32
          %dma_start3A_552 = tpu.memref_slice %arg7[%dma_start3A_549, %dma_start3A_550, %dma_start3A_551] : memref<2x2x1280xi32, #tpu.memory_space<vmem>> -> memref<1x2x1280xi32, #tpu.memory_space<vmem>>
          %dma_start3A_553 = tpu.memref_squeeze %dma_start3A_552 : memref<1x2x1280xi32, #tpu.memory_space<vmem>> -> memref<2x1280xi32, #tpu.memory_space<vmem>>
          %dma_start3A_554 = arith.constant 0 : i32
          %dma_start3A_555 = tpu.memref_slice %arg3[%dma_start3A_554, %mul3A_548] : memref<2x1600000xi32, #tpu.memory_space<hbm>> -> memref<2x1280xi32, #tpu.memory_space<hbm>>
          %dma_start3A_556 = arith.constant 0 : i32
          %dma_start3A_557 = arith.constant 0 : i32
          %dma_start3A_558 = tpu.memref_slice %arg7[%dma_start3A_549, %dma_start3A_556, %dma_start3A_557] : memref<2x2x1280xi32, #tpu.memory_space<vmem>> -> memref<1x2x1280xi32, #tpu.memory_space<vmem>>
          %dma_start3A_559 = tpu.memref_squeeze %dma_start3A_558 : memref<1x2x1280xi32, #tpu.memory_space<vmem>> -> memref<2x1280xi32, #tpu.memory_space<vmem>>
          %dma_start3A_560 = arith.constant 0 : i32
          %dma_start3A_561 = tpu.memref_slice %arg3[%dma_start3A_560, %mul3A_548] : memref<2x1600000xi32, #tpu.memory_space<hbm>> -> memref<2x1280xi32, #tpu.memory_space<hbm>>
          tpu.enqueue_dma source(%dma_start3A_561 : memref<2x1280xi32, #tpu.memory_space<hbm>>) target(%dma_start3A_559 : memref<2x1280xi32, #tpu.memory_space<vmem>>) target_semaphore(%arg11 : memref<!tpu.dma_semaphore, #tpu.memory_space<semaphore_mem>>)
          %dma_start3A_562 = arith.constant 0 : i32
          %dma_start3A_563 = arith.constant 0 : i32
          %dma_start3A_564 = arith.constant 0 : i32
          %dma_start3A_565 = tpu.memref_slice %arg10[%dma_start3A_562, %dma_start3A_563, %dma_start3A_564] : memref<2x32x1280xf32, #tpu.memory_space<vmem>> -> memref<1x32x1280xf32, #tpu.memory_space<vmem>>
          %dma_start3A_566 = tpu.memref_squeeze %dma_start3A_565 : memref<1x32x1280xf32, #tpu.memory_space<vmem>> -> memref<32x1280xf32, #tpu.memory_space<vmem>>
          %dma_start3A_567 = arith.constant 0 : i32
          %dma_start3A_568 = tpu.memref_slice %arg2[%dma_start3A_567, %mul3A_548] : memref<32x1600000xf32, #tpu.memory_space<hbm>> -> memref<32x1280xf32, #tpu.memory_space<hbm>>
          %dma_start3A_569 = arith.constant 0 : i32
          %dma_start3A_570 = arith.constant 0 : i32
          %dma_start3A_571 = tpu.memref_slice %arg10[%dma_start3A_562, %dma_start3A_569, %dma_start3A_570] : memref<2x32x1280xf32, #tpu.memory_space<vmem>> -> memref<1x32x1280xf32, #tpu.memory_space<vmem>>
          %dma_start3A_572 = tpu.memref_squeeze %dma_start3A_571 : memref<1x32x1280xf32, #tpu.memory_space<vmem>> -> memref<32x1280xf32, #tpu.memory_space<vmem>>
          %dma_start3A_573 = arith.constant 0 : i32
          %dma_start3A_574 = tpu.memref_slice %arg2[%dma_start3A_573, %mul3A_548] : memref<32x1600000xf32, #tpu.memory_space<hbm>> -> memref<32x1280xf32, #tpu.memory_space<hbm>>
          tpu.enqueue_dma source(%dma_start3A_574 : memref<32x1280xf32, #tpu.memory_space<hbm>>) target(%dma_start3A_572 : memref<32x1280xf32, #tpu.memory_space<vmem>>) target_semaphore(%arg11 : memref<!tpu.dma_semaphore, #tpu.memory_space<semaphore_mem>>)
        } else {
        }
        %get3A = arith.constant 0 : index
        %get3A_118 = tpu.vector_load %arg8[%get3A] {strides = array<i32>} : memref<1024xf32, #tpu.memory_space<vmem>>, vector<16xf32>,
        %get3A_119 = vector.shape_cast %get3A_118 : vector<16xf32> to vector<16xf32>
        %get3A_120 = arith.constant 16 : index
        %get3A_121 = tpu.vector_load %arg8[%get3A_120] {strides = array<i32>} : memref<1024xf32, #tpu.memory_space<vmem>>, vector<16xf32>,
        %get3A_122 = vector.shape_cast %get3A_121 : vector<16xf32> to vector<16xf32>
        %get3A_123 = arith.constant 32 : index
        %get3A_124 = tpu.vector_load %arg8[%get3A_123] {strides = array<i32>} : memref<1024xf32, #tpu.memory_space<vmem>>, vector<16xf32>,
        %get3A_125 = vector.shape_cast %get3A_124 : vector<16xf32> to vector<16xf32>
        %get3A_126 = arith.constant 48 : index
        %get3A_127 = tpu.vector_load %arg8[%get3A_126] {strides = array<i32>} : memref<1024xf32, #tpu.memory_space<vmem>>, vector<16xf32>,
        %get3A_128 = vector.shape_cast %get3A_127 : vector<16xf32> to vector<16xf32>
        %get3A_129 = arith.constant 64 : index
        %get3A_130 = tpu.vector_load %arg8[%get3A_129] {strides = array<i32>} : memref<1024xf32, #tpu.memory_space<vmem>>, vector<16xf32>,
        %get3A_131 = vector.shape_cast %get3A_130 : vector<16xf32> to vector<16xf32>
        %get3A_132 = arith.constant 80 : index
        %get3A_133 = tpu.vector_load %arg8[%get3A_132] {strides = array<i32>} : memref<1024xf32, #tpu.memory_space<vmem>>, vector<16xf32>,
        %get3A_134 = vector.shape_cast %get3A_133 : vector<16xf32> to vector<16xf32>
        %get3A_135 = arith.constant 96 : index
        %get3A_136 = tpu.vector_load %arg8[%get3A_135] {strides = array<i32>} : memref<1024xf32, #tpu.memory_space<vmem>>, vector<16xf32>,
        %get3A_137 = vector.shape_cast %get3A_136 : vector<16xf32> to vector<16xf32>
        %get3A_138 = arith.constant 112 : index
        %get3A_139 = tpu.vector_load %arg8[%get3A_138] {strides = array<i32>} : memref<1024xf32, #tpu.memory_space<vmem>>, vector<16xf32>,
        %get3A_140 = vector.shape_cast %get3A_139 : vector<16xf32> to vector<16xf32>
        %get3A_141 = arith.constant 128 : index
        %get3A_142 = tpu.vector_load %arg8[%get3A_141] {strides = array<i32>} : memref<1024xf32, #tpu.memory_space<vmem>>, vector<16xf32>,
        %get3A_143 = vector.shape_cast %get3A_142 : vector<16xf32> to vector<16xf32>
        %get3A_144 = arith.constant 144 : index
        %get3A_145 = tpu.vector_load %arg8[%get3A_144] {strides = array<i32>} : memref<1024xf32, #tpu.memory_space<vmem>>, vector<16xf32>,
        %get3A_146 = vector.shape_cast %get3A_145 : vector<16xf32> to vector<16xf32>
        %get3A_147 = arith.constant 160 : index
        %get3A_148 = tpu.vector_load %arg8[%get3A_147] {strides = array<i32>} : memref<1024xf32, #tpu.memory_space<vmem>>, vector<16xf32>,
        %get3A_149 = vector.shape_cast %get3A_148 : vector<16xf32> to vector<16xf32>
        %get3A_150 = arith.constant 176 : index
        %get3A_151 = tpu.vector_load %arg8[%get3A_150] {strides = array<i32>} : memref<1024xf32, #tpu.memory_space<vmem>>, vector<16xf32>,
        %get3A_152 = vector.shape_cast %get3A_151 : vector<16xf32> to vector<16xf32>
        %get3A_153 = arith.constant 192 : index
        %get3A_154 = tpu.vector_load %arg8[%get3A_153] {strides = array<i32>} : memref<1024xf32, #tpu.memory_space<vmem>>, vector<16xf32>,
        %get3A_155 = vector.shape_cast %get3A_154 : vector<16xf32> to vector<16xf32>
        %get3A_156 = arith.constant 208 : index
        %get3A_157 = tpu.vector_load %arg8[%get3A_156] {strides = array<i32>} : memref<1024xf32, #tpu.memory_space<vmem>>, vector<16xf32>,
        %get3A_158 = vector.shape_cast %get3A_157 : vector<16xf32> to vector<16xf32>
        %get3A_159 = arith.constant 224 : index
        %get3A_160 = tpu.vector_load %arg8[%get3A_159] {strides = array<i32>} : memref<1024xf32, #tpu.memory_space<vmem>>, vector<16xf32>,
        %get3A_161 = vector.shape_cast %get3A_160 : vector<16xf32> to vector<16xf32>
        %get3A_162 = arith.constant 240 : index
        %get3A_163 = tpu.vector_load %arg8[%get3A_162] {strides = array<i32>} : memref<1024xf32, #tpu.memory_space<vmem>>, vector<16xf32>,
        %get3A_164 = vector.shape_cast %get3A_163 : vector<16xf32> to vector<16xf32>
        %get3A_165 = arith.constant 256 : index
        %get3A_166 = tpu.vector_load %arg8[%get3A_165] {strides = array<i32>} : memref<1024xf32, #tpu.memory_space<vmem>>, vector<16xf32>,
        %get3A_167 = vector.shape_cast %get3A_166 : vector<16xf32> to vector<16xf32>
        %get3A_168 = arith.constant 272 : index
        %get3A_169 = tpu.vector_load %arg8[%get3A_168] {strides = array<i32>} : memref<1024xf32, #tpu.memory_space<vmem>>, vector<16xf32>,
        %get3A_170 = vector.shape_cast %get3A_169 : vector<16xf32> to vector<16xf32>
        %get3A_171 = arith.constant 288 : index
        %get3A_172 = tpu.vector_load %arg8[%get3A_171] {strides = array<i32>} : memref<1024xf32, #tpu.memory_space<vmem>>, vector<16xf32>,
        %get3A_173 = vector.shape_cast %get3A_172 : vector<16xf32> to vector<16xf32>
        %get3A_174 = arith.constant 304 : index
        %get3A_175 = tpu.vector_load %arg8[%get3A_174] {strides = array<i32>} : memref<1024xf32, #tpu.memory_space<vmem>>, vector<16xf32>,
        %get3A_176 = vector.shape_cast %get3A_175 : vector<16xf32> to vector<16xf32>
        %get3A_177 = arith.constant 320 : index
        %get3A_178 = tpu.vector_load %arg8[%get3A_177] {strides = array<i32>} : memref<1024xf32, #tpu.memory_space<vmem>>, vector<16xf32>,
        %get3A_179 = vector.shape_cast %get3A_178 : vector<16xf32> to vector<16xf32>
        %get3A_180 = arith.constant 336 : index
        %get3A_181 = tpu.vector_load %arg8[%get3A_180] {strides = array<i32>} : memref<1024xf32, #tpu.memory_space<vmem>>, vector<16xf32>,
        %get3A_182 = vector.shape_cast %get3A_181 : vector<16xf32> to vector<16xf32>
        %get3A_183 = arith.constant 352 : index
        %get3A_184 = tpu.vector_load %arg8[%get3A_183] {strides = array<i32>} : memref<1024xf32, #tpu.memory_space<vmem>>, vector<16xf32>,
        %get3A_185 = vector.shape_cast %get3A_184 : vector<16xf32> to vector<16xf32>
        %get3A_186 = arith.constant 368 : index
        %get3A_187 = tpu.vector_load %arg8[%get3A_186] {strides = array<i32>} : memref<1024xf32, #tpu.memory_space<vmem>>, vector<16xf32>,
        %get3A_188 = vector.shape_cast %get3A_187 : vector<16xf32> to vector<16xf32>
        %get3A_189 = arith.constant 384 : index
        %get3A_190 = tpu.vector_load %arg8[%get3A_189] {strides = array<i32>} : memref<1024xf32, #tpu.memory_space<vmem>>, vector<16xf32>,
        %get3A_191 = vector.shape_cast %get3A_190 : vector<16xf32> to vector<16xf32>
        %get3A_192 = arith.constant 400 : index
        %get3A_193 = tpu.vector_load %arg8[%get3A_192] {strides = array<i32>} : memref<1024xf32, #tpu.memory_space<vmem>>, vector<16xf32>,
        %get3A_194 = vector.shape_cast %get3A_193 : vector<16xf32> to vector<16xf32>
        %get3A_195 = arith.constant 416 : index
        %get3A_196 = tpu.vector_load %arg8[%get3A_195] {strides = array<i32>} : memref<1024xf32, #tpu.memory_space<vmem>>, vector<16xf32>,
        %get3A_197 = vector.shape_cast %get3A_196 : vector<16xf32> to vector<16xf32>
        %get3A_198 = arith.constant 432 : index
        %get3A_199 = tpu.vector_load %arg8[%get3A_198] {strides = array<i32>} : memref<1024xf32, #tpu.memory_space<vmem>>, vector<16xf32>,
        %get3A_200 = vector.shape_cast %get3A_199 : vector<16xf32> to vector<16xf32>
        %get3A_201 = arith.constant 448 : index
        %get3A_202 = tpu.vector_load %arg8[%get3A_201] {strides = array<i32>} : memref<1024xf32, #tpu.memory_space<vmem>>, vector<16xf32>,
        %get3A_203 = vector.shape_cast %get3A_202 : vector<16xf32> to vector<16xf32>
        %get3A_204 = arith.constant 464 : index
        %get3A_205 = tpu.vector_load %arg8[%get3A_204] {strides = array<i32>} : memref<1024xf32, #tpu.memory_space<vmem>>, vector<16xf32>,
        %get3A_206 = vector.shape_cast %get3A_205 : vector<16xf32> to vector<16xf32>
        %get3A_207 = arith.constant 480 : index
        %get3A_208 = tpu.vector_load %arg8[%get3A_207] {strides = array<i32>} : memref<1024xf32, #tpu.memory_space<vmem>>, vector<16xf32>,
        %get3A_209 = vector.shape_cast %get3A_208 : vector<16xf32> to vector<16xf32>
        %get3A_210 = arith.constant 496 : index
        %get3A_211 = tpu.vector_load %arg8[%get3A_210] {strides = array<i32>} : memref<1024xf32, #tpu.memory_space<vmem>>, vector<16xf32>,
        %get3A_212 = vector.shape_cast %get3A_211 : vector<16xf32> to vector<16xf32>
        %scan3A_213 = arith.constant 0 : i32
        %scan3A_214 = arith.constant 0 : i32
        %scan3A_215 = arith.constant 80 : i32
        %scan3A_216 = arith.addi %scan3A_214, %scan3A_215 : i32
        %scan3A_217 = arith.constant 1 : i32
        scf.for %scan3A_542 = %scan3A_214 to %scan3A_216 step %scan3A_217  : i32 {
          %mul3A_543 = arith.constant 16 : i32
          %mul3A_544 = arith.muli %scan3A_542, %mul3A_543 : i32
          %get3A_545 = arith.constant 1 : i32
          %get3A_546 = arith.constant 0 : i32
          %get3A_547 = arith.index_cast %get3A_545 : i32 to index
          %get3A_548 = arith.index_cast %get3A_546 : i32 to index
          %get3A_549 = arith.index_cast %mul3A_544 : i32 to index
          %get3A_550 = tpu.vector_load %arg7[%get3A_547, %get3A_548, %get3A_549] {strides = array<i32>} : memref<2x2x1280xi32, #tpu.memory_space<vmem>>, vector<1x1x16xi32>,
          %get3A_551 = vector.shape_cast %get3A_550 : vector<1x1x16xi32> to vector<16xi32>
          %shift_right_arithmetic3A = arith.constant 4 : i32
          %shift_right_arithmetic3A_552 = vector.broadcast %shift_right_arithmetic3A : i32 to vector<16xi32>
          %shift_right_arithmetic3A_553 = arith.shrsi %get3A_551, %shift_right_arithmetic3A_552 : vector<16xi32>
          %and3A_554 = arith.constant 15 : i32
          %and3A_555 = vector.broadcast %and3A_554 : i32 to vector<16xi32>
          %and3A_556 = arith.andi %get3A_551, %and3A_555 : vector<16xi32>
          %eq3A_557 = arith.constant 1 : i32
          %eq3A_558 = vector.broadcast %eq3A_557 : i32 to vector<16xi32>
          %eq3A_559 = arith.cmpi eq, %shift_right_arithmetic3A_553, %eq3A_558 : vector<16xi32>
          %eq3A_560 = arith.constant 2 : i32
          %eq3A_561 = vector.broadcast %eq3A_560 : i32 to vector<16xi32>
          %eq3A_562 = arith.cmpi eq, %shift_right_arithmetic3A_553, %eq3A_561 : vector<16xi32>
          %eq3A_563 = arith.constant 3 : i32
          %eq3A_564 = vector.broadcast %eq3A_563 : i32 to vector<16xi32>
          %eq3A_565 = arith.cmpi eq, %shift_right_arithmetic3A_553, %eq3A_564 : vector<16xi32>
          %broadcast_in_dim3A = vector.shape_cast %and3A_556 : vector<16xi32> to vector<16x1xi32>
          %gather3A = vector.shape_cast %broadcast_in_dim3A : vector<16x1xi32> to vector<16xi32>
          %gather3A_566 = tpu.dynamic_gather %get3A_128[%gather3A] in [0] : vector<16xf32>, vector<16xi32> -> vector<16xf32>
          %broadcast_in_dim3A_567 = vector.shape_cast %and3A_556 : vector<16xi32> to vector<16x1xi32>
          %gather3A_568 = vector.shape_cast %broadcast_in_dim3A_567 : vector<16x1xi32> to vector<16xi32>
          %gather3A_569 = tpu.dynamic_gather %get3A_125[%gather3A_568] in [0] : vector<16xf32>, vector<16xi32> -> vector<16xf32>
          %broadcast_in_dim3A_570 = vector.shape_cast %and3A_556 : vector<16xi32> to vector<16x1xi32>
          %gather3A_571 = vector.shape_cast %broadcast_in_dim3A_570 : vector<16x1xi32> to vector<16xi32>
          %gather3A_572 = tpu.dynamic_gather %get3A_122[%gather3A_571] in [0] : vector<16xf32>, vector<16xi32> -> vector<16xf32>
          %broadcast_in_dim3A_573 = vector.shape_cast %and3A_556 : vector<16xi32> to vector<16x1xi32>
          %gather3A_574 = vector.shape_cast %broadcast_in_dim3A_573 : vector<16x1xi32> to vector<16xi32>
          %gather3A_575 = tpu.dynamic_gather %get3A_119[%gather3A_574] in [0] : vector<16xf32>, vector<16xi32> -> vector<16xf32>
          %select_n3A_576 = arith.select %eq3A_559, %gather3A_572, %gather3A_575 : vector<16xi1>, vector<16xf32>
          %select_n3A_577 = arith.select %eq3A_562, %gather3A_569, %select_n3A_576 : vector<16xi1>, vector<16xf32>
          %select_n3A_578 = arith.select %eq3A_565, %gather3A_566, %select_n3A_577 : vector<16xi1>, vector<16xf32>
          %get3A_579 = arith.constant 1 : i32
          %get3A_580 = arith.constant 0 : i32
          %get3A_581 = arith.index_cast %get3A_579 : i32 to index
          %get3A_582 = arith.index_cast %get3A_580 : i32 to index
          %get3A_583 = arith.index_cast %mul3A_544 : i32 to index
          %get3A_584 = tpu.vector_load %arg10[%get3A_581, %get3A_582, %get3A_583] {strides = array<i32>} : memref<2x32x1280xf32, #tpu.memory_space<vmem>>, vector<1x1x16xf32>,
          %get3A_585 = vector.shape_cast %get3A_584 : vector<1x1x16xf32> to vector<16xf32>
          %mul3A_586 = arith.mulf %select_n3A_578, %get3A_585 : vector<16xf32>
          %swap3A = arith.constant 1 : i32
          %swap3A_587 = arith.constant 0 : i32
          %swap3A_588 = arith.index_cast %swap3A : i32 to index
          %swap3A_589 = arith.index_cast %swap3A_587 : i32 to index
          %swap3A_590 = arith.index_cast %mul3A_544 : i32 to index
          %swap3A_591 = tpu.vector_load %arg10[%swap3A_588, %swap3A_589, %swap3A_590] {strides = array<i32>} : memref<2x32x1280xf32, #tpu.memory_space<vmem>>, vector<1x1x16xf32>,
          %swap3A_592 = vector.shape_cast %swap3A_591 : vector<1x1x16xf32> to vector<16xf32>
          %swap3A_593 = vector.shape_cast %mul3A_586 : vector<16xf32> to vector<1x1x16xf32>
          tpu.vector_store %arg10[%swap3A_588, %swap3A_589, %swap3A_590], %swap3A_593 {strides = array<i32>} : memref<2x32x1280xf32, #tpu.memory_space<vmem>>, vector<1x1x16xf32>,
          %broadcast_in_dim3A_594 = vector.shape_cast %and3A_556 : vector<16xi32> to vector<16x1xi32>
          %gather3A_595 = vector.shape_cast %broadcast_in_dim3A_594 : vector<16x1xi32> to vector<16xi32>
          %gather3A_596 = tpu.dynamic_gather %get3A_140[%gather3A_595] in [0] : vector<16xf32>, vector<16xi32> -> vector<16xf32>
          %broadcast_in_dim3A_597 = vector.shape_cast %and3A_556 : vector<16xi32> to vector<16x1xi32>
          %gather3A_598 = vector.shape_cast %broadcast_in_dim3A_597 : vector<16x1xi32> to vector<16xi32>
          %gather3A_599 = tpu.dynamic_gather %get3A_137[%gather3A_598] in [0] : vector<16xf32>, vector<16xi32> -> vector<16xf32>
          %broadcast_in_dim3A_600 = vector.shape_cast %and3A_556 : vector<16xi32> to vector<16x1xi32>
          %gather3A_601 = vector.shape_cast %broadcast_in_dim3A_600 : vector<16x1xi32> to vector<16xi32>
          %gather3A_602 = tpu.dynamic_gather %get3A_134[%gather3A_601] in [0] : vector<16xf32>, vector<16xi32> -> vector<16xf32>
          %broadcast_in_dim3A_603 = vector.shape_cast %and3A_556 : vector<16xi32> to vector<16x1xi32>
          %gather3A_604 = vector.shape_cast %broadcast_in_dim3A_603 : vector<16x1xi32> to vector<16xi32>
          %gather3A_605 = tpu.dynamic_gather %get3A_131[%gather3A_604] in [0] : vector<16xf32>, vector<16xi32> -> vector<16xf32>
          %select_n3A_606 = arith.select %eq3A_559, %gather3A_602, %gather3A_605 : vector<16xi1>, vector<16xf32>
          %select_n3A_607 = arith.select %eq3A_562, %gather3A_599, %select_n3A_606 : vector<16xi1>, vector<16xf32>
          %select_n3A_608 = arith.select %eq3A_565, %gather3A_596, %select_n3A_607 : vector<16xi1>, vector<16xf32>
          %get3A_609 = arith.constant 1 : i32
          %get3A_610 = arith.constant 1 : i32
          %get3A_611 = arith.index_cast %get3A_609 : i32 to index
          %get3A_612 = arith.index_cast %get3A_610 : i32 to index
          %get3A_613 = arith.index_cast %mul3A_544 : i32 to index
          %get3A_614 = tpu.vector_load %arg10[%get3A_611, %get3A_612, %get3A_613] {strides = array<i32>} : memref<2x32x1280xf32, #tpu.memory_space<vmem>>, vector<1x1x16xf32>,
          %get3A_615 = vector.shape_cast %get3A_614 : vector<1x1x16xf32> to vector<16xf32>
          %mul3A_616 = arith.mulf %select_n3A_608, %get3A_615 : vector<16xf32>
          %swap3A_617 = arith.constant 1 : i32
          %swap3A_618 = arith.constant 1 : i32
          %swap3A_619 = arith.index_cast %swap3A_617 : i32 to index
          %swap3A_620 = arith.index_cast %swap3A_618 : i32 to index
          %swap3A_621 = arith.index_cast %mul3A_544 : i32 to index
          %swap3A_622 = tpu.vector_load %arg10[%swap3A_619, %swap3A_620, %swap3A_621] {strides = array<i32>} : memref<2x32x1280xf32, #tpu.memory_space<vmem>>, vector<1x1x16xf32>,
          %swap3A_623 = vector.shape_cast %swap3A_622 : vector<1x1x16xf32> to vector<16xf32>
          %swap3A_624 = vector.shape_cast %mul3A_616 : vector<16xf32> to vector<1x1x16xf32>
          tpu.vector_store %arg10[%swap3A_619, %swap3A_620, %swap3A_621], %swap3A_624 {strides = array<i32>} : memref<2x32x1280xf32, #tpu.memory_space<vmem>>, vector<1x1x16xf32>,
          %broadcast_in_dim3A_625 = vector.shape_cast %and3A_556 : vector<16xi32> to vector<16x1xi32>
          %gather3A_626 = vector.shape_cast %broadcast_in_dim3A_625 : vector<16x1xi32> to vector<16xi32>
          %gather3A_627 = tpu.dynamic_gather %get3A_152[%gather3A_626] in [0] : vector<16xf32>, vector<16xi32> -> vector<16xf32>
          %broadcast_in_dim3A_628 = vector.shape_cast %and3A_556 : vector<16xi32> to vector<16x1xi32>
          %gather3A_629 = vector.shape_cast %broadcast_in_dim3A_628 : vector<16x1xi32> to vector<16xi32>
          %gather3A_630 = tpu.dynamic_gather %get3A_149[%gather3A_629] in [0] : vector<16xf32>, vector<16xi32> -> vector<16xf32>
          %broadcast_in_dim3A_631 = vector.shape_cast %and3A_556 : vector<16xi32> to vector<16x1xi32>
          %gather3A_632 = vector.shape_cast %broadcast_in_dim3A_631 : vector<16x1xi32> to vector<16xi32>
          %gather3A_633 = tpu.dynamic_gather %get3A_146[%gather3A_632] in [0] : vector<16xf32>, vector<16xi32> -> vector<16xf32>
          %broadcast_in_dim3A_634 = vector.shape_cast %and3A_556 : vector<16xi32> to vector<16x1xi32>
          %gather3A_635 = vector.shape_cast %broadcast_in_dim3A_634 : vector<16x1xi32> to vector<16xi32>
          %gather3A_636 = tpu.dynamic_gather %get3A_143[%gather3A_635] in [0] : vector<16xf32>, vector<16xi32> -> vector<16xf32>
          %select_n3A_637 = arith.select %eq3A_559, %gather3A_633, %gather3A_636 : vector<16xi1>, vector<16xf32>
          %select_n3A_638 = arith.select %eq3A_562, %gather3A_630, %select_n3A_637 : vector<16xi1>, vector<16xf32>
          %select_n3A_639 = arith.select %eq3A_565, %gather3A_627, %select_n3A_638 : vector<16xi1>, vector<16xf32>
          %get3A_640 = arith.constant 1 : i32
          %get3A_641 = arith.constant 2 : i32
          %get3A_642 = arith.index_cast %get3A_640 : i32 to index
          %get3A_643 = arith.index_cast %get3A_641 : i32 to index
          %get3A_644 = arith.index_cast %mul3A_544 : i32 to index
          %get3A_645 = tpu.vector_load %arg10[%get3A_642, %get3A_643, %get3A_644] {strides = array<i32>} : memref<2x32x1280xf32, #tpu.memory_space<vmem>>, vector<1x1x16xf32>,
          %get3A_646 = vector.shape_cast %get3A_645 : vector<1x1x16xf32> to vector<16xf32>
          %mul3A_647 = arith.mulf %select_n3A_639, %get3A_646 : vector<16xf32>
          %swap3A_648 = arith.constant 1 : i32
          %swap3A_649 = arith.constant 2 : i32
          %swap3A_650 = arith.index_cast %swap3A_648 : i32 to index
          %swap3A_651 = arith.index_cast %swap3A_649 : i32 to index
          %swap3A_652 = arith.index_cast %mul3A_544 : i32 to index
          %swap3A_653 = tpu.vector_load %arg10[%swap3A_650, %swap3A_651, %swap3A_652] {strides = array<i32>} : memref<2x32x1280xf32, #tpu.memory_space<vmem>>, vector<1x1x16xf32>,
          %swap3A_654 = vector.shape_cast %swap3A_653 : vector<1x1x16xf32> to vector<16xf32>
          %swap3A_655 = vector.shape_cast %mul3A_647 : vector<16xf32> to vector<1x1x16xf32>
          tpu.vector_store %arg10[%swap3A_650, %swap3A_651, %swap3A_652], %swap3A_655 {strides = array<i32>} : memref<2x32x1280xf32, #tpu.memory_space<vmem>>, vector<1x1x16xf32>,
          %broadcast_in_dim3A_656 = vector.shape_cast %and3A_556 : vector<16xi32> to vector<16x1xi32>
          %gather3A_657 = vector.shape_cast %broadcast_in_dim3A_656 : vector<16x1xi32> to vector<16xi32>
          %gather3A_658 = tpu.dynamic_gather %get3A_164[%gather3A_657] in [0] : vector<16xf32>, vector<16xi32> -> vector<16xf32>
          %broadcast_in_dim3A_659 = vector.shape_cast %and3A_556 : vector<16xi32> to vector<16x1xi32>
          %gather3A_660 = vector.shape_cast %broadcast_in_dim3A_659 : vector<16x1xi32> to vector<16xi32>
          %gather3A_661 = tpu.dynamic_gather %get3A_161[%gather3A_660] in [0] : vector<16xf32>, vector<16xi32> -> vector<16xf32>
          %broadcast_in_dim3A_662 = vector.shape_cast %and3A_556 : vector<16xi32> to vector<16x1xi32>
          %gather3A_663 = vector.shape_cast %broadcast_in_dim3A_662 : vector<16x1xi32> to vector<16xi32>
          %gather3A_664 = tpu.dynamic_gather %get3A_158[%gather3A_663] in [0] : vector<16xf32>, vector<16xi32> -> vector<16xf32>
          %broadcast_in_dim3A_665 = vector.shape_cast %and3A_556 : vector<16xi32> to vector<16x1xi32>
          %gather3A_666 = vector.shape_cast %broadcast_in_dim3A_665 : vector<16x1xi32> to vector<16xi32>
          %gather3A_667 = tpu.dynamic_gather %get3A_155[%gather3A_666] in [0] : vector<16xf32>, vector<16xi32> -> vector<16xf32>
          %select_n3A_668 = arith.select %eq3A_559, %gather3A_664, %gather3A_667 : vector<16xi1>, vector<16xf32>
          %select_n3A_669 = arith.select %eq3A_562, %gather3A_661, %select_n3A_668 : vector<16xi1>, vector<16xf32>
          %select_n3A_670 = arith.select %eq3A_565, %gather3A_658, %select_n3A_669 : vector<16xi1>, vector<16xf32>
          %get3A_671 = arith.constant 1 : i32
          %get3A_672 = arith.constant 3 : i32
          %get3A_673 = arith.index_cast %get3A_671 : i32 to index
          %get3A_674 = arith.index_cast %get3A_672 : i32 to index
          %get3A_675 = arith.index_cast %mul3A_544 : i32 to index
          %get3A_676 = tpu.vector_load %arg10[%get3A_673, %get3A_674, %get3A_675] {strides = array<i32>} : memref<2x32x1280xf32, #tpu.memory_space<vmem>>, vector<1x1x16xf32>,
          %get3A_677 = vector.shape_cast %get3A_676 : vector<1x1x16xf32> to vector<16xf32>
          %mul3A_678 = arith.mulf %select_n3A_670, %get3A_677 : vector<16xf32>
          %swap3A_679 = arith.constant 1 : i32
          %swap3A_680 = arith.constant 3 : i32
          %swap3A_681 = arith.index_cast %swap3A_679 : i32 to index
          %swap3A_682 = arith.index_cast %swap3A_680 : i32 to index
          %swap3A_683 = arith.index_cast %mul3A_544 : i32 to index
          %swap3A_684 = tpu.vector_load %arg10[%swap3A_681, %swap3A_682, %swap3A_683] {strides = array<i32>} : memref<2x32x1280xf32, #tpu.memory_space<vmem>>, vector<1x1x16xf32>,
          %swap3A_685 = vector.shape_cast %swap3A_684 : vector<1x1x16xf32> to vector<16xf32>
          %swap3A_686 = vector.shape_cast %mul3A_678 : vector<16xf32> to vector<1x1x16xf32>
          tpu.vector_store %arg10[%swap3A_681, %swap3A_682, %swap3A_683], %swap3A_686 {strides = array<i32>} : memref<2x32x1280xf32, #tpu.memory_space<vmem>>, vector<1x1x16xf32>,
          %broadcast_in_dim3A_687 = vector.shape_cast %and3A_556 : vector<16xi32> to vector<16x1xi32>
          %gather3A_688 = vector.shape_cast %broadcast_in_dim3A_687 : vector<16x1xi32> to vector<16xi32>
          %gather3A_689 = tpu.dynamic_gather %get3A_176[%gather3A_688] in [0] : vector<16xf32>, vector<16xi32> -> vector<16xf32>
          %broadcast_in_dim3A_690 = vector.shape_cast %and3A_556 : vector<16xi32> to vector<16x1xi32>
          %gather3A_691 = vector.shape_cast %broadcast_in_dim3A_690 : vector<16x1xi32> to vector<16xi32>
          %gather3A_692 = tpu.dynamic_gather %get3A_173[%gather3A_691] in [0] : vector<16xf32>, vector<16xi32> -> vector<16xf32>
          %broadcast_in_dim3A_693 = vector.shape_cast %and3A_556 : vector<16xi32> to vector<16x1xi32>
          %gather3A_694 = vector.shape_cast %broadcast_in_dim3A_693 : vector<16x1xi32> to vector<16xi32>
          %gather3A_695 = tpu.dynamic_gather %get3A_170[%gather3A_694] in [0] : vector<16xf32>, vector<16xi32> -> vector<16xf32>
          %broadcast_in_dim3A_696 = vector.shape_cast %and3A_556 : vector<16xi32> to vector<16x1xi32>
          %gather3A_697 = vector.shape_cast %broadcast_in_dim3A_696 : vector<16x1xi32> to vector<16xi32>
          %gather3A_698 = tpu.dynamic_gather %get3A_167[%gather3A_697] in [0] : vector<16xf32>, vector<16xi32> -> vector<16xf32>
          %select_n3A_699 = arith.select %eq3A_559, %gather3A_695, %gather3A_698 : vector<16xi1>, vector<16xf32>
          %select_n3A_700 = arith.select %eq3A_562, %gather3A_692, %select_n3A_699 : vector<16xi1>, vector<16xf32>
          %select_n3A_701 = arith.select %eq3A_565, %gather3A_689, %select_n3A_700 : vector<16xi1>, vector<16xf32>
          %get3A_702 = arith.constant 1 : i32
          %get3A_703 = arith.constant 4 : i32
          %get3A_704 = arith.index_cast %get3A_702 : i32 to index
          %get3A_705 = arith.index_cast %get3A_703 : i32 to index
          %get3A_706 = arith.index_cast %mul3A_544 : i32 to index
          %get3A_707 = tpu.vector_load %arg10[%get3A_704, %get3A_705, %get3A_706] {strides = array<i32>} : memref<2x32x1280xf32, #tpu.memory_space<vmem>>, vector<1x1x16xf32>,
          %get3A_708 = vector.shape_cast %get3A_707 : vector<1x1x16xf32> to vector<16xf32>
          %mul3A_709 = arith.mulf %select_n3A_701, %get3A_708 : vector<16xf32>
          %swap3A_710 = arith.constant 1 : i32
          %swap3A_711 = arith.constant 4 : i32
          %swap3A_712 = arith.index_cast %swap3A_710 : i32 to index
          %swap3A_713 = arith.index_cast %swap3A_711 : i32 to index
          %swap3A_714 = arith.index_cast %mul3A_544 : i32 to index
          %swap3A_715 = tpu.vector_load %arg10[%swap3A_712, %swap3A_713, %swap3A_714] {strides = array<i32>} : memref<2x32x1280xf32, #tpu.memory_space<vmem>>, vector<1x1x16xf32>,
          %swap3A_716 = vector.shape_cast %swap3A_715 : vector<1x1x16xf32> to vector<16xf32>
          %swap3A_717 = vector.shape_cast %mul3A_709 : vector<16xf32> to vector<1x1x16xf32>
          tpu.vector_store %arg10[%swap3A_712, %swap3A_713, %swap3A_714], %swap3A_717 {strides = array<i32>} : memref<2x32x1280xf32, #tpu.memory_space<vmem>>, vector<1x1x16xf32>,
          %broadcast_in_dim3A_718 = vector.shape_cast %and3A_556 : vector<16xi32> to vector<16x1xi32>
          %gather3A_719 = vector.shape_cast %broadcast_in_dim3A_718 : vector<16x1xi32> to vector<16xi32>
          %gather3A_720 = tpu.dynamic_gather %get3A_188[%gather3A_719] in [0] : vector<16xf32>, vector<16xi32> -> vector<16xf32>
          %broadcast_in_dim3A_721 = vector.shape_cast %and3A_556 : vector<16xi32> to vector<16x1xi32>
          %gather3A_722 = vector.shape_cast %broadcast_in_dim3A_721 : vector<16x1xi32> to vector<16xi32>
          %gather3A_723 = tpu.dynamic_gather %get3A_185[%gather3A_722] in [0] : vector<16xf32>, vector<16xi32> -> vector<16xf32>
          %broadcast_in_dim3A_724 = vector.shape_cast %and3A_556 : vector<16xi32> to vector<16x1xi32>
          %gather3A_725 = vector.shape_cast %broadcast_in_dim3A_724 : vector<16x1xi32> to vector<16xi32>
          %gather3A_726 = tpu.dynamic_gather %get3A_182[%gather3A_725] in [0] : vector<16xf32>, vector<16xi32> -> vector<16xf32>
          %broadcast_in_dim3A_727 = vector.shape_cast %and3A_556 : vector<16xi32> to vector<16x1xi32>
          %gather3A_728 = vector.shape_cast %broadcast_in_dim3A_727 : vector<16x1xi32> to vector<16xi32>
          %gather3A_729 = tpu.dynamic_gather %get3A_179[%gather3A_728] in [0] : vector<16xf32>, vector<16xi32> -> vector<16xf32>
          %select_n3A_730 = arith.select %eq3A_559, %gather3A_726, %gather3A_729 : vector<16xi1>, vector<16xf32>
          %select_n3A_731 = arith.select %eq3A_562, %gather3A_723, %select_n3A_730 : vector<16xi1>, vector<16xf32>
          %select_n3A_732 = arith.select %eq3A_565, %gather3A_720, %select_n3A_731 : vector<16xi1>, vector<16xf32>
          %get3A_733 = arith.constant 1 : i32
          %get3A_734 = arith.constant 5 : i32
          %get3A_735 = arith.index_cast %get3A_733 : i32 to index
          %get3A_736 = arith.index_cast %get3A_734 : i32 to index
          %get3A_737 = arith.index_cast %mul3A_544 : i32 to index
          %get3A_738 = tpu.vector_load %arg10[%get3A_735, %get3A_736, %get3A_737] {strides = array<i32>} : memref<2x32x1280xf32, #tpu.memory_space<vmem>>, vector<1x1x16xf32>,
          %get3A_739 = vector.shape_cast %get3A_738 : vector<1x1x16xf32> to vector<16xf32>
          %mul3A_740 = arith.mulf %select_n3A_732, %get3A_739 : vector<16xf32>
          %swap3A_741 = arith.constant 1 : i32
          %swap3A_742 = arith.constant 5 : i32
          %swap3A_743 = arith.index_cast %swap3A_741 : i32 to index
          %swap3A_744 = arith.index_cast %swap3A_742 : i32 to index
          %swap3A_745 = arith.index_cast %mul3A_544 : i32 to index
          %swap3A_746 = tpu.vector_load %arg10[%swap3A_743, %swap3A_744, %swap3A_745] {strides = array<i32>} : memref<2x32x1280xf32, #tpu.memory_space<vmem>>, vector<1x1x16xf32>,
          %swap3A_747 = vector.shape_cast %swap3A_746 : vector<1x1x16xf32> to vector<16xf32>
          %swap3A_748 = vector.shape_cast %mul3A_740 : vector<16xf32> to vector<1x1x16xf32>
          tpu.vector_store %arg10[%swap3A_743, %swap3A_744, %swap3A_745], %swap3A_748 {strides = array<i32>} : memref<2x32x1280xf32, #tpu.memory_space<vmem>>, vector<1x1x16xf32>,
          %broadcast_in_dim3A_749 = vector.shape_cast %and3A_556 : vector<16xi32> to vector<16x1xi32>
          %gather3A_750 = vector.shape_cast %broadcast_in_dim3A_749 : vector<16x1xi32> to vector<16xi32>
          %gather3A_751 = tpu.dynamic_gather %get3A_200[%gather3A_750] in [0] : vector<16xf32>, vector<16xi32> -> vector<16xf32>
          %broadcast_in_dim3A_752 = vector.shape_cast %and3A_556 : vector<16xi32> to vector<16x1xi32>
          %gather3A_753 = vector.shape_cast %broadcast_in_dim3A_752 : vector<16x1xi32> to vector<16xi32>
          %gather3A_754 = tpu.dynamic_gather %get3A_197[%gather3A_753] in [0] : vector<16xf32>, vector<16xi32> -> vector<16xf32>
          %broadcast_in_dim3A_755 = vector.shape_cast %and3A_556 : vector<16xi32> to vector<16x1xi32>
          %gather3A_756 = vector.shape_cast %broadcast_in_dim3A_755 : vector<16x1xi32> to vector<16xi32>
          %gather3A_757 = tpu.dynamic_gather %get3A_194[%gather3A_756] in [0] : vector<16xf32>, vector<16xi32> -> vector<16xf32>
          %broadcast_in_dim3A_758 = vector.shape_cast %and3A_556 : vector<16xi32> to vector<16x1xi32>
          %gather3A_759 = vector.shape_cast %broadcast_in_dim3A_758 : vector<16x1xi32> to vector<16xi32>
          %gather3A_760 = tpu.dynamic_gather %get3A_191[%gather3A_759] in [0] : vector<16xf32>, vector<16xi32> -> vector<16xf32>
          %select_n3A_761 = arith.select %eq3A_559, %gather3A_757, %gather3A_760 : vector<16xi1>, vector<16xf32>
          %select_n3A_762 = arith.select %eq3A_562, %gather3A_754, %select_n3A_761 : vector<16xi1>, vector<16xf32>
          %select_n3A_763 = arith.select %eq3A_565, %gather3A_751, %select_n3A_762 : vector<16xi1>, vector<16xf32>
          %get3A_764 = arith.constant 1 : i32
          %get3A_765 = arith.constant 6 : i32
          %get3A_766 = arith.index_cast %get3A_764 : i32 to index
          %get3A_767 = arith.index_cast %get3A_765 : i32 to index
          %get3A_768 = arith.index_cast %mul3A_544 : i32 to index
          %get3A_769 = tpu.vector_load %arg10[%get3A_766, %get3A_767, %get3A_768] {strides = array<i32>} : memref<2x32x1280xf32, #tpu.memory_space<vmem>>, vector<1x1x16xf32>,
          %get3A_770 = vector.shape_cast %get3A_769 : vector<1x1x16xf32> to vector<16xf32>
          %mul3A_771 = arith.mulf %select_n3A_763, %get3A_770 : vector<16xf32>
          %swap3A_772 = arith.constant 1 : i32
          %swap3A_773 = arith.constant 6 : i32
          %swap3A_774 = arith.index_cast %swap3A_772 : i32 to index
          %swap3A_775 = arith.index_cast %swap3A_773 : i32 to index
          %swap3A_776 = arith.index_cast %mul3A_544 : i32 to index
          %swap3A_777 = tpu.vector_load %arg10[%swap3A_774, %swap3A_775, %swap3A_776] {strides = array<i32>} : memref<2x32x1280xf32, #tpu.memory_space<vmem>>, vector<1x1x16xf32>,
          %swap3A_778 = vector.shape_cast %swap3A_777 : vector<1x1x16xf32> to vector<16xf32>
          %swap3A_779 = vector.shape_cast %mul3A_771 : vector<16xf32> to vector<1x1x16xf32>
          tpu.vector_store %arg10[%swap3A_774, %swap3A_775, %swap3A_776], %swap3A_779 {strides = array<i32>} : memref<2x32x1280xf32, #tpu.memory_space<vmem>>, vector<1x1x16xf32>,
          %broadcast_in_dim3A_780 = vector.shape_cast %and3A_556 : vector<16xi32> to vector<16x1xi32>
          %gather3A_781 = vector.shape_cast %broadcast_in_dim3A_780 : vector<16x1xi32> to vector<16xi32>
          %gather3A_782 = tpu.dynamic_gather %get3A_212[%gather3A_781] in [0] : vector<16xf32>, vector<16xi32> -> vector<16xf32>
          %broadcast_in_dim3A_783 = vector.shape_cast %and3A_556 : vector<16xi32> to vector<16x1xi32>
          %gather3A_784 = vector.shape_cast %broadcast_in_dim3A_783 : vector<16x1xi32> to vector<16xi32>
          %gather3A_785 = tpu.dynamic_gather %get3A_209[%gather3A_784] in [0] : vector<16xf32>, vector<16xi32> -> vector<16xf32>
          %broadcast_in_dim3A_786 = vector.shape_cast %and3A_556 : vector<16xi32> to vector<16x1xi32>
          %gather3A_787 = vector.shape_cast %broadcast_in_dim3A_786 : vector<16x1xi32> to vector<16xi32>
          %gather3A_788 = tpu.dynamic_gather %get3A_206[%gather3A_787] in [0] : vector<16xf32>, vector<16xi32> -> vector<16xf32>
          %broadcast_in_dim3A_789 = vector.shape_cast %and3A_556 : vector<16xi32> to vector<16x1xi32>
          %gather3A_790 = vector.shape_cast %broadcast_in_dim3A_789 : vector<16x1xi32> to vector<16xi32>
          %gather3A_791 = tpu.dynamic_gather %get3A_203[%gather3A_790] in [0] : vector<16xf32>, vector<16xi32> -> vector<16xf32>
          %select_n3A_792 = arith.select %eq3A_559, %gather3A_788, %gather3A_791 : vector<16xi1>, vector<16xf32>
          %select_n3A_793 = arith.select %eq3A_562, %gather3A_785, %select_n3A_792 : vector<16xi1>, vector<16xf32>
          %select_n3A_794 = arith.select %eq3A_565, %gather3A_782, %select_n3A_793 : vector<16xi1>, vector<16xf32>
          %get3A_795 = arith.constant 1 : i32
          %get3A_796 = arith.constant 7 : i32
          %get3A_797 = arith.index_cast %get3A_795 : i32 to index
          %get3A_798 = arith.index_cast %get3A_796 : i32 to index
          %get3A_799 = arith.index_cast %mul3A_544 : i32 to index
          %get3A_800 = tpu.vector_load %arg10[%get3A_797, %get3A_798, %get3A_799] {strides = array<i32>} : memref<2x32x1280xf32, #tpu.memory_space<vmem>>, vector<1x1x16xf32>,
          %get3A_801 = vector.shape_cast %get3A_800 : vector<1x1x16xf32> to vector<16xf32>
          %mul3A_802 = arith.mulf %select_n3A_794, %get3A_801 : vector<16xf32>
          %swap3A_803 = arith.constant 1 : i32
          %swap3A_804 = arith.constant 7 : i32
          %swap3A_805 = arith.index_cast %swap3A_803 : i32 to index
          %swap3A_806 = arith.index_cast %swap3A_804 : i32 to index
          %swap3A_807 = arith.index_cast %mul3A_544 : i32 to index
          %swap3A_808 = tpu.vector_load %arg10[%swap3A_805, %swap3A_806, %swap3A_807] {strides = array<i32>} : memref<2x32x1280xf32, #tpu.memory_space<vmem>>, vector<1x1x16xf32>,
          %swap3A_809 = vector.shape_cast %swap3A_808 : vector<1x1x16xf32> to vector<16xf32>
          %swap3A_810 = vector.shape_cast %mul3A_802 : vector<16xf32> to vector<1x1x16xf32>
          tpu.vector_store %arg10[%swap3A_805, %swap3A_806, %swap3A_807], %swap3A_810 {strides = array<i32>} : memref<2x32x1280xf32, #tpu.memory_space<vmem>>, vector<1x1x16xf32>,
        }
        %scan3A_218 = arith.constant 80 : i32
        %get3A_219 = arith.constant 512 : index
        %get3A_220 = tpu.vector_load %arg8[%get3A_219] {strides = array<i32>} : memref<1024xf32, #tpu.memory_space<vmem>>, vector<16xf32>,
        %get3A_221 = vector.shape_cast %get3A_220 : vector<16xf32> to vector<16xf32>
        %get3A_222 = arith.constant 528 : index
        %get3A_223 = tpu.vector_load %arg8[%get3A_222] {strides = array<i32>} : memref<1024xf32, #tpu.memory_space<vmem>>, vector<16xf32>,
        %get3A_224 = vector.shape_cast %get3A_223 : vector<16xf32> to vector<16xf32>
        %get3A_225 = arith.constant 544 : index
        %get3A_226 = tpu.vector_load %arg8[%get3A_225] {strides = array<i32>} : memref<1024xf32, #tpu.memory_space<vmem>>, vector<16xf32>,
        %get3A_227 = vector.shape_cast %get3A_226 : vector<16xf32> to vector<16xf32>
        %get3A_228 = arith.constant 560 : index
        %get3A_229 = tpu.vector_load %arg8[%get3A_228] {strides = array<i32>} : memref<1024xf32, #tpu.memory_space<vmem>>, vector<16xf32>,
        %get3A_230 = vector.shape_cast %get3A_229 : vector<16xf32> to vector<16xf32>
        %get3A_231 = arith.constant 576 : index
        %get3A_232 = tpu.vector_load %arg8[%get3A_231] {strides = array<i32>} : memref<1024xf32, #tpu.memory_space<vmem>>, vector<16xf32>,
        %get3A_233 = vector.shape_cast %get3A_232 : vector<16xf32> to vector<16xf32>
        %get3A_234 = arith.constant 592 : index
        %get3A_235 = tpu.vector_load %arg8[%get3A_234] {strides = array<i32>} : memref<1024xf32, #tpu.memory_space<vmem>>, vector<16xf32>,
        %get3A_236 = vector.shape_cast %get3A_235 : vector<16xf32> to vector<16xf32>
        %get3A_237 = arith.constant 608 : index
        %get3A_238 = tpu.vector_load %arg8[%get3A_237] {strides = array<i32>} : memref<1024xf32, #tpu.memory_space<vmem>>, vector<16xf32>,
        %get3A_239 = vector.shape_cast %get3A_238 : vector<16xf32> to vector<16xf32>
        %get3A_240 = arith.constant 624 : index
        %get3A_241 = tpu.vector_load %arg8[%get3A_240] {strides = array<i32>} : memref<1024xf32, #tpu.memory_space<vmem>>, vector<16xf32>,
        %get3A_242 = vector.shape_cast %get3A_241 : vector<16xf32> to vector<16xf32>
        %get3A_243 = arith.constant 640 : index
        %get3A_244 = tpu.vector_load %arg8[%get3A_243] {strides = array<i32>} : memref<1024xf32, #tpu.memory_space<vmem>>, vector<16xf32>,
        %get3A_245 = vector.shape_cast %get3A_244 : vector<16xf32> to vector<16xf32>
        %get3A_246 = arith.constant 656 : index
        %get3A_247 = tpu.vector_load %arg8[%get3A_246] {strides = array<i32>} : memref<1024xf32, #tpu.memory_space<vmem>>, vector<16xf32>,
        %get3A_248 = vector.shape_cast %get3A_247 : vector<16xf32> to vector<16xf32>
        %get3A_249 = arith.constant 672 : index
        %get3A_250 = tpu.vector_load %arg8[%get3A_249] {strides = array<i32>} : memref<1024xf32, #tpu.memory_space<vmem>>, vector<16xf32>,
        %get3A_251 = vector.shape_cast %get3A_250 : vector<16xf32> to vector<16xf32>
        %get3A_252 = arith.constant 688 : index
        %get3A_253 = tpu.vector_load %arg8[%get3A_252] {strides = array<i32>} : memref<1024xf32, #tpu.memory_space<vmem>>, vector<16xf32>,
        %get3A_254 = vector.shape_cast %get3A_253 : vector<16xf32> to vector<16xf32>
        %get3A_255 = arith.constant 704 : index
        %get3A_256 = tpu.vector_load %arg8[%get3A_255] {strides = array<i32>} : memref<1024xf32, #tpu.memory_space<vmem>>, vector<16xf32>,
        %get3A_257 = vector.shape_cast %get3A_256 : vector<16xf32> to vector<16xf32>
        %get3A_258 = arith.constant 720 : index
        %get3A_259 = tpu.vector_load %arg8[%get3A_258] {strides = array<i32>} : memref<1024xf32, #tpu.memory_space<vmem>>, vector<16xf32>,
        %get3A_260 = vector.shape_cast %get3A_259 : vector<16xf32> to vector<16xf32>
        %get3A_261 = arith.constant 736 : index
        %get3A_262 = tpu.vector_load %arg8[%get3A_261] {strides = array<i32>} : memref<1024xf32, #tpu.memory_space<vmem>>, vector<16xf32>,
        %get3A_263 = vector.shape_cast %get3A_262 : vector<16xf32> to vector<16xf32>
        %get3A_264 = arith.constant 752 : index
        %get3A_265 = tpu.vector_load %arg8[%get3A_264] {strides = array<i32>} : memref<1024xf32, #tpu.memory_space<vmem>>, vector<16xf32>,
        %get3A_266 = vector.shape_cast %get3A_265 : vector<16xf32> to vector<16xf32>
        %get3A_267 = arith.constant 768 : index
        %get3A_268 = tpu.vector_load %arg8[%get3A_267] {strides = array<i32>} : memref<1024xf32, #tpu.memory_space<vmem>>, vector<16xf32>,
        %get3A_269 = vector.shape_cast %get3A_268 : vector<16xf32> to vector<16xf32>
        %get3A_270 = arith.constant 784 : index
        %get3A_271 = tpu.vector_load %arg8[%get3A_270] {strides = array<i32>} : memref<1024xf32, #tpu.memory_space<vmem>>, vector<16xf32>,
        %get3A_272 = vector.shape_cast %get3A_271 : vector<16xf32> to vector<16xf32>
        %get3A_273 = arith.constant 800 : index
        %get3A_274 = tpu.vector_load %arg8[%get3A_273] {strides = array<i32>} : memref<1024xf32, #tpu.memory_space<vmem>>, vector<16xf32>,
        %get3A_275 = vector.shape_cast %get3A_274 : vector<16xf32> to vector<16xf32>
        %get3A_276 = arith.constant 816 : index
        %get3A_277 = tpu.vector_load %arg8[%get3A_276] {strides = array<i32>} : memref<1024xf32, #tpu.memory_space<vmem>>, vector<16xf32>,
        %get3A_278 = vector.shape_cast %get3A_277 : vector<16xf32> to vector<16xf32>
        %get3A_279 = arith.constant 832 : index
        %get3A_280 = tpu.vector_load %arg8[%get3A_279] {strides = array<i32>} : memref<1024xf32, #tpu.memory_space<vmem>>, vector<16xf32>,
        %get3A_281 = vector.shape_cast %get3A_280 : vector<16xf32> to vector<16xf32>
        %get3A_282 = arith.constant 848 : index
        %get3A_283 = tpu.vector_load %arg8[%get3A_282] {strides = array<i32>} : memref<1024xf32, #tpu.memory_space<vmem>>, vector<16xf32>,
        %get3A_284 = vector.shape_cast %get3A_283 : vector<16xf32> to vector<16xf32>
        %get3A_285 = arith.constant 864 : index
        %get3A_286 = tpu.vector_load %arg8[%get3A_285] {strides = array<i32>} : memref<1024xf32, #tpu.memory_space<vmem>>, vector<16xf32>,
        %get3A_287 = vector.shape_cast %get3A_286 : vector<16xf32> to vector<16xf32>
        %get3A_288 = arith.constant 880 : index
        %get3A_289 = tpu.vector_load %arg8[%get3A_288] {strides = array<i32>} : memref<1024xf32, #tpu.memory_space<vmem>>, vector<16xf32>,
        %get3A_290 = vector.shape_cast %get3A_289 : vector<16xf32> to vector<16xf32>
        %get3A_291 = arith.constant 896 : index
        %get3A_292 = tpu.vector_load %arg8[%get3A_291] {strides = array<i32>} : memref<1024xf32, #tpu.memory_space<vmem>>, vector<16xf32>,
        %get3A_293 = vector.shape_cast %get3A_292 : vector<16xf32> to vector<16xf32>
        %get3A_294 = arith.constant 912 : index
        %get3A_295 = tpu.vector_load %arg8[%get3A_294] {strides = array<i32>} : memref<1024xf32, #tpu.memory_space<vmem>>, vector<16xf32>,
        %get3A_296 = vector.shape_cast %get3A_295 : vector<16xf32> to vector<16xf32>
        %get3A_297 = arith.constant 928 : index
        %get3A_298 = tpu.vector_load %arg8[%get3A_297] {strides = array<i32>} : memref<1024xf32, #tpu.memory_space<vmem>>, vector<16xf32>,
        %get3A_299 = vector.shape_cast %get3A_298 : vector<16xf32> to vector<16xf32>
        %get3A_300 = arith.constant 944 : index
        %get3A_301 = tpu.vector_load %arg8[%get3A_300] {strides = array<i32>} : memref<1024xf32, #tpu.memory_space<vmem>>, vector<16xf32>,
        %get3A_302 = vector.shape_cast %get3A_301 : vector<16xf32> to vector<16xf32>
        %get3A_303 = arith.constant 960 : index
        %get3A_304 = tpu.vector_load %arg8[%get3A_303] {strides = array<i32>} : memref<1024xf32, #tpu.memory_space<vmem>>, vector<16xf32>,
        %get3A_305 = vector.shape_cast %get3A_304 : vector<16xf32> to vector<16xf32>
        %get3A_306 = arith.constant 976 : index
        %get3A_307 = tpu.vector_load %arg8[%get3A_306] {strides = array<i32>} : memref<1024xf32, #tpu.memory_space<vmem>>, vector<16xf32>,
        %get3A_308 = vector.shape_cast %get3A_307 : vector<16xf32> to vector<16xf32>
        %get3A_309 = arith.constant 992 : index
        %get3A_310 = tpu.vector_load %arg8[%get3A_309] {strides = array<i32>} : memref<1024xf32, #tpu.memory_space<vmem>>, vector<16xf32>,
        %get3A_311 = vector.shape_cast %get3A_310 : vector<16xf32> to vector<16xf32>
        %get3A_312 = arith.constant 1008 : index
        %get3A_313 = tpu.vector_load %arg8[%get3A_312] {strides = array<i32>} : memref<1024xf32, #tpu.memory_space<vmem>>, vector<16xf32>,
        %get3A_314 = vector.shape_cast %get3A_313 : vector<16xf32> to vector<16xf32>
        %scan3A_315 = arith.constant 0 : i32
        %scan3A_316 = arith.constant 0 : i32
        %scan3A_317 = arith.constant 80 : i32
        %scan3A_318 = arith.addi %scan3A_316, %scan3A_317 : i32
        %scan3A_319 = arith.constant 1 : i32
        scf.for %scan3A_542 = %scan3A_316 to %scan3A_318 step %scan3A_319  : i32 {
          %mul3A_543 = arith.constant 16 : i32
          %mul3A_544 = arith.muli %scan3A_542, %mul3A_543 : i32
          %get3A_545 = arith.constant 1 : i32
          %get3A_546 = arith.constant 0 : i32
          %get3A_547 = arith.index_cast %get3A_545 : i32 to index
          %get3A_548 = arith.index_cast %get3A_546 : i32 to index
          %get3A_549 = arith.index_cast %mul3A_544 : i32 to index
          %get3A_550 = tpu.vector_load %arg7[%get3A_547, %get3A_548, %get3A_549] {strides = array<i32>} : memref<2x2x1280xi32, #tpu.memory_space<vmem>>, vector<1x1x16xi32>,
          %get3A_551 = vector.shape_cast %get3A_550 : vector<1x1x16xi32> to vector<16xi32>
          %shift_right_arithmetic3A = arith.constant 4 : i32
          %shift_right_arithmetic3A_552 = vector.broadcast %shift_right_arithmetic3A : i32 to vector<16xi32>
          %shift_right_arithmetic3A_553 = arith.shrsi %get3A_551, %shift_right_arithmetic3A_552 : vector<16xi32>
          %and3A_554 = arith.constant 15 : i32
          %and3A_555 = vector.broadcast %and3A_554 : i32 to vector<16xi32>
          %and3A_556 = arith.andi %get3A_551, %and3A_555 : vector<16xi32>
          %eq3A_557 = arith.constant 1 : i32
          %eq3A_558 = vector.broadcast %eq3A_557 : i32 to vector<16xi32>
          %eq3A_559 = arith.cmpi eq, %shift_right_arithmetic3A_553, %eq3A_558 : vector<16xi32>
          %eq3A_560 = arith.constant 2 : i32
          %eq3A_561 = vector.broadcast %eq3A_560 : i32 to vector<16xi32>
          %eq3A_562 = arith.cmpi eq, %shift_right_arithmetic3A_553, %eq3A_561 : vector<16xi32>
          %eq3A_563 = arith.constant 3 : i32
          %eq3A_564 = vector.broadcast %eq3A_563 : i32 to vector<16xi32>
          %eq3A_565 = arith.cmpi eq, %shift_right_arithmetic3A_553, %eq3A_564 : vector<16xi32>
          %broadcast_in_dim3A = vector.shape_cast %and3A_556 : vector<16xi32> to vector<16x1xi32>
          %gather3A = vector.shape_cast %broadcast_in_dim3A : vector<16x1xi32> to vector<16xi32>
          %gather3A_566 = tpu.dynamic_gather %get3A_230[%gather3A] in [0] : vector<16xf32>, vector<16xi32> -> vector<16xf32>
          %broadcast_in_dim3A_567 = vector.shape_cast %and3A_556 : vector<16xi32> to vector<16x1xi32>
          %gather3A_568 = vector.shape_cast %broadcast_in_dim3A_567 : vector<16x1xi32> to vector<16xi32>
          %gather3A_569 = tpu.dynamic_gather %get3A_227[%gather3A_568] in [0] : vector<16xf32>, vector<16xi32> -> vector<16xf32>
          %broadcast_in_dim3A_570 = vector.shape_cast %and3A_556 : vector<16xi32> to vector<16x1xi32>
          %gather3A_571 = vector.shape_cast %broadcast_in_dim3A_570 : vector<16x1xi32> to vector<16xi32>
          %gather3A_572 = tpu.dynamic_gather %get3A_224[%gather3A_571] in [0] : vector<16xf32>, vector<16xi32> -> vector<16xf32>
          %broadcast_in_dim3A_573 = vector.shape_cast %and3A_556 : vector<16xi32> to vector<16x1xi32>
          %gather3A_574 = vector.shape_cast %broadcast_in_dim3A_573 : vector<16x1xi32> to vector<16xi32>
          %gather3A_575 = tpu.dynamic_gather %get3A_221[%gather3A_574] in [0] : vector<16xf32>, vector<16xi32> -> vector<16xf32>
          %select_n3A_576 = arith.select %eq3A_559, %gather3A_572, %gather3A_575 : vector<16xi1>, vector<16xf32>
          %select_n3A_577 = arith.select %eq3A_562, %gather3A_569, %select_n3A_576 : vector<16xi1>, vector<16xf32>
          %select_n3A_578 = arith.select %eq3A_565, %gather3A_566, %select_n3A_577 : vector<16xi1>, vector<16xf32>
          %get3A_579 = arith.constant 1 : i32
          %get3A_580 = arith.constant 8 : i32
          %get3A_581 = arith.index_cast %get3A_579 : i32 to index
          %get3A_582 = arith.index_cast %get3A_580 : i32 to index
          %get3A_583 = arith.index_cast %mul3A_544 : i32 to index
          %get3A_584 = tpu.vector_load %arg10[%get3A_581, %get3A_582, %get3A_583] {strides = array<i32>} : memref<2x32x1280xf32, #tpu.memory_space<vmem>>, vector<1x1x16xf32>,
          %get3A_585 = vector.shape_cast %get3A_584 : vector<1x1x16xf32> to vector<16xf32>
          %mul3A_586 = arith.mulf %select_n3A_578, %get3A_585 : vector<16xf32>
          %swap3A = arith.constant 1 : i32
          %swap3A_587 = arith.constant 8 : i32
          %swap3A_588 = arith.index_cast %swap3A : i32 to index
          %swap3A_589 = arith.index_cast %swap3A_587 : i32 to index
          %swap3A_590 = arith.index_cast %mul3A_544 : i32 to index
          %swap3A_591 = tpu.vector_load %arg10[%swap3A_588, %swap3A_589, %swap3A_590] {strides = array<i32>} : memref<2x32x1280xf32, #tpu.memory_space<vmem>>, vector<1x1x16xf32>,
          %swap3A_592 = vector.shape_cast %swap3A_591 : vector<1x1x16xf32> to vector<16xf32>
          %swap3A_593 = vector.shape_cast %mul3A_586 : vector<16xf32> to vector<1x1x16xf32>
          tpu.vector_store %arg10[%swap3A_588, %swap3A_589, %swap3A_590], %swap3A_593 {strides = array<i32>} : memref<2x32x1280xf32, #tpu.memory_space<vmem>>, vector<1x1x16xf32>,
          %broadcast_in_dim3A_594 = vector.shape_cast %and3A_556 : vector<16xi32> to vector<16x1xi32>
          %gather3A_595 = vector.shape_cast %broadcast_in_dim3A_594 : vector<16x1xi32> to vector<16xi32>
          %gather3A_596 = tpu.dynamic_gather %get3A_242[%gather3A_595] in [0] : vector<16xf32>, vector<16xi32> -> vector<16xf32>
          %broadcast_in_dim3A_597 = vector.shape_cast %and3A_556 : vector<16xi32> to vector<16x1xi32>
          %gather3A_598 = vector.shape_cast %broadcast_in_dim3A_597 : vector<16x1xi32> to vector<16xi32>
          %gather3A_599 = tpu.dynamic_gather %get3A_239[%gather3A_598] in [0] : vector<16xf32>, vector<16xi32> -> vector<16xf32>
          %broadcast_in_dim3A_600 = vector.shape_cast %and3A_556 : vector<16xi32> to vector<16x1xi32>
          %gather3A_601 = vector.shape_cast %broadcast_in_dim3A_600 : vector<16x1xi32> to vector<16xi32>
          %gather3A_602 = tpu.dynamic_gather %get3A_236[%gather3A_601] in [0] : vector<16xf32>, vector<16xi32> -> vector<16xf32>
          %broadcast_in_dim3A_603 = vector.shape_cast %and3A_556 : vector<16xi32> to vector<16x1xi32>
          %gather3A_604 = vector.shape_cast %broadcast_in_dim3A_603 : vector<16x1xi32> to vector<16xi32>
          %gather3A_605 = tpu.dynamic_gather %get3A_233[%gather3A_604] in [0] : vector<16xf32>, vector<16xi32> -> vector<16xf32>
          %select_n3A_606 = arith.select %eq3A_559, %gather3A_602, %gather3A_605 : vector<16xi1>, vector<16xf32>
          %select_n3A_607 = arith.select %eq3A_562, %gather3A_599, %select_n3A_606 : vector<16xi1>, vector<16xf32>
          %select_n3A_608 = arith.select %eq3A_565, %gather3A_596, %select_n3A_607 : vector<16xi1>, vector<16xf32>
          %get3A_609 = arith.constant 1 : i32
          %get3A_610 = arith.constant 9 : i32
          %get3A_611 = arith.index_cast %get3A_609 : i32 to index
          %get3A_612 = arith.index_cast %get3A_610 : i32 to index
          %get3A_613 = arith.index_cast %mul3A_544 : i32 to index
          %get3A_614 = tpu.vector_load %arg10[%get3A_611, %get3A_612, %get3A_613] {strides = array<i32>} : memref<2x32x1280xf32, #tpu.memory_space<vmem>>, vector<1x1x16xf32>,
          %get3A_615 = vector.shape_cast %get3A_614 : vector<1x1x16xf32> to vector<16xf32>
          %mul3A_616 = arith.mulf %select_n3A_608, %get3A_615 : vector<16xf32>
          %swap3A_617 = arith.constant 1 : i32
          %swap3A_618 = arith.constant 9 : i32
          %swap3A_619 = arith.index_cast %swap3A_617 : i32 to index
          %swap3A_620 = arith.index_cast %swap3A_618 : i32 to index
          %swap3A_621 = arith.index_cast %mul3A_544 : i32 to index
          %swap3A_622 = tpu.vector_load %arg10[%swap3A_619, %swap3A_620, %swap3A_621] {strides = array<i32>} : memref<2x32x1280xf32, #tpu.memory_space<vmem>>, vector<1x1x16xf32>,
          %swap3A_623 = vector.shape_cast %swap3A_622 : vector<1x1x16xf32> to vector<16xf32>
          %swap3A_624 = vector.shape_cast %mul3A_616 : vector<16xf32> to vector<1x1x16xf32>
          tpu.vector_store %arg10[%swap3A_619, %swap3A_620, %swap3A_621], %swap3A_624 {strides = array<i32>} : memref<2x32x1280xf32, #tpu.memory_space<vmem>>, vector<1x1x16xf32>,
          %broadcast_in_dim3A_625 = vector.shape_cast %and3A_556 : vector<16xi32> to vector<16x1xi32>
          %gather3A_626 = vector.shape_cast %broadcast_in_dim3A_625 : vector<16x1xi32> to vector<16xi32>
          %gather3A_627 = tpu.dynamic_gather %get3A_254[%gather3A_626] in [0] : vector<16xf32>, vector<16xi32> -> vector<16xf32>
          %broadcast_in_dim3A_628 = vector.shape_cast %and3A_556 : vector<16xi32> to vector<16x1xi32>
          %gather3A_629 = vector.shape_cast %broadcast_in_dim3A_628 : vector<16x1xi32> to vector<16xi32>
          %gather3A_630 = tpu.dynamic_gather %get3A_251[%gather3A_629] in [0] : vector<16xf32>, vector<16xi32> -> vector<16xf32>
          %broadcast_in_dim3A_631 = vector.shape_cast %and3A_556 : vector<16xi32> to vector<16x1xi32>
          %gather3A_632 = vector.shape_cast %broadcast_in_dim3A_631 : vector<16x1xi32> to vector<16xi32>
          %gather3A_633 = tpu.dynamic_gather %get3A_248[%gather3A_632] in [0] : vector<16xf32>, vector<16xi32> -> vector<16xf32>
          %broadcast_in_dim3A_634 = vector.shape_cast %and3A_556 : vector<16xi32> to vector<16x1xi32>
          %gather3A_635 = vector.shape_cast %broadcast_in_dim3A_634 : vector<16x1xi32> to vector<16xi32>
          %gather3A_636 = tpu.dynamic_gather %get3A_245[%gather3A_635] in [0] : vector<16xf32>, vector<16xi32> -> vector<16xf32>
          %select_n3A_637 = arith.select %eq3A_559, %gather3A_633, %gather3A_636 : vector<16xi1>, vector<16xf32>
          %select_n3A_638 = arith.select %eq3A_562, %gather3A_630, %select_n3A_637 : vector<16xi1>, vector<16xf32>
          %select_n3A_639 = arith.select %eq3A_565, %gather3A_627, %select_n3A_638 : vector<16xi1>, vector<16xf32>
          %get3A_640 = arith.constant 1 : i32
          %get3A_641 = arith.constant 10 : i32
          %get3A_642 = arith.index_cast %get3A_640 : i32 to index
          %get3A_643 = arith.index_cast %get3A_641 : i32 to index
          %get3A_644 = arith.index_cast %mul3A_544 : i32 to index
          %get3A_645 = tpu.vector_load %arg10[%get3A_642, %get3A_643, %get3A_644] {strides = array<i32>} : memref<2x32x1280xf32, #tpu.memory_space<vmem>>, vector<1x1x16xf32>,
          %get3A_646 = vector.shape_cast %get3A_645 : vector<1x1x16xf32> to vector<16xf32>
          %mul3A_647 = arith.mulf %select_n3A_639, %get3A_646 : vector<16xf32>
          %swap3A_648 = arith.constant 1 : i32
          %swap3A_649 = arith.constant 10 : i32
          %swap3A_650 = arith.index_cast %swap3A_648 : i32 to index
          %swap3A_651 = arith.index_cast %swap3A_649 : i32 to index
          %swap3A_652 = arith.index_cast %mul3A_544 : i32 to index
          %swap3A_653 = tpu.vector_load %arg10[%swap3A_650, %swap3A_651, %swap3A_652] {strides = array<i32>} : memref<2x32x1280xf32, #tpu.memory_space<vmem>>, vector<1x1x16xf32>,
          %swap3A_654 = vector.shape_cast %swap3A_653 : vector<1x1x16xf32> to vector<16xf32>
          %swap3A_655 = vector.shape_cast %mul3A_647 : vector<16xf32> to vector<1x1x16xf32>
          tpu.vector_store %arg10[%swap3A_650, %swap3A_651, %swap3A_652], %swap3A_655 {strides = array<i32>} : memref<2x32x1280xf32, #tpu.memory_space<vmem>>, vector<1x1x16xf32>,
          %broadcast_in_dim3A_656 = vector.shape_cast %and3A_556 : vector<16xi32> to vector<16x1xi32>
          %gather3A_657 = vector.shape_cast %broadcast_in_dim3A_656 : vector<16x1xi32> to vector<16xi32>
          %gather3A_658 = tpu.dynamic_gather %get3A_266[%gather3A_657] in [0] : vector<16xf32>, vector<16xi32> -> vector<16xf32>
          %broadcast_in_dim3A_659 = vector.shape_cast %and3A_556 : vector<16xi32> to vector<16x1xi32>
          %gather3A_660 = vector.shape_cast %broadcast_in_dim3A_659 : vector<16x1xi32> to vector<16xi32>
          %gather3A_661 = tpu.dynamic_gather %get3A_263[%gather3A_660] in [0] : vector<16xf32>, vector<16xi32> -> vector<16xf32>
          %broadcast_in_dim3A_662 = vector.shape_cast %and3A_556 : vector<16xi32> to vector<16x1xi32>
          %gather3A_663 = vector.shape_cast %broadcast_in_dim3A_662 : vector<16x1xi32> to vector<16xi32>
          %gather3A_664 = tpu.dynamic_gather %get3A_260[%gather3A_663] in [0] : vector<16xf32>, vector<16xi32> -> vector<16xf32>
          %broadcast_in_dim3A_665 = vector.shape_cast %and3A_556 : vector<16xi32> to vector<16x1xi32>
          %gather3A_666 = vector.shape_cast %broadcast_in_dim3A_665 : vector<16x1xi32> to vector<16xi32>
          %gather3A_667 = tpu.dynamic_gather %get3A_257[%gather3A_666] in [0] : vector<16xf32>, vector<16xi32> -> vector<16xf32>
          %select_n3A_668 = arith.select %eq3A_559, %gather3A_664, %gather3A_667 : vector<16xi1>, vector<16xf32>
          %select_n3A_669 = arith.select %eq3A_562, %gather3A_661, %select_n3A_668 : vector<16xi1>, vector<16xf32>
          %select_n3A_670 = arith.select %eq3A_565, %gather3A_658, %select_n3A_669 : vector<16xi1>, vector<16xf32>
          %get3A_671 = arith.constant 1 : i32
          %get3A_672 = arith.constant 11 : i32
          %get3A_673 = arith.index_cast %get3A_671 : i32 to index
          %get3A_674 = arith.index_cast %get3A_672 : i32 to index
          %get3A_675 = arith.index_cast %mul3A_544 : i32 to index
          %get3A_676 = tpu.vector_load %arg10[%get3A_673, %get3A_674, %get3A_675] {strides = array<i32>} : memref<2x32x1280xf32, #tpu.memory_space<vmem>>, vector<1x1x16xf32>,
          %get3A_677 = vector.shape_cast %get3A_676 : vector<1x1x16xf32> to vector<16xf32>
          %mul3A_678 = arith.mulf %select_n3A_670, %get3A_677 : vector<16xf32>
          %swap3A_679 = arith.constant 1 : i32
          %swap3A_680 = arith.constant 11 : i32
          %swap3A_681 = arith.index_cast %swap3A_679 : i32 to index
          %swap3A_682 = arith.index_cast %swap3A_680 : i32 to index
          %swap3A_683 = arith.index_cast %mul3A_544 : i32 to index
          %swap3A_684 = tpu.vector_load %arg10[%swap3A_681, %swap3A_682, %swap3A_683] {strides = array<i32>} : memref<2x32x1280xf32, #tpu.memory_space<vmem>>, vector<1x1x16xf32>,
          %swap3A_685 = vector.shape_cast %swap3A_684 : vector<1x1x16xf32> to vector<16xf32>
          %swap3A_686 = vector.shape_cast %mul3A_678 : vector<16xf32> to vector<1x1x16xf32>
          tpu.vector_store %arg10[%swap3A_681, %swap3A_682, %swap3A_683], %swap3A_686 {strides = array<i32>} : memref<2x32x1280xf32, #tpu.memory_space<vmem>>, vector<1x1x16xf32>,
          %broadcast_in_dim3A_687 = vector.shape_cast %and3A_556 : vector<16xi32> to vector<16x1xi32>
          %gather3A_688 = vector.shape_cast %broadcast_in_dim3A_687 : vector<16x1xi32> to vector<16xi32>
          %gather3A_689 = tpu.dynamic_gather %get3A_278[%gather3A_688] in [0] : vector<16xf32>, vector<16xi32> -> vector<16xf32>
          %broadcast_in_dim3A_690 = vector.shape_cast %and3A_556 : vector<16xi32> to vector<16x1xi32>
          %gather3A_691 = vector.shape_cast %broadcast_in_dim3A_690 : vector<16x1xi32> to vector<16xi32>
          %gather3A_692 = tpu.dynamic_gather %get3A_275[%gather3A_691] in [0] : vector<16xf32>, vector<16xi32> -> vector<16xf32>
          %broadcast_in_dim3A_693 = vector.shape_cast %and3A_556 : vector<16xi32> to vector<16x1xi32>
          %gather3A_694 = vector.shape_cast %broadcast_in_dim3A_693 : vector<16x1xi32> to vector<16xi32>
          %gather3A_695 = tpu.dynamic_gather %get3A_272[%gather3A_694] in [0] : vector<16xf32>, vector<16xi32> -> vector<16xf32>
          %broadcast_in_dim3A_696 = vector.shape_cast %and3A_556 : vector<16xi32> to vector<16x1xi32>
          %gather3A_697 = vector.shape_cast %broadcast_in_dim3A_696 : vector<16x1xi32> to vector<16xi32>
          %gather3A_698 = tpu.dynamic_gather %get3A_269[%gather3A_697] in [0] : vector<16xf32>, vector<16xi32> -> vector<16xf32>
          %select_n3A_699 = arith.select %eq3A_559, %gather3A_695, %gather3A_698 : vector<16xi1>, vector<16xf32>
          %select_n3A_700 = arith.select %eq3A_562, %gather3A_692, %select_n3A_699 : vector<16xi1>, vector<16xf32>
          %select_n3A_701 = arith.select %eq3A_565, %gather3A_689, %select_n3A_700 : vector<16xi1>, vector<16xf32>
          %get3A_702 = arith.constant 1 : i32
          %get3A_703 = arith.constant 12 : i32
          %get3A_704 = arith.index_cast %get3A_702 : i32 to index
          %get3A_705 = arith.index_cast %get3A_703 : i32 to index
          %get3A_706 = arith.index_cast %mul3A_544 : i32 to index
          %get3A_707 = tpu.vector_load %arg10[%get3A_704, %get3A_705, %get3A_706] {strides = array<i32>} : memref<2x32x1280xf32, #tpu.memory_space<vmem>>, vector<1x1x16xf32>,
          %get3A_708 = vector.shape_cast %get3A_707 : vector<1x1x16xf32> to vector<16xf32>
          %mul3A_709 = arith.mulf %select_n3A_701, %get3A_708 : vector<16xf32>
          %swap3A_710 = arith.constant 1 : i32
          %swap3A_711 = arith.constant 12 : i32
          %swap3A_712 = arith.index_cast %swap3A_710 : i32 to index
          %swap3A_713 = arith.index_cast %swap3A_711 : i32 to index
          %swap3A_714 = arith.index_cast %mul3A_544 : i32 to index
          %swap3A_715 = tpu.vector_load %arg10[%swap3A_712, %swap3A_713, %swap3A_714] {strides = array<i32>} : memref<2x32x1280xf32, #tpu.memory_space<vmem>>, vector<1x1x16xf32>,
          %swap3A_716 = vector.shape_cast %swap3A_715 : vector<1x1x16xf32> to vector<16xf32>
          %swap3A_717 = vector.shape_cast %mul3A_709 : vector<16xf32> to vector<1x1x16xf32>
          tpu.vector_store %arg10[%swap3A_712, %swap3A_713, %swap3A_714], %swap3A_717 {strides = array<i32>} : memref<2x32x1280xf32, #tpu.memory_space<vmem>>, vector<1x1x16xf32>,
          %broadcast_in_dim3A_718 = vector.shape_cast %and3A_556 : vector<16xi32> to vector<16x1xi32>
          %gather3A_719 = vector.shape_cast %broadcast_in_dim3A_718 : vector<16x1xi32> to vector<16xi32>
          %gather3A_720 = tpu.dynamic_gather %get3A_290[%gather3A_719] in [0] : vector<16xf32>, vector<16xi32> -> vector<16xf32>
          %broadcast_in_dim3A_721 = vector.shape_cast %and3A_556 : vector<16xi32> to vector<16x1xi32>
          %gather3A_722 = vector.shape_cast %broadcast_in_dim3A_721 : vector<16x1xi32> to vector<16xi32>
          %gather3A_723 = tpu.dynamic_gather %get3A_287[%gather3A_722] in [0] : vector<16xf32>, vector<16xi32> -> vector<16xf32>
          %broadcast_in_dim3A_724 = vector.shape_cast %and3A_556 : vector<16xi32> to vector<16x1xi32>
          %gather3A_725 = vector.shape_cast %broadcast_in_dim3A_724 : vector<16x1xi32> to vector<16xi32>
          %gather3A_726 = tpu.dynamic_gather %get3A_284[%gather3A_725] in [0] : vector<16xf32>, vector<16xi32> -> vector<16xf32>
          %broadcast_in_dim3A_727 = vector.shape_cast %and3A_556 : vector<16xi32> to vector<16x1xi32>
          %gather3A_728 = vector.shape_cast %broadcast_in_dim3A_727 : vector<16x1xi32> to vector<16xi32>
          %gather3A_729 = tpu.dynamic_gather %get3A_281[%gather3A_728] in [0] : vector<16xf32>, vector<16xi32> -> vector<16xf32>
          %select_n3A_730 = arith.select %eq3A_559, %gather3A_726, %gather3A_729 : vector<16xi1>, vector<16xf32>
          %select_n3A_731 = arith.select %eq3A_562, %gather3A_723, %select_n3A_730 : vector<16xi1>, vector<16xf32>
          %select_n3A_732 = arith.select %eq3A_565, %gather3A_720, %select_n3A_731 : vector<16xi1>, vector<16xf32>
          %get3A_733 = arith.constant 1 : i32
          %get3A_734 = arith.constant 13 : i32
          %get3A_735 = arith.index_cast %get3A_733 : i32 to index
          %get3A_736 = arith.index_cast %get3A_734 : i32 to index
          %get3A_737 = arith.index_cast %mul3A_544 : i32 to index
          %get3A_738 = tpu.vector_load %arg10[%get3A_735, %get3A_736, %get3A_737] {strides = array<i32>} : memref<2x32x1280xf32, #tpu.memory_space<vmem>>, vector<1x1x16xf32>,
          %get3A_739 = vector.shape_cast %get3A_738 : vector<1x1x16xf32> to vector<16xf32>
          %mul3A_740 = arith.mulf %select_n3A_732, %get3A_739 : vector<16xf32>
          %swap3A_741 = arith.constant 1 : i32
          %swap3A_742 = arith.constant 13 : i32
          %swap3A_743 = arith.index_cast %swap3A_741 : i32 to index
          %swap3A_744 = arith.index_cast %swap3A_742 : i32 to index
          %swap3A_745 = arith.index_cast %mul3A_544 : i32 to index
          %swap3A_746 = tpu.vector_load %arg10[%swap3A_743, %swap3A_744, %swap3A_745] {strides = array<i32>} : memref<2x32x1280xf32, #tpu.memory_space<vmem>>, vector<1x1x16xf32>,
          %swap3A_747 = vector.shape_cast %swap3A_746 : vector<1x1x16xf32> to vector<16xf32>
          %swap3A_748 = vector.shape_cast %mul3A_740 : vector<16xf32> to vector<1x1x16xf32>
          tpu.vector_store %arg10[%swap3A_743, %swap3A_744, %swap3A_745], %swap3A_748 {strides = array<i32>} : memref<2x32x1280xf32, #tpu.memory_space<vmem>>, vector<1x1x16xf32>,
          %broadcast_in_dim3A_749 = vector.shape_cast %and3A_556 : vector<16xi32> to vector<16x1xi32>
          %gather3A_750 = vector.shape_cast %broadcast_in_dim3A_749 : vector<16x1xi32> to vector<16xi32>
          %gather3A_751 = tpu.dynamic_gather %get3A_302[%gather3A_750] in [0] : vector<16xf32>, vector<16xi32> -> vector<16xf32>
          %broadcast_in_dim3A_752 = vector.shape_cast %and3A_556 : vector<16xi32> to vector<16x1xi32>
          %gather3A_753 = vector.shape_cast %broadcast_in_dim3A_752 : vector<16x1xi32> to vector<16xi32>
          %gather3A_754 = tpu.dynamic_gather %get3A_299[%gather3A_753] in [0] : vector<16xf32>, vector<16xi32> -> vector<16xf32>
          %broadcast_in_dim3A_755 = vector.shape_cast %and3A_556 : vector<16xi32> to vector<16x1xi32>
          %gather3A_756 = vector.shape_cast %broadcast_in_dim3A_755 : vector<16x1xi32> to vector<16xi32>
          %gather3A_757 = tpu.dynamic_gather %get3A_296[%gather3A_756] in [0] : vector<16xf32>, vector<16xi32> -> vector<16xf32>
          %broadcast_in_dim3A_758 = vector.shape_cast %and3A_556 : vector<16xi32> to vector<16x1xi32>
          %gather3A_759 = vector.shape_cast %broadcast_in_dim3A_758 : vector<16x1xi32> to vector<16xi32>
          %gather3A_760 = tpu.dynamic_gather %get3A_293[%gather3A_759] in [0] : vector<16xf32>, vector<16xi32> -> vector<16xf32>
          %select_n3A_761 = arith.select %eq3A_559, %gather3A_757, %gather3A_760 : vector<16xi1>, vector<16xf32>
          %select_n3A_762 = arith.select %eq3A_562, %gather3A_754, %select_n3A_761 : vector<16xi1>, vector<16xf32>
          %select_n3A_763 = arith.select %eq3A_565, %gather3A_751, %select_n3A_762 : vector<16xi1>, vector<16xf32>
          %get3A_764 = arith.constant 1 : i32
          %get3A_765 = arith.constant 14 : i32
          %get3A_766 = arith.index_cast %get3A_764 : i32 to index
          %get3A_767 = arith.index_cast %get3A_765 : i32 to index
          %get3A_768 = arith.index_cast %mul3A_544 : i32 to index
          %get3A_769 = tpu.vector_load %arg10[%get3A_766, %get3A_767, %get3A_768] {strides = array<i32>} : memref<2x32x1280xf32, #tpu.memory_space<vmem>>, vector<1x1x16xf32>,
          %get3A_770 = vector.shape_cast %get3A_769 : vector<1x1x16xf32> to vector<16xf32>
          %mul3A_771 = arith.mulf %select_n3A_763, %get3A_770 : vector<16xf32>
          %swap3A_772 = arith.constant 1 : i32
          %swap3A_773 = arith.constant 14 : i32
          %swap3A_774 = arith.index_cast %swap3A_772 : i32 to index
          %swap3A_775 = arith.index_cast %swap3A_773 : i32 to index
          %swap3A_776 = arith.index_cast %mul3A_544 : i32 to index
          %swap3A_777 = tpu.vector_load %arg10[%swap3A_774, %swap3A_775, %swap3A_776] {strides = array<i32>} : memref<2x32x1280xf32, #tpu.memory_space<vmem>>, vector<1x1x16xf32>,
          %swap3A_778 = vector.shape_cast %swap3A_777 : vector<1x1x16xf32> to vector<16xf32>
          %swap3A_779 = vector.shape_cast %mul3A_771 : vector<16xf32> to vector<1x1x16xf32>
          tpu.vector_store %arg10[%swap3A_774, %swap3A_775, %swap3A_776], %swap3A_779 {strides = array<i32>} : memref<2x32x1280xf32, #tpu.memory_space<vmem>>, vector<1x1x16xf32>,
          %broadcast_in_dim3A_780 = vector.shape_cast %and3A_556 : vector<16xi32> to vector<16x1xi32>
          %gather3A_781 = vector.shape_cast %broadcast_in_dim3A_780 : vector<16x1xi32> to vector<16xi32>
          %gather3A_782 = tpu.dynamic_gather %get3A_314[%gather3A_781] in [0] : vector<16xf32>, vector<16xi32> -> vector<16xf32>
          %broadcast_in_dim3A_783 = vector.shape_cast %and3A_556 : vector<16xi32> to vector<16x1xi32>
          %gather3A_784 = vector.shape_cast %broadcast_in_dim3A_783 : vector<16x1xi32> to vector<16xi32>
          %gather3A_785 = tpu.dynamic_gather %get3A_311[%gather3A_784] in [0] : vector<16xf32>, vector<16xi32> -> vector<16xf32>
          %broadcast_in_dim3A_786 = vector.shape_cast %and3A_556 : vector<16xi32> to vector<16x1xi32>
          %gather3A_787 = vector.shape_cast %broadcast_in_dim3A_786 : vector<16x1xi32> to vector<16xi32>
          %gather3A_788 = tpu.dynamic_gather %get3A_308[%gather3A_787] in [0] : vector<16xf32>, vector<16xi32> -> vector<16xf32>
          %broadcast_in_dim3A_789 = vector.shape_cast %and3A_556 : vector<16xi32> to vector<16x1xi32>
          %gather3A_790 = vector.shape_cast %broadcast_in_dim3A_789 : vector<16x1xi32> to vector<16xi32>
          %gather3A_791 = tpu.dynamic_gather %get3A_305[%gather3A_790] in [0] : vector<16xf32>, vector<16xi32> -> vector<16xf32>
          %select_n3A_792 = arith.select %eq3A_559, %gather3A_788, %gather3A_791 : vector<16xi1>, vector<16xf32>
          %select_n3A_793 = arith.select %eq3A_562, %gather3A_785, %select_n3A_792 : vector<16xi1>, vector<16xf32>
          %select_n3A_794 = arith.select %eq3A_565, %gather3A_782, %select_n3A_793 : vector<16xi1>, vector<16xf32>
          %get3A_795 = arith.constant 1 : i32
          %get3A_796 = arith.constant 15 : i32
          %get3A_797 = arith.index_cast %get3A_795 : i32 to index
          %get3A_798 = arith.index_cast %get3A_796 : i32 to index
          %get3A_799 = arith.index_cast %mul3A_544 : i32 to index
          %get3A_800 = tpu.vector_load %arg10[%get3A_797, %get3A_798, %get3A_799] {strides = array<i32>} : memref<2x32x1280xf32, #tpu.memory_space<vmem>>, vector<1x1x16xf32>,
          %get3A_801 = vector.shape_cast %get3A_800 : vector<1x1x16xf32> to vector<16xf32>
          %mul3A_802 = arith.mulf %select_n3A_794, %get3A_801 : vector<16xf32>
          %swap3A_803 = arith.constant 1 : i32
          %swap3A_804 = arith.constant 15 : i32
          %swap3A_805 = arith.index_cast %swap3A_803 : i32 to index
          %swap3A_806 = arith.index_cast %swap3A_804 : i32 to index
          %swap3A_807 = arith.index_cast %mul3A_544 : i32 to index
          %swap3A_808 = tpu.vector_load %arg10[%swap3A_805, %swap3A_806, %swap3A_807] {strides = array<i32>} : memref<2x32x1280xf32, #tpu.memory_space<vmem>>, vector<1x1x16xf32>,
          %swap3A_809 = vector.shape_cast %swap3A_808 : vector<1x1x16xf32> to vector<16xf32>
          %swap3A_810 = vector.shape_cast %mul3A_802 : vector<16xf32> to vector<1x1x16xf32>
          tpu.vector_store %arg10[%swap3A_805, %swap3A_806, %swap3A_807], %swap3A_810 {strides = array<i32>} : memref<2x32x1280xf32, #tpu.memory_space<vmem>>, vector<1x1x16xf32>,
        }
        %scan3A_320 = arith.constant 80 : i32
        %get3A_321 = arith.constant 0 : index
        %get3A_322 = tpu.vector_load %arg9[%get3A_321] {strides = array<i32>} : memref<1024xf32, #tpu.memory_space<vmem>>, vector<16xf32>,
        %get3A_323 = vector.shape_cast %get3A_322 : vector<16xf32> to vector<16xf32>
        %get3A_324 = arith.constant 16 : index
        %get3A_325 = tpu.vector_load %arg9[%get3A_324] {strides = array<i32>} : memref<1024xf32, #tpu.memory_space<vmem>>, vector<16xf32>,
        %get3A_326 = vector.shape_cast %get3A_325 : vector<16xf32> to vector<16xf32>
        %get3A_327 = arith.constant 32 : index
        %get3A_328 = tpu.vector_load %arg9[%get3A_327] {strides = array<i32>} : memref<1024xf32, #tpu.memory_space<vmem>>, vector<16xf32>,
        %get3A_329 = vector.shape_cast %get3A_328 : vector<16xf32> to vector<16xf32>
        %get3A_330 = arith.constant 48 : index
        %get3A_331 = tpu.vector_load %arg9[%get3A_330] {strides = array<i32>} : memref<1024xf32, #tpu.memory_space<vmem>>, vector<16xf32>,
        %get3A_332 = vector.shape_cast %get3A_331 : vector<16xf32> to vector<16xf32>
        %get3A_333 = arith.constant 64 : index
        %get3A_334 = tpu.vector_load %arg9[%get3A_333] {strides = array<i32>} : memref<1024xf32, #tpu.memory_space<vmem>>, vector<16xf32>,
        %get3A_335 = vector.shape_cast %get3A_334 : vector<16xf32> to vector<16xf32>
        %get3A_336 = arith.constant 80 : index
        %get3A_337 = tpu.vector_load %arg9[%get3A_336] {strides = array<i32>} : memref<1024xf32, #tpu.memory_space<vmem>>, vector<16xf32>,
        %get3A_338 = vector.shape_cast %get3A_337 : vector<16xf32> to vector<16xf32>
        %get3A_339 = arith.constant 96 : index
        %get3A_340 = tpu.vector_load %arg9[%get3A_339] {strides = array<i32>} : memref<1024xf32, #tpu.memory_space<vmem>>, vector<16xf32>,
        %get3A_341 = vector.shape_cast %get3A_340 : vector<16xf32> to vector<16xf32>
        %get3A_342 = arith.constant 112 : index
        %get3A_343 = tpu.vector_load %arg9[%get3A_342] {strides = array<i32>} : memref<1024xf32, #tpu.memory_space<vmem>>, vector<16xf32>,
        %get3A_344 = vector.shape_cast %get3A_343 : vector<16xf32> to vector<16xf32>
        %get3A_345 = arith.constant 128 : index
        %get3A_346 = tpu.vector_load %arg9[%get3A_345] {strides = array<i32>} : memref<1024xf32, #tpu.memory_space<vmem>>, vector<16xf32>,
        %get3A_347 = vector.shape_cast %get3A_346 : vector<16xf32> to vector<16xf32>
        %get3A_348 = arith.constant 144 : index
        %get3A_349 = tpu.vector_load %arg9[%get3A_348] {strides = array<i32>} : memref<1024xf32, #tpu.memory_space<vmem>>, vector<16xf32>,
        %get3A_350 = vector.shape_cast %get3A_349 : vector<16xf32> to vector<16xf32>
        %get3A_351 = arith.constant 160 : index
        %get3A_352 = tpu.vector_load %arg9[%get3A_351] {strides = array<i32>} : memref<1024xf32, #tpu.memory_space<vmem>>, vector<16xf32>,
        %get3A_353 = vector.shape_cast %get3A_352 : vector<16xf32> to vector<16xf32>
        %get3A_354 = arith.constant 176 : index
        %get3A_355 = tpu.vector_load %arg9[%get3A_354] {strides = array<i32>} : memref<1024xf32, #tpu.memory_space<vmem>>, vector<16xf32>,
        %get3A_356 = vector.shape_cast %get3A_355 : vector<16xf32> to vector<16xf32>
        %get3A_357 = arith.constant 192 : index
        %get3A_358 = tpu.vector_load %arg9[%get3A_357] {strides = array<i32>} : memref<1024xf32, #tpu.memory_space<vmem>>, vector<16xf32>,
        %get3A_359 = vector.shape_cast %get3A_358 : vector<16xf32> to vector<16xf32>
        %get3A_360 = arith.constant 208 : index
        %get3A_361 = tpu.vector_load %arg9[%get3A_360] {strides = array<i32>} : memref<1024xf32, #tpu.memory_space<vmem>>, vector<16xf32>,
        %get3A_362 = vector.shape_cast %get3A_361 : vector<16xf32> to vector<16xf32>
        %get3A_363 = arith.constant 224 : index
        %get3A_364 = tpu.vector_load %arg9[%get3A_363] {strides = array<i32>} : memref<1024xf32, #tpu.memory_space<vmem>>, vector<16xf32>,
        %get3A_365 = vector.shape_cast %get3A_364 : vector<16xf32> to vector<16xf32>
        %get3A_366 = arith.constant 240 : index
        %get3A_367 = tpu.vector_load %arg9[%get3A_366] {strides = array<i32>} : memref<1024xf32, #tpu.memory_space<vmem>>, vector<16xf32>,
        %get3A_368 = vector.shape_cast %get3A_367 : vector<16xf32> to vector<16xf32>
        %get3A_369 = arith.constant 256 : index
        %get3A_370 = tpu.vector_load %arg9[%get3A_369] {strides = array<i32>} : memref<1024xf32, #tpu.memory_space<vmem>>, vector<16xf32>,
        %get3A_371 = vector.shape_cast %get3A_370 : vector<16xf32> to vector<16xf32>
        %get3A_372 = arith.constant 272 : index
        %get3A_373 = tpu.vector_load %arg9[%get3A_372] {strides = array<i32>} : memref<1024xf32, #tpu.memory_space<vmem>>, vector<16xf32>,
        %get3A_374 = vector.shape_cast %get3A_373 : vector<16xf32> to vector<16xf32>
        %get3A_375 = arith.constant 288 : index
        %get3A_376 = tpu.vector_load %arg9[%get3A_375] {strides = array<i32>} : memref<1024xf32, #tpu.memory_space<vmem>>, vector<16xf32>,
        %get3A_377 = vector.shape_cast %get3A_376 : vector<16xf32> to vector<16xf32>
        %get3A_378 = arith.constant 304 : index
        %get3A_379 = tpu.vector_load %arg9[%get3A_378] {strides = array<i32>} : memref<1024xf32, #tpu.memory_space<vmem>>, vector<16xf32>,
        %get3A_380 = vector.shape_cast %get3A_379 : vector<16xf32> to vector<16xf32>
        %get3A_381 = arith.constant 320 : index
        %get3A_382 = tpu.vector_load %arg9[%get3A_381] {strides = array<i32>} : memref<1024xf32, #tpu.memory_space<vmem>>, vector<16xf32>,
        %get3A_383 = vector.shape_cast %get3A_382 : vector<16xf32> to vector<16xf32>
        %get3A_384 = arith.constant 336 : index
        %get3A_385 = tpu.vector_load %arg9[%get3A_384] {strides = array<i32>} : memref<1024xf32, #tpu.memory_space<vmem>>, vector<16xf32>,
        %get3A_386 = vector.shape_cast %get3A_385 : vector<16xf32> to vector<16xf32>
        %get3A_387 = arith.constant 352 : index
        %get3A_388 = tpu.vector_load %arg9[%get3A_387] {strides = array<i32>} : memref<1024xf32, #tpu.memory_space<vmem>>, vector<16xf32>,
        %get3A_389 = vector.shape_cast %get3A_388 : vector<16xf32> to vector<16xf32>
        %get3A_390 = arith.constant 368 : index
        %get3A_391 = tpu.vector_load %arg9[%get3A_390] {strides = array<i32>} : memref<1024xf32, #tpu.memory_space<vmem>>, vector<16xf32>,
        %get3A_392 = vector.shape_cast %get3A_391 : vector<16xf32> to vector<16xf32>
        %get3A_393 = arith.constant 384 : index
        %get3A_394 = tpu.vector_load %arg9[%get3A_393] {strides = array<i32>} : memref<1024xf32, #tpu.memory_space<vmem>>, vector<16xf32>,
        %get3A_395 = vector.shape_cast %get3A_394 : vector<16xf32> to vector<16xf32>
        %get3A_396 = arith.constant 400 : index
        %get3A_397 = tpu.vector_load %arg9[%get3A_396] {strides = array<i32>} : memref<1024xf32, #tpu.memory_space<vmem>>, vector<16xf32>,
        %get3A_398 = vector.shape_cast %get3A_397 : vector<16xf32> to vector<16xf32>
        %get3A_399 = arith.constant 416 : index
        %get3A_400 = tpu.vector_load %arg9[%get3A_399] {strides = array<i32>} : memref<1024xf32, #tpu.memory_space<vmem>>, vector<16xf32>,
        %get3A_401 = vector.shape_cast %get3A_400 : vector<16xf32> to vector<16xf32>
        %get3A_402 = arith.constant 432 : index
        %get3A_403 = tpu.vector_load %arg9[%get3A_402] {strides = array<i32>} : memref<1024xf32, #tpu.memory_space<vmem>>, vector<16xf32>,
        %get3A_404 = vector.shape_cast %get3A_403 : vector<16xf32> to vector<16xf32>
        %get3A_405 = arith.constant 448 : index
        %get3A_406 = tpu.vector_load %arg9[%get3A_405] {strides = array<i32>} : memref<1024xf32, #tpu.memory_space<vmem>>, vector<16xf32>,
        %get3A_407 = vector.shape_cast %get3A_406 : vector<16xf32> to vector<16xf32>
        %get3A_408 = arith.constant 464 : index
        %get3A_409 = tpu.vector_load %arg9[%get3A_408] {strides = array<i32>} : memref<1024xf32, #tpu.memory_space<vmem>>, vector<16xf32>,
        %get3A_410 = vector.shape_cast %get3A_409 : vector<16xf32> to vector<16xf32>
        %get3A_411 = arith.constant 480 : index
        %get3A_412 = tpu.vector_load %arg9[%get3A_411] {strides = array<i32>} : memref<1024xf32, #tpu.memory_space<vmem>>, vector<16xf32>,
        %get3A_413 = vector.shape_cast %get3A_412 : vector<16xf32> to vector<16xf32>
        %get3A_414 = arith.constant 496 : index
        %get3A_415 = tpu.vector_load %arg9[%get3A_414] {strides = array<i32>} : memref<1024xf32, #tpu.memory_space<vmem>>, vector<16xf32>,
        %get3A_416 = vector.shape_cast %get3A_415 : vector<16xf32> to vector<16xf32>
        %scan3A_417 = arith.constant 0 : i32
        %scan3A_418 = arith.constant 0 : i32
        %scan3A_419 = arith.constant 80 : i32
        %scan3A_420 = arith.addi %scan3A_418, %scan3A_419 : i32
        %scan3A_421 = arith.constant 1 : i32
        scf.for %scan3A_542 = %scan3A_418 to %scan3A_420 step %scan3A_421  : i32 {
          %mul3A_543 = arith.constant 16 : i32
          %mul3A_544 = arith.muli %scan3A_542, %mul3A_543 : i32
          %get3A_545 = arith.constant 1 : i32
          %get3A_546 = arith.constant 1 : i32
          %get3A_547 = arith.index_cast %get3A_545 : i32 to index
          %get3A_548 = arith.index_cast %get3A_546 : i32 to index
          %get3A_549 = arith.index_cast %mul3A_544 : i32 to index
          %get3A_550 = tpu.vector_load %arg7[%get3A_547, %get3A_548, %get3A_549] {strides = array<i32>} : memref<2x2x1280xi32, #tpu.memory_space<vmem>>, vector<1x1x16xi32>,
          %get3A_551 = vector.shape_cast %get3A_550 : vector<1x1x16xi32> to vector<16xi32>
          %shift_right_arithmetic3A = arith.constant 4 : i32
          %shift_right_arithmetic3A_552 = vector.broadcast %shift_right_arithmetic3A : i32 to vector<16xi32>
          %shift_right_arithmetic3A_553 = arith.shrsi %get3A_551, %shift_right_arithmetic3A_552 : vector<16xi32>
          %and3A_554 = arith.constant 15 : i32
          %and3A_555 = vector.broadcast %and3A_554 : i32 to vector<16xi32>
          %and3A_556 = arith.andi %get3A_551, %and3A_555 : vector<16xi32>
          %eq3A_557 = arith.constant 1 : i32
          %eq3A_558 = vector.broadcast %eq3A_557 : i32 to vector<16xi32>
          %eq3A_559 = arith.cmpi eq, %shift_right_arithmetic3A_553, %eq3A_558 : vector<16xi32>
          %eq3A_560 = arith.constant 2 : i32
          %eq3A_561 = vector.broadcast %eq3A_560 : i32 to vector<16xi32>
          %eq3A_562 = arith.cmpi eq, %shift_right_arithmetic3A_553, %eq3A_561 : vector<16xi32>
          %eq3A_563 = arith.constant 3 : i32
          %eq3A_564 = vector.broadcast %eq3A_563 : i32 to vector<16xi32>
          %eq3A_565 = arith.cmpi eq, %shift_right_arithmetic3A_553, %eq3A_564 : vector<16xi32>
          %broadcast_in_dim3A = vector.shape_cast %and3A_556 : vector<16xi32> to vector<16x1xi32>
          %gather3A = vector.shape_cast %broadcast_in_dim3A : vector<16x1xi32> to vector<16xi32>
          %gather3A_566 = tpu.dynamic_gather %get3A_332[%gather3A] in [0] : vector<16xf32>, vector<16xi32> -> vector<16xf32>
          %broadcast_in_dim3A_567 = vector.shape_cast %and3A_556 : vector<16xi32> to vector<16x1xi32>
          %gather3A_568 = vector.shape_cast %broadcast_in_dim3A_567 : vector<16x1xi32> to vector<16xi32>
          %gather3A_569 = tpu.dynamic_gather %get3A_329[%gather3A_568] in [0] : vector<16xf32>, vector<16xi32> -> vector<16xf32>
          %broadcast_in_dim3A_570 = vector.shape_cast %and3A_556 : vector<16xi32> to vector<16x1xi32>
          %gather3A_571 = vector.shape_cast %broadcast_in_dim3A_570 : vector<16x1xi32> to vector<16xi32>
          %gather3A_572 = tpu.dynamic_gather %get3A_326[%gather3A_571] in [0] : vector<16xf32>, vector<16xi32> -> vector<16xf32>
          %broadcast_in_dim3A_573 = vector.shape_cast %and3A_556 : vector<16xi32> to vector<16x1xi32>
          %gather3A_574 = vector.shape_cast %broadcast_in_dim3A_573 : vector<16x1xi32> to vector<16xi32>
          %gather3A_575 = tpu.dynamic_gather %get3A_323[%gather3A_574] in [0] : vector<16xf32>, vector<16xi32> -> vector<16xf32>
          %select_n3A_576 = arith.select %eq3A_559, %gather3A_572, %gather3A_575 : vector<16xi1>, vector<16xf32>
          %select_n3A_577 = arith.select %eq3A_562, %gather3A_569, %select_n3A_576 : vector<16xi1>, vector<16xf32>
          %select_n3A_578 = arith.select %eq3A_565, %gather3A_566, %select_n3A_577 : vector<16xi1>, vector<16xf32>
          %get3A_579 = arith.constant 1 : i32
          %get3A_580 = arith.constant 16 : i32
          %get3A_581 = arith.index_cast %get3A_579 : i32 to index
          %get3A_582 = arith.index_cast %get3A_580 : i32 to index
          %get3A_583 = arith.index_cast %mul3A_544 : i32 to index
          %get3A_584 = tpu.vector_load %arg10[%get3A_581, %get3A_582, %get3A_583] {strides = array<i32>} : memref<2x32x1280xf32, #tpu.memory_space<vmem>>, vector<1x1x16xf32>,
          %get3A_585 = vector.shape_cast %get3A_584 : vector<1x1x16xf32> to vector<16xf32>
          %mul3A_586 = arith.mulf %select_n3A_578, %get3A_585 : vector<16xf32>
          %swap3A = arith.constant 1 : i32
          %swap3A_587 = arith.constant 16 : i32
          %swap3A_588 = arith.index_cast %swap3A : i32 to index
          %swap3A_589 = arith.index_cast %swap3A_587 : i32 to index
          %swap3A_590 = arith.index_cast %mul3A_544 : i32 to index
          %swap3A_591 = tpu.vector_load %arg10[%swap3A_588, %swap3A_589, %swap3A_590] {strides = array<i32>} : memref<2x32x1280xf32, #tpu.memory_space<vmem>>, vector<1x1x16xf32>,
          %swap3A_592 = vector.shape_cast %swap3A_591 : vector<1x1x16xf32> to vector<16xf32>
          %swap3A_593 = vector.shape_cast %mul3A_586 : vector<16xf32> to vector<1x1x16xf32>
          tpu.vector_store %arg10[%swap3A_588, %swap3A_589, %swap3A_590], %swap3A_593 {strides = array<i32>} : memref<2x32x1280xf32, #tpu.memory_space<vmem>>, vector<1x1x16xf32>,
          %broadcast_in_dim3A_594 = vector.shape_cast %and3A_556 : vector<16xi32> to vector<16x1xi32>
          %gather3A_595 = vector.shape_cast %broadcast_in_dim3A_594 : vector<16x1xi32> to vector<16xi32>
          %gather3A_596 = tpu.dynamic_gather %get3A_344[%gather3A_595] in [0] : vector<16xf32>, vector<16xi32> -> vector<16xf32>
          %broadcast_in_dim3A_597 = vector.shape_cast %and3A_556 : vector<16xi32> to vector<16x1xi32>
          %gather3A_598 = vector.shape_cast %broadcast_in_dim3A_597 : vector<16x1xi32> to vector<16xi32>
          %gather3A_599 = tpu.dynamic_gather %get3A_341[%gather3A_598] in [0] : vector<16xf32>, vector<16xi32> -> vector<16xf32>
          %broadcast_in_dim3A_600 = vector.shape_cast %and3A_556 : vector<16xi32> to vector<16x1xi32>
          %gather3A_601 = vector.shape_cast %broadcast_in_dim3A_600 : vector<16x1xi32> to vector<16xi32>
          %gather3A_602 = tpu.dynamic_gather %get3A_338[%gather3A_601] in [0] : vector<16xf32>, vector<16xi32> -> vector<16xf32>
          %broadcast_in_dim3A_603 = vector.shape_cast %and3A_556 : vector<16xi32> to vector<16x1xi32>
          %gather3A_604 = vector.shape_cast %broadcast_in_dim3A_603 : vector<16x1xi32> to vector<16xi32>
          %gather3A_605 = tpu.dynamic_gather %get3A_335[%gather3A_604] in [0] : vector<16xf32>, vector<16xi32> -> vector<16xf32>
          %select_n3A_606 = arith.select %eq3A_559, %gather3A_602, %gather3A_605 : vector<16xi1>, vector<16xf32>
          %select_n3A_607 = arith.select %eq3A_562, %gather3A_599, %select_n3A_606 : vector<16xi1>, vector<16xf32>
          %select_n3A_608 = arith.select %eq3A_565, %gather3A_596, %select_n3A_607 : vector<16xi1>, vector<16xf32>
          %get3A_609 = arith.constant 1 : i32
          %get3A_610 = arith.constant 17 : i32
          %get3A_611 = arith.index_cast %get3A_609 : i32 to index
          %get3A_612 = arith.index_cast %get3A_610 : i32 to index
          %get3A_613 = arith.index_cast %mul3A_544 : i32 to index
          %get3A_614 = tpu.vector_load %arg10[%get3A_611, %get3A_612, %get3A_613] {strides = array<i32>} : memref<2x32x1280xf32, #tpu.memory_space<vmem>>, vector<1x1x16xf32>,
          %get3A_615 = vector.shape_cast %get3A_614 : vector<1x1x16xf32> to vector<16xf32>
          %mul3A_616 = arith.mulf %select_n3A_608, %get3A_615 : vector<16xf32>
          %swap3A_617 = arith.constant 1 : i32
          %swap3A_618 = arith.constant 17 : i32
          %swap3A_619 = arith.index_cast %swap3A_617 : i32 to index
          %swap3A_620 = arith.index_cast %swap3A_618 : i32 to index
          %swap3A_621 = arith.index_cast %mul3A_544 : i32 to index
          %swap3A_622 = tpu.vector_load %arg10[%swap3A_619, %swap3A_620, %swap3A_621] {strides = array<i32>} : memref<2x32x1280xf32, #tpu.memory_space<vmem>>, vector<1x1x16xf32>,
          %swap3A_623 = vector.shape_cast %swap3A_622 : vector<1x1x16xf32> to vector<16xf32>
          %swap3A_624 = vector.shape_cast %mul3A_616 : vector<16xf32> to vector<1x1x16xf32>
          tpu.vector_store %arg10[%swap3A_619, %swap3A_620, %swap3A_621], %swap3A_624 {strides = array<i32>} : memref<2x32x1280xf32, #tpu.memory_space<vmem>>, vector<1x1x16xf32>,
          %broadcast_in_dim3A_625 = vector.shape_cast %and3A_556 : vector<16xi32> to vector<16x1xi32>
          %gather3A_626 = vector.shape_cast %broadcast_in_dim3A_625 : vector<16x1xi32> to vector<16xi32>
          %gather3A_627 = tpu.dynamic_gather %get3A_356[%gather3A_626] in [0] : vector<16xf32>, vector<16xi32> -> vector<16xf32>
          %broadcast_in_dim3A_628 = vector.shape_cast %and3A_556 : vector<16xi32> to vector<16x1xi32>
          %gather3A_629 = vector.shape_cast %broadcast_in_dim3A_628 : vector<16x1xi32> to vector<16xi32>
          %gather3A_630 = tpu.dynamic_gather %get3A_353[%gather3A_629] in [0] : vector<16xf32>, vector<16xi32> -> vector<16xf32>
          %broadcast_in_dim3A_631 = vector.shape_cast %and3A_556 : vector<16xi32> to vector<16x1xi32>
          %gather3A_632 = vector.shape_cast %broadcast_in_dim3A_631 : vector<16x1xi32> to vector<16xi32>
          %gather3A_633 = tpu.dynamic_gather %get3A_350[%gather3A_632] in [0] : vector<16xf32>, vector<16xi32> -> vector<16xf32>
          %broadcast_in_dim3A_634 = vector.shape_cast %and3A_556 : vector<16xi32> to vector<16x1xi32>
          %gather3A_635 = vector.shape_cast %broadcast_in_dim3A_634 : vector<16x1xi32> to vector<16xi32>
          %gather3A_636 = tpu.dynamic_gather %get3A_347[%gather3A_635] in [0] : vector<16xf32>, vector<16xi32> -> vector<16xf32>
          %select_n3A_637 = arith.select %eq3A_559, %gather3A_633, %gather3A_636 : vector<16xi1>, vector<16xf32>
          %select_n3A_638 = arith.select %eq3A_562, %gather3A_630, %select_n3A_637 : vector<16xi1>, vector<16xf32>
          %select_n3A_639 = arith.select %eq3A_565, %gather3A_627, %select_n3A_638 : vector<16xi1>, vector<16xf32>
          %get3A_640 = arith.constant 1 : i32
          %get3A_641 = arith.constant 18 : i32
          %get3A_642 = arith.index_cast %get3A_640 : i32 to index
          %get3A_643 = arith.index_cast %get3A_641 : i32 to index
          %get3A_644 = arith.index_cast %mul3A_544 : i32 to index
          %get3A_645 = tpu.vector_load %arg10[%get3A_642, %get3A_643, %get3A_644] {strides = array<i32>} : memref<2x32x1280xf32, #tpu.memory_space<vmem>>, vector<1x1x16xf32>,
          %get3A_646 = vector.shape_cast %get3A_645 : vector<1x1x16xf32> to vector<16xf32>
          %mul3A_647 = arith.mulf %select_n3A_639, %get3A_646 : vector<16xf32>
          %swap3A_648 = arith.constant 1 : i32
          %swap3A_649 = arith.constant 18 : i32
          %swap3A_650 = arith.index_cast %swap3A_648 : i32 to index
          %swap3A_651 = arith.index_cast %swap3A_649 : i32 to index
          %swap3A_652 = arith.index_cast %mul3A_544 : i32 to index
          %swap3A_653 = tpu.vector_load %arg10[%swap3A_650, %swap3A_651, %swap3A_652] {strides = array<i32>} : memref<2x32x1280xf32, #tpu.memory_space<vmem>>, vector<1x1x16xf32>,
          %swap3A_654 = vector.shape_cast %swap3A_653 : vector<1x1x16xf32> to vector<16xf32>
          %swap3A_655 = vector.shape_cast %mul3A_647 : vector<16xf32> to vector<1x1x16xf32>
          tpu.vector_store %arg10[%swap3A_650, %swap3A_651, %swap3A_652], %swap3A_655 {strides = array<i32>} : memref<2x32x1280xf32, #tpu.memory_space<vmem>>, vector<1x1x16xf32>,
          %broadcast_in_dim3A_656 = vector.shape_cast %and3A_556 : vector<16xi32> to vector<16x1xi32>
          %gather3A_657 = vector.shape_cast %broadcast_in_dim3A_656 : vector<16x1xi32> to vector<16xi32>
          %gather3A_658 = tpu.dynamic_gather %get3A_368[%gather3A_657] in [0] : vector<16xf32>, vector<16xi32> -> vector<16xf32>
          %broadcast_in_dim3A_659 = vector.shape_cast %and3A_556 : vector<16xi32> to vector<16x1xi32>
          %gather3A_660 = vector.shape_cast %broadcast_in_dim3A_659 : vector<16x1xi32> to vector<16xi32>
          %gather3A_661 = tpu.dynamic_gather %get3A_365[%gather3A_660] in [0] : vector<16xf32>, vector<16xi32> -> vector<16xf32>
          %broadcast_in_dim3A_662 = vector.shape_cast %and3A_556 : vector<16xi32> to vector<16x1xi32>
          %gather3A_663 = vector.shape_cast %broadcast_in_dim3A_662 : vector<16x1xi32> to vector<16xi32>
          %gather3A_664 = tpu.dynamic_gather %get3A_362[%gather3A_663] in [0] : vector<16xf32>, vector<16xi32> -> vector<16xf32>
          %broadcast_in_dim3A_665 = vector.shape_cast %and3A_556 : vector<16xi32> to vector<16x1xi32>
          %gather3A_666 = vector.shape_cast %broadcast_in_dim3A_665 : vector<16x1xi32> to vector<16xi32>
          %gather3A_667 = tpu.dynamic_gather %get3A_359[%gather3A_666] in [0] : vector<16xf32>, vector<16xi32> -> vector<16xf32>
          %select_n3A_668 = arith.select %eq3A_559, %gather3A_664, %gather3A_667 : vector<16xi1>, vector<16xf32>
          %select_n3A_669 = arith.select %eq3A_562, %gather3A_661, %select_n3A_668 : vector<16xi1>, vector<16xf32>
          %select_n3A_670 = arith.select %eq3A_565, %gather3A_658, %select_n3A_669 : vector<16xi1>, vector<16xf32>
          %get3A_671 = arith.constant 1 : i32
          %get3A_672 = arith.constant 19 : i32
          %get3A_673 = arith.index_cast %get3A_671 : i32 to index
          %get3A_674 = arith.index_cast %get3A_672 : i32 to index
          %get3A_675 = arith.index_cast %mul3A_544 : i32 to index
          %get3A_676 = tpu.vector_load %arg10[%get3A_673, %get3A_674, %get3A_675] {strides = array<i32>} : memref<2x32x1280xf32, #tpu.memory_space<vmem>>, vector<1x1x16xf32>,
          %get3A_677 = vector.shape_cast %get3A_676 : vector<1x1x16xf32> to vector<16xf32>
          %mul3A_678 = arith.mulf %select_n3A_670, %get3A_677 : vector<16xf32>
          %swap3A_679 = arith.constant 1 : i32
          %swap3A_680 = arith.constant 19 : i32
          %swap3A_681 = arith.index_cast %swap3A_679 : i32 to index
          %swap3A_682 = arith.index_cast %swap3A_680 : i32 to index
          %swap3A_683 = arith.index_cast %mul3A_544 : i32 to index
          %swap3A_684 = tpu.vector_load %arg10[%swap3A_681, %swap3A_682, %swap3A_683] {strides = array<i32>} : memref<2x32x1280xf32, #tpu.memory_space<vmem>>, vector<1x1x16xf32>,
          %swap3A_685 = vector.shape_cast %swap3A_684 : vector<1x1x16xf32> to vector<16xf32>
          %swap3A_686 = vector.shape_cast %mul3A_678 : vector<16xf32> to vector<1x1x16xf32>
          tpu.vector_store %arg10[%swap3A_681, %swap3A_682, %swap3A_683], %swap3A_686 {strides = array<i32>} : memref<2x32x1280xf32, #tpu.memory_space<vmem>>, vector<1x1x16xf32>,
          %broadcast_in_dim3A_687 = vector.shape_cast %and3A_556 : vector<16xi32> to vector<16x1xi32>
          %gather3A_688 = vector.shape_cast %broadcast_in_dim3A_687 : vector<16x1xi32> to vector<16xi32>
          %gather3A_689 = tpu.dynamic_gather %get3A_380[%gather3A_688] in [0] : vector<16xf32>, vector<16xi32> -> vector<16xf32>
          %broadcast_in_dim3A_690 = vector.shape_cast %and3A_556 : vector<16xi32> to vector<16x1xi32>
          %gather3A_691 = vector.shape_cast %broadcast_in_dim3A_690 : vector<16x1xi32> to vector<16xi32>
          %gather3A_692 = tpu.dynamic_gather %get3A_377[%gather3A_691] in [0] : vector<16xf32>, vector<16xi32> -> vector<16xf32>
          %broadcast_in_dim3A_693 = vector.shape_cast %and3A_556 : vector<16xi32> to vector<16x1xi32>
          %gather3A_694 = vector.shape_cast %broadcast_in_dim3A_693 : vector<16x1xi32> to vector<16xi32>
          %gather3A_695 = tpu.dynamic_gather %get3A_374[%gather3A_694] in [0] : vector<16xf32>, vector<16xi32> -> vector<16xf32>
          %broadcast_in_dim3A_696 = vector.shape_cast %and3A_556 : vector<16xi32> to vector<16x1xi32>
          %gather3A_697 = vector.shape_cast %broadcast_in_dim3A_696 : vector<16x1xi32> to vector<16xi32>
          %gather3A_698 = tpu.dynamic_gather %get3A_371[%gather3A_697] in [0] : vector<16xf32>, vector<16xi32> -> vector<16xf32>
          %select_n3A_699 = arith.select %eq3A_559, %gather3A_695, %gather3A_698 : vector<16xi1>, vector<16xf32>
          %select_n3A_700 = arith.select %eq3A_562, %gather3A_692, %select_n3A_699 : vector<16xi1>, vector<16xf32>
          %select_n3A_701 = arith.select %eq3A_565, %gather3A_689, %select_n3A_700 : vector<16xi1>, vector<16xf32>
          %get3A_702 = arith.constant 1 : i32
          %get3A_703 = arith.constant 20 : i32
          %get3A_704 = arith.index_cast %get3A_702 : i32 to index
          %get3A_705 = arith.index_cast %get3A_703 : i32 to index
          %get3A_706 = arith.index_cast %mul3A_544 : i32 to index
          %get3A_707 = tpu.vector_load %arg10[%get3A_704, %get3A_705, %get3A_706] {strides = array<i32>} : memref<2x32x1280xf32, #tpu.memory_space<vmem>>, vector<1x1x16xf32>,
          %get3A_708 = vector.shape_cast %get3A_707 : vector<1x1x16xf32> to vector<16xf32>
          %mul3A_709 = arith.mulf %select_n3A_701, %get3A_708 : vector<16xf32>
          %swap3A_710 = arith.constant 1 : i32
          %swap3A_711 = arith.constant 20 : i32
          %swap3A_712 = arith.index_cast %swap3A_710 : i32 to index
          %swap3A_713 = arith.index_cast %swap3A_711 : i32 to index
          %swap3A_714 = arith.index_cast %mul3A_544 : i32 to index
          %swap3A_715 = tpu.vector_load %arg10[%swap3A_712, %swap3A_713, %swap3A_714] {strides = array<i32>} : memref<2x32x1280xf32, #tpu.memory_space<vmem>>, vector<1x1x16xf32>,
          %swap3A_716 = vector.shape_cast %swap3A_715 : vector<1x1x16xf32> to vector<16xf32>
          %swap3A_717 = vector.shape_cast %mul3A_709 : vector<16xf32> to vector<1x1x16xf32>
          tpu.vector_store %arg10[%swap3A_712, %swap3A_713, %swap3A_714], %swap3A_717 {strides = array<i32>} : memref<2x32x1280xf32, #tpu.memory_space<vmem>>, vector<1x1x16xf32>,
          %broadcast_in_dim3A_718 = vector.shape_cast %and3A_556 : vector<16xi32> to vector<16x1xi32>
          %gather3A_719 = vector.shape_cast %broadcast_in_dim3A_718 : vector<16x1xi32> to vector<16xi32>
          %gather3A_720 = tpu.dynamic_gather %get3A_392[%gather3A_719] in [0] : vector<16xf32>, vector<16xi32> -> vector<16xf32>
          %broadcast_in_dim3A_721 = vector.shape_cast %and3A_556 : vector<16xi32> to vector<16x1xi32>
          %gather3A_722 = vector.shape_cast %broadcast_in_dim3A_721 : vector<16x1xi32> to vector<16xi32>
          %gather3A_723 = tpu.dynamic_gather %get3A_389[%gather3A_722] in [0] : vector<16xf32>, vector<16xi32> -> vector<16xf32>
          %broadcast_in_dim3A_724 = vector.shape_cast %and3A_556 : vector<16xi32> to vector<16x1xi32>
          %gather3A_725 = vector.shape_cast %broadcast_in_dim3A_724 : vector<16x1xi32> to vector<16xi32>
          %gather3A_726 = tpu.dynamic_gather %get3A_386[%gather3A_725] in [0] : vector<16xf32>, vector<16xi32> -> vector<16xf32>
          %broadcast_in_dim3A_727 = vector.shape_cast %and3A_556 : vector<16xi32> to vector<16x1xi32>
          %gather3A_728 = vector.shape_cast %broadcast_in_dim3A_727 : vector<16x1xi32> to vector<16xi32>
          %gather3A_729 = tpu.dynamic_gather %get3A_383[%gather3A_728] in [0] : vector<16xf32>, vector<16xi32> -> vector<16xf32>
          %select_n3A_730 = arith.select %eq3A_559, %gather3A_726, %gather3A_729 : vector<16xi1>, vector<16xf32>
          %select_n3A_731 = arith.select %eq3A_562, %gather3A_723, %select_n3A_730 : vector<16xi1>, vector<16xf32>
          %select_n3A_732 = arith.select %eq3A_565, %gather3A_720, %select_n3A_731 : vector<16xi1>, vector<16xf32>
          %get3A_733 = arith.constant 1 : i32
          %get3A_734 = arith.constant 21 : i32
          %get3A_735 = arith.index_cast %get3A_733 : i32 to index
          %get3A_736 = arith.index_cast %get3A_734 : i32 to index
          %get3A_737 = arith.index_cast %mul3A_544 : i32 to index
          %get3A_738 = tpu.vector_load %arg10[%get3A_735, %get3A_736, %get3A_737] {strides = array<i32>} : memref<2x32x1280xf32, #tpu.memory_space<vmem>>, vector<1x1x16xf32>,
          %get3A_739 = vector.shape_cast %get3A_738 : vector<1x1x16xf32> to vector<16xf32>
          %mul3A_740 = arith.mulf %select_n3A_732, %get3A_739 : vector<16xf32>
          %swap3A_741 = arith.constant 1 : i32
          %swap3A_742 = arith.constant 21 : i32
          %swap3A_743 = arith.index_cast %swap3A_741 : i32 to index
          %swap3A_744 = arith.index_cast %swap3A_742 : i32 to index
          %swap3A_745 = arith.index_cast %mul3A_544 : i32 to index
          %swap3A_746 = tpu.vector_load %arg10[%swap3A_743, %swap3A_744, %swap3A_745] {strides = array<i32>} : memref<2x32x1280xf32, #tpu.memory_space<vmem>>, vector<1x1x16xf32>,
          %swap3A_747 = vector.shape_cast %swap3A_746 : vector<1x1x16xf32> to vector<16xf32>
          %swap3A_748 = vector.shape_cast %mul3A_740 : vector<16xf32> to vector<1x1x16xf32>
          tpu.vector_store %arg10[%swap3A_743, %swap3A_744, %swap3A_745], %swap3A_748 {strides = array<i32>} : memref<2x32x1280xf32, #tpu.memory_space<vmem>>, vector<1x1x16xf32>,
          %broadcast_in_dim3A_749 = vector.shape_cast %and3A_556 : vector<16xi32> to vector<16x1xi32>
          %gather3A_750 = vector.shape_cast %broadcast_in_dim3A_749 : vector<16x1xi32> to vector<16xi32>
          %gather3A_751 = tpu.dynamic_gather %get3A_404[%gather3A_750] in [0] : vector<16xf32>, vector<16xi32> -> vector<16xf32>
          %broadcast_in_dim3A_752 = vector.shape_cast %and3A_556 : vector<16xi32> to vector<16x1xi32>
          %gather3A_753 = vector.shape_cast %broadcast_in_dim3A_752 : vector<16x1xi32> to vector<16xi32>
          %gather3A_754 = tpu.dynamic_gather %get3A_401[%gather3A_753] in [0] : vector<16xf32>, vector<16xi32> -> vector<16xf32>
          %broadcast_in_dim3A_755 = vector.shape_cast %and3A_556 : vector<16xi32> to vector<16x1xi32>
          %gather3A_756 = vector.shape_cast %broadcast_in_dim3A_755 : vector<16x1xi32> to vector<16xi32>
          %gather3A_757 = tpu.dynamic_gather %get3A_398[%gather3A_756] in [0] : vector<16xf32>, vector<16xi32> -> vector<16xf32>
          %broadcast_in_dim3A_758 = vector.shape_cast %and3A_556 : vector<16xi32> to vector<16x1xi32>
          %gather3A_759 = vector.shape_cast %broadcast_in_dim3A_758 : vector<16x1xi32> to vector<16xi32>
          %gather3A_760 = tpu.dynamic_gather %get3A_395[%gather3A_759] in [0] : vector<16xf32>, vector<16xi32> -> vector<16xf32>
          %select_n3A_761 = arith.select %eq3A_559, %gather3A_757, %gather3A_760 : vector<16xi1>, vector<16xf32>
          %select_n3A_762 = arith.select %eq3A_562, %gather3A_754, %select_n3A_761 : vector<16xi1>, vector<16xf32>
          %select_n3A_763 = arith.select %eq3A_565, %gather3A_751, %select_n3A_762 : vector<16xi1>, vector<16xf32>
          %get3A_764 = arith.constant 1 : i32
          %get3A_765 = arith.constant 22 : i32
          %get3A_766 = arith.index_cast %get3A_764 : i32 to index
          %get3A_767 = arith.index_cast %get3A_765 : i32 to index
          %get3A_768 = arith.index_cast %mul3A_544 : i32 to index
          %get3A_769 = tpu.vector_load %arg10[%get3A_766, %get3A_767, %get3A_768] {strides = array<i32>} : memref<2x32x1280xf32, #tpu.memory_space<vmem>>, vector<1x1x16xf32>,
          %get3A_770 = vector.shape_cast %get3A_769 : vector<1x1x16xf32> to vector<16xf32>
          %mul3A_771 = arith.mulf %select_n3A_763, %get3A_770 : vector<16xf32>
          %swap3A_772 = arith.constant 1 : i32
          %swap3A_773 = arith.constant 22 : i32
          %swap3A_774 = arith.index_cast %swap3A_772 : i32 to index
          %swap3A_775 = arith.index_cast %swap3A_773 : i32 to index
          %swap3A_776 = arith.index_cast %mul3A_544 : i32 to index
          %swap3A_777 = tpu.vector_load %arg10[%swap3A_774, %swap3A_775, %swap3A_776] {strides = array<i32>} : memref<2x32x1280xf32, #tpu.memory_space<vmem>>, vector<1x1x16xf32>,
          %swap3A_778 = vector.shape_cast %swap3A_777 : vector<1x1x16xf32> to vector<16xf32>
          %swap3A_779 = vector.shape_cast %mul3A_771 : vector<16xf32> to vector<1x1x16xf32>
          tpu.vector_store %arg10[%swap3A_774, %swap3A_775, %swap3A_776], %swap3A_779 {strides = array<i32>} : memref<2x32x1280xf32, #tpu.memory_space<vmem>>, vector<1x1x16xf32>,
          %broadcast_in_dim3A_780 = vector.shape_cast %and3A_556 : vector<16xi32> to vector<16x1xi32>
          %gather3A_781 = vector.shape_cast %broadcast_in_dim3A_780 : vector<16x1xi32> to vector<16xi32>
          %gather3A_782 = tpu.dynamic_gather %get3A_416[%gather3A_781] in [0] : vector<16xf32>, vector<16xi32> -> vector<16xf32>
          %broadcast_in_dim3A_783 = vector.shape_cast %and3A_556 : vector<16xi32> to vector<16x1xi32>
          %gather3A_784 = vector.shape_cast %broadcast_in_dim3A_783 : vector<16x1xi32> to vector<16xi32>
          %gather3A_785 = tpu.dynamic_gather %get3A_413[%gather3A_784] in [0] : vector<16xf32>, vector<16xi32> -> vector<16xf32>
          %broadcast_in_dim3A_786 = vector.shape_cast %and3A_556 : vector<16xi32> to vector<16x1xi32>
          %gather3A_787 = vector.shape_cast %broadcast_in_dim3A_786 : vector<16x1xi32> to vector<16xi32>
          %gather3A_788 = tpu.dynamic_gather %get3A_410[%gather3A_787] in [0] : vector<16xf32>, vector<16xi32> -> vector<16xf32>
          %broadcast_in_dim3A_789 = vector.shape_cast %and3A_556 : vector<16xi32> to vector<16x1xi32>
          %gather3A_790 = vector.shape_cast %broadcast_in_dim3A_789 : vector<16x1xi32> to vector<16xi32>
          %gather3A_791 = tpu.dynamic_gather %get3A_407[%gather3A_790] in [0] : vector<16xf32>, vector<16xi32> -> vector<16xf32>
          %select_n3A_792 = arith.select %eq3A_559, %gather3A_788, %gather3A_791 : vector<16xi1>, vector<16xf32>
          %select_n3A_793 = arith.select %eq3A_562, %gather3A_785, %select_n3A_792 : vector<16xi1>, vector<16xf32>
          %select_n3A_794 = arith.select %eq3A_565, %gather3A_782, %select_n3A_793 : vector<16xi1>, vector<16xf32>
          %get3A_795 = arith.constant 1 : i32
          %get3A_796 = arith.constant 23 : i32
          %get3A_797 = arith.index_cast %get3A_795 : i32 to index
          %get3A_798 = arith.index_cast %get3A_796 : i32 to index
          %get3A_799 = arith.index_cast %mul3A_544 : i32 to index
          %get3A_800 = tpu.vector_load %arg10[%get3A_797, %get3A_798, %get3A_799] {strides = array<i32>} : memref<2x32x1280xf32, #tpu.memory_space<vmem>>, vector<1x1x16xf32>,
          %get3A_801 = vector.shape_cast %get3A_800 : vector<1x1x16xf32> to vector<16xf32>
          %mul3A_802 = arith.mulf %select_n3A_794, %get3A_801 : vector<16xf32>
          %swap3A_803 = arith.constant 1 : i32
          %swap3A_804 = arith.constant 23 : i32
          %swap3A_805 = arith.index_cast %swap3A_803 : i32 to index
          %swap3A_806 = arith.index_cast %swap3A_804 : i32 to index
          %swap3A_807 = arith.index_cast %mul3A_544 : i32 to index
          %swap3A_808 = tpu.vector_load %arg10[%swap3A_805, %swap3A_806, %swap3A_807] {strides = array<i32>} : memref<2x32x1280xf32, #tpu.memory_space<vmem>>, vector<1x1x16xf32>,
          %swap3A_809 = vector.shape_cast %swap3A_808 : vector<1x1x16xf32> to vector<16xf32>
          %swap3A_810 = vector.shape_cast %mul3A_802 : vector<16xf32> to vector<1x1x16xf32>
          tpu.vector_store %arg10[%swap3A_805, %swap3A_806, %swap3A_807], %swap3A_810 {strides = array<i32>} : memref<2x32x1280xf32, #tpu.memory_space<vmem>>, vector<1x1x16xf32>,
        }
        %scan3A_422 = arith.constant 80 : i32
        %get3A_423 = arith.constant 512 : index
        %get3A_424 = tpu.vector_load %arg9[%get3A_423] {strides = array<i32>} : memref<1024xf32, #tpu.memory_space<vmem>>, vector<16xf32>,
        %get3A_425 = vector.shape_cast %get3A_424 : vector<16xf32> to vector<16xf32>
        %get3A_426 = arith.constant 528 : index
        %get3A_427 = tpu.vector_load %arg9[%get3A_426] {strides = array<i32>} : memref<1024xf32, #tpu.memory_space<vmem>>, vector<16xf32>,
        %get3A_428 = vector.shape_cast %get3A_427 : vector<16xf32> to vector<16xf32>
        %get3A_429 = arith.constant 544 : index
        %get3A_430 = tpu.vector_load %arg9[%get3A_429] {strides = array<i32>} : memref<1024xf32, #tpu.memory_space<vmem>>, vector<16xf32>,
        %get3A_431 = vector.shape_cast %get3A_430 : vector<16xf32> to vector<16xf32>
        %get3A_432 = arith.constant 560 : index
        %get3A_433 = tpu.vector_load %arg9[%get3A_432] {strides = array<i32>} : memref<1024xf32, #tpu.memory_space<vmem>>, vector<16xf32>,
        %get3A_434 = vector.shape_cast %get3A_433 : vector<16xf32> to vector<16xf32>
        %get3A_435 = arith.constant 576 : index
        %get3A_436 = tpu.vector_load %arg9[%get3A_435] {strides = array<i32>} : memref<1024xf32, #tpu.memory_space<vmem>>, vector<16xf32>,
        %get3A_437 = vector.shape_cast %get3A_436 : vector<16xf32> to vector<16xf32>
        %get3A_438 = arith.constant 592 : index
        %get3A_439 = tpu.vector_load %arg9[%get3A_438] {strides = array<i32>} : memref<1024xf32, #tpu.memory_space<vmem>>, vector<16xf32>,
        %get3A_440 = vector.shape_cast %get3A_439 : vector<16xf32> to vector<16xf32>
        %get3A_441 = arith.constant 608 : index
        %get3A_442 = tpu.vector_load %arg9[%get3A_441] {strides = array<i32>} : memref<1024xf32, #tpu.memory_space<vmem>>, vector<16xf32>,
        %get3A_443 = vector.shape_cast %get3A_442 : vector<16xf32> to vector<16xf32>
        %get3A_444 = arith.constant 624 : index
        %get3A_445 = tpu.vector_load %arg9[%get3A_444] {strides = array<i32>} : memref<1024xf32, #tpu.memory_space<vmem>>, vector<16xf32>,
        %get3A_446 = vector.shape_cast %get3A_445 : vector<16xf32> to vector<16xf32>
        %get3A_447 = arith.constant 640 : index
        %get3A_448 = tpu.vector_load %arg9[%get3A_447] {strides = array<i32>} : memref<1024xf32, #tpu.memory_space<vmem>>, vector<16xf32>,
        %get3A_449 = vector.shape_cast %get3A_448 : vector<16xf32> to vector<16xf32>
        %get3A_450 = arith.constant 656 : index
        %get3A_451 = tpu.vector_load %arg9[%get3A_450] {strides = array<i32>} : memref<1024xf32, #tpu.memory_space<vmem>>, vector<16xf32>,
        %get3A_452 = vector.shape_cast %get3A_451 : vector<16xf32> to vector<16xf32>
        %get3A_453 = arith.constant 672 : index
        %get3A_454 = tpu.vector_load %arg9[%get3A_453] {strides = array<i32>} : memref<1024xf32, #tpu.memory_space<vmem>>, vector<16xf32>,
        %get3A_455 = vector.shape_cast %get3A_454 : vector<16xf32> to vector<16xf32>
        %get3A_456 = arith.constant 688 : index
        %get3A_457 = tpu.vector_load %arg9[%get3A_456] {strides = array<i32>} : memref<1024xf32, #tpu.memory_space<vmem>>, vector<16xf32>,
        %get3A_458 = vector.shape_cast %get3A_457 : vector<16xf32> to vector<16xf32>
        %get3A_459 = arith.constant 704 : index
        %get3A_460 = tpu.vector_load %arg9[%get3A_459] {strides = array<i32>} : memref<1024xf32, #tpu.memory_space<vmem>>, vector<16xf32>,
        %get3A_461 = vector.shape_cast %get3A_460 : vector<16xf32> to vector<16xf32>
        %get3A_462 = arith.constant 720 : index
        %get3A_463 = tpu.vector_load %arg9[%get3A_462] {strides = array<i32>} : memref<1024xf32, #tpu.memory_space<vmem>>, vector<16xf32>,
        %get3A_464 = vector.shape_cast %get3A_463 : vector<16xf32> to vector<16xf32>
        %get3A_465 = arith.constant 736 : index
        %get3A_466 = tpu.vector_load %arg9[%get3A_465] {strides = array<i32>} : memref<1024xf32, #tpu.memory_space<vmem>>, vector<16xf32>,
        %get3A_467 = vector.shape_cast %get3A_466 : vector<16xf32> to vector<16xf32>
        %get3A_468 = arith.constant 752 : index
        %get3A_469 = tpu.vector_load %arg9[%get3A_468] {strides = array<i32>} : memref<1024xf32, #tpu.memory_space<vmem>>, vector<16xf32>,
        %get3A_470 = vector.shape_cast %get3A_469 : vector<16xf32> to vector<16xf32>
        %get3A_471 = arith.constant 768 : index
        %get3A_472 = tpu.vector_load %arg9[%get3A_471] {strides = array<i32>} : memref<1024xf32, #tpu.memory_space<vmem>>, vector<16xf32>,
        %get3A_473 = vector.shape_cast %get3A_472 : vector<16xf32> to vector<16xf32>
        %get3A_474 = arith.constant 784 : index
        %get3A_475 = tpu.vector_load %arg9[%get3A_474] {strides = array<i32>} : memref<1024xf32, #tpu.memory_space<vmem>>, vector<16xf32>,
        %get3A_476 = vector.shape_cast %get3A_475 : vector<16xf32> to vector<16xf32>
        %get3A_477 = arith.constant 800 : index
        %get3A_478 = tpu.vector_load %arg9[%get3A_477] {strides = array<i32>} : memref<1024xf32, #tpu.memory_space<vmem>>, vector<16xf32>,
        %get3A_479 = vector.shape_cast %get3A_478 : vector<16xf32> to vector<16xf32>
        %get3A_480 = arith.constant 816 : index
        %get3A_481 = tpu.vector_load %arg9[%get3A_480] {strides = array<i32>} : memref<1024xf32, #tpu.memory_space<vmem>>, vector<16xf32>,
        %get3A_482 = vector.shape_cast %get3A_481 : vector<16xf32> to vector<16xf32>
        %get3A_483 = arith.constant 832 : index
        %get3A_484 = tpu.vector_load %arg9[%get3A_483] {strides = array<i32>} : memref<1024xf32, #tpu.memory_space<vmem>>, vector<16xf32>,
        %get3A_485 = vector.shape_cast %get3A_484 : vector<16xf32> to vector<16xf32>
        %get3A_486 = arith.constant 848 : index
        %get3A_487 = tpu.vector_load %arg9[%get3A_486] {strides = array<i32>} : memref<1024xf32, #tpu.memory_space<vmem>>, vector<16xf32>,
        %get3A_488 = vector.shape_cast %get3A_487 : vector<16xf32> to vector<16xf32>
        %get3A_489 = arith.constant 864 : index
        %get3A_490 = tpu.vector_load %arg9[%get3A_489] {strides = array<i32>} : memref<1024xf32, #tpu.memory_space<vmem>>, vector<16xf32>,
        %get3A_491 = vector.shape_cast %get3A_490 : vector<16xf32> to vector<16xf32>
        %get3A_492 = arith.constant 880 : index
        %get3A_493 = tpu.vector_load %arg9[%get3A_492] {strides = array<i32>} : memref<1024xf32, #tpu.memory_space<vmem>>, vector<16xf32>,
        %get3A_494 = vector.shape_cast %get3A_493 : vector<16xf32> to vector<16xf32>
        %get3A_495 = arith.constant 896 : index
        %get3A_496 = tpu.vector_load %arg9[%get3A_495] {strides = array<i32>} : memref<1024xf32, #tpu.memory_space<vmem>>, vector<16xf32>,
        %get3A_497 = vector.shape_cast %get3A_496 : vector<16xf32> to vector<16xf32>
        %get3A_498 = arith.constant 912 : index
        %get3A_499 = tpu.vector_load %arg9[%get3A_498] {strides = array<i32>} : memref<1024xf32, #tpu.memory_space<vmem>>, vector<16xf32>,
        %get3A_500 = vector.shape_cast %get3A_499 : vector<16xf32> to vector<16xf32>
        %get3A_501 = arith.constant 928 : index
        %get3A_502 = tpu.vector_load %arg9[%get3A_501] {strides = array<i32>} : memref<1024xf32, #tpu.memory_space<vmem>>, vector<16xf32>,
        %get3A_503 = vector.shape_cast %get3A_502 : vector<16xf32> to vector<16xf32>
        %get3A_504 = arith.constant 944 : index
        %get3A_505 = tpu.vector_load %arg9[%get3A_504] {strides = array<i32>} : memref<1024xf32, #tpu.memory_space<vmem>>, vector<16xf32>,
        %get3A_506 = vector.shape_cast %get3A_505 : vector<16xf32> to vector<16xf32>
        %get3A_507 = arith.constant 960 : index
        %get3A_508 = tpu.vector_load %arg9[%get3A_507] {strides = array<i32>} : memref<1024xf32, #tpu.memory_space<vmem>>, vector<16xf32>,
        %get3A_509 = vector.shape_cast %get3A_508 : vector<16xf32> to vector<16xf32>
        %get3A_510 = arith.constant 976 : index
        %get3A_511 = tpu.vector_load %arg9[%get3A_510] {strides = array<i32>} : memref<1024xf32, #tpu.memory_space<vmem>>, vector<16xf32>,
        %get3A_512 = vector.shape_cast %get3A_511 : vector<16xf32> to vector<16xf32>
        %get3A_513 = arith.constant 992 : index
        %get3A_514 = tpu.vector_load %arg9[%get3A_513] {strides = array<i32>} : memref<1024xf32, #tpu.memory_space<vmem>>, vector<16xf32>,
        %get3A_515 = vector.shape_cast %get3A_514 : vector<16xf32> to vector<16xf32>
        %get3A_516 = arith.constant 1008 : index
        %get3A_517 = tpu.vector_load %arg9[%get3A_516] {strides = array<i32>} : memref<1024xf32, #tpu.memory_space<vmem>>, vector<16xf32>,
        %get3A_518 = vector.shape_cast %get3A_517 : vector<16xf32> to vector<16xf32>
        %scan3A_519 = arith.constant 0 : i32
        %scan3A_520 = arith.constant 0 : i32
        %scan3A_521 = arith.constant 80 : i32
        %scan3A_522 = arith.addi %scan3A_520, %scan3A_521 : i32
        %scan3A_523 = arith.constant 1 : i32
        scf.for %scan3A_542 = %scan3A_520 to %scan3A_522 step %scan3A_523  : i32 {
          %mul3A_543 = arith.constant 16 : i32
          %mul3A_544 = arith.muli %scan3A_542, %mul3A_543 : i32
          %get3A_545 = arith.constant 1 : i32
          %get3A_546 = arith.constant 1 : i32
          %get3A_547 = arith.index_cast %get3A_545 : i32 to index
          %get3A_548 = arith.index_cast %get3A_546 : i32 to index
          %get3A_549 = arith.index_cast %mul3A_544 : i32 to index
          %get3A_550 = tpu.vector_load %arg7[%get3A_547, %get3A_548, %get3A_549] {strides = array<i32>} : memref<2x2x1280xi32, #tpu.memory_space<vmem>>, vector<1x1x16xi32>,
          %get3A_551 = vector.shape_cast %get3A_550 : vector<1x1x16xi32> to vector<16xi32>
          %shift_right_arithmetic3A = arith.constant 4 : i32
          %shift_right_arithmetic3A_552 = vector.broadcast %shift_right_arithmetic3A : i32 to vector<16xi32>
          %shift_right_arithmetic3A_553 = arith.shrsi %get3A_551, %shift_right_arithmetic3A_552 : vector<16xi32>
          %and3A_554 = arith.constant 15 : i32
          %and3A_555 = vector.broadcast %and3A_554 : i32 to vector<16xi32>
          %and3A_556 = arith.andi %get3A_551, %and3A_555 : vector<16xi32>
          %eq3A_557 = arith.constant 1 : i32
          %eq3A_558 = vector.broadcast %eq3A_557 : i32 to vector<16xi32>
          %eq3A_559 = arith.cmpi eq, %shift_right_arithmetic3A_553, %eq3A_558 : vector<16xi32>
          %eq3A_560 = arith.constant 2 : i32
          %eq3A_561 = vector.broadcast %eq3A_560 : i32 to vector<16xi32>
          %eq3A_562 = arith.cmpi eq, %shift_right_arithmetic3A_553, %eq3A_561 : vector<16xi32>
          %eq3A_563 = arith.constant 3 : i32
          %eq3A_564 = vector.broadcast %eq3A_563 : i32 to vector<16xi32>
          %eq3A_565 = arith.cmpi eq, %shift_right_arithmetic3A_553, %eq3A_564 : vector<16xi32>
          %broadcast_in_dim3A = vector.shape_cast %and3A_556 : vector<16xi32> to vector<16x1xi32>
          %gather3A = vector.shape_cast %broadcast_in_dim3A : vector<16x1xi32> to vector<16xi32>
          %gather3A_566 = tpu.dynamic_gather %get3A_434[%gather3A] in [0] : vector<16xf32>, vector<16xi32> -> vector<16xf32>
          %broadcast_in_dim3A_567 = vector.shape_cast %and3A_556 : vector<16xi32> to vector<16x1xi32>
          %gather3A_568 = vector.shape_cast %broadcast_in_dim3A_567 : vector<16x1xi32> to vector<16xi32>
          %gather3A_569 = tpu.dynamic_gather %get3A_431[%gather3A_568] in [0] : vector<16xf32>, vector<16xi32> -> vector<16xf32>
          %broadcast_in_dim3A_570 = vector.shape_cast %and3A_556 : vector<16xi32> to vector<16x1xi32>
          %gather3A_571 = vector.shape_cast %broadcast_in_dim3A_570 : vector<16x1xi32> to vector<16xi32>
          %gather3A_572 = tpu.dynamic_gather %get3A_428[%gather3A_571] in [0] : vector<16xf32>, vector<16xi32> -> vector<16xf32>
          %broadcast_in_dim3A_573 = vector.shape_cast %and3A_556 : vector<16xi32> to vector<16x1xi32>
          %gather3A_574 = vector.shape_cast %broadcast_in_dim3A_573 : vector<16x1xi32> to vector<16xi32>
          %gather3A_575 = tpu.dynamic_gather %get3A_425[%gather3A_574] in [0] : vector<16xf32>, vector<16xi32> -> vector<16xf32>
          %select_n3A_576 = arith.select %eq3A_559, %gather3A_572, %gather3A_575 : vector<16xi1>, vector<16xf32>
          %select_n3A_577 = arith.select %eq3A_562, %gather3A_569, %select_n3A_576 : vector<16xi1>, vector<16xf32>
          %select_n3A_578 = arith.select %eq3A_565, %gather3A_566, %select_n3A_577 : vector<16xi1>, vector<16xf32>
          %get3A_579 = arith.constant 1 : i32
          %get3A_580 = arith.constant 24 : i32
          %get3A_581 = arith.index_cast %get3A_579 : i32 to index
          %get3A_582 = arith.index_cast %get3A_580 : i32 to index
          %get3A_583 = arith.index_cast %mul3A_544 : i32 to index
          %get3A_584 = tpu.vector_load %arg10[%get3A_581, %get3A_582, %get3A_583] {strides = array<i32>} : memref<2x32x1280xf32, #tpu.memory_space<vmem>>, vector<1x1x16xf32>,
          %get3A_585 = vector.shape_cast %get3A_584 : vector<1x1x16xf32> to vector<16xf32>
          %mul3A_586 = arith.mulf %select_n3A_578, %get3A_585 : vector<16xf32>
          %swap3A = arith.constant 1 : i32
          %swap3A_587 = arith.constant 24 : i32
          %swap3A_588 = arith.index_cast %swap3A : i32 to index
          %swap3A_589 = arith.index_cast %swap3A_587 : i32 to index
          %swap3A_590 = arith.index_cast %mul3A_544 : i32 to index
          %swap3A_591 = tpu.vector_load %arg10[%swap3A_588, %swap3A_589, %swap3A_590] {strides = array<i32>} : memref<2x32x1280xf32, #tpu.memory_space<vmem>>, vector<1x1x16xf32>,
          %swap3A_592 = vector.shape_cast %swap3A_591 : vector<1x1x16xf32> to vector<16xf32>
          %swap3A_593 = vector.shape_cast %mul3A_586 : vector<16xf32> to vector<1x1x16xf32>
          tpu.vector_store %arg10[%swap3A_588, %swap3A_589, %swap3A_590], %swap3A_593 {strides = array<i32>} : memref<2x32x1280xf32, #tpu.memory_space<vmem>>, vector<1x1x16xf32>,
          %broadcast_in_dim3A_594 = vector.shape_cast %and3A_556 : vector<16xi32> to vector<16x1xi32>
          %gather3A_595 = vector.shape_cast %broadcast_in_dim3A_594 : vector<16x1xi32> to vector<16xi32>
          %gather3A_596 = tpu.dynamic_gather %get3A_446[%gather3A_595] in [0] : vector<16xf32>, vector<16xi32> -> vector<16xf32>
          %broadcast_in_dim3A_597 = vector.shape_cast %and3A_556 : vector<16xi32> to vector<16x1xi32>
          %gather3A_598 = vector.shape_cast %broadcast_in_dim3A_597 : vector<16x1xi32> to vector<16xi32>
          %gather3A_599 = tpu.dynamic_gather %get3A_443[%gather3A_598] in [0] : vector<16xf32>, vector<16xi32> -> vector<16xf32>
          %broadcast_in_dim3A_600 = vector.shape_cast %and3A_556 : vector<16xi32> to vector<16x1xi32>
          %gather3A_601 = vector.shape_cast %broadcast_in_dim3A_600 : vector<16x1xi32> to vector<16xi32>
          %gather3A_602 = tpu.dynamic_gather %get3A_440[%gather3A_601] in [0] : vector<16xf32>, vector<16xi32> -> vector<16xf32>
          %broadcast_in_dim3A_603 = vector.shape_cast %and3A_556 : vector<16xi32> to vector<16x1xi32>
          %gather3A_604 = vector.shape_cast %broadcast_in_dim3A_603 : vector<16x1xi32> to vector<16xi32>
          %gather3A_605 = tpu.dynamic_gather %get3A_437[%gather3A_604] in [0] : vector<16xf32>, vector<16xi32> -> vector<16xf32>
          %select_n3A_606 = arith.select %eq3A_559, %gather3A_602, %gather3A_605 : vector<16xi1>, vector<16xf32>
          %select_n3A_607 = arith.select %eq3A_562, %gather3A_599, %select_n3A_606 : vector<16xi1>, vector<16xf32>
          %select_n3A_608 = arith.select %eq3A_565, %gather3A_596, %select_n3A_607 : vector<16xi1>, vector<16xf32>
          %get3A_609 = arith.constant 1 : i32
          %get3A_610 = arith.constant 25 : i32
          %get3A_611 = arith.index_cast %get3A_609 : i32 to index
          %get3A_612 = arith.index_cast %get3A_610 : i32 to index
          %get3A_613 = arith.index_cast %mul3A_544 : i32 to index
          %get3A_614 = tpu.vector_load %arg10[%get3A_611, %get3A_612, %get3A_613] {strides = array<i32>} : memref<2x32x1280xf32, #tpu.memory_space<vmem>>, vector<1x1x16xf32>,
          %get3A_615 = vector.shape_cast %get3A_614 : vector<1x1x16xf32> to vector<16xf32>
          %mul3A_616 = arith.mulf %select_n3A_608, %get3A_615 : vector<16xf32>
          %swap3A_617 = arith.constant 1 : i32
          %swap3A_618 = arith.constant 25 : i32
          %swap3A_619 = arith.index_cast %swap3A_617 : i32 to index
          %swap3A_620 = arith.index_cast %swap3A_618 : i32 to index
          %swap3A_621 = arith.index_cast %mul3A_544 : i32 to index
          %swap3A_622 = tpu.vector_load %arg10[%swap3A_619, %swap3A_620, %swap3A_621] {strides = array<i32>} : memref<2x32x1280xf32, #tpu.memory_space<vmem>>, vector<1x1x16xf32>,
          %swap3A_623 = vector.shape_cast %swap3A_622 : vector<1x1x16xf32> to vector<16xf32>
          %swap3A_624 = vector.shape_cast %mul3A_616 : vector<16xf32> to vector<1x1x16xf32>
          tpu.vector_store %arg10[%swap3A_619, %swap3A_620, %swap3A_621], %swap3A_624 {strides = array<i32>} : memref<2x32x1280xf32, #tpu.memory_space<vmem>>, vector<1x1x16xf32>,
          %broadcast_in_dim3A_625 = vector.shape_cast %and3A_556 : vector<16xi32> to vector<16x1xi32>
          %gather3A_626 = vector.shape_cast %broadcast_in_dim3A_625 : vector<16x1xi32> to vector<16xi32>
          %gather3A_627 = tpu.dynamic_gather %get3A_458[%gather3A_626] in [0] : vector<16xf32>, vector<16xi32> -> vector<16xf32>
          %broadcast_in_dim3A_628 = vector.shape_cast %and3A_556 : vector<16xi32> to vector<16x1xi32>
          %gather3A_629 = vector.shape_cast %broadcast_in_dim3A_628 : vector<16x1xi32> to vector<16xi32>
          %gather3A_630 = tpu.dynamic_gather %get3A_455[%gather3A_629] in [0] : vector<16xf32>, vector<16xi32> -> vector<16xf32>
          %broadcast_in_dim3A_631 = vector.shape_cast %and3A_556 : vector<16xi32> to vector<16x1xi32>
          %gather3A_632 = vector.shape_cast %broadcast_in_dim3A_631 : vector<16x1xi32> to vector<16xi32>
          %gather3A_633 = tpu.dynamic_gather %get3A_452[%gather3A_632] in [0] : vector<16xf32>, vector<16xi32> -> vector<16xf32>
          %broadcast_in_dim3A_634 = vector.shape_cast %and3A_556 : vector<16xi32> to vector<16x1xi32>
          %gather3A_635 = vector.shape_cast %broadcast_in_dim3A_634 : vector<16x1xi32> to vector<16xi32>
          %gather3A_636 = tpu.dynamic_gather %get3A_449[%gather3A_635] in [0] : vector<16xf32>, vector<16xi32> -> vector<16xf32>
          %select_n3A_637 = arith.select %eq3A_559, %gather3A_633, %gather3A_636 : vector<16xi1>, vector<16xf32>
          %select_n3A_638 = arith.select %eq3A_562, %gather3A_630, %select_n3A_637 : vector<16xi1>, vector<16xf32>
          %select_n3A_639 = arith.select %eq3A_565, %gather3A_627, %select_n3A_638 : vector<16xi1>, vector<16xf32>
          %get3A_640 = arith.constant 1 : i32
          %get3A_641 = arith.constant 26 : i32
          %get3A_642 = arith.index_cast %get3A_640 : i32 to index
          %get3A_643 = arith.index_cast %get3A_641 : i32 to index
          %get3A_644 = arith.index_cast %mul3A_544 : i32 to index
          %get3A_645 = tpu.vector_load %arg10[%get3A_642, %get3A_643, %get3A_644] {strides = array<i32>} : memref<2x32x1280xf32, #tpu.memory_space<vmem>>, vector<1x1x16xf32>,
          %get3A_646 = vector.shape_cast %get3A_645 : vector<1x1x16xf32> to vector<16xf32>
          %mul3A_647 = arith.mulf %select_n3A_639, %get3A_646 : vector<16xf32>
          %swap3A_648 = arith.constant 1 : i32
          %swap3A_649 = arith.constant 26 : i32
          %swap3A_650 = arith.index_cast %swap3A_648 : i32 to index
          %swap3A_651 = arith.index_cast %swap3A_649 : i32 to index
          %swap3A_652 = arith.index_cast %mul3A_544 : i32 to index
          %swap3A_653 = tpu.vector_load %arg10[%swap3A_650, %swap3A_651, %swap3A_652] {strides = array<i32>} : memref<2x32x1280xf32, #tpu.memory_space<vmem>>, vector<1x1x16xf32>,
          %swap3A_654 = vector.shape_cast %swap3A_653 : vector<1x1x16xf32> to vector<16xf32>
          %swap3A_655 = vector.shape_cast %mul3A_647 : vector<16xf32> to vector<1x1x16xf32>
          tpu.vector_store %arg10[%swap3A_650, %swap3A_651, %swap3A_652], %swap3A_655 {strides = array<i32>} : memref<2x32x1280xf32, #tpu.memory_space<vmem>>, vector<1x1x16xf32>,
          %broadcast_in_dim3A_656 = vector.shape_cast %and3A_556 : vector<16xi32> to vector<16x1xi32>
          %gather3A_657 = vector.shape_cast %broadcast_in_dim3A_656 : vector<16x1xi32> to vector<16xi32>
          %gather3A_658 = tpu.dynamic_gather %get3A_470[%gather3A_657] in [0] : vector<16xf32>, vector<16xi32> -> vector<16xf32>
          %broadcast_in_dim3A_659 = vector.shape_cast %and3A_556 : vector<16xi32> to vector<16x1xi32>
          %gather3A_660 = vector.shape_cast %broadcast_in_dim3A_659 : vector<16x1xi32> to vector<16xi32>
          %gather3A_661 = tpu.dynamic_gather %get3A_467[%gather3A_660] in [0] : vector<16xf32>, vector<16xi32> -> vector<16xf32>
          %broadcast_in_dim3A_662 = vector.shape_cast %and3A_556 : vector<16xi32> to vector<16x1xi32>
          %gather3A_663 = vector.shape_cast %broadcast_in_dim3A_662 : vector<16x1xi32> to vector<16xi32>
          %gather3A_664 = tpu.dynamic_gather %get3A_464[%gather3A_663] in [0] : vector<16xf32>, vector<16xi32> -> vector<16xf32>
          %broadcast_in_dim3A_665 = vector.shape_cast %and3A_556 : vector<16xi32> to vector<16x1xi32>
          %gather3A_666 = vector.shape_cast %broadcast_in_dim3A_665 : vector<16x1xi32> to vector<16xi32>
          %gather3A_667 = tpu.dynamic_gather %get3A_461[%gather3A_666] in [0] : vector<16xf32>, vector<16xi32> -> vector<16xf32>
          %select_n3A_668 = arith.select %eq3A_559, %gather3A_664, %gather3A_667 : vector<16xi1>, vector<16xf32>
          %select_n3A_669 = arith.select %eq3A_562, %gather3A_661, %select_n3A_668 : vector<16xi1>, vector<16xf32>
          %select_n3A_670 = arith.select %eq3A_565, %gather3A_658, %select_n3A_669 : vector<16xi1>, vector<16xf32>
          %get3A_671 = arith.constant 1 : i32
          %get3A_672 = arith.constant 27 : i32
          %get3A_673 = arith.index_cast %get3A_671 : i32 to index
          %get3A_674 = arith.index_cast %get3A_672 : i32 to index
          %get3A_675 = arith.index_cast %mul3A_544 : i32 to index
          %get3A_676 = tpu.vector_load %arg10[%get3A_673, %get3A_674, %get3A_675] {strides = array<i32>} : memref<2x32x1280xf32, #tpu.memory_space<vmem>>, vector<1x1x16xf32>,
          %get3A_677 = vector.shape_cast %get3A_676 : vector<1x1x16xf32> to vector<16xf32>
          %mul3A_678 = arith.mulf %select_n3A_670, %get3A_677 : vector<16xf32>
          %swap3A_679 = arith.constant 1 : i32
          %swap3A_680 = arith.constant 27 : i32
          %swap3A_681 = arith.index_cast %swap3A_679 : i32 to index
          %swap3A_682 = arith.index_cast %swap3A_680 : i32 to index
          %swap3A_683 = arith.index_cast %mul3A_544 : i32 to index
          %swap3A_684 = tpu.vector_load %arg10[%swap3A_681, %swap3A_682, %swap3A_683] {strides = array<i32>} : memref<2x32x1280xf32, #tpu.memory_space<vmem>>, vector<1x1x16xf32>,
          %swap3A_685 = vector.shape_cast %swap3A_684 : vector<1x1x16xf32> to vector<16xf32>
          %swap3A_686 = vector.shape_cast %mul3A_678 : vector<16xf32> to vector<1x1x16xf32>
          tpu.vector_store %arg10[%swap3A_681, %swap3A_682, %swap3A_683], %swap3A_686 {strides = array<i32>} : memref<2x32x1280xf32, #tpu.memory_space<vmem>>, vector<1x1x16xf32>,
          %broadcast_in_dim3A_687 = vector.shape_cast %and3A_556 : vector<16xi32> to vector<16x1xi32>
          %gather3A_688 = vector.shape_cast %broadcast_in_dim3A_687 : vector<16x1xi32> to vector<16xi32>
          %gather3A_689 = tpu.dynamic_gather %get3A_482[%gather3A_688] in [0] : vector<16xf32>, vector<16xi32> -> vector<16xf32>
          %broadcast_in_dim3A_690 = vector.shape_cast %and3A_556 : vector<16xi32> to vector<16x1xi32>
          %gather3A_691 = vector.shape_cast %broadcast_in_dim3A_690 : vector<16x1xi32> to vector<16xi32>
          %gather3A_692 = tpu.dynamic_gather %get3A_479[%gather3A_691] in [0] : vector<16xf32>, vector<16xi32> -> vector<16xf32>
          %broadcast_in_dim3A_693 = vector.shape_cast %and3A_556 : vector<16xi32> to vector<16x1xi32>
          %gather3A_694 = vector.shape_cast %broadcast_in_dim3A_693 : vector<16x1xi32> to vector<16xi32>
          %gather3A_695 = tpu.dynamic_gather %get3A_476[%gather3A_694] in [0] : vector<16xf32>, vector<16xi32> -> vector<16xf32>
          %broadcast_in_dim3A_696 = vector.shape_cast %and3A_556 : vector<16xi32> to vector<16x1xi32>
          %gather3A_697 = vector.shape_cast %broadcast_in_dim3A_696 : vector<16x1xi32> to vector<16xi32>
          %gather3A_698 = tpu.dynamic_gather %get3A_473[%gather3A_697] in [0] : vector<16xf32>, vector<16xi32> -> vector<16xf32>
          %select_n3A_699 = arith.select %eq3A_559, %gather3A_695, %gather3A_698 : vector<16xi1>, vector<16xf32>
          %select_n3A_700 = arith.select %eq3A_562, %gather3A_692, %select_n3A_699 : vector<16xi1>, vector<16xf32>
          %select_n3A_701 = arith.select %eq3A_565, %gather3A_689, %select_n3A_700 : vector<16xi1>, vector<16xf32>
          %get3A_702 = arith.constant 1 : i32
          %get3A_703 = arith.constant 28 : i32
          %get3A_704 = arith.index_cast %get3A_702 : i32 to index
          %get3A_705 = arith.index_cast %get3A_703 : i32 to index
          %get3A_706 = arith.index_cast %mul3A_544 : i32 to index
          %get3A_707 = tpu.vector_load %arg10[%get3A_704, %get3A_705, %get3A_706] {strides = array<i32>} : memref<2x32x1280xf32, #tpu.memory_space<vmem>>, vector<1x1x16xf32>,
          %get3A_708 = vector.shape_cast %get3A_707 : vector<1x1x16xf32> to vector<16xf32>
          %mul3A_709 = arith.mulf %select_n3A_701, %get3A_708 : vector<16xf32>
          %swap3A_710 = arith.constant 1 : i32
          %swap3A_711 = arith.constant 28 : i32
          %swap3A_712 = arith.index_cast %swap3A_710 : i32 to index
          %swap3A_713 = arith.index_cast %swap3A_711 : i32 to index
          %swap3A_714 = arith.index_cast %mul3A_544 : i32 to index
          %swap3A_715 = tpu.vector_load %arg10[%swap3A_712, %swap3A_713, %swap3A_714] {strides = array<i32>} : memref<2x32x1280xf32, #tpu.memory_space<vmem>>, vector<1x1x16xf32>,
          %swap3A_716 = vector.shape_cast %swap3A_715 : vector<1x1x16xf32> to vector<16xf32>
          %swap3A_717 = vector.shape_cast %mul3A_709 : vector<16xf32> to vector<1x1x16xf32>
          tpu.vector_store %arg10[%swap3A_712, %swap3A_713, %swap3A_714], %swap3A_717 {strides = array<i32>} : memref<2x32x1280xf32, #tpu.memory_space<vmem>>, vector<1x1x16xf32>,
          %broadcast_in_dim3A_718 = vector.shape_cast %and3A_556 : vector<16xi32> to vector<16x1xi32>
          %gather3A_719 = vector.shape_cast %broadcast_in_dim3A_718 : vector<16x1xi32> to vector<16xi32>
          %gather3A_720 = tpu.dynamic_gather %get3A_494[%gather3A_719] in [0] : vector<16xf32>, vector<16xi32> -> vector<16xf32>
          %broadcast_in_dim3A_721 = vector.shape_cast %and3A_556 : vector<16xi32> to vector<16x1xi32>
          %gather3A_722 = vector.shape_cast %broadcast_in_dim3A_721 : vector<16x1xi32> to vector<16xi32>
          %gather3A_723 = tpu.dynamic_gather %get3A_491[%gather3A_722] in [0] : vector<16xf32>, vector<16xi32> -> vector<16xf32>
          %broadcast_in_dim3A_724 = vector.shape_cast %and3A_556 : vector<16xi32> to vector<16x1xi32>
          %gather3A_725 = vector.shape_cast %broadcast_in_dim3A_724 : vector<16x1xi32> to vector<16xi32>
          %gather3A_726 = tpu.dynamic_gather %get3A_488[%gather3A_725] in [0] : vector<16xf32>, vector<16xi32> -> vector<16xf32>
          %broadcast_in_dim3A_727 = vector.shape_cast %and3A_556 : vector<16xi32> to vector<16x1xi32>
          %gather3A_728 = vector.shape_cast %broadcast_in_dim3A_727 : vector<16x1xi32> to vector<16xi32>
          %gather3A_729 = tpu.dynamic_gather %get3A_485[%gather3A_728] in [0] : vector<16xf32>, vector<16xi32> -> vector<16xf32>
          %select_n3A_730 = arith.select %eq3A_559, %gather3A_726, %gather3A_729 : vector<16xi1>, vector<16xf32>
          %select_n3A_731 = arith.select %eq3A_562, %gather3A_723, %select_n3A_730 : vector<16xi1>, vector<16xf32>
          %select_n3A_732 = arith.select %eq3A_565, %gather3A_720, %select_n3A_731 : vector<16xi1>, vector<16xf32>
          %get3A_733 = arith.constant 1 : i32
          %get3A_734 = arith.constant 29 : i32
          %get3A_735 = arith.index_cast %get3A_733 : i32 to index
          %get3A_736 = arith.index_cast %get3A_734 : i32 to index
          %get3A_737 = arith.index_cast %mul3A_544 : i32 to index
          %get3A_738 = tpu.vector_load %arg10[%get3A_735, %get3A_736, %get3A_737] {strides = array<i32>} : memref<2x32x1280xf32, #tpu.memory_space<vmem>>, vector<1x1x16xf32>,
          %get3A_739 = vector.shape_cast %get3A_738 : vector<1x1x16xf32> to vector<16xf32>
          %mul3A_740 = arith.mulf %select_n3A_732, %get3A_739 : vector<16xf32>
          %swap3A_741 = arith.constant 1 : i32
          %swap3A_742 = arith.constant 29 : i32
          %swap3A_743 = arith.index_cast %swap3A_741 : i32 to index
          %swap3A_744 = arith.index_cast %swap3A_742 : i32 to index
          %swap3A_745 = arith.index_cast %mul3A_544 : i32 to index
          %swap3A_746 = tpu.vector_load %arg10[%swap3A_743, %swap3A_744, %swap3A_745] {strides = array<i32>} : memref<2x32x1280xf32, #tpu.memory_space<vmem>>, vector<1x1x16xf32>,
          %swap3A_747 = vector.shape_cast %swap3A_746 : vector<1x1x16xf32> to vector<16xf32>
          %swap3A_748 = vector.shape_cast %mul3A_740 : vector<16xf32> to vector<1x1x16xf32>
          tpu.vector_store %arg10[%swap3A_743, %swap3A_744, %swap3A_745], %swap3A_748 {strides = array<i32>} : memref<2x32x1280xf32, #tpu.memory_space<vmem>>, vector<1x1x16xf32>,
          %broadcast_in_dim3A_749 = vector.shape_cast %and3A_556 : vector<16xi32> to vector<16x1xi32>
          %gather3A_750 = vector.shape_cast %broadcast_in_dim3A_749 : vector<16x1xi32> to vector<16xi32>
          %gather3A_751 = tpu.dynamic_gather %get3A_506[%gather3A_750] in [0] : vector<16xf32>, vector<16xi32> -> vector<16xf32>
          %broadcast_in_dim3A_752 = vector.shape_cast %and3A_556 : vector<16xi32> to vector<16x1xi32>
          %gather3A_753 = vector.shape_cast %broadcast_in_dim3A_752 : vector<16x1xi32> to vector<16xi32>
          %gather3A_754 = tpu.dynamic_gather %get3A_503[%gather3A_753] in [0] : vector<16xf32>, vector<16xi32> -> vector<16xf32>
          %broadcast_in_dim3A_755 = vector.shape_cast %and3A_556 : vector<16xi32> to vector<16x1xi32>
          %gather3A_756 = vector.shape_cast %broadcast_in_dim3A_755 : vector<16x1xi32> to vector<16xi32>
          %gather3A_757 = tpu.dynamic_gather %get3A_500[%gather3A_756] in [0] : vector<16xf32>, vector<16xi32> -> vector<16xf32>
          %broadcast_in_dim3A_758 = vector.shape_cast %and3A_556 : vector<16xi32> to vector<16x1xi32>
          %gather3A_759 = vector.shape_cast %broadcast_in_dim3A_758 : vector<16x1xi32> to vector<16xi32>
          %gather3A_760 = tpu.dynamic_gather %get3A_497[%gather3A_759] in [0] : vector<16xf32>, vector<16xi32> -> vector<16xf32>
          %select_n3A_761 = arith.select %eq3A_559, %gather3A_757, %gather3A_760 : vector<16xi1>, vector<16xf32>
          %select_n3A_762 = arith.select %eq3A_562, %gather3A_754, %select_n3A_761 : vector<16xi1>, vector<16xf32>
          %select_n3A_763 = arith.select %eq3A_565, %gather3A_751, %select_n3A_762 : vector<16xi1>, vector<16xf32>
          %get3A_764 = arith.constant 1 : i32
          %get3A_765 = arith.constant 30 : i32
          %get3A_766 = arith.index_cast %get3A_764 : i32 to index
          %get3A_767 = arith.index_cast %get3A_765 : i32 to index
          %get3A_768 = arith.index_cast %mul3A_544 : i32 to index
          %get3A_769 = tpu.vector_load %arg10[%get3A_766, %get3A_767, %get3A_768] {strides = array<i32>} : memref<2x32x1280xf32, #tpu.memory_space<vmem>>, vector<1x1x16xf32>,
          %get3A_770 = vector.shape_cast %get3A_769 : vector<1x1x16xf32> to vector<16xf32>
          %mul3A_771 = arith.mulf %select_n3A_763, %get3A_770 : vector<16xf32>
          %swap3A_772 = arith.constant 1 : i32
          %swap3A_773 = arith.constant 30 : i32
          %swap3A_774 = arith.index_cast %swap3A_772 : i32 to index
          %swap3A_775 = arith.index_cast %swap3A_773 : i32 to index
          %swap3A_776 = arith.index_cast %mul3A_544 : i32 to index
          %swap3A_777 = tpu.vector_load %arg10[%swap3A_774, %swap3A_775, %swap3A_776] {strides = array<i32>} : memref<2x32x1280xf32, #tpu.memory_space<vmem>>, vector<1x1x16xf32>,
          %swap3A_778 = vector.shape_cast %swap3A_777 : vector<1x1x16xf32> to vector<16xf32>
          %swap3A_779 = vector.shape_cast %mul3A_771 : vector<16xf32> to vector<1x1x16xf32>
          tpu.vector_store %arg10[%swap3A_774, %swap3A_775, %swap3A_776], %swap3A_779 {strides = array<i32>} : memref<2x32x1280xf32, #tpu.memory_space<vmem>>, vector<1x1x16xf32>,
          %broadcast_in_dim3A_780 = vector.shape_cast %and3A_556 : vector<16xi32> to vector<16x1xi32>
          %gather3A_781 = vector.shape_cast %broadcast_in_dim3A_780 : vector<16x1xi32> to vector<16xi32>
          %gather3A_782 = tpu.dynamic_gather %get3A_518[%gather3A_781] in [0] : vector<16xf32>, vector<16xi32> -> vector<16xf32>
          %broadcast_in_dim3A_783 = vector.shape_cast %and3A_556 : vector<16xi32> to vector<16x1xi32>
          %gather3A_784 = vector.shape_cast %broadcast_in_dim3A_783 : vector<16x1xi32> to vector<16xi32>
          %gather3A_785 = tpu.dynamic_gather %get3A_515[%gather3A_784] in [0] : vector<16xf32>, vector<16xi32> -> vector<16xf32>
          %broadcast_in_dim3A_786 = vector.shape_cast %and3A_556 : vector<16xi32> to vector<16x1xi32>
          %gather3A_787 = vector.shape_cast %broadcast_in_dim3A_786 : vector<16x1xi32> to vector<16xi32>
          %gather3A_788 = tpu.dynamic_gather %get3A_512[%gather3A_787] in [0] : vector<16xf32>, vector<16xi32> -> vector<16xf32>
          %broadcast_in_dim3A_789 = vector.shape_cast %and3A_556 : vector<16xi32> to vector<16x1xi32>
          %gather3A_790 = vector.shape_cast %broadcast_in_dim3A_789 : vector<16x1xi32> to vector<16xi32>
          %gather3A_791 = tpu.dynamic_gather %get3A_509[%gather3A_790] in [0] : vector<16xf32>, vector<16xi32> -> vector<16xf32>
          %select_n3A_792 = arith.select %eq3A_559, %gather3A_788, %gather3A_791 : vector<16xi1>, vector<16xf32>
          %select_n3A_793 = arith.select %eq3A_562, %gather3A_785, %select_n3A_792 : vector<16xi1>, vector<16xf32>
          %select_n3A_794 = arith.select %eq3A_565, %gather3A_782, %select_n3A_793 : vector<16xi1>, vector<16xf32>
          %get3A_795 = arith.constant 1 : i32
          %get3A_796 = arith.constant 31 : i32
          %get3A_797 = arith.index_cast %get3A_795 : i32 to index
          %get3A_798 = arith.index_cast %get3A_796 : i32 to index
          %get3A_799 = arith.index_cast %mul3A_544 : i32 to index
          %get3A_800 = tpu.vector_load %arg10[%get3A_797, %get3A_798, %get3A_799] {strides = array<i32>} : memref<2x32x1280xf32, #tpu.memory_space<vmem>>, vector<1x1x16xf32>,
          %get3A_801 = vector.shape_cast %get3A_800 : vector<1x1x16xf32> to vector<16xf32>
          %mul3A_802 = arith.mulf %select_n3A_794, %get3A_801 : vector<16xf32>
          %swap3A_803 = arith.constant 1 : i32
          %swap3A_804 = arith.constant 31 : i32
          %swap3A_805 = arith.index_cast %swap3A_803 : i32 to index
          %swap3A_806 = arith.index_cast %swap3A_804 : i32 to index
          %swap3A_807 = arith.index_cast %mul3A_544 : i32 to index
          %swap3A_808 = tpu.vector_load %arg10[%swap3A_805, %swap3A_806, %swap3A_807] {strides = array<i32>} : memref<2x32x1280xf32, #tpu.memory_space<vmem>>, vector<1x1x16xf32>,
          %swap3A_809 = vector.shape_cast %swap3A_808 : vector<1x1x16xf32> to vector<16xf32>
          %swap3A_810 = vector.shape_cast %mul3A_802 : vector<16xf32> to vector<1x1x16xf32>
          tpu.vector_store %arg10[%swap3A_805, %swap3A_806, %swap3A_807], %swap3A_810 {strides = array<i32>} : memref<2x32x1280xf32, #tpu.memory_space<vmem>>, vector<1x1x16xf32>,
        }
        %scan3A_524 = arith.constant 80 : i32
        %mul3A_525 = arith.constant 32 : i32
        %mul3A_526 = arith.muli %add3A_55, %mul3A_525 : i32
        %add3A_527 = arith.addi %add3A, %mul3A_526 : i32
        %mul3A_528 = arith.constant 1280 : i32
        %mul3A_529 = arith.muli %add3A_527, %mul3A_528 : i32
        %dma_start3A = arith.constant 1 : i32
        %dma_start3A_530 = arith.constant 0 : i32
        %dma_start3A_531 = arith.constant 0 : i32
        %dma_start3A_532 = tpu.memref_slice %arg10[%dma_start3A, %dma_start3A_530, %dma_start3A_531] : memref<2x32x1280xf32, #tpu.memory_space<vmem>> -> memref<1x32x1280xf32, #tpu.memory_space<vmem>>
        %dma_start3A_533 = tpu.memref_squeeze %dma_start3A_532 : memref<1x32x1280xf32, #tpu.memory_space<vmem>> -> memref<32x1280xf32, #tpu.memory_space<vmem>>
        %dma_start3A_534 = arith.constant 0 : i32
        %dma_start3A_535 = tpu.memref_slice %arg6[%dma_start3A_534, %mul3A_529] : memref<32x1600000xf32, #tpu.memory_space<hbm>> -> memref<32x1280xf32, #tpu.memory_space<hbm>>
        %dma_start3A_536 = arith.constant 0 : i32
        %dma_start3A_537 = tpu.memref_slice %arg6[%dma_start3A_536, %mul3A_529] : memref<32x1600000xf32, #tpu.memory_space<hbm>> -> memref<32x1280xf32, #tpu.memory_space<hbm>>
        %dma_start3A_538 = arith.constant 0 : i32
        %dma_start3A_539 = arith.constant 0 : i32
        %dma_start3A_540 = tpu.memref_slice %arg10[%dma_start3A, %dma_start3A_538, %dma_start3A_539] : memref<2x32x1280xf32, #tpu.memory_space<vmem>> -> memref<1x32x1280xf32, #tpu.memory_space<vmem>>
        %dma_start3A_541 = tpu.memref_squeeze %dma_start3A_540 : memref<1x32x1280xf32, #tpu.memory_space<vmem>> -> memref<32x1280xf32, #tpu.memory_space<vmem>>
        tpu.enqueue_dma source(%dma_start3A_541 : memref<32x1280xf32, #tpu.memory_space<vmem>>) target(%dma_start3A_537 : memref<32x1280xf32, #tpu.memory_space<hbm>>) target_semaphore(%arg14 : memref<!tpu.dma_semaphore, #tpu.memory_space<semaphore_mem>>)
      } else {
      }
    }
    %scan3A_7 = arith.constant 20 : i32
    %sub3A = arith.constant 1249 : i32
    %sub3A_8 = arith.subi %sub3A, %add3A : i32
    %jit3A = arith.constant 32 : i32
    %div3A = arith.divsi %sub3A_8, %jit3A : i32
    %sign3A = arith.constant 0 : i32
    %sign3A_9 = arith.cmpi sgt, %sub3A_8, %sign3A : i32
    %sign3A_10 = arith.extui %sign3A_9 : i1 to i32
    %sign3A_11 = arith.constant 0 : i32
    %sign3A_12 = arith.cmpi slt, %sub3A_8, %sign3A_11 : i32
    %sign3A_13 = arith.extui %sign3A_12 : i1 to i32
    %sign3A_14 = arith.subi %sign3A_10, %sign3A_13 : i32
    %sign3A_15 = arith.constant 0 : i32
    %sign3A_16 = arith.cmpi sgt, %jit3A, %sign3A_15 : i32
    %sign3A_17 = arith.extui %sign3A_16 : i1 to i32
    %sign3A_18 = arith.constant 0 : i32
    %sign3A_19 = arith.cmpi slt, %jit3A, %sign3A_18 : i32
    %sign3A_20 = arith.extui %sign3A_19 : i1 to i32
    %sign3A_21 = arith.subi %sign3A_17, %sign3A_20 : i32
    %ne3A = arith.cmpi ne, %sign3A_14, %sign3A_21 : i32
    %rem3A = arith.remsi %sub3A_8, %jit3A : i32
    %ne3A_22 = arith.constant 0 : i32
    %ne3A_23 = arith.cmpi ne, %rem3A, %ne3A_22 : i32
    %and3A = arith.andi %ne3A, %ne3A_23 : i1
    %sub3A_24 = arith.constant 1 : i32
    %sub3A_25 = arith.subi %div3A, %sub3A_24 : i32
    %select_n3A = arith.select %and3A, %sub3A_25, %div3A : i32
    %and3A_26 = arith.constant 1 : i32
    %and3A_27 = arith.andi %select_n3A, %and3A_26 : i32
    %eq3A = arith.constant 0 : i32
    %eq3A_28 = arith.cmpi eq, %and3A_27, %eq3A : i32
    %convert_element_type3A_29 = arith.extui %eq3A_28 : i1 to i32
    %cond3A_30 = arith.constant 0 : i32
    %cond3A_31 = arith.cmpi ne, %convert_element_type3A_29, %cond3A_30 : i32
    scf.if %cond3A_31 {
      %dma_wait3A = arith.constant 0 : i32
      %dma_wait3A_39 = arith.constant 0 : i32
      %dma_wait3A_40 = arith.constant 0 : i32
      %dma_wait3A_41 = tpu.memref_slice %arg10[%dma_wait3A, %dma_wait3A_39, %dma_wait3A_40] : memref<2x32x1280xf32, #tpu.memory_space<vmem>> -> memref<1x32x1280xf32, #tpu.memory_space<vmem>>
      %dma_wait3A_42 = tpu.memref_squeeze %dma_wait3A_41 : memref<1x32x1280xf32, #tpu.memory_space<vmem>> -> memref<32x1280xf32, #tpu.memory_space<vmem>>
      %dma_wait3A_43 = arith.constant 0 : i32
      %dma_wait3A_44 = arith.constant 0 : i32
      %dma_wait3A_45 = tpu.memref_slice %arg6[%dma_wait3A_43, %dma_wait3A_44] : memref<32x1600000xf32, #tpu.memory_space<hbm>> -> memref<32x1280xf32, #tpu.memory_space<hbm>>
      %dma_wait3A_46 = arith.constant 0 : i32
      %dma_wait3A_47 = arith.constant 0 : i32
      %dma_wait3A_48 = tpu.memref_slice %arg6[%dma_wait3A_46, %dma_wait3A_47] : memref<32x1600000xf32, #tpu.memory_space<hbm>> -> memref<32x1280xf32, #tpu.memory_space<hbm>>
      %dma_wait3A_49 = arith.constant 0 : i32
      %dma_wait3A_50 = arith.constant 0 : i32
      %dma_wait3A_51 = tpu.memref_slice %arg10[%dma_wait3A, %dma_wait3A_49, %dma_wait3A_50] : memref<2x32x1280xf32, #tpu.memory_space<vmem>> -> memref<1x32x1280xf32, #tpu.memory_space<vmem>>
      %dma_wait3A_52 = tpu.memref_squeeze %dma_wait3A_51 : memref<1x32x1280xf32, #tpu.memory_space<vmem>> -> memref<32x1280xf32, #tpu.memory_space<vmem>>
      tpu.wait_dma2 semaphore(%arg13 : memref<!tpu.dma_semaphore, #tpu.memory_space<semaphore_mem>>) src(%dma_wait3A_52 : memref<32x1280xf32, #tpu.memory_space<vmem>>) dst(%dma_wait3A_48 : memref<32x1280xf32, #tpu.memory_space<hbm>>)
    } else {
    }
    %and3A_32 = arith.constant 1 : i32
    %and3A_33 = arith.andi %select_n3A, %and3A_32 : i32
    %eq3A_34 = arith.constant 1 : i32
    %eq3A_35 = arith.cmpi eq, %and3A_33, %eq3A_34 : i32
    %convert_element_type3A_36 = arith.extui %eq3A_35 : i1 to i32
    %cond3A_37 = arith.constant 0 : i32
    %cond3A_38 = arith.cmpi ne, %convert_element_type3A_36, %cond3A_37 : i32
    scf.if %cond3A_38 {
      %dma_wait3A = arith.constant 1 : i32
      %dma_wait3A_39 = arith.constant 0 : i32
      %dma_wait3A_40 = arith.constant 0 : i32
      %dma_wait3A_41 = tpu.memref_slice %arg10[%dma_wait3A, %dma_wait3A_39, %dma_wait3A_40] : memref<2x32x1280xf32, #tpu.memory_space<vmem>> -> memref<1x32x1280xf32, #tpu.memory_space<vmem>>
      %dma_wait3A_42 = tpu.memref_squeeze %dma_wait3A_41 : memref<1x32x1280xf32, #tpu.memory_space<vmem>> -> memref<32x1280xf32, #tpu.memory_space<vmem>>
      %dma_wait3A_43 = arith.constant 0 : i32
      %dma_wait3A_44 = arith.constant 0 : i32
      %dma_wait3A_45 = tpu.memref_slice %arg6[%dma_wait3A_43, %dma_wait3A_44] : memref<32x1600000xf32, #tpu.memory_space<hbm>> -> memref<32x1280xf32, #tpu.memory_space<hbm>>
      %dma_wait3A_46 = arith.constant 0 : i32
      %dma_wait3A_47 = arith.constant 0 : i32
      %dma_wait3A_48 = tpu.memref_slice %arg6[%dma_wait3A_46, %dma_wait3A_47] : memref<32x1600000xf32, #tpu.memory_space<hbm>> -> memref<32x1280xf32, #tpu.memory_space<hbm>>
      %dma_wait3A_49 = arith.constant 0 : i32
      %dma_wait3A_50 = arith.constant 0 : i32
      %dma_wait3A_51 = tpu.memref_slice %arg10[%dma_wait3A, %dma_wait3A_49, %dma_wait3A_50] : memref<2x32x1280xf32, #tpu.memory_space<vmem>> -> memref<1x32x1280xf32, #tpu.memory_space<vmem>>
      %dma_wait3A_52 = tpu.memref_squeeze %dma_wait3A_51 : memref<1x32x1280xf32, #tpu.memory_space<vmem>> -> memref<32x1280xf32, #tpu.memory_space<vmem>>
      tpu.wait_dma2 semaphore(%arg14 : memref<!tpu.dma_semaphore, #tpu.memory_space<semaphore_mem>>) src(%dma_wait3A_52 : memref<32x1280xf32, #tpu.memory_space<vmem>>) dst(%dma_wait3A_48 : memref<32x1280xf32, #tpu.memory_space<hbm>>)
    } else {
    }
    return
  }
}

module attributes {stable_mosaic.version = 14 : i64} {
  func.func @_tc_basis_body(%arg0: i32, %arg1: memref<16x64000xf32, #tpu.memory_space<vmem>>, %arg2: memref<16x32xf32, #tpu.memory_space<vmem>>, %arg3: memref<32x1xf32, #tpu.memory_space<vmem>>, %arg4: memref<32x64000xf32, #tpu.memory_space<vmem>>) attributes {dimension_semantics = [#tpu.dimension_semantics<arbitrary>], iteration_bounds = array<i64: 25>, scalar_prefetch = 0 : i64, scratch_operands = 0 : i64, tpu.core_type = #tpu.core_type<tc>, window_params = [{transform_indices = @transform_0, window_bounds = array<i64: 16, 64000>}, {pipeline_mode = #tpu.pipeline_mode<synchronous>, transform_indices = @transform_1, window_bounds = array<i64: 16, 32>}, {pipeline_mode = #tpu.pipeline_mode<synchronous>, transform_indices = @transform_2, window_bounds = array<i64: 32, 1>}, {transform_indices = @transform_3, window_bounds = array<i64: 32, 64000>}]} {
    %get3A = arith.constant 0 : index
    %get3A_0 = arith.constant 0 : index
    %get3A_1 = vector.load %arg2[%get3A, %get3A_0] : memref<16x32xf32, #tpu.memory_space<vmem>>, vector<16x32xf32>
    %get3A_2 = arith.constant 0 : index
    %get3A_3 = arith.constant 0 : index
    %get3A_4 = vector.load %arg1[%get3A_2, %get3A_3] : memref<16x64000xf32, #tpu.memory_space<vmem>>, vector<16x64000xf32>
    %dot_general3A = arith.constant dense<0.000000e+00> : vector<32x64000xf32>
    %dot_general3A_5 = tpu.matmul %get3A_1, %get3A_4, %dot_general3A {dimension_numbers = #tpu.dot_dimension_numbers<[0], [0], [1], [1], [0, 1, 1, 1], [], []>, transpose_lhs_hint = false} : vector<16x32xf32>, vector<16x64000xf32>, vector<32x64000xf32> -> vector<32x64000xf32>
    %get3A_6 = arith.constant 0 : index
    %get3A_7 = arith.constant 0 : index
    %get3A_8 = vector.load %arg3[%get3A_6, %get3A_7] : memref<32x1xf32, #tpu.memory_space<vmem>>, vector<32x1xf32>
    %add3A = vector.broadcast %get3A_8 : vector<32x1xf32> to vector<32x64000xf32>
    %add3A_9 = arith.addf %dot_general3A_5, %add3A : vector<32x64000xf32>
    %swap3A = arith.constant 0 : index
    %swap3A_10 = arith.constant 0 : index
    %swap3A_11 = vector.load %arg4[%swap3A, %swap3A_10] : memref<32x64000xf32, #tpu.memory_space<vmem>>, vector<32x64000xf32>
    tpu.vector_store %arg4[%swap3A, %swap3A_10], %add3A_9 {strides = array<i32>} : memref<32x64000xf32, #tpu.memory_space<vmem>>, vector<32x64000xf32>,
    return
  }
  func.func @transform_0(%arg0: i32) -> (i32, i32) {
    %c0_i32 = arith.constant 0 : i32
    %c0_i32_0 = arith.constant 0 : i32
    return %c0_i32, %arg0 : i32, i32
  }
  func.func @transform_1(%arg0: i32) -> (i32, i32) {
    %c0_i32 = arith.constant 0 : i32
    %c0_i32_0 = arith.constant 0 : i32
    %c0_i32_1 = arith.constant 0 : i32
    return %c0_i32, %c0_i32_0 : i32, i32
  }
  func.func @transform_2(%arg0: i32) -> (i32, i32) {
    %c0_i32 = arith.constant 0 : i32
    %c0_i32_0 = arith.constant 0 : i32
    %c0_i32_1 = arith.constant 0 : i32
    return %c0_i32, %c0_i32_0 : i32, i32
  }
  func.func @transform_3(%arg0: i32) -> (i32, i32) {
    %c0_i32 = arith.constant 0 : i32
    %c0_i32_0 = arith.constant 0 : i32
    return %c0_i32, %arg0 : i32, i32
  }
}

</mosaic_0001>

<sc_bundles>
// kernel: kernel.4.cloned.1.call-start
scs
__scs_entry_jumppad:
0x0: {  	(pc) =	sbr.rel $0x88, $3  }
0x1: {  	(tag) =	ssettag $0x0;
	lr =	simm.s32 $0x1  }
0x2: {  	[smem:$0x3F9B] =	sst lr;
	_ =	strace $0xD0000000  }
0x3: {  	_ = 	snop  }
0x4: {  	_ = 	snop  }
0x5: {  	_ = 	snop  }
0x6: {  	_ = 	snop  }
0x7: {  	_ = 	snop  }
__scs_overlays_trampoline_lowered:
0x8: {  	[smem:$0x3FAA] =	sst s0  }
0x9: {  	[smem:$0x3FAB] =	sst s1  }
0xa: {  	[smem:$0x3FAC] =	sst s2  }
0xb: {  	[smem:$0x3FAD] =	sst s3  }
0xc: {  	[smem:$0x3FAE] =	sst s4  }
0xd: {  	[smem:$0x3FAF] =	sst s5  }
0xe: {  	[smem:$0x3FB0] =	sst s6  }
0xf: {  	[smem:$0x3FB1] =	sst s7  }
0x10: {  	[smem:$0x3FB2] =	sst s8  }
0x11: {  	[smem:$0x3FB3] =	sst s9;
	s0 =	simm.s32 @!p0 $0x0  }
0x12: {  	s1 =	sld [smem:$0x3F99];
	s0 =	simm.s32 @p0 $0x1  }
0x13: {  	[smem:$0x3FB4] =	sst s0;
	s0 =	simm.s32 @!p1 $0x0  }
0x14: {  	s2 =	sld [smem:$0x3F98];
	s0 =	simm.s32 @p1 $0x1  }
0x15: {  	[smem:$0x3FB5] =	sst s0;
	s0 =	simm.s32 @!p2 $0x0  }
0x16: {  	s3 =	sld [smem:$0x3FDB];
	s0 =	simm.s32 @p2 $0x1  }
0x17: {  	s4 =	simm.s32 $0x1BF5;
	[smem:$0x3FB7] =	sst s0  }
0x18: {  	s0 =	sld [smem:$0x3F9A];
	_ =	swait.ge [sflag:s4], $0x0  }
0x19: {  	s7 =	sld [smem:$0x3F9B]  }
0x1a: {  	s8 =	sadd.s32 $0xFFFFE003, lr  }
0x1b: {  	s9 =	sadd.s32 $0xFFFFFEF7, lr;
	s5 =	simm.s32 $0xFFFFFFFF;
	p2 =	slt.u32 s8, $0xFFFFF086  }
0x1c: {  	p1 =	slt.u32 s9, $0xF7A;
	s5 =	simm.s32 @!p2 $0x0  }
0x1d: {  	s5 =	simm.s32 @p1 $0x1;
	p0 =	seq.s32 s7, s2  }
0x1e: {  	s7 =	smul.u32 @!p0 $0xF7A, s2;
	p2 =	seq.s32 @!p0 s5, $0x0  }
0x1f: {  	s9 =	smul.u32 $0xF7A, s1;
	s8 =	simm.s32 @!p0 $0x1BF5;
	p2 =	por !p2, p0  }
0x20: {  	[sflag:s8] =	ssyncset.s32 @!p0 $0xFFFFF086;
	s6 =	sadd.s32 @!p0 s3, s7;
	s7 =	simm.s32 @!p0 $0x108  }
0x21: {  	s3 =	sadd.s32 s3, s9;
	s6 =	sadd.s32 @!p0 $0x88, s6;
	s7 =	simm.s32 @p2 $0x1082  }
0x22: {  	[simem:s7], [sflag:s8] =	dma.local @!p0 [hbm:s6], $0xF7A  }
0x23: {  	s9 =	sor.u32 $0xD0000000, s2;
	s6 =	simm.s32 $0x108;
	_ =	swait.ge @!p0 [sflag:s8], $0x0  }
0x24: {  	s3 =	sadd.s32 $0x88, s3;
	s6 =	simm.s32 @!p1 $0x1082;
	[sflag:s4] =	ssyncset.s32 $0xFFFFF086  }
0x25: {  	[simem:s6], [sflag:s4] =	dma.local [hbm:s3], $0xF7A  }
0x26: {  	[smem:$0x3F9B] =	sst s1;
	(tag) =	ssettag s2;
	_ =	strace s9  }
0x27: {  	s1 =	sld [smem:$0x3FAB]  }
0x28: {  	s2 =	sld [smem:$0x3FAC]  }
0x29: {  	s4 =	sld [smem:$0x3FAE]  }
0x2a: {  	p0 =	seq.s32 s5, $0x0;
	s5 =	sld [smem:$0x3FAF]  }
0x2b: {  	s6 =	sld [smem:$0x3FB0]  }
0x2c: {  	s7 =	sld [smem:$0x3FB1]  }
0x2d: {  	s3 =	simm.s32 $0x108;
	s8 =	sld [smem:$0x3FB2]  }
0x2e: {  	s3 =	simm.s32 @!p0 $0x1082;
	s9 =	sld [smem:$0x3FB3]  }
0x2f: {  	lr =	sadd.s32 s0, s3;
	s0 =	sld [smem:$0x3FAA]  }
0x30: {  	s3 =	sld [smem:$0x3FAD]  }
0x31: {  	[smem:$0x3FB6] =	sst s10  }
0x32: {  	s10 =	sld [smem:$0x3FB4];
	_ =	sdelay $0x3  }
0x33: {  	p0 =	seq.s32 s10, $0x1;
	s10 =	sld [smem:$0x3FB6];
	_ =	sdelay $0x3  }
0x34: {  	[smem:$0x3FB6] =	sst s10  }
0x35: {  	s10 =	sld [smem:$0x3FB5];
	_ =	sdelay $0x3  }
0x36: {  	p1 =	seq.s32 s10, $0x1;
	s10 =	sld [smem:$0x3FB6];
	_ =	sdelay $0x3  }
0x37: {  	[smem:$0x3FB6] =	sst s10  }
0x38: {  	s10 =	sld [smem:$0x3FB7]  }
0x39: {  	_ = 	snop;
	(pc) =	sbr.ind lr, $3  }
0x3a: {  	_ = 	snop  }
0x3b: {  	_ = 	snop  }
0x3c: {  	p2 =	seq.s32 s10, $0x1;
	s10 =	sld [smem:$0x3FB6]  }
0x3d: {  	_ =	shalt  }
0x3e: {  	_ =	shalt  }
0x3f: {  	_ =	shalt  }
0x40: {  	_ =	shalt  }
0x41: {  	_ =	shalt  }
0x42: {  	_ =	shalt  }
0x43: {  	_ =	shalt  }
0x44: {  	_ =	shalt  }
0x45: {  	_ =	shalt  }
0x46: {  	_ =	shalt  }
0x47: {  	_ =	shalt  }
0x48: {  	_ =	shalt  }
0x49: {  	_ =	shalt  }
0x4a: {  	_ =	shalt  }
0x4b: {  	_ =	shalt  }
0x4c: {  	_ =	shalt  }
0x4d: {  	_ =	shalt  }
0x4e: {  	_ =	shalt  }
0x4f: {  	_ =	shalt  }
0x50: {  	_ =	shalt  }
0x51: {  	_ =	shalt  }
0x52: {  	_ =	shalt  }
0x53: {  	_ =	shalt  }
0x54: {  	_ =	shalt  }
0x55: {  	_ =	shalt  }
0x56: {  	_ =	shalt  }
0x57: {  	_ =	shalt  }
0x58: {  	_ =	shalt  }
0x59: {  	_ =	shalt  }
0x5a: {  	_ =	shalt  }
0x5b: {  	_ =	shalt  }
0x5c: {  	_ =	shalt  }
0x5d: {  	_ =	shalt  }
0x5e: {  	_ =	shalt  }
0x5f: {  	_ =	shalt  }
0x60: {  	_ =	shalt  }
0x61: {  	_ =	shalt  }
0x62: {  	_ =	shalt  }
0x63: {  	_ =	shalt  }
0x64: {  	_ =	shalt  }
0x65: {  	_ =	shalt  }
0x66: {  	_ =	shalt  }
0x67: {  	_ =	shalt  }
0x68: {  	_ =	shalt  }
0x69: {  	_ =	shalt  }
0x6a: {  	_ =	shalt  }
0x6b: {  	_ =	shalt  }
0x6c: {  	_ =	shalt  }
0x6d: {  	_ =	shalt  }
0x6e: {  	_ =	shalt  }
0x6f: {  	_ =	shalt  }
0x70: {  	_ =	shalt  }
0x71: {  	_ =	shalt  }
0x72: {  	_ =	shalt  }
0x73: {  	_ =	shalt  }
0x74: {  	_ =	shalt  }
0x75: {  	_ =	shalt  }
0x76: {  	_ =	shalt  }
0x77: {  	_ =	shalt  }
0x78: {  	_ =	shalt  }
0x79: {  	_ =	shalt  }
0x7a: {  	_ =	shalt  }
0x7b: {  	_ =	shalt  }
0x7c: {  	_ =	shalt  }
0x7d: {  	_ =	shalt  }
0x7e: {  	_ =	shalt  }
0x7f: {  	_ =	shalt  }
0x80: {  	_ =	shalt  }
0x81: {  	_ =	shalt  }
0x82: {  	_ =	shalt  }
0x83: {  	_ =	shalt  }
0x84: {  	_ =	shalt  }
0x85: {  	_ =	shalt  }
0x86: {  	_ =	shalt  }
0x87: {  	_ =	shalt  }
.Lfunc_end0:
.L_simem_size_0:
called_computation_lowered:
.L_overlay_start_0:
0x88: {  	s2 =	sld [smem:$0x3FD9]  }
0x89: {  	s3 =	sld [smem:$0x3FFE];
	_ =	sdelay $0x1  }
0x8a: {  	s1 =	srdreg.scid  }
0x8b: {  	s0 =	sand.u32 $0x1, s1  }
0x8c: {  	s17 =	sshll.u32 s0, $0xA;
	s2 =	sadd.s32 s3, s2  }
0x8d: {  	s2 =	sadd.s32 s2, s17  }
0x8e: {  	[smem:$0x3FC2] =	sst s2  }
0x8f: {  	_ = 	snop  }
0x90: {  	s2 =	sld [smem:$0x3FC9]  }
0x91: {  	s18 =	sld [smem:$0x3FD0];
	(tm) =	ssettm $0x1  }
0x92: {  	s4 =	sld [smem:$0x3FFB];
	_ =	sdelay $0x3  }
0x93: {  	_ =	strace s4  }
0x94: {  	s4 =	sld [smem:$0x3FFC];
	_ =	sdelay $0x3  }
0x95: {  	_ =	strace s4  }
0x96: {  	s4 =	sld [smem:$0x3FFD];
	_ =	sdelay $0x3  }
0x97: {  	_ =	strace s4  }
0x98: {  	_ =	strace $0x8FFFFFFF  }
0x99: {  	s19 =	sld [smem:$0x3FDB];
	_ =	sdelay $0x1  }
0x9a: {  	s5 =	simm.s32 $_scs_section_size  }
0x9b: {  	s6 =	simm.s32 $_size__tile_overlayer_lowered;
	s7 =	simm.s32 $_tile_overlayer_lowered  }
0x9c: {  	s22 =	simm.s32 $0x1BFF;
	s21 =	sshll.u32 s7, $0x1;
	s4 =	sadd.s32 s5, s19  }
0x9d: {  	s8 =	simm.s32 $0x0;
	s20 =	sshll.u32 s6, $0x1;
	s6 =	sadd.s32 s21, s4  }
0x9e: {  	[timem:s8], [sflag:s22] =	dma.local [hbm:s6], s20  }
0x9f: {  	_ =	swait.ge [sflag:s22], s20  }
0xa0: {  	s5 =	ssub.s32 $0x0, s20;
	[sflag:s22] =	ssyncset.done $0x0  }
0xa1: {  	[sflag:s22] =	ssyncadd.s32 s5;
	_ =	sdelay $0x1  }
0xa2: {  	s23 =	simm.s32 $0x1B8B  }
0xa3: {  	_ =	swait.ge [sflag:s23], $0x1  }
0xa4: {  	[sflag:s23] =	ssyncset.done $0x0  }
0xa5: {  	s25 =	simm.s32 $0x1B8E;
	s24 =	sld [smem:$0x3FFE];
	[sflag:s23] =	ssyncadd.s32 $0xFFFFFFFF  }
0xa6: {  	s26 =	simm.s32 $execute0_lowered;
	[smem:$0x3FD2] =	sst s25  }
0xa7: {  	s6 =	sshll.u32 s26, $0x1;
	_ =	strace $0x80000046;
	[dreg:$0x1] =	wrdreg $0xFFFFFFFF  }
0xa8: {  	s28 =	simm.s32 $_size_execute0_lowered;
	s4 =	sadd.s32 s4, s6;
	[dreg:$0x0] =	wrdreg $0x0  }
0xa9: {  	s6 =	sshll.u32 s28, $0x1;
	[dreg:$0x2] =	wrdreg s4  }
0xaa: {  	[dreg:$0x3] =	wrdreg s6  }
0xab: {  	[dreg:$0x4] =	wrdreg $0xC0  }
0xac: {  	_ =	task [dreg:s8], $0x5FFFF  }
0xad: {  	[dreg:$0x1] =	wrdreg $0xFFFFFFFF  }
0xae: {  	[dreg:$0x0] =	wrdreg $0x60  }
0xaf: {  	[dreg:$0x2] =	wrdreg s24  }
0xb0: {  	[dreg:$0x3] =	wrdreg s2  }
0xb1: {  	[dreg:$0x4] =	wrdreg s18  }
0xb2: {  	[dreg:$0x5] =	wrdreg $0x9  }
0xb3: {  	_ =	task.clear_ibuf [dreg:s8], $0x6FFFF;
	_ =	strace $0x90000046  }
0xb4: {  	s29 =	simm.s32 $0x9;
	_ =	strace $0x80000048  }
0xb5: {  	_ =	swait.ge [sflag:s29], $0x1  }
0xb6: {  	[sflag:s29] =	ssyncadd.s32 $0xFFFFFFFF  }
0xb7: {  	_ =	strace $0x90000048  }
0xb8: {  	_ =	sfence  }
0xb9: {  	s30 =	sld [smem:$0x0];
	_ =	sdelay $0x2  }
0xba: {  	s31 =	sshll.u32 s1, $0xD;
	s1 =	sshrl.u32 s1, $0x2  }
0xbb: {  	s3 =	sand.u32 $0x4000, s31;
	s1 =	sadd.s32 s1, s30  }
0xbc: {  	s0 =	sor.u32 s3, s0;
	s1 =	sshll.u32 s1, $0x11  }
0xbd: {  	s0 =	sor.u32 s1, s0  }
0xbe: {  	s0 =	sadd.s32 $0x8F2B, s0  }
0xbf: {  	[sflag:s0] =	ssyncadd.remote.s32 $0x1  }
0xc0: {  	_ =	sfence.sel $0xFFFF  }
0xc1: {  	[dreg:$0x0] =	wrdreg $0xFFFFFFFF;
	(pc) =	sbr.abs _section_cstart, $3  }
0xc2: {  	[dreg:$0x1] =	wrdreg $0xFFFFFFFF  }
0xc3: {  	_ =	task.clear_ibuf [dreg:s8], $0x2FFFF;
	_ =	strace $0x9FFFFFFF  }
0xc4: {  	(tm) =	ssettm $0x7FFFFFFF  }
0xc5: {  	_ =	shalt  }
tec
execute0_lowered:
.L_overlay_start_1:
0x0: {  	(tag) =	ssettag $0x1  }
0x1: {  	s0 =	rddreg [dreg:$0x0]  }
0x2: {  	s1 =	rddreg [dreg:$0x1]  }
0x3: {  	s3 =	rddreg [dreg:$0x2]  }
0x4: {  	s2 =	srdreg.scid;
	s12 =	stileid.u32;
	s4 =	simm.s32 $0x0  }
0x5: {  	s13 =	simm.s32 $0x4;
	s15 =	simm.s32 $0x5;
	s17 =	simm.s32 $0x2800  }
0x6: {  	s18 =	simm.s32 $0xC35000;
	s19 =	simm.s32 $0x1C00;
	s20 =	simm.s32 $0x1  }
0x7: {  	s21 =	simm.s32 $0x2;
	s22 =	simm.s32 $0x3;
	s23 =	simm.s32 $0xBC00  }
0x8: {  	s24 =	simm.s32 $0x0;
	s2 =	sand.u32 $0x1, s2;
	s5 =	sshll.u32 s12, $0x1  }
0x9: {  	[smem:$0x7FF] =	sst s4;
	s6 =	sadd.s32 $0xA00, s0;
	s7 =	sadd.s32 $0x600, s0  }
.Ltmp0:
0xa: {  	s8 =	sadd.s32 $0x800, s0;
	s5 =	sor.u32 s2, s5;
	(pc) =	sbr.rel .LBB2_1-.Ltmp0, $4  }
0xb: {  	p0 =	seq.s32 s12, $0x0;
	s2 =	ssub.s32 $0x2, s2;
	s9 =	smul.u32 $0x140, s5  }
0xc: {  	_ =	strace $0x80000047;
	s10 =	sshrl.u32 s2, $0x1;
	s11 =	smul.u32 $0x500, s5  }
0xd: {  	s13 =	simm.s32 @!p0 $0x3;
	s31 =	ssub.s32 s2, s10;
	s9 =	sadd.s32 s1, s9  }
0xe: {  	s10 =	sadd.s32 s6, s11;
	s11 =	sor.u32 $0x40, s5;
	s12 =	smax.u32 s31, $0x1  }
.LBB2_21:
0xf: {  	s24 =	sadd.s32 $0x1, s24  }
0x10: {  	p0 =	sne.s32 s24, s12  }
.Ltmp1:
0x11: {  	_ = 	snop;
	(pc) =	sbr.rel @!p0 .LBB2_22-.Ltmp1, $4  }
0x12: {  	_ = 	snop  }
0x13: {  	_ =	swait.ge [sflag:s13], $0xA000  }
0x14: {  	[sflag:s13] =	ssyncset.done $0x0  }
0x15: {  	[sflag:s13] =	ssyncadd.s32 $0xFFFF6000  }
.LBB2_1:
0x16: {  	s0 =	simm.s32 $0x1400  }
0x17: {  	[tilespmem:s0], [sflag:$0x5] =	stream.linear.gather [hbm4b:s7+s4], $0x400, $0x38;
	[tilespmem:$0x15C00] =	vst v63  }
0x18: {  	_ =	swait.ge [sflag:s15], $0x400  }
0x19: {  	[sflag:s15] =	ssyncset.done $0x0  }
0x1a: {  	s31 =	simm.s32 $0x1800;
	[sflag:s15] =	ssyncadd.s32 $0xFFFFFC00  }
0x1b: {  	[tilespmem:s31], [sflag:$0x5] =	stream.linear.gather [hbm4b:s8+s4], $0x400, $0x38;
	[tilespmem:$0x15C00] =	vst v63  }
0x1c: {  	_ =	swait.ge [sflag:s15], $0x400  }
.Ltmp2:
0x1d: {  	[sflag:s15] =	ssyncset.done $0x0;
	(pc) =	sbr.rel .LBB2_2-.Ltmp2, $4  }
0x1e: {  	[sflag:s15] =	ssyncadd.s32 $0xFFFFFC00  }
0x1f: {  	[tilespmem:s4], [sflag:$0x1] =	stream.linear.gather [hbm4b:s9+s4], $0xA00, $0x38;
	[tilespmem:$0x15C00] =	vst v63  }
0x20: {  	s25 =	simm.s32 $0x0  }
0x21: {  	[tilespmem:s19], [sflag:$0x1] =	stream.strided.gather [hbm4b:s10+s17], $0xA000, s18, s17, $0x38;
	[tilespmem:$0x15C00] =	vst v63  }
.LBB2_20:
0x22: {  	s25 =	sadd.s32 $0x1, s25  }
0x23: {  	p0 =	sne.s32 s25, $0x14  }
.Ltmp3:
0x24: {  	_ = 	snop;
	(pc) =	sbr.rel @!p0 .LBB2_21-.Ltmp3, $1  }
0x25: {  	_ =	sdelay $0x3  }
.LBB2_2:
0x26: {  	_ =	swait.ge [sflag:s20], $0xA00  }
0x27: {  	[sflag:s20] =	ssyncset.done $0x0  }
0x28: {  	s28 =	sshll.u32 s25, $0x6;
	[sflag:s20] =	ssyncadd.s32 $0xFFFFF600  }
0x29: {  	s29 =	sor.u32 s5, s28;
	_ =	swait.ge [sflag:s20], $0xA000  }
0x2a: {  	p1 =	seq.s32 s25, $0x0;
	s26 =	sor.u32 $0x20, s29;
	[sflag:s20] =	ssyncset.done $0x0  }
0x2b: {  	s0 =	simm.s32 @!p1 $0x4;
	p0 =	sgt.u32 s26, $0x4E1;
	[sflag:s20] =	ssyncadd.s32 $0xFFFF6000  }
0x2c: {  	s2 =	smul.u32 @!p0 $0x140, s26;
	_ =	swait.ge @!p1 [sflag:s0], $0xA000  }
0x2d: {  	s30 =	simm.s32 @!p0 $0xA00;
	s31 =	smul.u32 @!p0 $0x500, s26;
	[sflag:s0] =	ssyncset.done @!p1 $0x0  }
0x2e: {  	[sflag:s0] =	ssyncadd.s32 @!p1 $0xFFFF6000;
	s0 =	sadd.s32 @!p0 s1, s2;
	s2 =	simm.s32 @!p0 $0x0  }
0x2f: {  	[tilespmem:s30], [sflag:$0x2] =	stream.linear.gather @!p0 [hbm4b:s0+s2], $0xA00, $0x38;
	[tilespmem:$0x15C00] =	vst v63  }
0x30: {  	s0 =	sadd.s32 @!p0 s6, s31  }
0x31: {  	s2 =	simm.s32 @!p0 $0x2800;
	s30 =	simm.s32 @!p0 $0xC35000;
	s31 =	simm.s32 @!p0 $0xBC00  }
0x32: {  	[tilespmem:s31], [sflag:$0x2] =	stream.strided.gather @!p0 [hbm4b:s0+s2], $0xA000, s30, s2, $0x38;
	[tilespmem:$0x15C00] =	vst v63  }
0x33: {  	v22 =	vld [tilespmem:$0x1400]  }
0x34: {  	v25 =	vld [tilespmem:$0x1410]  }
0x35: {  	v21 =	vld [tilespmem:$0x1420]  }
0x36: {  	v20 =	vld [tilespmem:$0x1430]  }
0x37: {  	v17 =	vld [tilespmem:$0x1440]  }
0x38: {  	v23 =	vld [tilespmem:$0x1450]  }
0x39: {  	v15 =	vld [tilespmem:$0x1460]  }
0x3a: {  	v18 =	vld [tilespmem:$0x1470]  }
0x3b: {  	v9 =	vld [tilespmem:$0x1480]  }
0x3c: {  	v16 =	vld [tilespmem:$0x1490]  }
0x3d: {  	v14 =	vld [tilespmem:$0x14A0]  }
0x3e: {  	s2 =	simm.s32 $0x0;
	v10 =	vld [tilespmem:$0x14B0]  }
0x3f: {  	v6 =	vld [tilespmem:$0x14C0];
	s14 =	sand.u32 $0x3C00, s2  }
0x40: {  	v11 =	vld [tilespmem:$0x14D0];
	s0 =	sand.u32 $0x70, s2;
	s30 =	sshrl.u32 s14, $0x2  }
0x41: {  	v4 =	vld [tilespmem:$0x14E0];
	s30 =	sor.u32 s0, s30  }
0x42: {  	v5 =	vld [tilespmem:s30+$0x0]  }
0x43: {  	v8 =	vld [tilespmem:$0x14F0]  }
0x44: {  	v1 =	vld [tilespmem:$0x1500]  }
0x45: {  	v12 =	vld [tilespmem:$0x1510]  }
0x46: {  	v2 =	vld [tilespmem:$0x1520]  }
0x47: {  	v7 =	vld [tilespmem:$0x1530];
	v32 =	vand.u32 $0xF, v5  }
0x48: {  	v0 =	vld [tilespmem:$0x1540];
	v24 =	vperm.xlane v25, v32  }
0x49: {  	v3 =	vld [tilespmem:$0x1550];
	v26 =	vperm.xlane v22, v32;
	v28 =	vperm.xlane v21, v32  }
0x4a: {  	v13 =	vld [tilespmem:$0x1570];
	s30 =	sor.u32 s0, s14;
	v29 =	vperm.xlane v23, v32;
	v30 =	vperm.xlane v20, v32  }
0x4b: {  	v27 =	vld [tilespmem:s30+$0x1C00];
	v19 =	vshra.s32 v5, $0x4;
	v31 =	vperm.xlane v15, v32;
	v33 =	vperm.xlane v18, v32  }
0x4c: {  	v35 =	vld [tilespmem:s30+$0x1D00];
	vm0 =	veq.s32 v19, $0x1;
	v36 =	vperm.xlane v10, v32;
	v37 =	vperm.xlane v11, v32  }
0x4d: {  	v5 =	vld [tilespmem:$0x1560];
	vm1 =	veq.s32 v19, $0x2;
	v48 =	vperm.xlane v12, v32;
	v39 =	vperm.xlane v1, v32  }
0x4e: {  	v38 =	vld [tilespmem:s30+$0x1D80];
	vm2 =	veq.s32 v19, $0x3;
	v40 =	vperm.xlane v2, v32;
	v41 =	vperm.xlane v7, v32  }
0x4f: {  	v49 =	vld [tilespmem:s30+$0x1E00];
	v50 =	vperm.xlane v3, v32;
	v24 =	vsel vm0, v24, v26;
	v26 =	vperm.xlane v17, v32  }
0x50: {  	v51 =	vperm.xlane v0, v32;
	v52 =	vperm.xlane v13, v32;
	v24 =	vsel vm1, v28, v24;
	v28 =	vld [tilespmem:s30+$0x1C80]  }
0x51: {  	v43 =	vld [tilespmem:s30+$0x1E80];
	v30 =	vsel vm2, v30, v24;
	v26 =	vsel vm0, v29, v26;
	v29 =	vperm.xlane v16, v32  }
0x52: {  	v19 =	vld [tilespmem:$0x1580];
	v42 =	vperm.xlane v5, v32;
	v26 =	vsel vm1, v31, v26;
	v31 =	vperm.xlane v9, v32  }
0x53: {  	v24 =	vld [tilespmem:$0x1590];
	v34 =	vmul.f32 v30, v27;
	v30 =	vperm.xlane v14, v32  }
0x54: {  	v27 =	vld [tilespmem:$0x15B0];
	v33 =	vsel vm2, v33, v26;
	v29 =	vsel vm0, v29, v31;
	v31 =	vperm.xlane v6, v32  }
0x55: {  	v26 =	vld [tilespmem:$0x15A0];
	v33 =	vmul.f32 v33, v28;
	v28 =	vsel vm1, v30, v29;
	v30 =	vperm.xlane v4, v32  }
0x56: {  	v29 =	vperm.xlane v8, v32;
	v36 =	vsel vm2, v36, v28;
	v28 =	vld [tilespmem:$0x15C0];
	v31 =	vsel vm0, v37, v31  }
0x57: {  	v53 =	vperm.xlane v19, v32;
	v37 =	vsel vm0, v48, v39;
	v31 =	vsel vm1, v30, v31;
	v30 =	vld [tilespmem:$0x15D0]  }
0x58: {  	v44 =	vperm.xlane v24, v32;
	v39 =	vsel vm0, v50, v51;
	v31 =	vsel vm2, v29, v31;
	v29 =	vld [tilespmem:$0x15E0]  }
0x59: {  	v35 =	vmul.f32 v36, v35;
	v37 =	vsel vm1, v40, v37;
	v38 =	vmul.f32 v31, v38;
	v31 =	vld [tilespmem:$0x15F0]  }
0x5a: {  	v54 =	vld [tilespmem:s30+$0x1F00];
	v39 =	vsel vm1, v42, v39;
	v55 =	vperm.xlane v27, v32;
	v37 =	vsel vm2, v41, v37  }
0x5b: {  	v56 =	vperm.xlane v26, v32;
	v39 =	vsel vm2, v52, v39;
	v36 =	vmul.f32 v37, v49;
	[tilespmem:s30+$0x1C00] =	vst v34  }
0x5c: {  	v60 =	vld [tilespmem:s30+$0x1F80];
	v57 =	vsel vm0, v44, v53;
	[tilespmem:s30+$0x1C80] =	vst v33;
	v59 =	vperm.xlane v28, v32;
	v58 =	vperm.xlane v30, v32  }
0x5d: {  	[tilespmem:s30+$0x1D00] =	vst v35;
	v61 =	vmul.f32 v39, v43;
	v33 =	vsel vm1, v56, v57;
	v62 =	vperm.xlane v29, v32  }
0x5e: {  	[tilespmem:s30+$0x1D80] =	vst v38;
	v33 =	vsel vm2, v55, v33;
	v32 =	vperm.xlane v31, v32;
	v63 =	vsel vm0, v58, v59  }
0x5f: {  	[tilespmem:s30+$0x1E00] =	vst v36;
	v33 =	vmul.f32 v33, v54;
	v34 =	vsel vm1, v62, v63  }
0x60: {  	s16 =	simm.s32 $0x80;
	[tilespmem:s30+$0x1E80] =	vst v61;
	v32 =	vsel vm2, v32, v34  }
0x61: {  	s31 =	simm.s32 $0x100;
	s2 =	sand.u32 $0x3C00, s16;
	s0 =	simm.s32 $0x10;
	[tilespmem:s30+$0x1F00] =	vst v33;
	v32 =	vmul.f32 v32, v60  }
.LBB2_3:
0x62: {  	p1 =	sne.s32 s31, $0x2780;
	s14 =	sand.u32 $0x70, s0;
	s16 =	sshrl.u32 s2, $0x2  }
0x63: {  	s16 =	sor.u32 s14, s16;
	[tilespmem:s30+$0x1F80] =	vst v32  }
0x64: {  	v32 =	vld [tilespmem:s16+$0x0];
	_ =	sdelay $0x4  }
0x65: {  	s30 =	sor.u32 s14, s2;
	v33 =	vand.u32 $0xF, v32  }
0x66: {  	v32 =	vshra.s32 v32, $0x4;
	v34 =	vperm.xlane v25, v33;
	v35 =	vperm.xlane v22, v33;
	v36 =	vld [tilespmem:s30+$0x1C00]  }
0x67: {  	vm0 =	veq.s32 v32, $0x1;
	v37 =	vperm.xlane v21, v33;
	v38 =	vperm.xlane v23, v33  }
0x68: {  	vm1 =	veq.s32 v32, $0x2;
	v39 =	vperm.xlane v20, v33;
	v34 =	vsel vm0, v34, v35  }
0x69: {  	vm2 =	veq.s32 v32, $0x3;
	v32 =	vsel vm1, v37, v34;
	v34 =	vperm.xlane v17, v33;
	v35 =	vld [tilespmem:s30+$0x1C80]  }
0x6a: {  	v37 =	vperm.xlane v18, v33;
	v32 =	vsel vm2, v39, v32;
	v39 =	vperm.xlane v15, v33  }
0x6b: {  	v32 =	vmul.f32 v32, v36;
	v34 =	vsel vm0, v38, v34;
	v36 =	vperm.xlane v16, v33  }
0x6c: {  	v38 =	vperm.xlane v14, v33;
	v34 =	vsel vm1, v39, v34;
	v39 =	vperm.xlane v9, v33;
	v40 =	vld [tilespmem:s30+$0x1D00]  }
0x6d: {  	[tilespmem:s30+$0x1C00] =	vst v32;
	v32 =	vsel vm2, v37, v34;
	v34 =	vperm.xlane v10, v33;
	v37 =	vperm.xlane v11, v33  }
0x6e: {  	v32 =	vmul.f32 v32, v35;
	v35 =	vsel vm0, v36, v39;
	v36 =	vperm.xlane v6, v33;
	v39 =	vld [tilespmem:s30+$0x1D80]  }
0x6f: {  	v41 =	vperm.xlane v4, v33;
	v35 =	vsel vm1, v38, v35;
	v38 =	vperm.xlane v8, v33  }
0x70: {  	[tilespmem:s30+$0x1C80] =	vst v32;
	v32 =	vsel vm2, v34, v35;
	v34 =	vsel vm0, v37, v36;
	v35 =	vperm.xlane v12, v33  }
0x71: {  	v36 =	vperm.xlane v1, v33;
	v32 =	vmul.f32 v32, v40;
	v34 =	vsel vm1, v41, v34;
	v37 =	vld [tilespmem:s30+$0x1E00]  }
0x72: {  	v40 =	vperm.xlane v2, v33;
	v34 =	vsel vm2, v38, v34;
	v38 =	vperm.xlane v7, v33  }
0x73: {  	[tilespmem:s30+$0x1D00] =	vst v32;
	v32 =	vmul.f32 v34, v39;
	v34 =	vsel vm0, v35, v36;
	v35 =	vperm.xlane v3, v33  }
0x74: {  	v36 =	vperm.xlane v5, v33;
	v39 =	vperm.xlane v0, v33;
	v34 =	vsel vm1, v40, v34;
	v40 =	vld [tilespmem:s30+$0x1E80]  }
0x75: {  	[tilespmem:s30+$0x1D80] =	vst v32;
	v32 =	vsel vm2, v38, v34;
	v34 =	vperm.xlane v13, v33;
	v38 =	vperm.xlane v24, v33  }
0x76: {  	v35 =	vsel vm0, v35, v39;
	v32 =	vmul.f32 v32, v37;
	v37 =	vperm.xlane v19, v33;
	v39 =	vld [tilespmem:s30+$0x1F00]  }
0x77: {  	v41 =	vperm.xlane v26, v33;
	v35 =	vsel vm1, v36, v35;
	v36 =	vperm.xlane v27, v33  }
0x78: {  	[tilespmem:s30+$0x1E00] =	vst v32;
	v32 =	vsel vm2, v34, v35;
	v34 =	vsel vm0, v38, v37;
	v35 =	vperm.xlane v30, v33  }
0x79: {  	v37 =	vperm.xlane v28, v33;
	v32 =	vmul.f32 v32, v40;
	v34 =	vsel vm1, v41, v34;
	v38 =	vld [tilespmem:s30+$0x1F80]  }
.Ltmp4:
0x7a: {  	v34 =	vsel vm2, v36, v34;
	v36 =	vperm.xlane v31, v33;
	v33 =	vperm.xlane v29, v33;
	(pc) =	sbr.rel @p1 .LBB2_3-.Ltmp4, $4  }
0x7b: {  	[tilespmem:s30+$0x1E80] =	vst v32;
	v32 =	vmul.f32 v34, v39;
	v34 =	vsel vm0, v35, v37  }
0x7c: {  	v33 =	vsel vm1, v33, v34  }
0x7d: {  	[tilespmem:s30+$0x1F00] =	vst v32;
	v32 =	vsel vm2, v36, v33  }
0x7e: {  	s0 =	sadd.s32 $0x10, s0;
	s2 =	sand.u32 $0x3C00, s31;
	s31 =	sadd.s32 $0x80, s31;
	v32 =	vmul.f32 v32, v38  }
0x7f: {  	s0 =	sand.u32 $0x70, s0;
	s14 =	sshrl.u32 s2, $0x2  }
0x80: {  	s14 =	sor.u32 s0, s14;
	[tilespmem:s30+$0x1F80] =	vst v32  }
0x81: {  	v32 =	vld [tilespmem:s14+$0x0];
	_ =	sdelay $0x4  }
0x82: {  	v33 =	vand.u32 $0xF, v32  }
0x83: {  	v25 =	vperm.xlane v25, v33  }
0x84: {  	v22 =	vperm.xlane v22, v33;
	v21 =	vperm.xlane v21, v33  }
0x85: {  	v23 =	vperm.xlane v23, v33;
	v20 =	vperm.xlane v20, v33  }
0x86: {  	v17 =	vperm.xlane v17, v33;
	v18 =	vperm.xlane v18, v33  }
0x87: {  	v15 =	vperm.xlane v15, v33;
	v16 =	vperm.xlane v16, v33  }
0x88: {  	v14 =	vperm.xlane v14, v33;
	v9 =	vperm.xlane v9, v33  }
0x89: {  	v32 =	vshra.s32 v32, $0x4;
	v10 =	vperm.xlane v10, v33;
	v11 =	vperm.xlane v11, v33  }
0x8a: {  	vm2 =	veq.s32 v32, $0x1;
	v6 =	vperm.xlane v6, v33;
	v8 =	vperm.xlane v8, v33  }
0x8b: {  	vm0 =	veq.s32 v32, $0x2;
	v4 =	vperm.xlane v4, v33;
	v1 =	vperm.xlane v1, v33  }
0x8c: {  	s0 =	sor.u32 s0, s2;
	vm1 =	veq.s32 v32, $0x3;
	v7 =	vperm.xlane v7, v33;
	v2 =	vperm.xlane v2, v33  }
0x8d: {  	v34 =	vld [tilespmem:s0+$0x1C00];
	v3 =	vperm.xlane v3, v33;
	v0 =	vperm.xlane v0, v33;
	v22 =	vsel vm2, v25, v22  }
0x8e: {  	v17 =	vsel vm2, v23, v17;
	v9 =	vsel vm2, v16, v9;
	v16 =	vld [tilespmem:s0+$0x1D80];
	v6 =	vsel vm2, v11, v6  }
0x8f: {  	v11 =	vperm.xlane v26, v33;
	v21 =	vsel vm0, v21, v22;
	v15 =	vsel vm0, v15, v17  }
0x90: {  	v22 =	vld [tilespmem:s0+$0x1C80];
	v9 =	vsel vm0, v14, v9;
	v4 =	vsel vm0, v4, v6;
	v20 =	vsel vm1, v20, v21  }
0x91: {  	v6 =	vld [tilespmem:s0+$0x1E00];
	v15 =	vsel vm1, v18, v15;
	v9 =	vsel vm1, v10, v9;
	v10 =	vperm.xlane v12, v33  }
0x92: {  	v17 =	vld [tilespmem:s0+$0x1D00];
	v4 =	vsel vm1, v8, v4;
	v12 =	vperm.xlane v28, v33;
	v20 =	vmul.f32 v20, v34  }
0x93: {  	v1 =	vsel vm2, v10, v1;
	v10 =	vperm.xlane v27, v33;
	v4 =	vmul.f32 v4, v16  }
0x94: {  	v1 =	vsel vm0, v2, v1;
	v2 =	vperm.xlane v5, v33;
	v5 =	vperm.xlane v13, v33  }
0x95: {  	v8 =	vld [tilespmem:s0+$0x1E80];
	v15 =	vmul.f32 v15, v22;
	v1 =	vsel vm1, v7, v1;
	v7 =	vperm.xlane v24, v33  }
0x96: {  	v0 =	vsel vm2, v3, v0;
	v3 =	vld [tilespmem:s0+$0x1F00];
	v1 =	vmul.f32 v1, v6;
	v6 =	vperm.xlane v19, v33  }
0x97: {  	[tilespmem:s0+$0x1C00] =	vst v20;
	v13 =	vld [tilespmem:s0+$0x1F80];
	v9 =	vmul.f32 v9, v17;
	v0 =	vsel vm0, v2, v0;
	v2 =	vperm.xlane v30, v33  }
0x98: {  	[tilespmem:s0+$0x1D80] =	vst v4;
	v0 =	vsel vm1, v5, v0;
	v5 =	vsel vm2, v7, v6;
	v6 =	vperm.xlane v29, v33  }
0x99: {  	[tilespmem:s0+$0x1C80] =	vst v15;
	v7 =	vperm.xlane v31, v33;
	v2 =	vsel vm2, v2, v12;
	v5 =	vsel vm0, v11, v5  }
0x9a: {  	[tilespmem:s0+$0x1D00] =	vst v9;
	v0 =	vmul.f32 v0, v8;
	v4 =	vsel vm1, v10, v5;
	v2 =	vsel vm0, v6, v2  }
0x9b: {  	[tilespmem:s0+$0x1E00] =	vst v1;
	v1 =	vmul.f32 v4, v3;
	v2 =	vsel vm1, v7, v2  }
0x9c: {  	[tilespmem:s0+$0x1E80] =	vst v0;
	v0 =	vmul.f32 v2, v13  }
0x9d: {  	[tilespmem:s0+$0x1F00] =	vst v1  }
0x9e: {  	[tilespmem:s0+$0x1F80] =	vst v0  }
0x9f: {  	v29 =	vld [tilespmem:$0x1600]  }
0xa0: {  	v31 =	vld [tilespmem:$0x1610]  }
0xa1: {  	v28 =	vld [tilespmem:$0x1620]  }
0xa2: {  	v27 =	vld [tilespmem:$0x1630]  }
0xa3: {  	v25 =	vld [tilespmem:$0x1640]  }
0xa4: {  	v30 =	vld [tilespmem:$0x1650]  }
0xa5: {  	v23 =	vld [tilespmem:$0x1660]  }
0xa6: {  	v26 =	vld [tilespmem:$0x1670]  }
0xa7: {  	v19 =	vld [tilespmem:$0x1680]  }
0xa8: {  	v24 =	vld [tilespmem:$0x1690]  }
0xa9: {  	s14 =	simm.s32 $0x0;
	v22 =	vld [tilespmem:$0x16A0]  }
0xaa: {  	s2 =	sand.u32 $0x3C00, s14;
	v20 =	vld [tilespmem:$0x16B0]  }
0xab: {  	s16 =	sshrl.u32 s2, $0x2;
	s0 =	sand.u32 $0x70, s14;
	v15 =	vld [tilespmem:$0x16C0]  }
0xac: {  	v21 =	vld [tilespmem:$0x16D0];
	s14 =	sor.u32 s0, s16  }
0xad: {  	v8 =	vld [tilespmem:s14+$0x0]  }
0xae: {  	v12 =	vld [tilespmem:$0x16E0]  }
0xaf: {  	v16 =	vld [tilespmem:$0x16F0]  }
0xb0: {  	v5 =	vld [tilespmem:$0x1700]  }
0xb1: {  	v13 =	vld [tilespmem:$0x1710]  }
0xb2: {  	v2 =	vld [tilespmem:$0x1720];
	v32 =	vand.u32 $0xF, v8  }
0xb3: {  	v6 =	vld [tilespmem:$0x1730];
	v18 =	vperm.xlane v31, v32  }
0xb4: {  	v0 =	vld [tilespmem:$0x1740];
	v51 =	vperm.xlane v29, v32;
	v35 =	vperm.xlane v28, v32  }
0xb5: {  	v7 =	vld [tilespmem:$0x1750];
	v36 =	vperm.xlane v30, v32;
	v37 =	vperm.xlane v27, v32  }
0xb6: {  	v9 =	vld [tilespmem:$0x1760];
	v53 =	vperm.xlane v25, v32;
	v38 =	vperm.xlane v26, v32  }
0xb7: {  	v10 =	vld [tilespmem:$0x1770];
	v39 =	vperm.xlane v23, v32;
	v55 =	vperm.xlane v24, v32  }
0xb8: {  	v3 =	vld [tilespmem:$0x1780];
	v56 =	vperm.xlane v22, v32;
	v57 =	vperm.xlane v19, v32  }
0xb9: {  	v11 =	vld [tilespmem:$0x1790];
	v58 =	vperm.xlane v20, v32;
	v59 =	vperm.xlane v21, v32  }
0xba: {  	v1 =	vld [tilespmem:$0x17A0];
	v17 =	vshra.s32 v8, $0x4;
	v61 =	vperm.xlane v15, v32;
	v63 =	vperm.xlane v12, v32  }
0xbb: {  	v4 =	vld [tilespmem:$0x17B0];
	vm13 =	veq.s32 v17, $0x1;
	v41 =	vperm.xlane v16, v32;
	v44 =	vperm.xlane v13, v32  }
0xbc: {  	s30 =	sor.u32 s0, s2;
	v14 =	vld [tilespmem:$0x17D0];
	vm14 =	veq.s32 v17, $0x2;
	v45 =	vperm.xlane v5, v32;
	v47 =	vperm.xlane v2, v32  }
0xbd: {  	v52 =	vld [tilespmem:s30+$0x4400];
	vm15 =	veq.s32 v17, $0x3;
	v48 =	vperm.xlane v6, v32;
	v49 =	vperm.xlane v7, v32  }
0xbe: {  	v54 =	vld [tilespmem:s30+$0x4480];
	v50 =	vperm.xlane v0, v32;
	v18 =	vsel vm13, v18, v51;
	v33 =	vsel vm13, v36, v53  }
0xbf: {  	v8 =	vld [tilespmem:$0x17C0];
	v60 =	vsel vm13, v55, v57;
	v43 =	vsel vm13, v59, v61;
	v51 =	vperm.xlane v9, v32  }
0xc0: {  	v40 =	vld [tilespmem:s30+$0x4500];
	v53 =	vperm.xlane v10, v32;
	v55 =	vperm.xlane v3, v32;
	v18 =	vsel vm14, v35, v18  }
0xc1: {  	v62 =	vld [tilespmem:s30+$0x4580];
	v57 =	vperm.xlane v4, v32;
	v33 =	vsel vm14, v39, v33;
	v37 =	vsel vm15, v37, v18  }
0xc2: {  	v46 =	vld [tilespmem:s30+$0x4600];
	v35 =	vsel vm14, v56, v60;
	v33 =	vsel vm15, v38, v33;
	v34 =	vmul.f32 v37, v52  }
0xc3: {  	v17 =	vld [tilespmem:$0x17E0];
	v60 =	vperm.xlane v14, v32;
	v42 =	vsel vm15, v58, v35;
	v33 =	vmul.f32 v33, v54  }
0xc4: {  	v18 =	vld [tilespmem:$0x17F0];
	v35 =	vsel vm13, v44, v45;
	v58 =	vperm.xlane v1, v32;
	v61 =	vperm.xlane v8, v32;
	[tilespmem:s30+$0x4400] =	vst v34  }
0xc5: {  	v35 =	vsel vm14, v47, v35;
	v52 =	vld [tilespmem:s30+$0x4680];
	[tilespmem:s30+$0x4480] =	vst v33;
	v34 =	vsel vm14, v63, v43;
	v33 =	vmul.f32 v42, v40  }
0xc6: {  	v56 =	vld [tilespmem:s30+$0x4700];
	v54 =	vperm.xlane v11, v32;
	v35 =	vsel vm15, v48, v35;
	v34 =	vsel vm15, v41, v34  }
0xc7: {  	v35 =	vmul.f32 v35, v46;
	v34 =	vmul.f32 v34, v62;
	[tilespmem:s30+$0x4500] =	vst v33;
	v33 =	vsel vm13, v49, v50  }
0xc8: {  	v59 =	vsel vm13, v54, v55;
	v63 =	vperm.xlane v17, v32;
	v62 =	vld [tilespmem:s30+$0x4780];
	v33 =	vsel vm14, v51, v33  }
0xc9: {  	v32 =	vperm.xlane v18, v32;
	[tilespmem:s30+$0x4580] =	vst v34;
	v33 =	vsel vm15, v53, v33;
	v34 =	vsel vm14, v58, v59  }
0xca: {  	[tilespmem:s30+$0x4600] =	vst v35;
	v35 =	vsel vm13, v60, v61;
	v33 =	vmul.f32 v33, v52;
	v34 =	vsel vm15, v57, v34  }
0xcb: {  	v35 =	vsel vm14, v63, v35;
	v34 =	vmul.f32 v34, v56  }
0xcc: {  	s16 =	simm.s32 $0x80;
	v32 =	vsel vm15, v32, v35;
	[tilespmem:s30+$0x4680] =	vst v33  }
0xcd: {  	s31 =	simm.s32 $0x100;
	s0 =	simm.s32 $0x10;
	s2 =	sand.u32 $0x3C00, s16;
	v32 =	vmul.f32 v32, v62;
	[tilespmem:s30+$0x4700] =	vst v34  }
.LBB2_5:
0xce: {  	p1 =	sne.s32 s31, $0x2780;
	s14 =	sand.u32 $0x70, s0;
	s16 =	sshrl.u32 s2, $0x2  }
0xcf: {  	s16 =	sor.u32 s14, s16;
	[tilespmem:s30+$0x4780] =	vst v32  }
0xd0: {  	v32 =	vld [tilespmem:s16+$0x0];
	_ =	sdelay $0x4  }
0xd1: {  	s30 =	sor.u32 s14, s2;
	v33 =	vand.u32 $0xF, v32  }
0xd2: {  	v32 =	vshra.s32 v32, $0x4;
	v34 =	vperm.xlane v31, v33;
	v35 =	vperm.xlane v29, v33;
	v36 =	vld [tilespmem:s30+$0x4400]  }
0xd3: {  	vm0 =	veq.s32 v32, $0x1;
	v37 =	vperm.xlane v28, v33;
	v38 =	vperm.xlane v30, v33  }
0xd4: {  	vm1 =	veq.s32 v32, $0x2;
	v39 =	vperm.xlane v27, v33;
	v34 =	vsel vm0, v34, v35  }
0xd5: {  	vm2 =	veq.s32 v32, $0x3;
	v32 =	vsel vm1, v37, v34;
	v34 =	vperm.xlane v25, v33;
	v35 =	vld [tilespmem:s30+$0x4480]  }
0xd6: {  	v37 =	vperm.xlane v26, v33;
	v32 =	vsel vm2, v39, v32;
	v39 =	vperm.xlane v23, v33  }
0xd7: {  	v32 =	vmul.f32 v32, v36;
	v34 =	vsel vm0, v38, v34;
	v36 =	vperm.xlane v24, v33  }
0xd8: {  	v38 =	vperm.xlane v22, v33;
	v34 =	vsel vm1, v39, v34;
	v39 =	vperm.xlane v19, v33;
	v40 =	vld [tilespmem:s30+$0x4500]  }
0xd9: {  	[tilespmem:s30+$0x4400] =	vst v32;
	v32 =	vsel vm2, v37, v34;
	v34 =	vperm.xlane v20, v33;
	v37 =	vperm.xlane v21, v33  }
0xda: {  	v32 =	vmul.f32 v32, v35;
	v35 =	vsel vm0, v36, v39;
	v36 =	vperm.xlane v15, v33;
	v39 =	vld [tilespmem:s30+$0x4580]  }
0xdb: {  	v41 =	vperm.xlane v12, v33;
	v35 =	vsel vm1, v38, v35;
	v38 =	vperm.xlane v16, v33  }
0xdc: {  	[tilespmem:s30+$0x4480] =	vst v32;
	v32 =	vsel vm2, v34, v35;
	v34 =	vsel vm0, v37, v36;
	v35 =	vperm.xlane v13, v33  }
0xdd: {  	v36 =	vperm.xlane v5, v33;
	v32 =	vmul.f32 v32, v40;
	v34 =	vsel vm1, v41, v34;
	v37 =	vld [tilespmem:s30+$0x4600]  }
0xde: {  	v40 =	vperm.xlane v2, v33;
	v34 =	vsel vm2, v38, v34;
	v38 =	vperm.xlane v6, v33  }
0xdf: {  	[tilespmem:s30+$0x4500] =	vst v32;
	v32 =	vmul.f32 v34, v39;
	v34 =	vsel vm0, v35, v36;
	v35 =	vperm.xlane v7, v33  }
0xe0: {  	v36 =	vperm.xlane v9, v33;
	v39 =	vperm.xlane v0, v33;
	v34 =	vsel vm1, v40, v34;
	v40 =	vld [tilespmem:s30+$0x4680]  }
0xe1: {  	[tilespmem:s30+$0x4580] =	vst v32;
	v32 =	vsel vm2, v38, v34;
	v34 =	vperm.xlane v10, v33;
	v38 =	vperm.xlane v11, v33  }
0xe2: {  	v35 =	vsel vm0, v35, v39;
	v32 =	vmul.f32 v32, v37;
	v37 =	vperm.xlane v3, v33;
	v39 =	vld [tilespmem:s30+$0x4700]  }
0xe3: {  	v41 =	vperm.xlane v1, v33;
	v35 =	vsel vm1, v36, v35;
	v36 =	vperm.xlane v4, v33  }
0xe4: {  	[tilespmem:s30+$0x4600] =	vst v32;
	v32 =	vsel vm2, v34, v35;
	v34 =	vsel vm0, v38, v37;
	v35 =	vperm.xlane v14, v33  }
0xe5: {  	v37 =	vperm.xlane v8, v33;
	v32 =	vmul.f32 v32, v40;
	v34 =	vsel vm1, v41, v34;
	v38 =	vld [tilespmem:s30+$0x4780]  }
.Ltmp5:
0xe6: {  	v34 =	vsel vm2, v36, v34;
	v36 =	vperm.xlane v18, v33;
	v33 =	vperm.xlane v17, v33;
	(pc) =	sbr.rel @p1 .LBB2_5-.Ltmp5, $4  }
0xe7: {  	[tilespmem:s30+$0x4680] =	vst v32;
	v32 =	vmul.f32 v34, v39;
	v34 =	vsel vm0, v35, v37  }
0xe8: {  	v33 =	vsel vm1, v33, v34  }
0xe9: {  	[tilespmem:s30+$0x4700] =	vst v32;
	v32 =	vsel vm2, v36, v33  }
0xea: {  	s0 =	sadd.s32 $0x10, s0;
	s2 =	sand.u32 $0x3C00, s31;
	s31 =	sadd.s32 $0x80, s31;
	v32 =	vmul.f32 v32, v38  }
0xeb: {  	s0 =	sand.u32 $0x70, s0;
	s14 =	sshrl.u32 s2, $0x2  }
0xec: {  	s14 =	sor.u32 s0, s14;
	[tilespmem:s30+$0x4780] =	vst v32  }
0xed: {  	v32 =	vld [tilespmem:s14+$0x0];
	_ =	sdelay $0x4  }
0xee: {  	v33 =	vand.u32 $0xF, v32  }
0xef: {  	v31 =	vperm.xlane v31, v33  }
0xf0: {  	v29 =	vperm.xlane v29, v33;
	v28 =	vperm.xlane v28, v33  }
0xf1: {  	v30 =	vperm.xlane v30, v33;
	v27 =	vperm.xlane v27, v33  }
0xf2: {  	v25 =	vperm.xlane v25, v33;
	v26 =	vperm.xlane v26, v33  }
0xf3: {  	v23 =	vperm.xlane v23, v33;
	v24 =	vperm.xlane v24, v33  }
0xf4: {  	v22 =	vperm.xlane v22, v33;
	v19 =	vperm.xlane v19, v33  }
0xf5: {  	v20 =	vperm.xlane v20, v33;
	v21 =	vperm.xlane v21, v33  }
0xf6: {  	v15 =	vperm.xlane v15, v33;
	v16 =	vperm.xlane v16, v33  }
0xf7: {  	v12 =	vperm.xlane v12, v33;
	v13 =	vperm.xlane v13, v33  }
0xf8: {  	v32 =	vshra.s32 v32, $0x4;
	v5 =	vperm.xlane v5, v33;
	v6 =	vperm.xlane v6, v33  }
0xf9: {  	vm2 =	veq.s32 v32, $0x1;
	v2 =	vperm.xlane v2, v33;
	v7 =	vperm.xlane v7, v33  }
0xfa: {  	vm0 =	veq.s32 v32, $0x2;
	v0 =	vperm.xlane v0, v33;
	v3 =	vperm.xlane v3, v33  }
0xfb: {  	vm1 =	veq.s32 v32, $0x3;
	v4 =	vperm.xlane v4, v33;
	v1 =	vperm.xlane v1, v33  }
0xfc: {  	s0 =	sor.u32 s0, s2;
	v8 =	vperm.xlane v8, v33;
	v29 =	vsel vm2, v31, v29;
	v25 =	vsel vm2, v30, v25  }
0xfd: {  	v34 =	vld [tilespmem:s0+$0x4400];
	v19 =	vsel vm2, v24, v19;
	v15 =	vsel vm2, v21, v15;
	v5 =	vsel vm2, v13, v5  }
0xfe: {  	v24 =	vld [tilespmem:s0+$0x4580];
	v0 =	vsel vm2, v7, v0;
	v28 =	vsel vm0, v28, v29;
	v23 =	vsel vm0, v23, v25  }
0xff: {  	v29 =	vld [tilespmem:s0+$0x4480];
	v19 =	vsel vm0, v22, v19;
	v12 =	vsel vm0, v12, v15;
	v2 =	vsel vm0, v2, v5  }
0x100: {  	v25 =	vld [tilespmem:s0+$0x4500];
	v5 =	vperm.xlane v9, v33;
	v9 =	vperm.xlane v11, v33;
	v27 =	vsel vm1, v27, v28  }
0x101: {  	v15 =	vld [tilespmem:s0+$0x4600];
	v23 =	vsel vm1, v26, v23;
	v19 =	vsel vm1, v20, v19;
	v12 =	vsel vm1, v16, v12  }
0x102: {  	v2 =	vsel vm1, v6, v2;
	v6 =	vperm.xlane v10, v33;
	v10 =	vld [tilespmem:s0+$0x4680];
	v27 =	vmul.f32 v27, v34  }
0x103: {  	v7 =	vld [tilespmem:s0+$0x4700];
	v0 =	vsel vm0, v5, v0;
	v5 =	vperm.xlane v14, v33;
	v12 =	vmul.f32 v12, v24  }
0x104: {  	v11 =	vld [tilespmem:s0+$0x4780];
	v3 =	vsel vm2, v9, v3;
	v0 =	vsel vm1, v6, v0;
	[tilespmem:s0+$0x4400] =	vst v27;
	v23 =	vmul.f32 v23, v29  }
0x105: {  	v6 =	vperm.xlane v17, v33;
	v1 =	vsel vm0, v1, v3;
	v19 =	vmul.f32 v19, v25;
	[tilespmem:s0+$0x4580] =	vst v12  }
0x106: {  	v3 =	vperm.xlane v18, v33;
	v5 =	vsel vm2, v5, v8;
	v2 =	vmul.f32 v2, v15;
	[tilespmem:s0+$0x4480] =	vst v23  }
0x107: {  	v1 =	vsel vm1, v4, v1;
	v4 =	vsel vm0, v6, v5;
	v0 =	vmul.f32 v0, v10;
	[tilespmem:s0+$0x4500] =	vst v19  }
0x108: {  	v1 =	vmul.f32 v1, v7;
	[tilespmem:s0+$0x4600] =	vst v2;
	v2 =	vsel vm1, v3, v4  }
0x109: {  	[tilespmem:s0+$0x4680] =	vst v0;
	v0 =	vmul.f32 v2, v11  }
0x10a: {  	[tilespmem:s0+$0x4700] =	vst v1  }
0x10b: {  	[tilespmem:s0+$0x4780] =	vst v0  }
0x10c: {  	v29 =	vld [tilespmem:$0x1800]  }
0x10d: {  	v31 =	vld [tilespmem:$0x1810]  }
0x10e: {  	v28 =	vld [tilespmem:$0x1820]  }
0x10f: {  	v27 =	vld [tilespmem:$0x1830]  }
0x110: {  	v25 =	vld [tilespmem:$0x1840]  }
0x111: {  	v30 =	vld [tilespmem:$0x1850]  }
0x112: {  	v23 =	vld [tilespmem:$0x1860]  }
0x113: {  	v26 =	vld [tilespmem:$0x1870]  }
0x114: {  	v19 =	vld [tilespmem:$0x1880]  }
0x115: {  	v24 =	vld [tilespmem:$0x1890]  }
0x116: {  	s14 =	simm.s32 $0x0;
	v22 =	vld [tilespmem:$0x18A0]  }
0x117: {  	s2 =	sand.u32 $0x3C00, s14;
	v20 =	vld [tilespmem:$0x18B0]  }
0x118: {  	s16 =	sshrl.u32 s2, $0x2;
	s0 =	sand.u32 $0x70, s14;
	v15 =	vld [tilespmem:$0x18C0]  }
0x119: {  	v21 =	vld [tilespmem:$0x18D0];
	s14 =	sor.u32 s0, s16  }
0x11a: {  	v8 =	vld [tilespmem:s14+$0x80]  }
0x11b: {  	v12 =	vld [tilespmem:$0x18E0]  }
0x11c: {  	v16 =	vld [tilespmem:$0x18F0]  }
0x11d: {  	v5 =	vld [tilespmem:$0x1900]  }
0x11e: {  	v13 =	vld [tilespmem:$0x1910]  }
0x11f: {  	v2 =	vld [tilespmem:$0x1920];
	v32 =	vand.u32 $0xF, v8  }
0x120: {  	v6 =	vld [tilespmem:$0x1930];
	v18 =	vperm.xlane v31, v32  }
0x121: {  	v0 =	vld [tilespmem:$0x1940];
	v51 =	vperm.xlane v29, v32;
	v35 =	vperm.xlane v28, v32  }
0x122: {  	v7 =	vld [tilespmem:$0x1950];
	v36 =	vperm.xlane v30, v32;
	v37 =	vperm.xlane v27, v32  }
0x123: {  	v9 =	vld [tilespmem:$0x1960];
	v53 =	vperm.xlane v25, v32;
	v38 =	vperm.xlane v26, v32  }
0x124: {  	v10 =	vld [tilespmem:$0x1970];
	v39 =	vperm.xlane v23, v32;
	v55 =	vperm.xlane v24, v32  }
0x125: {  	v3 =	vld [tilespmem:$0x1980];
	v56 =	vperm.xlane v22, v32;
	v57 =	vperm.xlane v19, v32  }
0x126: {  	v11 =	vld [tilespmem:$0x1990];
	v58 =	vperm.xlane v20, v32;
	v59 =	vperm.xlane v21, v32  }
0x127: {  	v1 =	vld [tilespmem:$0x19A0];
	v17 =	vshra.s32 v8, $0x4;
	v61 =	vperm.xlane v15, v32;
	v63 =	vperm.xlane v12, v32  }
0x128: {  	v4 =	vld [tilespmem:$0x19B0];
	vm13 =	veq.s32 v17, $0x1;
	v41 =	vperm.xlane v16, v32;
	v44 =	vperm.xlane v13, v32  }
0x129: {  	s30 =	sor.u32 s0, s2;
	v14 =	vld [tilespmem:$0x19D0];
	vm14 =	veq.s32 v17, $0x2;
	v45 =	vperm.xlane v5, v32;
	v47 =	vperm.xlane v2, v32  }
0x12a: {  	v52 =	vld [tilespmem:s30+$0x6C00];
	vm15 =	veq.s32 v17, $0x3;
	v48 =	vperm.xlane v6, v32;
	v49 =	vperm.xlane v7, v32  }
0x12b: {  	v54 =	vld [tilespmem:s30+$0x6C80];
	v50 =	vperm.xlane v0, v32;
	v18 =	vsel vm13, v18, v51;
	v33 =	vsel vm13, v36, v53  }
0x12c: {  	v8 =	vld [tilespmem:$0x19C0];
	v60 =	vsel vm13, v55, v57;
	v43 =	vsel vm13, v59, v61;
	v51 =	vperm.xlane v9, v32  }
0x12d: {  	v40 =	vld [tilespmem:s30+$0x6D00];
	v53 =	vperm.xlane v10, v32;
	v55 =	vperm.xlane v3, v32;
	v18 =	vsel vm14, v35, v18  }
0x12e: {  	v62 =	vld [tilespmem:s30+$0x6D80];
	v57 =	vperm.xlane v4, v32;
	v33 =	vsel vm14, v39, v33;
	v37 =	vsel vm15, v37, v18  }
0x12f: {  	v46 =	vld [tilespmem:s30+$0x6E00];
	v35 =	vsel vm14, v56, v60;
	v33 =	vsel vm15, v38, v33;
	v34 =	vmul.f32 v37, v52  }
0x130: {  	v17 =	vld [tilespmem:$0x19E0];
	v60 =	vperm.xlane v14, v32;
	v42 =	vsel vm15, v58, v35;
	v33 =	vmul.f32 v33, v54  }
0x131: {  	v18 =	vld [tilespmem:$0x19F0];
	v35 =	vsel vm13, v44, v45;
	v58 =	vperm.xlane v1, v32;
	v61 =	vperm.xlane v8, v32;
	[tilespmem:s30+$0x6C00] =	vst v34  }
0x132: {  	v35 =	vsel vm14, v47, v35;
	v52 =	vld [tilespmem:s30+$0x6E80];
	[tilespmem:s30+$0x6C80] =	vst v33;
	v34 =	vsel vm14, v63, v43;
	v33 =	vmul.f32 v42, v40  }
0x133: {  	v56 =	vld [tilespmem:s30+$0x6F00];
	v54 =	vperm.xlane v11, v32;
	v35 =	vsel vm15, v48, v35;
	v34 =	vsel vm15, v41, v34  }
0x134: {  	v35 =	vmul.f32 v35, v46;
	v34 =	vmul.f32 v34, v62;
	[tilespmem:s30+$0x6D00] =	vst v33;
	v33 =	vsel vm13, v49, v50  }
0x135: {  	v59 =	vsel vm13, v54, v55;
	v63 =	vperm.xlane v17, v32;
	v62 =	vld [tilespmem:s30+$0x6F80];
	v33 =	vsel vm14, v51, v33  }
0x136: {  	v32 =	vperm.xlane v18, v32;
	[tilespmem:s30+$0x6D80] =	vst v34;
	v33 =	vsel vm15, v53, v33;
	v34 =	vsel vm14, v58, v59  }
0x137: {  	[tilespmem:s30+$0x6E00] =	vst v35;
	v35 =	vsel vm13, v60, v61;
	v33 =	vmul.f32 v33, v52;
	v34 =	vsel vm15, v57, v34  }
0x138: {  	v35 =	vsel vm14, v63, v35;
	v34 =	vmul.f32 v34, v56  }
0x139: {  	s16 =	simm.s32 $0x80;
	v32 =	vsel vm15, v32, v35;
	[tilespmem:s30+$0x6E80] =	vst v33  }
0x13a: {  	s31 =	simm.s32 $0x100;
	s0 =	simm.s32 $0x10;
	s2 =	sand.u32 $0x3C00, s16;
	v32 =	vmul.f32 v32, v62;
	[tilespmem:s30+$0x6F00] =	vst v34  }
.LBB2_7:
0x13b: {  	p1 =	sne.s32 s31, $0x2780;
	s14 =	sand.u32 $0x70, s0;
	s16 =	sshrl.u32 s2, $0x2  }
0x13c: {  	s16 =	sor.u32 s14, s16;
	[tilespmem:s30+$0x6F80] =	vst v32  }
0x13d: {  	v32 =	vld [tilespmem:s16+$0x80];
	_ =	sdelay $0x4  }
0x13e: {  	s30 =	sor.u32 s14, s2;
	v33 =	vand.u32 $0xF, v32  }
0x13f: {  	v32 =	vshra.s32 v32, $0x4;
	v34 =	vperm.xlane v31, v33;
	v35 =	vperm.xlane v29, v33;
	v36 =	vld [tilespmem:s30+$0x6C00]  }
0x140: {  	vm0 =	veq.s32 v32, $0x1;
	v37 =	vperm.xlane v28, v33;
	v38 =	vperm.xlane v30, v33  }
0x141: {  	vm1 =	veq.s32 v32, $0x2;
	v39 =	vperm.xlane v27, v33;
	v34 =	vsel vm0, v34, v35  }
0x142: {  	vm2 =	veq.s32 v32, $0x3;
	v32 =	vsel vm1, v37, v34;
	v34 =	vperm.xlane v25, v33;
	v35 =	vld [tilespmem:s30+$0x6C80]  }
0x143: {  	v37 =	vperm.xlane v26, v33;
	v32 =	vsel vm2, v39, v32;
	v39 =	vperm.xlane v23, v33  }
0x144: {  	v32 =	vmul.f32 v32, v36;
	v34 =	vsel vm0, v38, v34;
	v36 =	vperm.xlane v24, v33  }
0x145: {  	v38 =	vperm.xlane v22, v33;
	v34 =	vsel vm1, v39, v34;
	v39 =	vperm.xlane v19, v33;
	v40 =	vld [tilespmem:s30+$0x6D00]  }
0x146: {  	[tilespmem:s30+$0x6C00] =	vst v32;
	v32 =	vsel vm2, v37, v34;
	v34 =	vperm.xlane v20, v33;
	v37 =	vperm.xlane v21, v33  }
0x147: {  	v32 =	vmul.f32 v32, v35;
	v35 =	vsel vm0, v36, v39;
	v36 =	vperm.xlane v15, v33;
	v39 =	vld [tilespmem:s30+$0x6D80]  }
0x148: {  	v41 =	vperm.xlane v12, v33;
	v35 =	vsel vm1, v38, v35;
	v38 =	vperm.xlane v16, v33  }
0x149: {  	[tilespmem:s30+$0x6C80] =	vst v32;
	v32 =	vsel vm2, v34, v35;
	v34 =	vsel vm0, v37, v36;
	v35 =	vperm.xlane v13, v33  }
0x14a: {  	v36 =	vperm.xlane v5, v33;
	v32 =	vmul.f32 v32, v40;
	v34 =	vsel vm1, v41, v34;
	v37 =	vld [tilespmem:s30+$0x6E00]  }
0x14b: {  	v40 =	vperm.xlane v2, v33;
	v34 =	vsel vm2, v38, v34;
	v38 =	vperm.xlane v6, v33  }
0x14c: {  	[tilespmem:s30+$0x6D00] =	vst v32;
	v32 =	vmul.f32 v34, v39;
	v34 =	vsel vm0, v35, v36;
	v35 =	vperm.xlane v7, v33  }
0x14d: {  	v36 =	vperm.xlane v9, v33;
	v39 =	vperm.xlane v0, v33;
	v34 =	vsel vm1, v40, v34;
	v40 =	vld [tilespmem:s30+$0x6E80]  }
0x14e: {  	[tilespmem:s30+$0x6D80] =	vst v32;
	v32 =	vsel vm2, v38, v34;
	v34 =	vperm.xlane v10, v33;
	v38 =	vperm.xlane v11, v33  }
0x14f: {  	v35 =	vsel vm0, v35, v39;
	v32 =	vmul.f32 v32, v37;
	v37 =	vperm.xlane v3, v33;
	v39 =	vld [tilespmem:s30+$0x6F00]  }
0x150: {  	v41 =	vperm.xlane v1, v33;
	v35 =	vsel vm1, v36, v35;
	v36 =	vperm.xlane v4, v33  }
0x151: {  	[tilespmem:s30+$0x6E00] =	vst v32;
	v32 =	vsel vm2, v34, v35;
	v34 =	vsel vm0, v38, v37;
	v35 =	vperm.xlane v14, v33  }
0x152: {  	v37 =	vperm.xlane v8, v33;
	v32 =	vmul.f32 v32, v40;
	v34 =	vsel vm1, v41, v34;
	v38 =	vld [tilespmem:s30+$0x6F80]  }
.Ltmp6:
0x153: {  	v34 =	vsel vm2, v36, v34;
	v36 =	vperm.xlane v18, v33;
	v33 =	vperm.xlane v17, v33;
	(pc) =	sbr.rel @p1 .LBB2_7-.Ltmp6, $4  }
0x154: {  	[tilespmem:s30+$0x6E80] =	vst v32;
	v32 =	vmul.f32 v34, v39;
	v34 =	vsel vm0, v35, v37  }
0x155: {  	v33 =	vsel vm1, v33, v34  }
0x156: {  	[tilespmem:s30+$0x6F00] =	vst v32;
	v32 =	vsel vm2, v36, v33  }
0x157: {  	s0 =	sadd.s32 $0x10, s0;
	s2 =	sand.u32 $0x3C00, s31;
	s31 =	sadd.s32 $0x80, s31;
	v32 =	vmul.f32 v32, v38  }
0x158: {  	s0 =	sand.u32 $0x70, s0;
	s14 =	sshrl.u32 s2, $0x2  }
0x159: {  	s14 =	sor.u32 s0, s14;
	[tilespmem:s30+$0x6F80] =	vst v32  }
0x15a: {  	v32 =	vld [tilespmem:s14+$0x80];
	_ =	sdelay $0x4  }
0x15b: {  	v33 =	vand.u32 $0xF, v32  }
0x15c: {  	v31 =	vperm.xlane v31, v33  }
0x15d: {  	v29 =	vperm.xlane v29, v33;
	v28 =	vperm.xlane v28, v33  }
0x15e: {  	v30 =	vperm.xlane v30, v33;
	v27 =	vperm.xlane v27, v33  }
0x15f: {  	v25 =	vperm.xlane v25, v33;
	v26 =	vperm.xlane v26, v33  }
0x160: {  	v23 =	vperm.xlane v23, v33;
	v24 =	vperm.xlane v24, v33  }
0x161: {  	v22 =	vperm.xlane v22, v33;
	v19 =	vperm.xlane v19, v33  }
0x162: {  	v20 =	vperm.xlane v20, v33;
	v21 =	vperm.xlane v21, v33  }
0x163: {  	v15 =	vperm.xlane v15, v33;
	v16 =	vperm.xlane v16, v33  }
0x164: {  	v12 =	vperm.xlane v12, v33;
	v13 =	vperm.xlane v13, v33  }
0x165: {  	v32 =	vshra.s32 v32, $0x4;
	v5 =	vperm.xlane v5, v33;
	v6 =	vperm.xlane v6, v33  }
0x166: {  	vm2 =	veq.s32 v32, $0x1;
	v2 =	vperm.xlane v2, v33;
	v7 =	vperm.xlane v7, v33  }
0x167: {  	vm0 =	veq.s32 v32, $0x2;
	v0 =	vperm.xlane v0, v33;
	v3 =	vperm.xlane v3, v33  }
0x168: {  	vm1 =	veq.s32 v32, $0x3;
	v4 =	vperm.xlane v4, v33;
	v1 =	vperm.xlane v1, v33  }
0x169: {  	s0 =	sor.u32 s0, s2;
	v8 =	vperm.xlane v8, v33;
	v29 =	vsel vm2, v31, v29;
	v25 =	vsel vm2, v30, v25  }
0x16a: {  	v34 =	vld [tilespmem:s0+$0x6C00];
	v19 =	vsel vm2, v24, v19;
	v15 =	vsel vm2, v21, v15;
	v5 =	vsel vm2, v13, v5  }
0x16b: {  	v24 =	vld [tilespmem:s0+$0x6D80];
	v0 =	vsel vm2, v7, v0;
	v28 =	vsel vm0, v28, v29;
	v23 =	vsel vm0, v23, v25  }
0x16c: {  	v29 =	vld [tilespmem:s0+$0x6C80];
	v19 =	vsel vm0, v22, v19;
	v12 =	vsel vm0, v12, v15;
	v2 =	vsel vm0, v2, v5  }
0x16d: {  	v25 =	vld [tilespmem:s0+$0x6D00];
	v5 =	vperm.xlane v9, v33;
	v9 =	vperm.xlane v11, v33;
	v27 =	vsel vm1, v27, v28  }
0x16e: {  	v15 =	vld [tilespmem:s0+$0x6E00];
	v23 =	vsel vm1, v26, v23;
	v19 =	vsel vm1, v20, v19;
	v12 =	vsel vm1, v16, v12  }
0x16f: {  	v2 =	vsel vm1, v6, v2;
	v6 =	vperm.xlane v10, v33;
	v10 =	vld [tilespmem:s0+$0x6E80];
	v27 =	vmul.f32 v27, v34  }
0x170: {  	v7 =	vld [tilespmem:s0+$0x6F00];
	v0 =	vsel vm0, v5, v0;
	v5 =	vperm.xlane v14, v33;
	v12 =	vmul.f32 v12, v24  }
0x171: {  	v11 =	vld [tilespmem:s0+$0x6F80];
	v3 =	vsel vm2, v9, v3;
	v0 =	vsel vm1, v6, v0;
	[tilespmem:s0+$0x6C00] =	vst v27;
	v23 =	vmul.f32 v23, v29  }
0x172: {  	v6 =	vperm.xlane v17, v33;
	v1 =	vsel vm0, v1, v3;
	v19 =	vmul.f32 v19, v25;
	[tilespmem:s0+$0x6D80] =	vst v12  }
0x173: {  	v3 =	vperm.xlane v18, v33;
	v5 =	vsel vm2, v5, v8;
	v2 =	vmul.f32 v2, v15;
	[tilespmem:s0+$0x6C80] =	vst v23  }
0x174: {  	v1 =	vsel vm1, v4, v1;
	v4 =	vsel vm0, v6, v5;
	v0 =	vmul.f32 v0, v10;
	[tilespmem:s0+$0x6D00] =	vst v19  }
0x175: {  	v1 =	vmul.f32 v1, v7;
	[tilespmem:s0+$0x6E00] =	vst v2;
	v2 =	vsel vm1, v3, v4  }
0x176: {  	[tilespmem:s0+$0x6E80] =	vst v0;
	v0 =	vmul.f32 v2, v11  }
0x177: {  	[tilespmem:s0+$0x6F00] =	vst v1  }
0x178: {  	[tilespmem:s0+$0x6F80] =	vst v0  }
0x179: {  	v29 =	vld [tilespmem:$0x1A00]  }
0x17a: {  	v31 =	vld [tilespmem:$0x1A10]  }
0x17b: {  	v28 =	vld [tilespmem:$0x1A20]  }
0x17c: {  	v27 =	vld [tilespmem:$0x1A30]  }
0x17d: {  	v25 =	vld [tilespmem:$0x1A40]  }
0x17e: {  	v30 =	vld [tilespmem:$0x1A50]  }
0x17f: {  	v23 =	vld [tilespmem:$0x1A60]  }
0x180: {  	v26 =	vld [tilespmem:$0x1A70]  }
0x181: {  	v19 =	vld [tilespmem:$0x1A80]  }
0x182: {  	v24 =	vld [tilespmem:$0x1A90]  }
0x183: {  	s14 =	simm.s32 $0x0;
	v22 =	vld [tilespmem:$0x1AA0]  }
0x184: {  	s2 =	sand.u32 $0x3C00, s14;
	v20 =	vld [tilespmem:$0x1AB0]  }
0x185: {  	s16 =	sshrl.u32 s2, $0x2;
	s0 =	sand.u32 $0x70, s14;
	v15 =	vld [tilespmem:$0x1AC0]  }
0x186: {  	v21 =	vld [tilespmem:$0x1AD0];
	s14 =	sor.u32 s0, s16  }
0x187: {  	v8 =	vld [tilespmem:s14+$0x80]  }
0x188: {  	v12 =	vld [tilespmem:$0x1AE0]  }
0x189: {  	v16 =	vld [tilespmem:$0x1AF0]  }
0x18a: {  	v5 =	vld [tilespmem:$0x1B00]  }
0x18b: {  	v13 =	vld [tilespmem:$0x1B10]  }
0x18c: {  	v2 =	vld [tilespmem:$0x1B20];
	v32 =	vand.u32 $0xF, v8  }
0x18d: {  	v6 =	vld [tilespmem:$0x1B30];
	v18 =	vperm.xlane v31, v32  }
0x18e: {  	v0 =	vld [tilespmem:$0x1B40];
	v51 =	vperm.xlane v29, v32;
	v35 =	vperm.xlane v28, v32  }
0x18f: {  	v7 =	vld [tilespmem:$0x1B50];
	v36 =	vperm.xlane v30, v32;
	v37 =	vperm.xlane v27, v32  }
0x190: {  	v9 =	vld [tilespmem:$0x1B60];
	v53 =	vperm.xlane v25, v32;
	v38 =	vperm.xlane v26, v32  }
0x191: {  	v10 =	vld [tilespmem:$0x1B70];
	v39 =	vperm.xlane v23, v32;
	v55 =	vperm.xlane v24, v32  }
0x192: {  	v3 =	vld [tilespmem:$0x1B80];
	v56 =	vperm.xlane v22, v32;
	v57 =	vperm.xlane v19, v32  }
0x193: {  	v11 =	vld [tilespmem:$0x1B90];
	v58 =	vperm.xlane v20, v32;
	v59 =	vperm.xlane v21, v32  }
0x194: {  	v1 =	vld [tilespmem:$0x1BA0];
	v17 =	vshra.s32 v8, $0x4;
	v61 =	vperm.xlane v15, v32;
	v63 =	vperm.xlane v12, v32  }
0x195: {  	v4 =	vld [tilespmem:$0x1BB0];
	vm13 =	veq.s32 v17, $0x1;
	v41 =	vperm.xlane v16, v32;
	v44 =	vperm.xlane v13, v32  }
0x196: {  	s30 =	sor.u32 s0, s2;
	v14 =	vld [tilespmem:$0x1BD0];
	vm14 =	veq.s32 v17, $0x2;
	v45 =	vperm.xlane v5, v32;
	v47 =	vperm.xlane v2, v32  }
0x197: {  	v52 =	vld [tilespmem:s30+$0x9400];
	vm15 =	veq.s32 v17, $0x3;
	v48 =	vperm.xlane v6, v32;
	v49 =	vperm.xlane v7, v32  }
0x198: {  	v54 =	vld [tilespmem:s30+$0x9480];
	v50 =	vperm.xlane v0, v32;
	v18 =	vsel vm13, v18, v51;
	v33 =	vsel vm13, v36, v53  }
0x199: {  	v8 =	vld [tilespmem:$0x1BC0];
	v60 =	vsel vm13, v55, v57;
	v43 =	vsel vm13, v59, v61;
	v51 =	vperm.xlane v9, v32  }
0x19a: {  	v40 =	vld [tilespmem:s30+$0x9500];
	v53 =	vperm.xlane v10, v32;
	v55 =	vperm.xlane v3, v32;
	v18 =	vsel vm14, v35, v18  }
0x19b: {  	v62 =	vld [tilespmem:s30+$0x9580];
	v57 =	vperm.xlane v4, v32;
	v33 =	vsel vm14, v39, v33;
	v37 =	vsel vm15, v37, v18  }
0x19c: {  	v46 =	vld [tilespmem:s30+$0x9600];
	v35 =	vsel vm14, v56, v60;
	v33 =	vsel vm15, v38, v33;
	v34 =	vmul.f32 v37, v52  }
0x19d: {  	v17 =	vld [tilespmem:$0x1BE0];
	v60 =	vperm.xlane v14, v32;
	v42 =	vsel vm15, v58, v35;
	v33 =	vmul.f32 v33, v54  }
0x19e: {  	v18 =	vld [tilespmem:$0x1BF0];
	v35 =	vsel vm13, v44, v45;
	v58 =	vperm.xlane v1, v32;
	v61 =	vperm.xlane v8, v32;
	[tilespmem:s30+$0x9400] =	vst v34  }
0x19f: {  	v35 =	vsel vm14, v47, v35;
	v52 =	vld [tilespmem:s30+$0x9680];
	[tilespmem:s30+$0x9480] =	vst v33;
	v34 =	vsel vm14, v63, v43;
	v33 =	vmul.f32 v42, v40  }
0x1a0: {  	v56 =	vld [tilespmem:s30+$0x9700];
	v54 =	vperm.xlane v11, v32;
	v35 =	vsel vm15, v48, v35;
	v34 =	vsel vm15, v41, v34  }
0x1a1: {  	v35 =	vmul.f32 v35, v46;
	v34 =	vmul.f32 v34, v62;
	[tilespmem:s30+$0x9500] =	vst v33;
	v33 =	vsel vm13, v49, v50  }
0x1a2: {  	v59 =	vsel vm13, v54, v55;
	v63 =	vperm.xlane v17, v32;
	v62 =	vld [tilespmem:s30+$0x9780];
	v33 =	vsel vm14, v51, v33  }
0x1a3: {  	v32 =	vperm.xlane v18, v32;
	[tilespmem:s30+$0x9580] =	vst v34;
	v33 =	vsel vm15, v53, v33;
	v34 =	vsel vm14, v58, v59  }
0x1a4: {  	[tilespmem:s30+$0x9600] =	vst v35;
	v35 =	vsel vm13, v60, v61;
	v33 =	vmul.f32 v33, v52;
	v34 =	vsel vm15, v57, v34  }
0x1a5: {  	v35 =	vsel vm14, v63, v35;
	v34 =	vmul.f32 v34, v56  }
0x1a6: {  	s16 =	simm.s32 $0x80;
	v32 =	vsel vm15, v32, v35;
	[tilespmem:s30+$0x9680] =	vst v33  }
0x1a7: {  	s31 =	simm.s32 $0x100;
	s0 =	simm.s32 $0x10;
	s2 =	sand.u32 $0x3C00, s16;
	v32 =	vmul.f32 v32, v62;
	[tilespmem:s30+$0x9700] =	vst v34  }
.LBB2_9:
0x1a8: {  	p1 =	sne.s32 s31, $0x2780;
	s14 =	sand.u32 $0x70, s0;
	s16 =	sshrl.u32 s2, $0x2  }
0x1a9: {  	s16 =	sor.u32 s14, s16;
	[tilespmem:s30+$0x9780] =	vst v32  }
0x1aa: {  	v32 =	vld [tilespmem:s16+$0x80];
	_ =	sdelay $0x4  }
0x1ab: {  	s30 =	sor.u32 s14, s2;
	v33 =	vand.u32 $0xF, v32  }
0x1ac: {  	v32 =	vshra.s32 v32, $0x4;
	v34 =	vperm.xlane v31, v33;
	v35 =	vperm.xlane v29, v33;
	v36 =	vld [tilespmem:s30+$0x9400]  }
0x1ad: {  	vm0 =	veq.s32 v32, $0x1;
	v37 =	vperm.xlane v28, v33;
	v38 =	vperm.xlane v30, v33  }
0x1ae: {  	vm1 =	veq.s32 v32, $0x2;
	v39 =	vperm.xlane v27, v33;
	v34 =	vsel vm0, v34, v35  }
0x1af: {  	vm2 =	veq.s32 v32, $0x3;
	v32 =	vsel vm1, v37, v34;
	v34 =	vperm.xlane v25, v33;
	v35 =	vld [tilespmem:s30+$0x9480]  }
0x1b0: {  	v37 =	vperm.xlane v26, v33;
	v32 =	vsel vm2, v39, v32;
	v39 =	vperm.xlane v23, v33  }
0x1b1: {  	v32 =	vmul.f32 v32, v36;
	v34 =	vsel vm0, v38, v34;
	v36 =	vperm.xlane v24, v33  }
0x1b2: {  	v38 =	vperm.xlane v22, v33;
	v34 =	vsel vm1, v39, v34;
	v39 =	vperm.xlane v19, v33;
	v40 =	vld [tilespmem:s30+$0x9500]  }
0x1b3: {  	[tilespmem:s30+$0x9400] =	vst v32;
	v32 =	vsel vm2, v37, v34;
	v34 =	vperm.xlane v20, v33;
	v37 =	vperm.xlane v21, v33  }
0x1b4: {  	v32 =	vmul.f32 v32, v35;
	v35 =	vsel vm0, v36, v39;
	v36 =	vperm.xlane v15, v33;
	v39 =	vld [tilespmem:s30+$0x9580]  }
0x1b5: {  	v41 =	vperm.xlane v12, v33;
	v35 =	vsel vm1, v38, v35;
	v38 =	vperm.xlane v16, v33  }
0x1b6: {  	[tilespmem:s30+$0x9480] =	vst v32;
	v32 =	vsel vm2, v34, v35;
	v34 =	vsel vm0, v37, v36;
	v35 =	vperm.xlane v13, v33  }
0x1b7: {  	v36 =	vperm.xlane v5, v33;
	v32 =	vmul.f32 v32, v40;
	v34 =	vsel vm1, v41, v34;
	v37 =	vld [tilespmem:s30+$0x9600]  }
0x1b8: {  	v40 =	vperm.xlane v2, v33;
	v34 =	vsel vm2, v38, v34;
	v38 =	vperm.xlane v6, v33  }
0x1b9: {  	[tilespmem:s30+$0x9500] =	vst v32;
	v32 =	vmul.f32 v34, v39;
	v34 =	vsel vm0, v35, v36;
	v35 =	vperm.xlane v7, v33  }
0x1ba: {  	v36 =	vperm.xlane v9, v33;
	v39 =	vperm.xlane v0, v33;
	v34 =	vsel vm1, v40, v34;
	v40 =	vld [tilespmem:s30+$0x9680]  }
0x1bb: {  	[tilespmem:s30+$0x9580] =	vst v32;
	v32 =	vsel vm2, v38, v34;
	v34 =	vperm.xlane v10, v33;
	v38 =	vperm.xlane v11, v33  }
0x1bc: {  	v35 =	vsel vm0, v35, v39;
	v32 =	vmul.f32 v32, v37;
	v37 =	vperm.xlane v3, v33;
	v39 =	vld [tilespmem:s30+$0x9700]  }
0x1bd: {  	v41 =	vperm.xlane v1, v33;
	v35 =	vsel vm1, v36, v35;
	v36 =	vperm.xlane v4, v33  }
0x1be: {  	[tilespmem:s30+$0x9600] =	vst v32;
	v32 =	vsel vm2, v34, v35;
	v34 =	vsel vm0, v38, v37;
	v35 =	vperm.xlane v14, v33  }
0x1bf: {  	v37 =	vperm.xlane v8, v33;
	v32 =	vmul.f32 v32, v40;
	v34 =	vsel vm1, v41, v34;
	v38 =	vld [tilespmem:s30+$0x9780]  }
.Ltmp7:
0x1c0: {  	v34 =	vsel vm2, v36, v34;
	v36 =	vperm.xlane v18, v33;
	v33 =	vperm.xlane v17, v33;
	(pc) =	sbr.rel @p1 .LBB2_9-.Ltmp7, $4  }
0x1c1: {  	[tilespmem:s30+$0x9680] =	vst v32;
	v32 =	vmul.f32 v34, v39;
	v34 =	vsel vm0, v35, v37  }
0x1c2: {  	v33 =	vsel vm1, v33, v34  }
0x1c3: {  	[tilespmem:s30+$0x9700] =	vst v32;
	v32 =	vsel vm2, v36, v33  }
0x1c4: {  	s0 =	sadd.s32 $0x10, s0;
	s2 =	sand.u32 $0x3C00, s31;
	s31 =	sadd.s32 $0x80, s31;
	v32 =	vmul.f32 v32, v38  }
0x1c5: {  	s0 =	sand.u32 $0x70, s0;
	s14 =	sshrl.u32 s2, $0x2  }
0x1c6: {  	s14 =	sor.u32 s0, s14;
	[tilespmem:s30+$0x9780] =	vst v32  }
0x1c7: {  	v32 =	vld [tilespmem:s14+$0x80];
	_ =	sdelay $0x4  }
0x1c8: {  	v33 =	vand.u32 $0xF, v32  }
0x1c9: {  	v31 =	vperm.xlane v31, v33  }
0x1ca: {  	v29 =	vperm.xlane v29, v33;
	v28 =	vperm.xlane v28, v33  }
0x1cb: {  	v30 =	vperm.xlane v30, v33;
	v27 =	vperm.xlane v27, v33  }
0x1cc: {  	v25 =	vperm.xlane v25, v33;
	v26 =	vperm.xlane v26, v33  }
0x1cd: {  	v23 =	vperm.xlane v23, v33;
	v24 =	vperm.xlane v24, v33  }
0x1ce: {  	v22 =	vperm.xlane v22, v33;
	v19 =	vperm.xlane v19, v33  }
0x1cf: {  	v20 =	vperm.xlane v20, v33;
	v21 =	vperm.xlane v21, v33  }
0x1d0: {  	v15 =	vperm.xlane v15, v33;
	v16 =	vperm.xlane v16, v33  }
0x1d1: {  	v12 =	vperm.xlane v12, v33;
	v13 =	vperm.xlane v13, v33  }
0x1d2: {  	v5 =	vperm.xlane v5, v33;
	v6 =	vperm.xlane v6, v33  }
0x1d3: {  	v2 =	vperm.xlane v2, v33;
	v7 =	vperm.xlane v7, v33  }
0x1d4: {  	v52 =	vperm.xlane v9, v33;
	v0 =	vperm.xlane v0, v33  }
0x1d5: {  	v32 =	vshra.s32 v32, $0x4;
	v53 =	vperm.xlane v10, v33;
	v54 =	vperm.xlane v11, v33  }
0x1d6: {  	vm2 =	veq.s32 v32, $0x1;
	v3 =	vperm.xlane v3, v33;
	v4 =	vperm.xlane v4, v33  }
0x1d7: {  	s0 =	sor.u32 s0, s2;
	vm0 =	veq.s32 v32, $0x2;
	v1 =	vperm.xlane v1, v33;
	v57 =	vperm.xlane v14, v33  }
0x1d8: {  	v34 =	vld [tilespmem:s0+$0x9400];
	vm1 =	veq.s32 v32, $0x3;
	v8 =	vperm.xlane v8, v33;
	v59 =	vperm.xlane v17, v33  }
0x1d9: {  	v48 =	vld [tilespmem:s0+$0x9480];
	v60 =	vperm.xlane v18, v33;
	v29 =	vsel vm2, v31, v29;
	v25 =	vsel vm2, v30, v25  }
0x1da: {  	v49 =	vld [tilespmem:s0+$0x9500];
	v19 =	vsel vm2, v24, v19;
	v15 =	vsel vm2, v21, v15;
	v5 =	vsel vm2, v13, v5  }
0x1db: {  	v50 =	vld [tilespmem:s0+$0x9580];
	v0 =	vsel vm2, v7, v0;
	v3 =	vsel vm2, v54, v3;
	v28 =	vsel vm0, v28, v29  }
0x1dc: {  	v51 =	vld [tilespmem:s0+$0x9600];
	v23 =	vsel vm0, v23, v25;
	v19 =	vsel vm0, v22, v19;
	v27 =	vsel vm1, v27, v28  }
0x1dd: {  	v55 =	vld [tilespmem:s0+$0x9680];
	v12 =	vsel vm0, v12, v15;
	v23 =	vsel vm1, v26, v23;
	v27 =	vmul.f32 v27, v34  }
0x1de: {  	v56 =	vld [tilespmem:s0+$0x9700];
	v2 =	vsel vm0, v2, v5;
	v19 =	vsel vm1, v20, v19;
	v23 =	vmul.f32 v23, v48  }
0x1df: {  	v58 =	vld [tilespmem:s0+$0x9780];
	v0 =	vsel vm0, v52, v0;
	v12 =	vsel vm1, v16, v12;
	v19 =	vmul.f32 v19, v49;
	[tilespmem:s0+$0x9400] =	vst v27  }
0x1e0: {  	v1 =	vsel vm0, v1, v3;
	v2 =	vsel vm1, v6, v2;
	v12 =	vmul.f32 v12, v50;
	[tilespmem:s0+$0x9480] =	vst v23  }
0x1e1: {  	v5 =	vsel vm2, v57, v8;
	v0 =	vsel vm1, v53, v0;
	v2 =	vmul.f32 v2, v51;
	[tilespmem:s0+$0x9500] =	vst v19  }
0x1e2: {  	v1 =	vsel vm1, v4, v1;
	v61 =	vsel vm0, v59, v5;
	v0 =	vmul.f32 v0, v55;
	[tilespmem:s0+$0x9580] =	vst v12  }
.Ltmp8:
0x1e3: {  	v1 =	vmul.f32 v1, v56;
	v62 =	vsel vm1, v60, v61;
	[tilespmem:s0+$0x9600] =	vst v2;
	(pc) =	sbr.rel @p0 .LBB2_20-.Ltmp8, $4  }
0x1e4: {  	s30 =	smul.u32 $0x500, s29;
	v63 =	vmul.f32 v62, v58;
	[tilespmem:s0+$0x9680] =	vst v0  }
0x1e5: {  	[tilespmem:s0+$0x9700] =	vst v1  }
0x1e6: {  	s31 =	sadd.s32 s3, s30;
	[tilespmem:s0+$0x9780] =	vst v63  }
0x1e7: {  	[hbm4b:s31+s17] =	stream.strided.scatter [tilespmem:s19], [sflag:$0x3], $0xA000, s18, s17, $0x38;
	[tilespmem:$0x15C00] =	vst v63  }
0x1e8: {  	_ =	swait.ge [sflag:s21], $0xA00  }
0x1e9: {  	[sflag:s21] =	ssyncset.done $0x0  }
0x1ea: {  	[sflag:s21] =	ssyncadd.s32 $0xFFFFF600  }
0x1eb: {  	_ =	swait.ge [sflag:s21], $0xA000  }
0x1ec: {  	s0 =	sadd.s32 s11, s28;
	[sflag:s21] =	ssyncset.done $0x0  }
0x1ed: {  	p0 =	sgt.u32 s0, $0x4E1;
	[sflag:s21] =	ssyncadd.s32 $0xFFFF6000  }
0x1ee: {  	s2 =	smul.u32 @!p0 $0x140, s0;
	_ =	swait.ge [sflag:s22], $0xA000  }
0x1ef: {  	s14 =	simm.s32 @!p0 $0x0;
	s0 =	smul.u32 @!p0 $0x500, s0;
	[sflag:s22] =	ssyncset.done $0x0  }
0x1f0: {  	s16 =	simm.s32 @!p0 $0x1C00;
	s2 =	sadd.s32 @!p0 s1, s2;
	[sflag:s22] =	ssyncadd.s32 $0xFFFF6000  }
0x1f1: {  	[tilespmem:s14], [sflag:$0x1] =	stream.linear.gather @!p0 [hbm4b:s2+s14], $0xA00, $0x38;
	[tilespmem:$0x15C00] =	vst v63  }
0x1f2: {  	s0 =	sadd.s32 @!p0 s6, s0;
	s2 =	simm.s32 @!p0 $0x2800;
	s14 =	simm.s32 @!p0 $0xC35000  }
0x1f3: {  	[tilespmem:s16], [sflag:$0x1] =	stream.strided.gather @!p0 [hbm4b:s0+s2], $0xA000, s14, s2, $0x38;
	[tilespmem:$0x15C00] =	vst v63  }
0x1f4: {  	v29 =	vld [tilespmem:$0x1400]  }
0x1f5: {  	v31 =	vld [tilespmem:$0x1410]  }
0x1f6: {  	v28 =	vld [tilespmem:$0x1420]  }
0x1f7: {  	v27 =	vld [tilespmem:$0x1430]  }
0x1f8: {  	v25 =	vld [tilespmem:$0x1440]  }
0x1f9: {  	v30 =	vld [tilespmem:$0x1450]  }
0x1fa: {  	v23 =	vld [tilespmem:$0x1460]  }
0x1fb: {  	v26 =	vld [tilespmem:$0x1470]  }
0x1fc: {  	v19 =	vld [tilespmem:$0x1480]  }
0x1fd: {  	v24 =	vld [tilespmem:$0x1490]  }
0x1fe: {  	s14 =	simm.s32 $0x0;
	v22 =	vld [tilespmem:$0x14A0]  }
0x1ff: {  	v20 =	vld [tilespmem:$0x14B0];
	s16 =	sand.u32 $0x3C00, s14  }
0x200: {  	v15 =	vld [tilespmem:$0x14C0];
	s0 =	sand.u32 $0x70, s14;
	s30 =	sshrl.u32 s16, $0x2  }
0x201: {  	v21 =	vld [tilespmem:$0x14D0];
	s14 =	sor.u32 s0, s30  }
0x202: {  	v8 =	vld [tilespmem:s14+$0xA00]  }
0x203: {  	v12 =	vld [tilespmem:$0x14E0]  }
0x204: {  	v16 =	vld [tilespmem:$0x14F0]  }
0x205: {  	v5 =	vld [tilespmem:$0x1500]  }
0x206: {  	v13 =	vld [tilespmem:$0x1510]  }
0x207: {  	v2 =	vld [tilespmem:$0x1520];
	v32 =	vand.u32 $0xF, v8  }
0x208: {  	v6 =	vld [tilespmem:$0x1530];
	v18 =	vperm.xlane v31, v32  }
0x209: {  	v0 =	vld [tilespmem:$0x1540];
	v33 =	vperm.xlane v29, v32;
	v35 =	vperm.xlane v28, v32  }
0x20a: {  	v7 =	vld [tilespmem:$0x1550];
	v36 =	vperm.xlane v30, v32;
	v37 =	vperm.xlane v27, v32  }
0x20b: {  	v9 =	vld [tilespmem:$0x1560];
	v53 =	vperm.xlane v25, v32;
	v38 =	vperm.xlane v26, v32  }
0x20c: {  	v10 =	vld [tilespmem:$0x1570];
	v39 =	vperm.xlane v23, v32;
	v55 =	vperm.xlane v24, v32  }
0x20d: {  	v3 =	vld [tilespmem:$0x1580];
	v56 =	vperm.xlane v22, v32;
	v57 =	vperm.xlane v19, v32  }
0x20e: {  	v11 =	vld [tilespmem:$0x1590];
	v58 =	vperm.xlane v20, v32;
	v59 =	vperm.xlane v21, v32  }
0x20f: {  	v1 =	vld [tilespmem:$0x15A0];
	v17 =	vshra.s32 v8, $0x4;
	v61 =	vperm.xlane v15, v32;
	v63 =	vperm.xlane v12, v32  }
0x210: {  	v4 =	vld [tilespmem:$0x15B0];
	vm0 =	veq.s32 v17, $0x1;
	v41 =	vperm.xlane v16, v32;
	v44 =	vperm.xlane v13, v32  }
0x211: {  	v14 =	vld [tilespmem:$0x15D0];
	s28 =	sor.u32 s0, s16;
	vm1 =	veq.s32 v17, $0x2;
	v45 =	vperm.xlane v5, v32;
	v47 =	vperm.xlane v2, v32  }
0x212: {  	v34 =	vld [tilespmem:s28+$0xBC00];
	vm2 =	veq.s32 v17, $0x3;
	v48 =	vperm.xlane v6, v32;
	v49 =	vperm.xlane v7, v32  }
0x213: {  	v54 =	vld [tilespmem:s28+$0xBC80];
	v50 =	vperm.xlane v0, v32;
	v51 =	vperm.xlane v9, v32;
	v18 =	vsel vm0, v18, v33  }
0x214: {  	v8 =	vld [tilespmem:$0x15C0];
	v33 =	vsel vm0, v36, v53;
	v60 =	vsel vm0, v55, v57;
	v43 =	vsel vm0, v59, v61  }
0x215: {  	v40 =	vld [tilespmem:s28+$0xBD00];
	v53 =	vperm.xlane v10, v32;
	v55 =	vperm.xlane v3, v32;
	v18 =	vsel vm1, v35, v18  }
0x216: {  	v62 =	vld [tilespmem:s28+$0xBD80];
	v57 =	vperm.xlane v4, v32;
	v33 =	vsel vm1, v39, v33;
	v37 =	vsel vm2, v37, v18  }
0x217: {  	v46 =	vld [tilespmem:s28+$0xBE00];
	v35 =	vsel vm1, v56, v60;
	v33 =	vsel vm2, v38, v33;
	v34 =	vmul.f32 v37, v34  }
0x218: {  	v17 =	vld [tilespmem:$0x15E0];
	v60 =	vperm.xlane v14, v32;
	v42 =	vsel vm2, v58, v35;
	v33 =	vmul.f32 v33, v54  }
0x219: {  	v18 =	vld [tilespmem:$0x15F0];
	v35 =	vsel vm0, v44, v45;
	v58 =	vperm.xlane v1, v32;
	v61 =	vperm.xlane v8, v32;
	[tilespmem:s28+$0xBC00] =	vst v34  }
0x21a: {  	v52 =	vld [tilespmem:s28+$0xBE80];
	v35 =	vsel vm1, v47, v35;
	[tilespmem:s28+$0xBC80] =	vst v33;
	v34 =	vsel vm1, v63, v43;
	v33 =	vmul.f32 v42, v40  }
0x21b: {  	v56 =	vld [tilespmem:s28+$0xBF00];
	v54 =	vperm.xlane v11, v32;
	v35 =	vsel vm2, v48, v35;
	v34 =	vsel vm2, v41, v34  }
0x21c: {  	v35 =	vmul.f32 v35, v46;
	v34 =	vmul.f32 v34, v62;
	[tilespmem:s28+$0xBD00] =	vst v33;
	v33 =	vsel vm0, v49, v50  }
0x21d: {  	v59 =	vsel vm0, v54, v55;
	v63 =	vperm.xlane v17, v32;
	v62 =	vld [tilespmem:s28+$0xBF80];
	v33 =	vsel vm1, v51, v33  }
0x21e: {  	v32 =	vperm.xlane v18, v32;
	[tilespmem:s28+$0xBD80] =	vst v34;
	v33 =	vsel vm2, v53, v33;
	v34 =	vsel vm1, v58, v59  }
0x21f: {  	[tilespmem:s28+$0xBE00] =	vst v35;
	v35 =	vsel vm0, v60, v61;
	v33 =	vmul.f32 v33, v52;
	v34 =	vsel vm2, v57, v34  }
0x220: {  	v35 =	vsel vm1, v63, v35;
	v34 =	vmul.f32 v34, v56  }
0x221: {  	s31 =	simm.s32 $0x80;
	v32 =	vsel vm2, v32, v35;
	[tilespmem:s28+$0xBE80] =	vst v33  }
0x222: {  	s29 =	simm.s32 $0x100;
	s2 =	sand.u32 $0x3C00, s31;
	s0 =	simm.s32 $0x10;
	v32 =	vmul.f32 v32, v62;
	[tilespmem:s28+$0xBF00] =	vst v34  }
.LBB2_12:
0x223: {  	p0 =	sne.s32 s29, $0x2780;
	s14 =	sand.u32 $0x70, s0;
	s16 =	sshrl.u32 s2, $0x2  }
0x224: {  	s16 =	sor.u32 s14, s16;
	[tilespmem:s28+$0xBF80] =	vst v32  }
0x225: {  	v32 =	vld [tilespmem:s16+$0xA00];
	_ =	sdelay $0x4  }
0x226: {  	s28 =	sor.u32 s14, s2;
	v33 =	vand.u32 $0xF, v32  }
0x227: {  	v32 =	vshra.s32 v32, $0x4;
	v34 =	vperm.xlane v31, v33;
	v35 =	vperm.xlane v29, v33;
	v36 =	vld [tilespmem:s28+$0xBC00]  }
0x228: {  	vm0 =	veq.s32 v32, $0x1;
	v37 =	vperm.xlane v28, v33;
	v38 =	vperm.xlane v30, v33  }
0x229: {  	vm1 =	veq.s32 v32, $0x2;
	v39 =	vperm.xlane v27, v33;
	v34 =	vsel vm0, v34, v35  }
0x22a: {  	vm2 =	veq.s32 v32, $0x3;
	v32 =	vsel vm1, v37, v34;
	v34 =	vperm.xlane v25, v33;
	v35 =	vld [tilespmem:s28+$0xBC80]  }
0x22b: {  	v37 =	vperm.xlane v26, v33;
	v32 =	vsel vm2, v39, v32;
	v39 =	vperm.xlane v23, v33  }
0x22c: {  	v32 =	vmul.f32 v32, v36;
	v34 =	vsel vm0, v38, v34;
	v36 =	vperm.xlane v24, v33  }
0x22d: {  	v38 =	vperm.xlane v22, v33;
	v34 =	vsel vm1, v39, v34;
	v39 =	vperm.xlane v19, v33;
	v40 =	vld [tilespmem:s28+$0xBD00]  }
0x22e: {  	[tilespmem:s28+$0xBC00] =	vst v32;
	v32 =	vsel vm2, v37, v34;
	v34 =	vperm.xlane v20, v33;
	v37 =	vperm.xlane v21, v33  }
0x22f: {  	v32 =	vmul.f32 v32, v35;
	v35 =	vsel vm0, v36, v39;
	v36 =	vperm.xlane v15, v33;
	v39 =	vld [tilespmem:s28+$0xBD80]  }
0x230: {  	v41 =	vperm.xlane v12, v33;
	v35 =	vsel vm1, v38, v35;
	v38 =	vperm.xlane v16, v33  }
0x231: {  	[tilespmem:s28+$0xBC80] =	vst v32;
	v32 =	vsel vm2, v34, v35;
	v34 =	vsel vm0, v37, v36;
	v35 =	vperm.xlane v13, v33  }
0x232: {  	v36 =	vperm.xlane v5, v33;
	v32 =	vmul.f32 v32, v40;
	v34 =	vsel vm1, v41, v34;
	v37 =	vld [tilespmem:s28+$0xBE00]  }
0x233: {  	v40 =	vperm.xlane v2, v33;
	v34 =	vsel vm2, v38, v34;
	v38 =	vperm.xlane v6, v33  }
0x234: {  	[tilespmem:s28+$0xBD00] =	vst v32;
	v32 =	vmul.f32 v34, v39;
	v34 =	vsel vm0, v35, v36;
	v35 =	vperm.xlane v7, v33  }
0x235: {  	v36 =	vperm.xlane v9, v33;
	v39 =	vperm.xlane v0, v33;
	v34 =	vsel vm1, v40, v34;
	v40 =	vld [tilespmem:s28+$0xBE80]  }
0x236: {  	[tilespmem:s28+$0xBD80] =	vst v32;
	v32 =	vsel vm2, v38, v34;
	v34 =	vperm.xlane v10, v33;
	v38 =	vperm.xlane v11, v33  }
0x237: {  	v35 =	vsel vm0, v35, v39;
	v32 =	vmul.f32 v32, v37;
	v37 =	vperm.xlane v3, v33;
	v39 =	vld [tilespmem:s28+$0xBF00]  }
0x238: {  	v41 =	vperm.xlane v1, v33;
	v35 =	vsel vm1, v36, v35;
	v36 =	vperm.xlane v4, v33  }
0x239: {  	[tilespmem:s28+$0xBE00] =	vst v32;
	v32 =	vsel vm2, v34, v35;
	v34 =	vsel vm0, v38, v37;
	v35 =	vperm.xlane v14, v33  }
0x23a: {  	v37 =	vperm.xlane v8, v33;
	v32 =	vmul.f32 v32, v40;
	v34 =	vsel vm1, v41, v34;
	v38 =	vld [tilespmem:s28+$0xBF80]  }
.Ltmp9:
0x23b: {  	v34 =	vsel vm2, v36, v34;
	v36 =	vperm.xlane v18, v33;
	v33 =	vperm.xlane v17, v33;
	(pc) =	sbr.rel @p0 .LBB2_12-.Ltmp9, $4  }
0x23c: {  	[tilespmem:s28+$0xBE80] =	vst v32;
	v32 =	vmul.f32 v34, v39;
	v34 =	vsel vm0, v35, v37  }
0x23d: {  	v33 =	vsel vm1, v33, v34  }
0x23e: {  	[tilespmem:s28+$0xBF00] =	vst v32;
	v32 =	vsel vm2, v36, v33  }
0x23f: {  	s0 =	sadd.s32 $0x10, s0;
	s2 =	sand.u32 $0x3C00, s29;
	s29 =	sadd.s32 $0x80, s29;
	v32 =	vmul.f32 v32, v38  }
0x240: {  	s0 =	sand.u32 $0x70, s0;
	s14 =	sshrl.u32 s2, $0x2  }
0x241: {  	s14 =	sor.u32 s0, s14;
	[tilespmem:s28+$0xBF80] =	vst v32  }
0x242: {  	v32 =	vld [tilespmem:s14+$0xA00];
	_ =	sdelay $0x4  }
0x243: {  	v33 =	vand.u32 $0xF, v32  }
0x244: {  	v31 =	vperm.xlane v31, v33  }
0x245: {  	v29 =	vperm.xlane v29, v33;
	v28 =	vperm.xlane v28, v33  }
0x246: {  	v30 =	vperm.xlane v30, v33;
	v27 =	vperm.xlane v27, v33  }
0x247: {  	v25 =	vperm.xlane v25, v33;
	v26 =	vperm.xlane v26, v33  }
0x248: {  	v23 =	vperm.xlane v23, v33;
	v24 =	vperm.xlane v24, v33  }
0x249: {  	v22 =	vperm.xlane v22, v33;
	v19 =	vperm.xlane v19, v33  }
0x24a: {  	v20 =	vperm.xlane v20, v33;
	v21 =	vperm.xlane v21, v33  }
0x24b: {  	v15 =	vperm.xlane v15, v33;
	v16 =	vperm.xlane v16, v33  }
0x24c: {  	v12 =	vperm.xlane v12, v33;
	v13 =	vperm.xlane v13, v33  }
0x24d: {  	v32 =	vshra.s32 v32, $0x4;
	v5 =	vperm.xlane v5, v33;
	v6 =	vperm.xlane v6, v33  }
0x24e: {  	vm2 =	veq.s32 v32, $0x1;
	v2 =	vperm.xlane v2, v33;
	v7 =	vperm.xlane v7, v33  }
0x24f: {  	vm0 =	veq.s32 v32, $0x2;
	v0 =	vperm.xlane v0, v33;
	v3 =	vperm.xlane v3, v33  }
0x250: {  	vm1 =	veq.s32 v32, $0x3;
	v4 =	vperm.xlane v4, v33;
	v1 =	vperm.xlane v1, v33  }
0x251: {  	s0 =	sor.u32 s0, s2;
	v8 =	vperm.xlane v8, v33;
	v29 =	vsel vm2, v31, v29;
	v25 =	vsel vm2, v30, v25  }
0x252: {  	v34 =	vld [tilespmem:s0+$0xBC00];
	v19 =	vsel vm2, v24, v19;
	v15 =	vsel vm2, v21, v15;
	v5 =	vsel vm2, v13, v5  }
0x253: {  	v24 =	vld [tilespmem:s0+$0xBD80];
	v0 =	vsel vm2, v7, v0;
	v28 =	vsel vm0, v28, v29;
	v23 =	vsel vm0, v23, v25  }
0x254: {  	v29 =	vld [tilespmem:s0+$0xBC80];
	v19 =	vsel vm0, v22, v19;
	v12 =	vsel vm0, v12, v15;
	v2 =	vsel vm0, v2, v5  }
0x255: {  	v25 =	vld [tilespmem:s0+$0xBD00];
	v5 =	vperm.xlane v9, v33;
	v9 =	vperm.xlane v11, v33;
	v27 =	vsel vm1, v27, v28  }
0x256: {  	v15 =	vld [tilespmem:s0+$0xBE00];
	v23 =	vsel vm1, v26, v23;
	v19 =	vsel vm1, v20, v19;
	v12 =	vsel vm1, v16, v12  }
0x257: {  	v2 =	vsel vm1, v6, v2;
	v6 =	vperm.xlane v10, v33;
	v10 =	vld [tilespmem:s0+$0xBE80];
	v27 =	vmul.f32 v27, v34  }
0x258: {  	v7 =	vld [tilespmem:s0+$0xBF00];
	v0 =	vsel vm0, v5, v0;
	v5 =	vperm.xlane v14, v33;
	v12 =	vmul.f32 v12, v24  }
0x259: {  	v11 =	vld [tilespmem:s0+$0xBF80];
	v3 =	vsel vm2, v9, v3;
	v0 =	vsel vm1, v6, v0;
	[tilespmem:s0+$0xBC00] =	vst v27;
	v23 =	vmul.f32 v23, v29  }
0x25a: {  	v6 =	vperm.xlane v17, v33;
	v1 =	vsel vm0, v1, v3;
	v19 =	vmul.f32 v19, v25;
	[tilespmem:s0+$0xBD80] =	vst v12  }
0x25b: {  	v3 =	vperm.xlane v18, v33;
	v5 =	vsel vm2, v5, v8;
	v2 =	vmul.f32 v2, v15;
	[tilespmem:s0+$0xBC80] =	vst v23  }
0x25c: {  	v1 =	vsel vm1, v4, v1;
	v4 =	vsel vm0, v6, v5;
	v0 =	vmul.f32 v0, v10;
	[tilespmem:s0+$0xBD00] =	vst v19  }
0x25d: {  	v1 =	vmul.f32 v1, v7;
	[tilespmem:s0+$0xBE00] =	vst v2;
	v2 =	vsel vm1, v3, v4  }
0x25e: {  	[tilespmem:s0+$0xBE80] =	vst v0;
	v0 =	vmul.f32 v2, v11  }
0x25f: {  	[tilespmem:s0+$0xBF00] =	vst v1  }
0x260: {  	[tilespmem:s0+$0xBF80] =	vst v0  }
0x261: {  	v29 =	vld [tilespmem:$0x1600]  }
0x262: {  	v31 =	vld [tilespmem:$0x1610]  }
0x263: {  	v28 =	vld [tilespmem:$0x1620]  }
0x264: {  	v27 =	vld [tilespmem:$0x1630]  }
0x265: {  	v25 =	vld [tilespmem:$0x1640]  }
0x266: {  	v30 =	vld [tilespmem:$0x1650]  }
0x267: {  	v23 =	vld [tilespmem:$0x1660]  }
0x268: {  	v26 =	vld [tilespmem:$0x1670]  }
0x269: {  	v19 =	vld [tilespmem:$0x1680]  }
0x26a: {  	v24 =	vld [tilespmem:$0x1690]  }
0x26b: {  	s14 =	simm.s32 $0x0;
	v22 =	vld [tilespmem:$0x16A0]  }
0x26c: {  	s16 =	sand.u32 $0x3C00, s14;
	v20 =	vld [tilespmem:$0x16B0]  }
0x26d: {  	s30 =	sshrl.u32 s16, $0x2;
	s0 =	sand.u32 $0x70, s14;
	v15 =	vld [tilespmem:$0x16C0]  }
0x26e: {  	v21 =	vld [tilespmem:$0x16D0];
	s14 =	sor.u32 s0, s30  }
0x26f: {  	v8 =	vld [tilespmem:s14+$0xA00]  }
0x270: {  	v12 =	vld [tilespmem:$0x16E0]  }
0x271: {  	v16 =	vld [tilespmem:$0x16F0]  }
0x272: {  	v5 =	vld [tilespmem:$0x1700]  }
0x273: {  	v13 =	vld [tilespmem:$0x1710]  }
0x274: {  	v2 =	vld [tilespmem:$0x1720];
	v32 =	vand.u32 $0xF, v8  }
0x275: {  	v6 =	vld [tilespmem:$0x1730];
	v18 =	vperm.xlane v31, v32  }
0x276: {  	v0 =	vld [tilespmem:$0x1740];
	v51 =	vperm.xlane v29, v32;
	v35 =	vperm.xlane v28, v32  }
0x277: {  	v7 =	vld [tilespmem:$0x1750];
	v36 =	vperm.xlane v30, v32;
	v37 =	vperm.xlane v27, v32  }
0x278: {  	v9 =	vld [tilespmem:$0x1760];
	v53 =	vperm.xlane v25, v32;
	v38 =	vperm.xlane v26, v32  }
0x279: {  	v10 =	vld [tilespmem:$0x1770];
	v39 =	vperm.xlane v23, v32;
	v55 =	vperm.xlane v24, v32  }
0x27a: {  	v3 =	vld [tilespmem:$0x1780];
	v56 =	vperm.xlane v22, v32;
	v57 =	vperm.xlane v19, v32  }
0x27b: {  	v11 =	vld [tilespmem:$0x1790];
	v58 =	vperm.xlane v20, v32;
	v59 =	vperm.xlane v21, v32  }
0x27c: {  	v1 =	vld [tilespmem:$0x17A0];
	v17 =	vshra.s32 v8, $0x4;
	v61 =	vperm.xlane v15, v32;
	v63 =	vperm.xlane v12, v32  }
0x27d: {  	v4 =	vld [tilespmem:$0x17B0];
	vm13 =	veq.s32 v17, $0x1;
	v41 =	vperm.xlane v16, v32;
	v44 =	vperm.xlane v13, v32  }
0x27e: {  	s28 =	sor.u32 s0, s16;
	v14 =	vld [tilespmem:$0x17D0];
	vm14 =	veq.s32 v17, $0x2;
	v45 =	vperm.xlane v5, v32;
	v47 =	vperm.xlane v2, v32  }
0x27f: {  	v52 =	vld [tilespmem:s28+$0xE400];
	vm15 =	veq.s32 v17, $0x3;
	v48 =	vperm.xlane v6, v32;
	v49 =	vperm.xlane v7, v32  }
0x280: {  	v54 =	vld [tilespmem:s28+$0xE480];
	v50 =	vperm.xlane v0, v32;
	v18 =	vsel vm13, v18, v51;
	v33 =	vsel vm13, v36, v53  }
0x281: {  	v8 =	vld [tilespmem:$0x17C0];
	v60 =	vsel vm13, v55, v57;
	v43 =	vsel vm13, v59, v61;
	v51 =	vperm.xlane v9, v32  }
0x282: {  	v40 =	vld [tilespmem:s28+$0xE500];
	v53 =	vperm.xlane v10, v32;
	v55 =	vperm.xlane v3, v32;
	v18 =	vsel vm14, v35, v18  }
0x283: {  	v62 =	vld [tilespmem:s28+$0xE580];
	v57 =	vperm.xlane v4, v32;
	v33 =	vsel vm14, v39, v33;
	v37 =	vsel vm15, v37, v18  }
0x284: {  	v46 =	vld [tilespmem:s28+$0xE600];
	v35 =	vsel vm14, v56, v60;
	v33 =	vsel vm15, v38, v33;
	v34 =	vmul.f32 v37, v52  }
0x285: {  	v17 =	vld [tilespmem:$0x17E0];
	v60 =	vperm.xlane v14, v32;
	v42 =	vsel vm15, v58, v35;
	v33 =	vmul.f32 v33, v54  }
0x286: {  	v18 =	vld [tilespmem:$0x17F0];
	v35 =	vsel vm13, v44, v45;
	v58 =	vperm.xlane v1, v32;
	v61 =	vperm.xlane v8, v32;
	[tilespmem:s28+$0xE400] =	vst v34  }
0x287: {  	v35 =	vsel vm14, v47, v35;
	v52 =	vld [tilespmem:s28+$0xE680];
	[tilespmem:s28+$0xE480] =	vst v33;
	v34 =	vsel vm14, v63, v43;
	v33 =	vmul.f32 v42, v40  }
0x288: {  	v56 =	vld [tilespmem:s28+$0xE700];
	v54 =	vperm.xlane v11, v32;
	v35 =	vsel vm15, v48, v35;
	v34 =	vsel vm15, v41, v34  }
0x289: {  	v35 =	vmul.f32 v35, v46;
	v34 =	vmul.f32 v34, v62;
	[tilespmem:s28+$0xE500] =	vst v33;
	v33 =	vsel vm13, v49, v50  }
0x28a: {  	v59 =	vsel vm13, v54, v55;
	v63 =	vperm.xlane v17, v32;
	v62 =	vld [tilespmem:s28+$0xE780];
	v33 =	vsel vm14, v51, v33  }
0x28b: {  	v32 =	vperm.xlane v18, v32;
	[tilespmem:s28+$0xE580] =	vst v34;
	v33 =	vsel vm15, v53, v33;
	v34 =	vsel vm14, v58, v59  }
0x28c: {  	[tilespmem:s28+$0xE600] =	vst v35;
	v35 =	vsel vm13, v60, v61;
	v33 =	vmul.f32 v33, v52;
	v34 =	vsel vm15, v57, v34  }
0x28d: {  	v35 =	vsel vm14, v63, v35;
	v34 =	vmul.f32 v34, v56  }
0x28e: {  	s31 =	simm.s32 $0x80;
	v32 =	vsel vm15, v32, v35;
	[tilespmem:s28+$0xE680] =	vst v33  }
0x28f: {  	s29 =	simm.s32 $0x100;
	s2 =	sand.u32 $0x3C00, s31;
	s0 =	simm.s32 $0x10;
	v32 =	vmul.f32 v32, v62;
	[tilespmem:s28+$0xE700] =	vst v34  }
.LBB2_14:
0x290: {  	p0 =	sne.s32 s29, $0x2780;
	s14 =	sand.u32 $0x70, s0;
	s16 =	sshrl.u32 s2, $0x2  }
0x291: {  	s16 =	sor.u32 s14, s16;
	[tilespmem:s28+$0xE780] =	vst v32  }
0x292: {  	v32 =	vld [tilespmem:s16+$0xA00];
	_ =	sdelay $0x4  }
0x293: {  	s28 =	sor.u32 s14, s2;
	v33 =	vand.u32 $0xF, v32  }
0x294: {  	v32 =	vshra.s32 v32, $0x4;
	v34 =	vperm.xlane v31, v33;
	v35 =	vperm.xlane v29, v33;
	v36 =	vld [tilespmem:s28+$0xE400]  }
0x295: {  	vm0 =	veq.s32 v32, $0x1;
	v37 =	vperm.xlane v28, v33;
	v38 =	vperm.xlane v30, v33  }
0x296: {  	vm1 =	veq.s32 v32, $0x2;
	v39 =	vperm.xlane v27, v33;
	v34 =	vsel vm0, v34, v35  }
0x297: {  	vm2 =	veq.s32 v32, $0x3;
	v32 =	vsel vm1, v37, v34;
	v34 =	vperm.xlane v25, v33;
	v35 =	vld [tilespmem:s28+$0xE480]  }
0x298: {  	v37 =	vperm.xlane v26, v33;
	v32 =	vsel vm2, v39, v32;
	v39 =	vperm.xlane v23, v33  }
0x299: {  	v32 =	vmul.f32 v32, v36;
	v34 =	vsel vm0, v38, v34;
	v36 =	vperm.xlane v24, v33  }
0x29a: {  	v38 =	vperm.xlane v22, v33;
	v34 =	vsel vm1, v39, v34;
	v39 =	vperm.xlane v19, v33;
	v40 =	vld [tilespmem:s28+$0xE500]  }
0x29b: {  	[tilespmem:s28+$0xE400] =	vst v32;
	v32 =	vsel vm2, v37, v34;
	v34 =	vperm.xlane v20, v33;
	v37 =	vperm.xlane v21, v33  }
0x29c: {  	v32 =	vmul.f32 v32, v35;
	v35 =	vsel vm0, v36, v39;
	v36 =	vperm.xlane v15, v33;
	v39 =	vld [tilespmem:s28+$0xE580]  }
0x29d: {  	v41 =	vperm.xlane v12, v33;
	v35 =	vsel vm1, v38, v35;
	v38 =	vperm.xlane v16, v33  }
0x29e: {  	[tilespmem:s28+$0xE480] =	vst v32;
	v32 =	vsel vm2, v34, v35;
	v34 =	vsel vm0, v37, v36;
	v35 =	vperm.xlane v13, v33  }
0x29f: {  	v36 =	vperm.xlane v5, v33;
	v32 =	vmul.f32 v32, v40;
	v34 =	vsel vm1, v41, v34;
	v37 =	vld [tilespmem:s28+$0xE600]  }
0x2a0: {  	v40 =	vperm.xlane v2, v33;
	v34 =	vsel vm2, v38, v34;
	v38 =	vperm.xlane v6, v33  }
0x2a1: {  	[tilespmem:s28+$0xE500] =	vst v32;
	v32 =	vmul.f32 v34, v39;
	v34 =	vsel vm0, v35, v36;
	v35 =	vperm.xlane v7, v33  }
0x2a2: {  	v36 =	vperm.xlane v9, v33;
	v39 =	vperm.xlane v0, v33;
	v34 =	vsel vm1, v40, v34;
	v40 =	vld [tilespmem:s28+$0xE680]  }
0x2a3: {  	[tilespmem:s28+$0xE580] =	vst v32;
	v32 =	vsel vm2, v38, v34;
	v34 =	vperm.xlane v10, v33;
	v38 =	vperm.xlane v11, v33  }
0x2a4: {  	v35 =	vsel vm0, v35, v39;
	v32 =	vmul.f32 v32, v37;
	v37 =	vperm.xlane v3, v33;
	v39 =	vld [tilespmem:s28+$0xE700]  }
0x2a5: {  	v41 =	vperm.xlane v1, v33;
	v35 =	vsel vm1, v36, v35;
	v36 =	vperm.xlane v4, v33  }
0x2a6: {  	[tilespmem:s28+$0xE600] =	vst v32;
	v32 =	vsel vm2, v34, v35;
	v34 =	vsel vm0, v38, v37;
	v35 =	vperm.xlane v14, v33  }
0x2a7: {  	v37 =	vperm.xlane v8, v33;
	v32 =	vmul.f32 v32, v40;
	v34 =	vsel vm1, v41, v34;
	v38 =	vld [tilespmem:s28+$0xE780]  }
.Ltmp10:
0x2a8: {  	v34 =	vsel vm2, v36, v34;
	v36 =	vperm.xlane v18, v33;
	v33 =	vperm.xlane v17, v33;
	(pc) =	sbr.rel @p0 .LBB2_14-.Ltmp10, $4  }
0x2a9: {  	[tilespmem:s28+$0xE680] =	vst v32;
	v32 =	vmul.f32 v34, v39;
	v34 =	vsel vm0, v35, v37  }
0x2aa: {  	v33 =	vsel vm1, v33, v34  }
0x2ab: {  	[tilespmem:s28+$0xE700] =	vst v32;
	v32 =	vsel vm2, v36, v33  }
0x2ac: {  	s0 =	sadd.s32 $0x10, s0;
	s2 =	sand.u32 $0x3C00, s29;
	s29 =	sadd.s32 $0x80, s29;
	v32 =	vmul.f32 v32, v38  }
0x2ad: {  	s0 =	sand.u32 $0x70, s0;
	s14 =	sshrl.u32 s2, $0x2  }
0x2ae: {  	s14 =	sor.u32 s0, s14;
	[tilespmem:s28+$0xE780] =	vst v32  }
0x2af: {  	v32 =	vld [tilespmem:s14+$0xA00];
	_ =	sdelay $0x4  }
0x2b0: {  	v33 =	vand.u32 $0xF, v32  }
0x2b1: {  	v31 =	vperm.xlane v31, v33  }
0x2b2: {  	v29 =	vperm.xlane v29, v33;
	v28 =	vperm.xlane v28, v33  }
0x2b3: {  	v30 =	vperm.xlane v30, v33;
	v27 =	vperm.xlane v27, v33  }
0x2b4: {  	v25 =	vperm.xlane v25, v33;
	v26 =	vperm.xlane v26, v33  }
0x2b5: {  	v23 =	vperm.xlane v23, v33;
	v24 =	vperm.xlane v24, v33  }
0x2b6: {  	v22 =	vperm.xlane v22, v33;
	v19 =	vperm.xlane v19, v33  }
0x2b7: {  	v20 =	vperm.xlane v20, v33;
	v21 =	vperm.xlane v21, v33  }
0x2b8: {  	v15 =	vperm.xlane v15, v33;
	v16 =	vperm.xlane v16, v33  }
0x2b9: {  	v12 =	vperm.xlane v12, v33;
	v13 =	vperm.xlane v13, v33  }
0x2ba: {  	v32 =	vshra.s32 v32, $0x4;
	v5 =	vperm.xlane v5, v33;
	v6 =	vperm.xlane v6, v33  }
0x2bb: {  	vm2 =	veq.s32 v32, $0x1;
	v2 =	vperm.xlane v2, v33;
	v7 =	vperm.xlane v7, v33  }
0x2bc: {  	vm0 =	veq.s32 v32, $0x2;
	v0 =	vperm.xlane v0, v33;
	v3 =	vperm.xlane v3, v33  }
0x2bd: {  	vm1 =	veq.s32 v32, $0x3;
	v4 =	vperm.xlane v4, v33;
	v1 =	vperm.xlane v1, v33  }
0x2be: {  	s0 =	sor.u32 s0, s2;
	v8 =	vperm.xlane v8, v33;
	v29 =	vsel vm2, v31, v29;
	v25 =	vsel vm2, v30, v25  }
0x2bf: {  	v34 =	vld [tilespmem:s0+$0xE400];
	v19 =	vsel vm2, v24, v19;
	v15 =	vsel vm2, v21, v15;
	v5 =	vsel vm2, v13, v5  }
0x2c0: {  	v24 =	vld [tilespmem:s0+$0xE580];
	v0 =	vsel vm2, v7, v0;
	v28 =	vsel vm0, v28, v29;
	v23 =	vsel vm0, v23, v25  }
0x2c1: {  	v29 =	vld [tilespmem:s0+$0xE480];
	v19 =	vsel vm0, v22, v19;
	v12 =	vsel vm0, v12, v15;
	v2 =	vsel vm0, v2, v5  }
0x2c2: {  	v25 =	vld [tilespmem:s0+$0xE500];
	v5 =	vperm.xlane v9, v33;
	v9 =	vperm.xlane v11, v33;
	v27 =	vsel vm1, v27, v28  }
0x2c3: {  	v15 =	vld [tilespmem:s0+$0xE600];
	v23 =	vsel vm1, v26, v23;
	v19 =	vsel vm1, v20, v19;
	v12 =	vsel vm1, v16, v12  }
0x2c4: {  	v2 =	vsel vm1, v6, v2;
	v6 =	vperm.xlane v10, v33;
	v10 =	vld [tilespmem:s0+$0xE680];
	v27 =	vmul.f32 v27, v34  }
0x2c5: {  	v7 =	vld [tilespmem:s0+$0xE700];
	v0 =	vsel vm0, v5, v0;
	v5 =	vperm.xlane v14, v33;
	v12 =	vmul.f32 v12, v24  }
0x2c6: {  	v11 =	vld [tilespmem:s0+$0xE780];
	v3 =	vsel vm2, v9, v3;
	v0 =	vsel vm1, v6, v0;
	[tilespmem:s0+$0xE400] =	vst v27;
	v23 =	vmul.f32 v23, v29  }
0x2c7: {  	v6 =	vperm.xlane v17, v33;
	v1 =	vsel vm0, v1, v3;
	v19 =	vmul.f32 v19, v25;
	[tilespmem:s0+$0xE580] =	vst v12  }
0x2c8: {  	v3 =	vperm.xlane v18, v33;
	v5 =	vsel vm2, v5, v8;
	v2 =	vmul.f32 v2, v15;
	[tilespmem:s0+$0xE480] =	vst v23  }
0x2c9: {  	v1 =	vsel vm1, v4, v1;
	v4 =	vsel vm0, v6, v5;
	v0 =	vmul.f32 v0, v10;
	[tilespmem:s0+$0xE500] =	vst v19  }
0x2ca: {  	v1 =	vmul.f32 v1, v7;
	[tilespmem:s0+$0xE600] =	vst v2;
	v2 =	vsel vm1, v3, v4  }
0x2cb: {  	[tilespmem:s0+$0xE680] =	vst v0;
	v0 =	vmul.f32 v2, v11  }
0x2cc: {  	[tilespmem:s0+$0xE700] =	vst v1  }
0x2cd: {  	[tilespmem:s0+$0xE780] =	vst v0  }
0x2ce: {  	v29 =	vld [tilespmem:$0x1800]  }
0x2cf: {  	v31 =	vld [tilespmem:$0x1810]  }
0x2d0: {  	v28 =	vld [tilespmem:$0x1820]  }
0x2d1: {  	v27 =	vld [tilespmem:$0x1830]  }
0x2d2: {  	v25 =	vld [tilespmem:$0x1840]  }
0x2d3: {  	v30 =	vld [tilespmem:$0x1850]  }
0x2d4: {  	v23 =	vld [tilespmem:$0x1860]  }
0x2d5: {  	v26 =	vld [tilespmem:$0x1870]  }
0x2d6: {  	v19 =	vld [tilespmem:$0x1880]  }
0x2d7: {  	v24 =	vld [tilespmem:$0x1890]  }
0x2d8: {  	s14 =	simm.s32 $0x0;
	v22 =	vld [tilespmem:$0x18A0]  }
0x2d9: {  	s16 =	sand.u32 $0x3C00, s14;
	v20 =	vld [tilespmem:$0x18B0]  }
0x2da: {  	s30 =	sshrl.u32 s16, $0x2;
	s0 =	sand.u32 $0x70, s14;
	v15 =	vld [tilespmem:$0x18C0]  }
0x2db: {  	v21 =	vld [tilespmem:$0x18D0];
	s14 =	sor.u32 s0, s30  }
0x2dc: {  	v8 =	vld [tilespmem:s14+$0xA80]  }
0x2dd: {  	v12 =	vld [tilespmem:$0x18E0]  }
0x2de: {  	v16 =	vld [tilespmem:$0x18F0]  }
0x2df: {  	v5 =	vld [tilespmem:$0x1900]  }
0x2e0: {  	v13 =	vld [tilespmem:$0x1910]  }
0x2e1: {  	v2 =	vld [tilespmem:$0x1920];
	v32 =	vand.u32 $0xF, v8  }
0x2e2: {  	v6 =	vld [tilespmem:$0x1930];
	v18 =	vperm.xlane v31, v32  }
0x2e3: {  	v0 =	vld [tilespmem:$0x1940];
	v51 =	vperm.xlane v29, v32;
	v35 =	vperm.xlane v28, v32  }
0x2e4: {  	v7 =	vld [tilespmem:$0x1950];
	v36 =	vperm.xlane v30, v32;
	v37 =	vperm.xlane v27, v32  }
0x2e5: {  	v9 =	vld [tilespmem:$0x1960];
	v53 =	vperm.xlane v25, v32;
	v38 =	vperm.xlane v26, v32  }
0x2e6: {  	v10 =	vld [tilespmem:$0x1970];
	v39 =	vperm.xlane v23, v32;
	v55 =	vperm.xlane v24, v32  }
0x2e7: {  	v3 =	vld [tilespmem:$0x1980];
	v56 =	vperm.xlane v22, v32;
	v57 =	vperm.xlane v19, v32  }
0x2e8: {  	v11 =	vld [tilespmem:$0x1990];
	v58 =	vperm.xlane v20, v32;
	v59 =	vperm.xlane v21, v32  }
0x2e9: {  	v1 =	vld [tilespmem:$0x19A0];
	v17 =	vshra.s32 v8, $0x4;
	v61 =	vperm.xlane v15, v32;
	v63 =	vperm.xlane v12, v32  }
0x2ea: {  	v4 =	vld [tilespmem:$0x19B0];
	vm13 =	veq.s32 v17, $0x1;
	v41 =	vperm.xlane v16, v32;
	v44 =	vperm.xlane v13, v32  }
0x2eb: {  	s28 =	sor.u32 s0, s16;
	v14 =	vld [tilespmem:$0x19D0];
	vm14 =	veq.s32 v17, $0x2;
	v45 =	vperm.xlane v5, v32;
	v47 =	vperm.xlane v2, v32  }
0x2ec: {  	v52 =	vld [tilespmem:s28+$0x10C00];
	vm15 =	veq.s32 v17, $0x3;
	v48 =	vperm.xlane v6, v32;
	v49 =	vperm.xlane v7, v32  }
0x2ed: {  	v54 =	vld [tilespmem:s28+$0x10C80];
	v50 =	vperm.xlane v0, v32;
	v18 =	vsel vm13, v18, v51;
	v33 =	vsel vm13, v36, v53  }
0x2ee: {  	v8 =	vld [tilespmem:$0x19C0];
	v60 =	vsel vm13, v55, v57;
	v43 =	vsel vm13, v59, v61;
	v51 =	vperm.xlane v9, v32  }
0x2ef: {  	v40 =	vld [tilespmem:s28+$0x10D00];
	v53 =	vperm.xlane v10, v32;
	v55 =	vperm.xlane v3, v32;
	v18 =	vsel vm14, v35, v18  }
0x2f0: {  	v62 =	vld [tilespmem:s28+$0x10D80];
	v57 =	vperm.xlane v4, v32;
	v33 =	vsel vm14, v39, v33;
	v37 =	vsel vm15, v37, v18  }
0x2f1: {  	v46 =	vld [tilespmem:s28+$0x10E00];
	v35 =	vsel vm14, v56, v60;
	v33 =	vsel vm15, v38, v33;
	v34 =	vmul.f32 v37, v52  }
0x2f2: {  	v17 =	vld [tilespmem:$0x19E0];
	v60 =	vperm.xlane v14, v32;
	v42 =	vsel vm15, v58, v35;
	v33 =	vmul.f32 v33, v54  }
0x2f3: {  	v18 =	vld [tilespmem:$0x19F0];
	v35 =	vsel vm13, v44, v45;
	v58 =	vperm.xlane v1, v32;
	v61 =	vperm.xlane v8, v32;
	[tilespmem:s28+$0x10C00] =	vst v34  }
0x2f4: {  	v35 =	vsel vm14, v47, v35;
	v52 =	vld [tilespmem:s28+$0x10E80];
	[tilespmem:s28+$0x10C80] =	vst v33;
	v34 =	vsel vm14, v63, v43;
	v33 =	vmul.f32 v42, v40  }
0x2f5: {  	v56 =	vld [tilespmem:s28+$0x10F00];
	v54 =	vperm.xlane v11, v32;
	v35 =	vsel vm15, v48, v35;
	v34 =	vsel vm15, v41, v34  }
0x2f6: {  	v35 =	vmul.f32 v35, v46;
	v34 =	vmul.f32 v34, v62;
	[tilespmem:s28+$0x10D00] =	vst v33;
	v33 =	vsel vm13, v49, v50  }
0x2f7: {  	v59 =	vsel vm13, v54, v55;
	v63 =	vperm.xlane v17, v32;
	v62 =	vld [tilespmem:s28+$0x10F80];
	v33 =	vsel vm14, v51, v33  }
0x2f8: {  	v32 =	vperm.xlane v18, v32;
	[tilespmem:s28+$0x10D80] =	vst v34;
	v33 =	vsel vm15, v53, v33;
	v34 =	vsel vm14, v58, v59  }
0x2f9: {  	[tilespmem:s28+$0x10E00] =	vst v35;
	v35 =	vsel vm13, v60, v61;
	v33 =	vmul.f32 v33, v52;
	v34 =	vsel vm15, v57, v34  }
0x2fa: {  	v35 =	vsel vm14, v63, v35;
	v34 =	vmul.f32 v34, v56  }
0x2fb: {  	s31 =	simm.s32 $0x80;
	v32 =	vsel vm15, v32, v35;
	[tilespmem:s28+$0x10E80] =	vst v33  }
0x2fc: {  	s29 =	simm.s32 $0x100;
	s2 =	sand.u32 $0x3C00, s31;
	s0 =	simm.s32 $0x10;
	v32 =	vmul.f32 v32, v62;
	[tilespmem:s28+$0x10F00] =	vst v34  }
.LBB2_16:
0x2fd: {  	p0 =	sne.s32 s29, $0x2780;
	s14 =	sand.u32 $0x70, s0;
	s16 =	sshrl.u32 s2, $0x2  }
0x2fe: {  	s16 =	sor.u32 s14, s16;
	[tilespmem:s28+$0x10F80] =	vst v32  }
0x2ff: {  	v32 =	vld [tilespmem:s16+$0xA80];
	_ =	sdelay $0x4  }
0x300: {  	s28 =	sor.u32 s14, s2;
	v33 =	vand.u32 $0xF, v32  }
0x301: {  	v32 =	vshra.s32 v32, $0x4;
	v34 =	vperm.xlane v31, v33;
	v35 =	vperm.xlane v29, v33;
	v36 =	vld [tilespmem:s28+$0x10C00]  }
0x302: {  	vm0 =	veq.s32 v32, $0x1;
	v37 =	vperm.xlane v28, v33;
	v38 =	vperm.xlane v30, v33  }
0x303: {  	vm1 =	veq.s32 v32, $0x2;
	v39 =	vperm.xlane v27, v33;
	v34 =	vsel vm0, v34, v35  }
0x304: {  	vm2 =	veq.s32 v32, $0x3;
	v32 =	vsel vm1, v37, v34;
	v34 =	vperm.xlane v25, v33;
	v35 =	vld [tilespmem:s28+$0x10C80]  }
0x305: {  	v37 =	vperm.xlane v26, v33;
	v32 =	vsel vm2, v39, v32;
	v39 =	vperm.xlane v23, v33  }
0x306: {  	v32 =	vmul.f32 v32, v36;
	v34 =	vsel vm0, v38, v34;
	v36 =	vperm.xlane v24, v33  }
0x307: {  	v38 =	vperm.xlane v22, v33;
	v34 =	vsel vm1, v39, v34;
	v39 =	vperm.xlane v19, v33;
	v40 =	vld [tilespmem:s28+$0x10D00]  }
0x308: {  	[tilespmem:s28+$0x10C00] =	vst v32;
	v32 =	vsel vm2, v37, v34;
	v34 =	vperm.xlane v20, v33;
	v37 =	vperm.xlane v21, v33  }
0x309: {  	v32 =	vmul.f32 v32, v35;
	v35 =	vsel vm0, v36, v39;
	v36 =	vperm.xlane v15, v33;
	v39 =	vld [tilespmem:s28+$0x10D80]  }
0x30a: {  	v41 =	vperm.xlane v12, v33;
	v35 =	vsel vm1, v38, v35;
	v38 =	vperm.xlane v16, v33  }
0x30b: {  	[tilespmem:s28+$0x10C80] =	vst v32;
	v32 =	vsel vm2, v34, v35;
	v34 =	vsel vm0, v37, v36;
	v35 =	vperm.xlane v13, v33  }
0x30c: {  	v36 =	vperm.xlane v5, v33;
	v32 =	vmul.f32 v32, v40;
	v34 =	vsel vm1, v41, v34;
	v37 =	vld [tilespmem:s28+$0x10E00]  }
0x30d: {  	v40 =	vperm.xlane v2, v33;
	v34 =	vsel vm2, v38, v34;
	v38 =	vperm.xlane v6, v33  }
0x30e: {  	[tilespmem:s28+$0x10D00] =	vst v32;
	v32 =	vmul.f32 v34, v39;
	v34 =	vsel vm0, v35, v36;
	v35 =	vperm.xlane v7, v33  }
0x30f: {  	v36 =	vperm.xlane v9, v33;
	v39 =	vperm.xlane v0, v33;
	v34 =	vsel vm1, v40, v34;
	v40 =	vld [tilespmem:s28+$0x10E80]  }
0x310: {  	[tilespmem:s28+$0x10D80] =	vst v32;
	v32 =	vsel vm2, v38, v34;
	v34 =	vperm.xlane v10, v33;
	v38 =	vperm.xlane v11, v33  }
0x311: {  	v35 =	vsel vm0, v35, v39;
	v32 =	vmul.f32 v32, v37;
	v37 =	vperm.xlane v3, v33;
	v39 =	vld [tilespmem:s28+$0x10F00]  }
0x312: {  	v41 =	vperm.xlane v1, v33;
	v35 =	vsel vm1, v36, v35;
	v36 =	vperm.xlane v4, v33  }
0x313: {  	[tilespmem:s28+$0x10E00] =	vst v32;
	v32 =	vsel vm2, v34, v35;
	v34 =	vsel vm0, v38, v37;
	v35 =	vperm.xlane v14, v33  }
0x314: {  	v37 =	vperm.xlane v8, v33;
	v32 =	vmul.f32 v32, v40;
	v34 =	vsel vm1, v41, v34;
	v38 =	vld [tilespmem:s28+$0x10F80]  }
.Ltmp11:
0x315: {  	v34 =	vsel vm2, v36, v34;
	v36 =	vperm.xlane v18, v33;
	v33 =	vperm.xlane v17, v33;
	(pc) =	sbr.rel @p0 .LBB2_16-.Ltmp11, $4  }
0x316: {  	[tilespmem:s28+$0x10E80] =	vst v32;
	v32 =	vmul.f32 v34, v39;
	v34 =	vsel vm0, v35, v37  }
0x317: {  	v33 =	vsel vm1, v33, v34  }
0x318: {  	[tilespmem:s28+$0x10F00] =	vst v32;
	v32 =	vsel vm2, v36, v33  }
0x319: {  	s0 =	sadd.s32 $0x10, s0;
	s2 =	sand.u32 $0x3C00, s29;
	s29 =	sadd.s32 $0x80, s29;
	v32 =	vmul.f32 v32, v38  }
0x31a: {  	s0 =	sand.u32 $0x70, s0;
	s14 =	sshrl.u32 s2, $0x2  }
0x31b: {  	s14 =	sor.u32 s0, s14;
	[tilespmem:s28+$0x10F80] =	vst v32  }
0x31c: {  	v32 =	vld [tilespmem:s14+$0xA80];
	_ =	sdelay $0x4  }
0x31d: {  	v33 =	vand.u32 $0xF, v32  }
0x31e: {  	v31 =	vperm.xlane v31, v33  }
0x31f: {  	v29 =	vperm.xlane v29, v33;
	v28 =	vperm.xlane v28, v33  }
0x320: {  	v30 =	vperm.xlane v30, v33;
	v27 =	vperm.xlane v27, v33  }
0x321: {  	v25 =	vperm.xlane v25, v33;
	v26 =	vperm.xlane v26, v33  }
0x322: {  	v23 =	vperm.xlane v23, v33;
	v24 =	vperm.xlane v24, v33  }
0x323: {  	v22 =	vperm.xlane v22, v33;
	v19 =	vperm.xlane v19, v33  }
0x324: {  	v20 =	vperm.xlane v20, v33;
	v21 =	vperm.xlane v21, v33  }
0x325: {  	v15 =	vperm.xlane v15, v33;
	v16 =	vperm.xlane v16, v33  }
0x326: {  	v12 =	vperm.xlane v12, v33;
	v13 =	vperm.xlane v13, v33  }
0x327: {  	v32 =	vshra.s32 v32, $0x4;
	v5 =	vperm.xlane v5, v33;
	v6 =	vperm.xlane v6, v33  }
0x328: {  	vm2 =	veq.s32 v32, $0x1;
	v2 =	vperm.xlane v2, v33;
	v7 =	vperm.xlane v7, v33  }
0x329: {  	vm0 =	veq.s32 v32, $0x2;
	v0 =	vperm.xlane v0, v33;
	v3 =	vperm.xlane v3, v33  }
0x32a: {  	vm1 =	veq.s32 v32, $0x3;
	v4 =	vperm.xlane v4, v33;
	v1 =	vperm.xlane v1, v33  }
0x32b: {  	s0 =	sor.u32 s0, s2;
	v8 =	vperm.xlane v8, v33;
	v29 =	vsel vm2, v31, v29;
	v25 =	vsel vm2, v30, v25  }
0x32c: {  	v34 =	vld [tilespmem:s0+$0x10C00];
	v19 =	vsel vm2, v24, v19;
	v15 =	vsel vm2, v21, v15;
	v5 =	vsel vm2, v13, v5  }
0x32d: {  	v24 =	vld [tilespmem:s0+$0x10D80];
	v0 =	vsel vm2, v7, v0;
	v28 =	vsel vm0, v28, v29;
	v23 =	vsel vm0, v23, v25  }
0x32e: {  	v29 =	vld [tilespmem:s0+$0x10C80];
	v19 =	vsel vm0, v22, v19;
	v12 =	vsel vm0, v12, v15;
	v2 =	vsel vm0, v2, v5  }
0x32f: {  	v25 =	vld [tilespmem:s0+$0x10D00];
	v5 =	vperm.xlane v9, v33;
	v9 =	vperm.xlane v11, v33;
	v27 =	vsel vm1, v27, v28  }
0x330: {  	v15 =	vld [tilespmem:s0+$0x10E00];
	v23 =	vsel vm1, v26, v23;
	v19 =	vsel vm1, v20, v19;
	v12 =	vsel vm1, v16, v12  }
0x331: {  	v2 =	vsel vm1, v6, v2;
	v6 =	vperm.xlane v10, v33;
	v10 =	vld [tilespmem:s0+$0x10E80];
	v27 =	vmul.f32 v27, v34  }
0x332: {  	v7 =	vld [tilespmem:s0+$0x10F00];
	v0 =	vsel vm0, v5, v0;
	v5 =	vperm.xlane v14, v33;
	v12 =	vmul.f32 v12, v24  }
0x333: {  	v11 =	vld [tilespmem:s0+$0x10F80];
	v3 =	vsel vm2, v9, v3;
	v0 =	vsel vm1, v6, v0;
	[tilespmem:s0+$0x10C00] =	vst v27;
	v23 =	vmul.f32 v23, v29  }
0x334: {  	v6 =	vperm.xlane v17, v33;
	v1 =	vsel vm0, v1, v3;
	v19 =	vmul.f32 v19, v25;
	[tilespmem:s0+$0x10D80] =	vst v12  }
0x335: {  	v3 =	vperm.xlane v18, v33;
	v5 =	vsel vm2, v5, v8;
	v2 =	vmul.f32 v2, v15;
	[tilespmem:s0+$0x10C80] =	vst v23  }
0x336: {  	v1 =	vsel vm1, v4, v1;
	v4 =	vsel vm0, v6, v5;
	v0 =	vmul.f32 v0, v10;
	[tilespmem:s0+$0x10D00] =	vst v19  }
0x337: {  	v1 =	vmul.f32 v1, v7;
	[tilespmem:s0+$0x10E00] =	vst v2;
	v2 =	vsel vm1, v3, v4  }
0x338: {  	[tilespmem:s0+$0x10E80] =	vst v0;
	v0 =	vmul.f32 v2, v11  }
0x339: {  	[tilespmem:s0+$0x10F00] =	vst v1  }
0x33a: {  	[tilespmem:s0+$0x10F80] =	vst v0  }
0x33b: {  	v29 =	vld [tilespmem:$0x1A00]  }
0x33c: {  	v31 =	vld [tilespmem:$0x1A10]  }
0x33d: {  	v28 =	vld [tilespmem:$0x1A20]  }
0x33e: {  	v27 =	vld [tilespmem:$0x1A30]  }
0x33f: {  	v25 =	vld [tilespmem:$0x1A40]  }
0x340: {  	v30 =	vld [tilespmem:$0x1A50]  }
0x341: {  	v23 =	vld [tilespmem:$0x1A60]  }
0x342: {  	v26 =	vld [tilespmem:$0x1A70]  }
0x343: {  	v19 =	vld [tilespmem:$0x1A80]  }
0x344: {  	v24 =	vld [tilespmem:$0x1A90]  }
0x345: {  	s14 =	simm.s32 $0x0;
	v22 =	vld [tilespmem:$0x1AA0]  }
0x346: {  	s16 =	sand.u32 $0x3C00, s14;
	v20 =	vld [tilespmem:$0x1AB0]  }
0x347: {  	s30 =	sshrl.u32 s16, $0x2;
	s0 =	sand.u32 $0x70, s14;
	v15 =	vld [tilespmem:$0x1AC0]  }
0x348: {  	v21 =	vld [tilespmem:$0x1AD0];
	s14 =	sor.u32 s0, s30  }
0x349: {  	v8 =	vld [tilespmem:s14+$0xA80]  }
0x34a: {  	v12 =	vld [tilespmem:$0x1AE0]  }
0x34b: {  	v16 =	vld [tilespmem:$0x1AF0]  }
0x34c: {  	v5 =	vld [tilespmem:$0x1B00]  }
0x34d: {  	v13 =	vld [tilespmem:$0x1B10]  }
0x34e: {  	v2 =	vld [tilespmem:$0x1B20];
	v32 =	vand.u32 $0xF, v8  }
0x34f: {  	v6 =	vld [tilespmem:$0x1B30];
	v18 =	vperm.xlane v31, v32  }
0x350: {  	v0 =	vld [tilespmem:$0x1B40];
	v51 =	vperm.xlane v29, v32;
	v35 =	vperm.xlane v28, v32  }
0x351: {  	v7 =	vld [tilespmem:$0x1B50];
	v36 =	vperm.xlane v30, v32;
	v37 =	vperm.xlane v27, v32  }
0x352: {  	v9 =	vld [tilespmem:$0x1B60];
	v53 =	vperm.xlane v25, v32;
	v38 =	vperm.xlane v26, v32  }
0x353: {  	v10 =	vld [tilespmem:$0x1B70];
	v39 =	vperm.xlane v23, v32;
	v55 =	vperm.xlane v24, v32  }
0x354: {  	v3 =	vld [tilespmem:$0x1B80];
	v56 =	vperm.xlane v22, v32;
	v57 =	vperm.xlane v19, v32  }
0x355: {  	v11 =	vld [tilespmem:$0x1B90];
	v58 =	vperm.xlane v20, v32;
	v59 =	vperm.xlane v21, v32  }
0x356: {  	v1 =	vld [tilespmem:$0x1BA0];
	v17 =	vshra.s32 v8, $0x4;
	v61 =	vperm.xlane v15, v32;
	v63 =	vperm.xlane v12, v32  }
0x357: {  	v4 =	vld [tilespmem:$0x1BB0];
	vm13 =	veq.s32 v17, $0x1;
	v41 =	vperm.xlane v16, v32;
	v44 =	vperm.xlane v13, v32  }
0x358: {  	s28 =	sor.u32 s0, s16;
	v14 =	vld [tilespmem:$0x1BD0];
	vm14 =	veq.s32 v17, $0x2;
	v45 =	vperm.xlane v5, v32;
	v47 =	vperm.xlane v2, v32  }
0x359: {  	v52 =	vld [tilespmem:s28+$0x13400];
	vm15 =	veq.s32 v17, $0x3;
	v48 =	vperm.xlane v6, v32;
	v49 =	vperm.xlane v7, v32  }
0x35a: {  	v54 =	vld [tilespmem:s28+$0x13480];
	v50 =	vperm.xlane v0, v32;
	v18 =	vsel vm13, v18, v51;
	v33 =	vsel vm13, v36, v53  }
0x35b: {  	v8 =	vld [tilespmem:$0x1BC0];
	v60 =	vsel vm13, v55, v57;
	v43 =	vsel vm13, v59, v61;
	v51 =	vperm.xlane v9, v32  }
0x35c: {  	v40 =	vld [tilespmem:s28+$0x13500];
	v53 =	vperm.xlane v10, v32;
	v55 =	vperm.xlane v3, v32;
	v18 =	vsel vm14, v35, v18  }
0x35d: {  	v62 =	vld [tilespmem:s28+$0x13580];
	v57 =	vperm.xlane v4, v32;
	v33 =	vsel vm14, v39, v33;
	v37 =	vsel vm15, v37, v18  }
0x35e: {  	v46 =	vld [tilespmem:s28+$0x13600];
	v35 =	vsel vm14, v56, v60;
	v33 =	vsel vm15, v38, v33;
	v34 =	vmul.f32 v37, v52  }
0x35f: {  	v17 =	vld [tilespmem:$0x1BE0];
	v60 =	vperm.xlane v14, v32;
	v42 =	vsel vm15, v58, v35;
	v33 =	vmul.f32 v33, v54  }
0x360: {  	v18 =	vld [tilespmem:$0x1BF0];
	v35 =	vsel vm13, v44, v45;
	v58 =	vperm.xlane v1, v32;
	v61 =	vperm.xlane v8, v32;
	[tilespmem:s28+$0x13400] =	vst v34  }
0x361: {  	v35 =	vsel vm14, v47, v35;
	v52 =	vld [tilespmem:s28+$0x13680];
	[tilespmem:s28+$0x13480] =	vst v33;
	v34 =	vsel vm14, v63, v43;
	v33 =	vmul.f32 v42, v40  }
0x362: {  	v56 =	vld [tilespmem:s28+$0x13700];
	v54 =	vperm.xlane v11, v32;
	v35 =	vsel vm15, v48, v35;
	v34 =	vsel vm15, v41, v34  }
0x363: {  	v35 =	vmul.f32 v35, v46;
	v34 =	vmul.f32 v34, v62;
	[tilespmem:s28+$0x13500] =	vst v33;
	v33 =	vsel vm13, v49, v50  }
0x364: {  	v59 =	vsel vm13, v54, v55;
	v63 =	vperm.xlane v17, v32;
	v62 =	vld [tilespmem:s28+$0x13780];
	v33 =	vsel vm14, v51, v33  }
0x365: {  	v32 =	vperm.xlane v18, v32;
	[tilespmem:s28+$0x13580] =	vst v34;
	v33 =	vsel vm15, v53, v33;
	v34 =	vsel vm14, v58, v59  }
0x366: {  	[tilespmem:s28+$0x13600] =	vst v35;
	v35 =	vsel vm13, v60, v61;
	v33 =	vmul.f32 v33, v52;
	v34 =	vsel vm15, v57, v34  }
0x367: {  	v35 =	vsel vm14, v63, v35;
	v34 =	vmul.f32 v34, v56  }
0x368: {  	s31 =	simm.s32 $0x80;
	v32 =	vsel vm15, v32, v35;
	[tilespmem:s28+$0x13680] =	vst v33  }
0x369: {  	s29 =	simm.s32 $0x100;
	s2 =	sand.u32 $0x3C00, s31;
	s0 =	simm.s32 $0x10;
	v32 =	vmul.f32 v32, v62;
	[tilespmem:s28+$0x13700] =	vst v34  }
.LBB2_18:
0x36a: {  	p0 =	sne.s32 s29, $0x2780;
	s14 =	sand.u32 $0x70, s0;
	s16 =	sshrl.u32 s2, $0x2  }
0x36b: {  	s16 =	sor.u32 s14, s16;
	[tilespmem:s28+$0x13780] =	vst v32  }
0x36c: {  	v32 =	vld [tilespmem:s16+$0xA80];
	_ =	sdelay $0x4  }
0x36d: {  	s28 =	sor.u32 s14, s2;
	v33 =	vand.u32 $0xF, v32  }
0x36e: {  	v32 =	vshra.s32 v32, $0x4;
	v34 =	vperm.xlane v31, v33;
	v35 =	vperm.xlane v29, v33;
	v36 =	vld [tilespmem:s28+$0x13400]  }
0x36f: {  	vm0 =	veq.s32 v32, $0x1;
	v37 =	vperm.xlane v28, v33;
	v38 =	vperm.xlane v30, v33  }
0x370: {  	vm1 =	veq.s32 v32, $0x2;
	v39 =	vperm.xlane v27, v33;
	v34 =	vsel vm0, v34, v35  }
0x371: {  	vm2 =	veq.s32 v32, $0x3;
	v32 =	vsel vm1, v37, v34;
	v34 =	vperm.xlane v25, v33;
	v35 =	vld [tilespmem:s28+$0x13480]  }
0x372: {  	v37 =	vperm.xlane v26, v33;
	v32 =	vsel vm2, v39, v32;
	v39 =	vperm.xlane v23, v33  }
0x373: {  	v32 =	vmul.f32 v32, v36;
	v34 =	vsel vm0, v38, v34;
	v36 =	vperm.xlane v24, v33  }
0x374: {  	v38 =	vperm.xlane v22, v33;
	v34 =	vsel vm1, v39, v34;
	v39 =	vperm.xlane v19, v33;
	v40 =	vld [tilespmem:s28+$0x13500]  }
0x375: {  	[tilespmem:s28+$0x13400] =	vst v32;
	v32 =	vsel vm2, v37, v34;
	v34 =	vperm.xlane v20, v33;
	v37 =	vperm.xlane v21, v33  }
0x376: {  	v32 =	vmul.f32 v32, v35;
	v35 =	vsel vm0, v36, v39;
	v36 =	vperm.xlane v15, v33;
	v39 =	vld [tilespmem:s28+$0x13580]  }
0x377: {  	v41 =	vperm.xlane v12, v33;
	v35 =	vsel vm1, v38, v35;
	v38 =	vperm.xlane v16, v33  }
0x378: {  	[tilespmem:s28+$0x13480] =	vst v32;
	v32 =	vsel vm2, v34, v35;
	v34 =	vsel vm0, v37, v36;
	v35 =	vperm.xlane v13, v33  }
0x379: {  	v36 =	vperm.xlane v5, v33;
	v32 =	vmul.f32 v32, v40;
	v34 =	vsel vm1, v41, v34;
	v37 =	vld [tilespmem:s28+$0x13600]  }
0x37a: {  	v40 =	vperm.xlane v2, v33;
	v34 =	vsel vm2, v38, v34;
	v38 =	vperm.xlane v6, v33  }
0x37b: {  	[tilespmem:s28+$0x13500] =	vst v32;
	v32 =	vmul.f32 v34, v39;
	v34 =	vsel vm0, v35, v36;
	v35 =	vperm.xlane v7, v33  }
0x37c: {  	v36 =	vperm.xlane v9, v33;
	v39 =	vperm.xlane v0, v33;
	v34 =	vsel vm1, v40, v34;
	v40 =	vld [tilespmem:s28+$0x13680]  }
0x37d: {  	[tilespmem:s28+$0x13580] =	vst v32;
	v32 =	vsel vm2, v38, v34;
	v34 =	vperm.xlane v10, v33;
	v38 =	vperm.xlane v11, v33  }
0x37e: {  	v35 =	vsel vm0, v35, v39;
	v32 =	vmul.f32 v32, v37;
	v37 =	vperm.xlane v3, v33;
	v39 =	vld [tilespmem:s28+$0x13700]  }
0x37f: {  	v41 =	vperm.xlane v1, v33;
	v35 =	vsel vm1, v36, v35;
	v36 =	vperm.xlane v4, v33  }
0x380: {  	[tilespmem:s28+$0x13600] =	vst v32;
	v32 =	vsel vm2, v34, v35;
	v34 =	vsel vm0, v38, v37;
	v35 =	vperm.xlane v14, v33  }
0x381: {  	v37 =	vperm.xlane v8, v33;
	v32 =	vmul.f32 v32, v40;
	v34 =	vsel vm1, v41, v34;
	v38 =	vld [tilespmem:s28+$0x13780]  }
.Ltmp12:
0x382: {  	v34 =	vsel vm2, v36, v34;
	v36 =	vperm.xlane v18, v33;
	v33 =	vperm.xlane v17, v33;
	(pc) =	sbr.rel @p0 .LBB2_18-.Ltmp12, $4  }
0x383: {  	[tilespmem:s28+$0x13680] =	vst v32;
	v32 =	vmul.f32 v34, v39;
	v34 =	vsel vm0, v35, v37  }
0x384: {  	v33 =	vsel vm1, v33, v34  }
0x385: {  	[tilespmem:s28+$0x13700] =	vst v32;
	v32 =	vsel vm2, v36, v33  }
0x386: {  	s0 =	sadd.s32 $0x10, s0;
	s2 =	sand.u32 $0x3C00, s29;
	s29 =	sadd.s32 $0x80, s29;
	v32 =	vmul.f32 v32, v38  }
0x387: {  	s0 =	sand.u32 $0x70, s0;
	s14 =	sshrl.u32 s2, $0x2  }
0x388: {  	s14 =	sor.u32 s0, s14;
	[tilespmem:s28+$0x13780] =	vst v32  }
0x389: {  	v32 =	vld [tilespmem:s14+$0xA80];
	_ =	sdelay $0x4  }
0x38a: {  	v33 =	vand.u32 $0xF, v32  }
0x38b: {  	v31 =	vperm.xlane v31, v33  }
0x38c: {  	v29 =	vperm.xlane v29, v33;
	v28 =	vperm.xlane v28, v33  }
0x38d: {  	v30 =	vperm.xlane v30, v33;
	v27 =	vperm.xlane v27, v33  }
0x38e: {  	v25 =	vperm.xlane v25, v33;
	v26 =	vperm.xlane v26, v33  }
0x38f: {  	v23 =	vperm.xlane v23, v33;
	v24 =	vperm.xlane v24, v33  }
0x390: {  	v22 =	vperm.xlane v22, v33;
	v19 =	vperm.xlane v19, v33  }
0x391: {  	v20 =	vperm.xlane v20, v33;
	v21 =	vperm.xlane v21, v33  }
0x392: {  	v15 =	vperm.xlane v15, v33;
	v16 =	vperm.xlane v16, v33  }
0x393: {  	v12 =	vperm.xlane v12, v33;
	v13 =	vperm.xlane v13, v33  }
0x394: {  	v5 =	vperm.xlane v5, v33;
	v6 =	vperm.xlane v6, v33  }
0x395: {  	v2 =	vperm.xlane v2, v33;
	v7 =	vperm.xlane v7, v33  }
0x396: {  	v52 =	vperm.xlane v9, v33;
	v0 =	vperm.xlane v0, v33  }
0x397: {  	v32 =	vshra.s32 v32, $0x4;
	v53 =	vperm.xlane v10, v33;
	v54 =	vperm.xlane v11, v33  }
0x398: {  	vm2 =	veq.s32 v32, $0x1;
	v3 =	vperm.xlane v3, v33;
	v4 =	vperm.xlane v4, v33  }
0x399: {  	s0 =	sor.u32 s0, s2;
	vm0 =	veq.s32 v32, $0x2;
	v1 =	vperm.xlane v1, v33;
	v57 =	vperm.xlane v14, v33  }
0x39a: {  	v34 =	vld [tilespmem:s0+$0x13400];
	vm1 =	veq.s32 v32, $0x3;
	v8 =	vperm.xlane v8, v33;
	v59 =	vperm.xlane v17, v33  }
0x39b: {  	v48 =	vld [tilespmem:s0+$0x13480];
	v60 =	vperm.xlane v18, v33;
	v29 =	vsel vm2, v31, v29;
	v25 =	vsel vm2, v30, v25  }
0x39c: {  	v49 =	vld [tilespmem:s0+$0x13500];
	v19 =	vsel vm2, v24, v19;
	v15 =	vsel vm2, v21, v15;
	v5 =	vsel vm2, v13, v5  }
0x39d: {  	v50 =	vld [tilespmem:s0+$0x13580];
	v0 =	vsel vm2, v7, v0;
	v3 =	vsel vm2, v54, v3;
	v28 =	vsel vm0, v28, v29  }
0x39e: {  	v51 =	vld [tilespmem:s0+$0x13600];
	v23 =	vsel vm0, v23, v25;
	v19 =	vsel vm0, v22, v19;
	v27 =	vsel vm1, v27, v28  }
0x39f: {  	v55 =	vld [tilespmem:s0+$0x13680];
	v12 =	vsel vm0, v12, v15;
	v23 =	vsel vm1, v26, v23;
	v27 =	vmul.f32 v27, v34  }
0x3a0: {  	v56 =	vld [tilespmem:s0+$0x13700];
	v2 =	vsel vm0, v2, v5;
	v19 =	vsel vm1, v20, v19;
	v23 =	vmul.f32 v23, v48  }
0x3a1: {  	v58 =	vld [tilespmem:s0+$0x13780];
	v0 =	vsel vm0, v52, v0;
	v12 =	vsel vm1, v16, v12;
	v19 =	vmul.f32 v19, v49;
	[tilespmem:s0+$0x13400] =	vst v27  }
0x3a2: {  	v1 =	vsel vm0, v1, v3;
	v2 =	vsel vm1, v6, v2;
	v12 =	vmul.f32 v12, v50;
	[tilespmem:s0+$0x13480] =	vst v23  }
0x3a3: {  	v5 =	vsel vm2, v57, v8;
	v0 =	vsel vm1, v53, v0;
	v2 =	vmul.f32 v2, v51;
	[tilespmem:s0+$0x13500] =	vst v19  }
0x3a4: {  	v1 =	vsel vm1, v4, v1;
	v61 =	vsel vm0, v59, v5;
	v0 =	vmul.f32 v0, v55;
	[tilespmem:s0+$0x13580] =	vst v12  }
.Ltmp13:
0x3a5: {  	v1 =	vmul.f32 v1, v56;
	v62 =	vsel vm1, v60, v61;
	[tilespmem:s0+$0x13600] =	vst v2;
	(pc) =	sbr.rel .LBB2_20-.Ltmp13, $4  }
0x3a6: {  	s30 =	smul.u32 $0x500, s26;
	v63 =	vmul.f32 v62, v58;
	[tilespmem:s0+$0x13680] =	vst v0  }
0x3a7: {  	[tilespmem:s0+$0x13700] =	vst v1  }
0x3a8: {  	s31 =	sadd.s32 s3, s30;
	[tilespmem:s0+$0x13780] =	vst v63  }
0x3a9: {  	[hbm4b:s31+s17] =	stream.strided.scatter [tilespmem:s23], [sflag:$0x4], $0xA000, s18, s17, $0x38;
	[tilespmem:$0x15C00] =	vst v63  }
.LBB2_22:
0x3aa: {  	_ =	sfence.sel $0x180000  }
0x3ab: {  	[bflag:$0x0] =	sbarrier.arrive $0xFFFF  }
0x3ac: {  	_ =	strace $0x90000047  }
0x3ad: {  	s0 =	stileid.u32;
	[bflag:$0x2] =	sbarrier.arrive $0xFFFF  }
0x3ae: {  	p0 =	sne.s32 s0, $0x0;
	s0 =	rddreg [dreg:$0x3]  }
0x3af: {  	s0 =	sadd.s32 @!p0 $0x100000, s0  }
0x3b0: {  	[sflag:s0] =	ssyncadd.tile.s32 @!p0 $0x1;
	_ =	shalt  }
.Lfunc_end2:
_tile_overlayer_lowered:
.L_overlay_start_2:
0x3b1: {  	(tag) =	ssettag $0x2  }
0x3b2: {  	s0 =	rddreg [dreg:$0x0];
	s2 =	stileid.u32  }
0x3b3: {  	s1 =	rddreg [dreg:$0x1];
	p0 =	sne.s32 s2, $0x0  }
0x3b4: {  	s3 =	rddreg [dreg:$0x2];
	[bflag:$0x3] =	sbarrier.arrive $0xFFFF;
	s2 =	simm.s32 @!p0 $0x1C05  }
0x3b5: {  	[timem:s3], [sflag:s2] =	dma.local @!p0 [hbm:s0], s1  }
0x3b6: {  	s0 =	simm.s32 @!p0 $0x5  }
0x3b7: {  	_ =	swait.ge @!p0 [sflag:s0], s1  }
0x3b8: {  	s1 =	ssub.s32 @!p0 $0x0, s1;
	[sflag:s0] =	ssyncset.done @!p0 $0x0  }
0x3b9: {  	[sflag:s0] =	ssyncadd.s32 @!p0 s1  }
0x3ba: {  	[bflag:$0x3] =	sbarrier.arrive $0xFFFF  }
0x3bb: {  	_ =	shalt  }

</sc_bundles>
